<compile_context>
chip_gen: v7x
topology: tpu7x:2x2x1
jax: 0.10.2.dev20260603
libtpu: 0.0.44.dev20260713+nightly
codegen_flags: <defaults>
</compile_context>

<pallas_src>
import jax
import jax.numpy as jnp
import numpy as np
from jax import lax
from jax.experimental import pallas as pl
from jax.experimental.pallas import tpu as pltpu
from jax.experimental.pallas import tpu_sc as plsc

_N = 10000
_E = 320000
_D = 128
_H = 16
_C = 40

_NC, _NS = 2, 16
_NW = _NC * _NS
_CH = 128
_NCHUNK = 80
_NMAIN = 78
_NP = 10112
_NV = _NP // 8
_RPT = _NP // _NS
_GRID = 2
_VB = _NV // _GRID

_NTAIL = _NW * _NCHUNK - 2500
_TRASH = np.asarray(
    (_N + np.arange(_NTAIL * _CH) % (_NP - _N)).reshape(1, _NTAIL, _CH),
    np.int32)
_TRASH2 = np.broadcast_to(_TRASH, (2, _NTAIL, _CH))


def _mm_body(x_ref, wl_ref, wr_ref, y_ref, xr_ref):
  ycols, xcols = [], []
  for k in range(8):
    xk = x_ref[:, k, :]
    ycols.append(jnp.dot(xk, wl_ref[...],
                         preferred_element_type=jnp.float32))
    xcols.append(jnp.dot(xk, wr_ref[...],
                         preferred_element_type=jnp.float32))
  y_ref[...] = jnp.concatenate(ycols, axis=1)
  xr_ref[...] = jnp.concatenate(xcols, axis=1)


_mm1 = pl.pallas_call(
    _mm_body,
    grid=(_GRID,),
    in_specs=[
        pl.BlockSpec((_VB, 8, _D), lambda i: (i, 0, 0)),
        pl.BlockSpec((_D, _H), lambda i: (0, 0)),
        pl.BlockSpec((_D, _H), lambda i: (0, 0)),
    ],
    out_specs=[
        pl.BlockSpec((_VB, 128), lambda i: (i, 0)),
        pl.BlockSpec((_VB, 128), lambda i: (i, 0)),
    ],
    out_shape=[
        jax.ShapeDtypeStruct((_NV, 128), jnp.float32),
        jax.ShapeDtypeStruct((_NV, 128), jnp.float32),
    ],
)


_DEPTH = 8


def _load_indices(edge3, pad64, row, buf, wid):
  pltpu.sync_copy(edge3.at[row, pl.ds(wid * _NMAIN, _NMAIN)],
                  buf.at[pl.ds(0, _NMAIN)])
  pltpu.sync_copy(pad64.at[row, pl.ds(2 * wid, 2)],
                  buf.at[pl.ds(_NMAIN, 2)])


def _edge_loop(table, src_v, rows, gsems, scatter):
  for p in range(_DEPTH):
    pltpu.async_copy(table.at[src_v.at[p]], rows[p], gsems[p])

  def group(i, carry):
    j = _DEPTH * i
    for p in range(_DEPTH):
      pltpu.make_async_copy(table.at[src_v.at[j + p]], rows[p],
                            gsems[p]).wait()
      scatter(rows[p], j + p)
      pltpu.async_copy(table.at[src_v.at[j + _DEPTH + p]], rows[p], gsems[p])
    return carry

  lax.fori_loop(0, _NCHUNK // _DEPTH - 1, group, 0)
  j = _NCHUNK - _DEPTH
  for p in range(_DEPTH):
    pltpu.make_async_copy(table.at[src_v.at[j + p]], rows[p], gsems[p]).wait()
    scatter(rows[p], j + p)


def _sc_l1_body(table, edge3, pad64, zeros, ones, agg_o, deg_o,
                src_v, dst_v, *bufs):
  ones_v, acc, dega = bufs[8], bufs[9], bufs[10]
  rows = list(bufs[0:8])
  gsems = list(bufs[11:19])
  ssems = list(bufs[19:27])
  dsem = bufs[27]
  cid = lax.axis_index("c")
  sid = lax.axis_index("s")
  wid = sid * _NC + cid
  n0 = sid * _RPT
  pltpu.sync_copy(zeros.at[pl.ds(n0, _RPT)], acc.at[pl.ds(n0, _RPT)])
  pltpu.sync_copy(zeros.at[pl.ds(n0, _RPT)], dega.at[pl.ds(n0, _RPT)])
  pltpu.sync_copy(ones, ones_v)
  _load_indices(edge3, pad64, 0, src_v, wid)
  _load_indices(edge3, pad64, 1, dst_v, wid)
  plsc.subcore_barrier()

  def scatter(rows_buf, j):
    pltpu.sync_copy(rows_buf, acc.at[dst_v.at[j]], add=True)
    pltpu.sync_copy(ones_v, dega.at[dst_v.at[j]], add=True)

  _edge_loop(table, src_v, rows, gsems, scatter)
  plsc.subcore_barrier()
  pltpu.sync_copy(acc.at[pl.ds(n0, _RPT)], agg_o.at[cid, pl.ds(n0, _RPT)])
  pltpu.sync_copy(dega.at[pl.ds(n0, _RPT)], deg_o.at[cid, pl.ds(n0, _RPT)])


def _sc_l2_body(table, edge3, pad64, zeros, agg_o,
                src_v, dst_v, *bufs):
  acc = bufs[8]
  rows = list(bufs[0:8])
  gsems = list(bufs[9:17])
  ssems = list(bufs[17:25])
  cid = lax.axis_index("c")
  sid = lax.axis_index("s")
  wid = sid * _NC + cid
  n0 = sid * _RPT
  pltpu.sync_copy(zeros.at[pl.ds(n0, _RPT)], acc.at[pl.ds(n0, _RPT)])
  _load_indices(edge3, pad64, 0, src_v, wid)
  _load_indices(edge3, pad64, 1, dst_v, wid)
  plsc.subcore_barrier()

  def scatter(rows_buf, j):
    pltpu.sync_copy(rows_buf, acc.at[dst_v.at[j]], add=True)

  _edge_loop(table, src_v, rows, gsems, scatter)
  plsc.subcore_barrier()
  pltpu.sync_copy(acc.at[pl.ds(n0, _RPT)], agg_o.at[cid, pl.ds(n0, _RPT)])


_sc_mesh = plsc.VectorSubcoreMesh(core_axis_name="c", subcore_axis_name="s")
_sc_params = pltpu.CompilerParams(use_tc_tiling_on_sc=False)

_sc_l1 = pl.kernel(
    _sc_l1_body,
    compiler_params=_sc_params,
    out_type=[
        jax.ShapeDtypeStruct((_NC, _NP, _H), jnp.float32),
        jax.ShapeDtypeStruct((_NC, _NP, _H), jnp.float32),
    ],
    mesh=_sc_mesh,
    scratch_types=[
        pltpu.VMEM((_NCHUNK, _CH), jnp.int32),
        pltpu.VMEM((_NCHUNK, _CH), jnp.int32),
    ] + [pltpu.VMEM((_CH, _H), jnp.float32)] * 9 + [
        pltpu.VMEM_SHARED((_NP, _H), jnp.float32),
        pltpu.VMEM_SHARED((_NP, _H), jnp.float32),
    ] + [pltpu.SemaphoreType.DMA] * 17,
)

_sc_l2 = pl.kernel(
    _sc_l2_body,
    compiler_params=_sc_params,
    out_type=jax.ShapeDtypeStruct((_NC, _NP, _H), jnp.float32),
    mesh=_sc_mesh,
    scratch_types=[
        pltpu.VMEM((_NCHUNK, _CH), jnp.int32),
        pltpu.VMEM((_NCHUNK, _CH), jnp.int32),
    ] + [pltpu.VMEM((_CH, _H), jnp.float32)] * 8 + [
        pltpu.VMEM_SHARED((_NP, _H), jnp.float32),
    ] + [pltpu.SemaphoreType.DMA] * 16,
)


def _tc2_body(aggp, degp, xr, b1, h_o):
  agg = aggp[0] + aggp[1]
  deg = jnp.maximum(degp[0] + degp[1], 1.0)
  h_o[...] = jnp.maximum(agg / deg + b1[...] + xr[...], 0.0)


_tc2 = pl.pallas_call(
    _tc2_body,
    grid=(_GRID,),
    in_specs=[
        pl.BlockSpec((_NC, _VB, 128), lambda i: (0, i, 0)),
        pl.BlockSpec((_NC, _VB, 128), lambda i: (0, i, 0)),
        pl.BlockSpec((_VB, 128), lambda i: (i, 0)),
        pl.BlockSpec((1, 128), lambda i: (0, 0)),
    ],
    out_specs=pl.BlockSpec((_VB, 128), lambda i: (i, 0)),
    out_shape=jax.ShapeDtypeStruct((_NV, 128), jnp.float32),
)


def _tc3_body(aggp, degp, hv, bdwl2, bdwr2, b2, gsum, o_ref):
  mean2 = (aggp[0] + aggp[1]) / jnp.maximum(degp[0] + degp[1], 1.0)
  z = (jnp.dot(mean2, bdwl2[...], preferred_element_type=jnp.float32)
       + jnp.dot(hv[...], bdwr2[...], preferred_element_type=jnp.float32)
       + b2[...])
  m = jnp.max(z, axis=1, keepdims=True)
  e = jnp.exp(z - m)
  s = jnp.dot(e, gsum[...], preferred_element_type=jnp.float32)
  o_ref[...] = z - m - jnp.log(s)


_tc3 = pl.pallas_call(
    _tc3_body,
    grid=(_GRID,),
    in_specs=[
        pl.BlockSpec((_NC, _VB, 128), lambda i: (0, i, 0)),
        pl.BlockSpec((_NC, _VB, 128), lambda i: (0, i, 0)),
        pl.BlockSpec((_VB, 128), lambda i: (i, 0)),
        pl.BlockSpec((128, 8 * _C), lambda i: (0, 0)),
        pl.BlockSpec((128, 8 * _C), lambda i: (0, 0)),
        pl.BlockSpec((1, 8 * _C), lambda i: (0, 0)),
        pl.BlockSpec((8 * _C, 8 * _C), lambda i: (0, 0)),
    ],
    out_specs=pl.BlockSpec((_VB, 8 * _C), lambda i: (i, 0)),
    out_shape=jax.ShapeDtypeStruct((_NV, 8 * _C), jnp.float32),
)


def kernel(x, edge_index, W_l1, b_l1, W_r1, W_l2, b_l2, W_r2):
  x3 = jnp.pad(x, ((0, _NP - _N), (0, 0))).reshape(_NV, 8, _D)
  edge3 = edge_index.reshape(2, _E // _CH, _CH)
  tail = edge_index[:, _NMAIN * _NW * _CH:].reshape(2, -1, _CH)
  pad64 = jnp.concatenate([tail, jnp.asarray(_TRASH2)], axis=1)
  zeros = jnp.zeros((_NP, _H), jnp.float32)
  ones = jnp.ones((_CH, _H), jnp.float32)
  eye8 = jnp.eye(8, dtype=jnp.float32)
  bdwl2 = jnp.kron(eye8, W_l2)
  bdwr2 = jnp.kron(eye8, W_r2)
  b1t = jnp.tile(b_l1, 8).reshape(1, 128)
  b2t = jnp.tile(b_l2, 8).reshape(1, 8 * _C)

  y1v, xrv = _mm1(x3, W_l1, W_r1)
  aggp, degp = _sc_l1(y1v.reshape(_NP, _H), edge3, pad64, zeros, ones)
  aggv = aggp.reshape(_NC, _NV, 128)
  degv = degp.reshape(_NC, _NV, 128)
  hv = _tc2(aggv, degv, xrv, b1t)
  agg2p = _sc_l2(hv.reshape(_NP, _H), edge3, pad64, zeros)
  gsum = jnp.kron(eye8, jnp.ones((_C, _C), jnp.float32))
  outv = _tc3(agg2p.reshape(_NC, _NV, 128), degv, hv, bdwl2, bdwr2, b2t,
              gsum)
  return outv.reshape(_NP, _C)[:_N]

# --- scband reference (transcript-rebuilt; emitter-appended) ---
"""Pipeline reference for scband-graph-sage-43843026157854 (READ-ONLY COPY).

The authoritative reference and input builder live on the scoring server;
editing this copy changes nothing except your own understanding.
"""

import jax, jax.numpy as jnp
import numpy as np

N = 10000
E = 320000
D = 128
H = 16
C = 40


def setup_inputs(seed: int = 0) -> dict:
    key = jax.random.key(seed)
    ks = jax.random.split(key, 9)
    x = jax.random.normal(ks[0], (N, D), dtype=jnp.float32)
    edge_index = jax.random.randint(ks[1], (2, E), 0, N, dtype=jnp.int32)
    # SAGEConv layer 1: in=D, out=H. lin_l (neighbor agg, with bias), lin_r (root, no bias)
    s1 = 1.0 / np.sqrt(D)
    W_l1 = jax.random.uniform(ks[2], (D, H), jnp.float32, -s1, s1)
    b_l1 = jnp.zeros((H,), jnp.float32)
    W_r1 = jax.random.uniform(ks[3], (D, H), jnp.float32, -s1, s1)
    # SAGEConv layer 2: in=H, out=C
    s2 = 1.0 / np.sqrt(H)
    W_l2 = jax.random.uniform(ks[4], (H, C), jnp.float32, -s2, s2)
    b_l2 = jnp.zeros((C,), jnp.float32)
    W_r2 = jax.random.uniform(ks[5], (H, C), jnp.float32, -s2, s2)
    return {"x": x, "edge_index": edge_index, "W_l1": W_l1, "b_l1": b_l1, "W_r1": W_r1,
            "W_l2": W_l2, "b_l2": b_l2, "W_r2": W_r2}


def _sage_conv(x, src, dst, W_l, b_l, W_r):
    # mean aggregation of source features at destination nodes
    msg = jnp.take(x, src, axis=0)
    agg = jax.ops.segment_sum(msg, dst, num_segments=N)
    deg = jax.ops.segment_sum(jnp.ones((src.shape[0],), jnp.float32), dst, num_segments=N)
    mean = agg / jnp.clip(deg, 1.0, None)[:, None]
    return mean @ W_l + b_l + x @ W_r


def reference(x, edge_index, W_l1, b_l1, W_r1, W_l2, b_l2, W_r2):
    # adj_sp built with row=edge_index[1], col=edge_index[0]: messages flow src=edge_index[0] -> dst=edge_index[1]
    src = edge_index[0]
    dst = edge_index[1]
    h = _sage_conv(x, src, dst, W_l1, b_l1, W_r1)
    h = jax.nn.relu(h)
    # dropout p=0.5 is identity in eval mode
    out = _sage_conv(h, src, dst, W_l2, b_l2, W_r2)
    return jax.nn.log_softmax(out, axis=1)

if __name__ == "__main__":
    import jax
    _d = setup_inputs()
    print(jax.jit(kernel)(*tuple(_d.values())))

</pallas_src>

<mosaic_0001>
#map = affine_map<(d0, d1) -> (0, 0)>
#map1 = affine_map<(d0, d1) -> (0, 0, 0)>
module attributes {stable_mosaic.version = 14 : i64} {
  func.func @_sc_l2_body(%arg0: i32, %arg1: i32, %arg2: memref<10112x16xf32, #tpu.memory_space<hbm>>, %arg3: memref<2x2500x128xi32, #tpu.memory_space<hbm>>, %arg4: memref<2x64x128xi32, #tpu.memory_space<hbm>>, %arg5: memref<10112x16xf32, #tpu.memory_space<hbm>>, %arg6: memref<2x10112x16xf32, #tpu.memory_space<hbm>>, %arg7: memref<80x128xi32, #tpu.memory_space<vmem>>, %arg8: memref<80x128xi32, #tpu.memory_space<vmem>>, %arg9: memref<128x16xf32, #tpu.memory_space<vmem>>, %arg10: memref<128x16xf32, #tpu.memory_space<vmem>>, %arg11: memref<128x16xf32, #tpu.memory_space<vmem>>, %arg12: memref<128x16xf32, #tpu.memory_space<vmem>>, %arg13: memref<128x16xf32, #tpu.memory_space<vmem>>, %arg14: memref<128x16xf32, #tpu.memory_space<vmem>>, %arg15: memref<128x16xf32, #tpu.memory_space<vmem>>, %arg16: memref<128x16xf32, #tpu.memory_space<vmem>>, %arg17: memref<10112x16xf32, #tpu.memory_space<vmem_shared>>, %arg18: memref<!tpu.dma_semaphore, #tpu.memory_space<semaphore_mem>>, %arg19: memref<!tpu.dma_semaphore, #tpu.memory_space<semaphore_mem>>, %arg20: memref<!tpu.dma_semaphore, #tpu.memory_space<semaphore_mem>>, %arg21: memref<!tpu.dma_semaphore, #tpu.memory_space<semaphore_mem>>, %arg22: memref<!tpu.dma_semaphore, #tpu.memory_space<semaphore_mem>>, %arg23: memref<!tpu.dma_semaphore, #tpu.memory_space<semaphore_mem>>, %arg24: memref<!tpu.dma_semaphore, #tpu.memory_space<semaphore_mem>>, %arg25: memref<!tpu.dma_semaphore, #tpu.memory_space<semaphore_mem>>, %arg26: memref<!tpu.dma_semaphore, #tpu.memory_space<semaphore_mem>>, %arg27: memref<!tpu.dma_semaphore, #tpu.memory_space<semaphore_mem>>, %arg28: memref<!tpu.dma_semaphore, #tpu.memory_space<semaphore_mem>>, %arg29: memref<!tpu.dma_semaphore, #tpu.memory_space<semaphore_mem>>, %arg30: memref<!tpu.dma_semaphore, #tpu.memory_space<semaphore_mem>>, %arg31: memref<!tpu.dma_semaphore, #tpu.memory_space<semaphore_mem>>, %arg32: memref<!tpu.dma_semaphore, #tpu.memory_space<semaphore_mem>>, %arg33: memref<!tpu.dma_semaphore, #tpu.memory_space<semaphore_mem>>) attributes {dimension_semantics = [#tpu.dimension_semantics<core_parallel>, #tpu.dimension_semantics<subcore_parallel>], iteration_bounds = array<i64: 2, 16>, scalar_prefetch = 0 : i64, scratch_operands = 27 : i64, tpu.core_type = #tpu.core_type<sc_vector_subcore>, window_params = [{transform_indices = #map}, {transform_indices = #map1}, {transform_indices = #map1}, {transform_indices = #map}, {transform_indices = #map1}]} {
    %mul3A = arith.constant 2 : i32
    %mul3A_0 = arith.muli %arg1, %mul3A : i32
    %add3A = arith.addi %mul3A_0, %arg0 : i32
    %mul3A_1 = arith.constant 632 : i32
    %mul3A_2 = arith.muli %arg1, %mul3A_1 : i32
    "tpu.region"() ({
      %run_scoped3A_138 = tpu.sem_alloc : memref<!tpu.dma_semaphore, #tpu.memory_space<semaphore_mem>>
      %dma_start3A_139 = arith.constant 0 : i32
      %dma_start3A_140 = tpu.memref_slice %arg17[%mul3A_2, %dma_start3A_139] : memref<10112x16xf32, #tpu.memory_space<vmem_shared>> -> memref<632x16xf32, #tpu.memory_space<vmem_shared>>
      %dma_start3A_141 = arith.constant 0 : i32
      %dma_start3A_142 = tpu.memref_slice %arg5[%mul3A_2, %dma_start3A_141] : memref<10112x16xf32, #tpu.memory_space<hbm>> -> memref<632x16xf32, #tpu.memory_space<hbm>>
      tpu.enqueue_dma source(%dma_start3A_142 : memref<632x16xf32, #tpu.memory_space<hbm>>) target(%dma_start3A_140 : memref<632x16xf32, #tpu.memory_space<vmem_shared>>) target_semaphore(%run_scoped3A_138 : memref<!tpu.dma_semaphore, #tpu.memory_space<semaphore_mem>>)
      %dma_wait3A_143 = arith.constant 0 : i32
      %dma_wait3A_144 = tpu.memref_slice %arg17[%mul3A_2, %dma_wait3A_143] : memref<10112x16xf32, #tpu.memory_space<vmem_shared>> -> memref<632x16xf32, #tpu.memory_space<vmem_shared>>
      %dma_wait3A_145 = arith.constant 0 : i32
      %dma_wait3A_146 = tpu.memref_slice %arg5[%mul3A_2, %dma_wait3A_145] : memref<10112x16xf32, #tpu.memory_space<hbm>> -> memref<632x16xf32, #tpu.memory_space<hbm>>
      tpu.wait_dma2 semaphore(%run_scoped3A_138 : memref<!tpu.dma_semaphore, #tpu.memory_space<semaphore_mem>>) src(%dma_wait3A_146 : memref<632x16xf32, #tpu.memory_space<hbm>>) dst(%dma_wait3A_144 : memref<632x16xf32, #tpu.memory_space<vmem_shared>>)
      tpu.yield
    }) : () -> ()
    %mul3A_3 = arith.constant 78 : i32
    %mul3A_4 = arith.muli %add3A, %mul3A_3 : i32
    %run_scoped3A = arith.constant 0 : i32
    "tpu.region"() ({
      %run_scoped3A_138 = tpu.sem_alloc : memref<!tpu.dma_semaphore, #tpu.memory_space<semaphore_mem>>
      %dma_start3A_139 = arith.constant 0 : i32
      %dma_start3A_140 = arith.constant 0 : i32
      %dma_start3A_141 = tpu.memref_slice %arg7[%dma_start3A_139, %dma_start3A_140] : memref<80x128xi32, #tpu.memory_space<vmem>> -> memref<78x128xi32, #tpu.memory_space<vmem>>
      %dma_start3A_142 = arith.constant 0 : i32
      %dma_start3A_143 = tpu.memref_slice %arg3[%run_scoped3A, %mul3A_4, %dma_start3A_142] : memref<2x2500x128xi32, #tpu.memory_space<hbm>> -> memref<1x78x128xi32, #tpu.memory_space<hbm>>
      %dma_start3A_144 = tpu.memref_squeeze %dma_start3A_143 : memref<1x78x128xi32, #tpu.memory_space<hbm>> -> memref<78x128xi32, #tpu.memory_space<hbm>>
      %dma_start3A_145 = arith.constant 0 : i32
      %dma_start3A_146 = arith.constant 0 : i32
      %dma_start3A_147 = tpu.memref_slice %arg7[%dma_start3A_145, %dma_start3A_146] : memref<80x128xi32, #tpu.memory_space<vmem>> -> memref<78x128xi32, #tpu.memory_space<vmem>>
      %dma_start3A_148 = arith.constant 0 : i32
      %dma_start3A_149 = tpu.memref_slice %arg3[%run_scoped3A, %mul3A_4, %dma_start3A_148] : memref<2x2500x128xi32, #tpu.memory_space<hbm>> -> memref<1x78x128xi32, #tpu.memory_space<hbm>>
      %dma_start3A_150 = tpu.memref_squeeze %dma_start3A_149 : memref<1x78x128xi32, #tpu.memory_space<hbm>> -> memref<78x128xi32, #tpu.memory_space<hbm>>
      tpu.enqueue_dma source(%dma_start3A_150 : memref<78x128xi32, #tpu.memory_space<hbm>>) target(%dma_start3A_147 : memref<78x128xi32, #tpu.memory_space<vmem>>) target_semaphore(%run_scoped3A_138 : memref<!tpu.dma_semaphore, #tpu.memory_space<semaphore_mem>>)
      %dma_wait3A_151 = arith.constant 0 : i32
      %dma_wait3A_152 = arith.constant 0 : i32
      %dma_wait3A_153 = tpu.memref_slice %arg7[%dma_wait3A_151, %dma_wait3A_152] : memref<80x128xi32, #tpu.memory_space<vmem>> -> memref<78x128xi32, #tpu.memory_space<vmem>>
      %dma_wait3A_154 = arith.constant 0 : i32
      %dma_wait3A_155 = tpu.memref_slice %arg3[%run_scoped3A, %mul3A_4, %dma_wait3A_154] : memref<2x2500x128xi32, #tpu.memory_space<hbm>> -> memref<1x78x128xi32, #tpu.memory_space<hbm>>
      %dma_wait3A_156 = tpu.memref_squeeze %dma_wait3A_155 : memref<1x78x128xi32, #tpu.memory_space<hbm>> -> memref<78x128xi32, #tpu.memory_space<hbm>>
      %dma_wait3A_157 = arith.constant 0 : i32
      %dma_wait3A_158 = arith.constant 0 : i32
      %dma_wait3A_159 = tpu.memref_slice %arg7[%dma_wait3A_157, %dma_wait3A_158] : memref<80x128xi32, #tpu.memory_space<vmem>> -> memref<78x128xi32, #tpu.memory_space<vmem>>
      %dma_wait3A_160 = arith.constant 0 : i32
      %dma_wait3A_161 = tpu.memref_slice %arg3[%run_scoped3A, %mul3A_4, %dma_wait3A_160] : memref<2x2500x128xi32, #tpu.memory_space<hbm>> -> memref<1x78x128xi32, #tpu.memory_space<hbm>>
      %dma_wait3A_162 = tpu.memref_squeeze %dma_wait3A_161 : memref<1x78x128xi32, #tpu.memory_space<hbm>> -> memref<78x128xi32, #tpu.memory_space<hbm>>
      tpu.wait_dma2 semaphore(%run_scoped3A_138 : memref<!tpu.dma_semaphore, #tpu.memory_space<semaphore_mem>>) src(%dma_wait3A_162 : memref<78x128xi32, #tpu.memory_space<hbm>>) dst(%dma_wait3A_159 : memref<78x128xi32, #tpu.memory_space<vmem>>)
      tpu.yield
    }) : () -> ()
    %mul3A_5 = arith.constant 2 : i32
    %mul3A_6 = arith.muli %mul3A_5, %add3A : i32
    %run_scoped3A_7 = arith.constant 0 : i32
    "tpu.region"() ({
      %run_scoped3A_138 = tpu.sem_alloc : memref<!tpu.dma_semaphore, #tpu.memory_space<semaphore_mem>>
      %dma_start3A_139 = arith.constant 78 : i32
      %dma_start3A_140 = arith.constant 0 : i32
      %dma_start3A_141 = tpu.memref_slice %arg7[%dma_start3A_139, %dma_start3A_140] : memref<80x128xi32, #tpu.memory_space<vmem>> -> memref<2x128xi32, #tpu.memory_space<vmem>>
      %dma_start3A_142 = arith.constant 0 : i32
      %dma_start3A_143 = tpu.memref_slice %arg4[%run_scoped3A_7, %mul3A_6, %dma_start3A_142] : memref<2x64x128xi32, #tpu.memory_space<hbm>> -> memref<1x2x128xi32, #tpu.memory_space<hbm>>
      %dma_start3A_144 = tpu.memref_squeeze %dma_start3A_143 : memref<1x2x128xi32, #tpu.memory_space<hbm>> -> memref<2x128xi32, #tpu.memory_space<hbm>>
      %dma_start3A_145 = arith.constant 78 : i32
      %dma_start3A_146 = arith.constant 0 : i32
      %dma_start3A_147 = tpu.memref_slice %arg7[%dma_start3A_145, %dma_start3A_146] : memref<80x128xi32, #tpu.memory_space<vmem>> -> memref<2x128xi32, #tpu.memory_space<vmem>>
      %dma_start3A_148 = arith.constant 0 : i32
      %dma_start3A_149 = tpu.memref_slice %arg4[%run_scoped3A_7, %mul3A_6, %dma_start3A_148] : memref<2x64x128xi32, #tpu.memory_space<hbm>> -> memref<1x2x128xi32, #tpu.memory_space<hbm>>
      %dma_start3A_150 = tpu.memref_squeeze %dma_start3A_149 : memref<1x2x128xi32, #tpu.memory_space<hbm>> -> memref<2x128xi32, #tpu.memory_space<hbm>>
      tpu.enqueue_dma source(%dma_start3A_150 : memref<2x128xi32, #tpu.memory_space<hbm>>) target(%dma_start3A_147 : memref<2x128xi32, #tpu.memory_space<vmem>>) target_semaphore(%run_scoped3A_138 : memref<!tpu.dma_semaphore, #tpu.memory_space<semaphore_mem>>)
      %dma_wait3A_151 = arith.constant 78 : i32
      %dma_wait3A_152 = arith.constant 0 : i32
      %dma_wait3A_153 = tpu.memref_slice %arg7[%dma_wait3A_151, %dma_wait3A_152] : memref<80x128xi32, #tpu.memory_space<vmem>> -> memref<2x128xi32, #tpu.memory_space<vmem>>
      %dma_wait3A_154 = arith.constant 0 : i32
      %dma_wait3A_155 = tpu.memref_slice %arg4[%run_scoped3A_7, %mul3A_6, %dma_wait3A_154] : memref<2x64x128xi32, #tpu.memory_space<hbm>> -> memref<1x2x128xi32, #tpu.memory_space<hbm>>
      %dma_wait3A_156 = tpu.memref_squeeze %dma_wait3A_155 : memref<1x2x128xi32, #tpu.memory_space<hbm>> -> memref<2x128xi32, #tpu.memory_space<hbm>>
      %dma_wait3A_157 = arith.constant 78 : i32
      %dma_wait3A_158 = arith.constant 0 : i32
      %dma_wait3A_159 = tpu.memref_slice %arg7[%dma_wait3A_157, %dma_wait3A_158] : memref<80x128xi32, #tpu.memory_space<vmem>> -> memref<2x128xi32, #tpu.memory_space<vmem>>
      %dma_wait3A_160 = arith.constant 0 : i32
      %dma_wait3A_161 = tpu.memref_slice %arg4[%run_scoped3A_7, %mul3A_6, %dma_wait3A_160] : memref<2x64x128xi32, #tpu.memory_space<hbm>> -> memref<1x2x128xi32, #tpu.memory_space<hbm>>
      %dma_wait3A_162 = tpu.memref_squeeze %dma_wait3A_161 : memref<1x2x128xi32, #tpu.memory_space<hbm>> -> memref<2x128xi32, #tpu.memory_space<hbm>>
      tpu.wait_dma2 semaphore(%run_scoped3A_138 : memref<!tpu.dma_semaphore, #tpu.memory_space<semaphore_mem>>) src(%dma_wait3A_162 : memref<2x128xi32, #tpu.memory_space<hbm>>) dst(%dma_wait3A_159 : memref<2x128xi32, #tpu.memory_space<vmem>>)
      tpu.yield
    }) : () -> ()
    %mul3A_8 = arith.constant 78 : i32
    %mul3A_9 = arith.muli %add3A, %mul3A_8 : i32
    %run_scoped3A_10 = arith.constant 1 : i32
    "tpu.region"() ({
      %run_scoped3A_138 = tpu.sem_alloc : memref<!tpu.dma_semaphore, #tpu.memory_space<semaphore_mem>>
      %dma_start3A_139 = arith.constant 0 : i32
      %dma_start3A_140 = arith.constant 0 : i32
      %dma_start3A_141 = tpu.memref_slice %arg8[%dma_start3A_139, %dma_start3A_140] : memref<80x128xi32, #tpu.memory_space<vmem>> -> memref<78x128xi32, #tpu.memory_space<vmem>>
      %dma_start3A_142 = arith.constant 0 : i32
      %dma_start3A_143 = tpu.memref_slice %arg3[%run_scoped3A_10, %mul3A_9, %dma_start3A_142] : memref<2x2500x128xi32, #tpu.memory_space<hbm>> -> memref<1x78x128xi32, #tpu.memory_space<hbm>>
      %dma_start3A_144 = tpu.memref_squeeze %dma_start3A_143 : memref<1x78x128xi32, #tpu.memory_space<hbm>> -> memref<78x128xi32, #tpu.memory_space<hbm>>
      %dma_start3A_145 = arith.constant 0 : i32
      %dma_start3A_146 = arith.constant 0 : i32
      %dma_start3A_147 = tpu.memref_slice %arg8[%dma_start3A_145, %dma_start3A_146] : memref<80x128xi32, #tpu.memory_space<vmem>> -> memref<78x128xi32, #tpu.memory_space<vmem>>
      %dma_start3A_148 = arith.constant 0 : i32
      %dma_start3A_149 = tpu.memref_slice %arg3[%run_scoped3A_10, %mul3A_9, %dma_start3A_148] : memref<2x2500x128xi32, #tpu.memory_space<hbm>> -> memref<1x78x128xi32, #tpu.memory_space<hbm>>
      %dma_start3A_150 = tpu.memref_squeeze %dma_start3A_149 : memref<1x78x128xi32, #tpu.memory_space<hbm>> -> memref<78x128xi32, #tpu.memory_space<hbm>>
      tpu.enqueue_dma source(%dma_start3A_150 : memref<78x128xi32, #tpu.memory_space<hbm>>) target(%dma_start3A_147 : memref<78x128xi32, #tpu.memory_space<vmem>>) target_semaphore(%run_scoped3A_138 : memref<!tpu.dma_semaphore, #tpu.memory_space<semaphore_mem>>)
      %dma_wait3A_151 = arith.constant 0 : i32
      %dma_wait3A_152 = arith.constant 0 : i32
      %dma_wait3A_153 = tpu.memref_slice %arg8[%dma_wait3A_151, %dma_wait3A_152] : memref<80x128xi32, #tpu.memory_space<vmem>> -> memref<78x128xi32, #tpu.memory_space<vmem>>
      %dma_wait3A_154 = arith.constant 0 : i32
      %dma_wait3A_155 = tpu.memref_slice %arg3[%run_scoped3A_10, %mul3A_9, %dma_wait3A_154] : memref<2x2500x128xi32, #tpu.memory_space<hbm>> -> memref<1x78x128xi32, #tpu.memory_space<hbm>>
      %dma_wait3A_156 = tpu.memref_squeeze %dma_wait3A_155 : memref<1x78x128xi32, #tpu.memory_space<hbm>> -> memref<78x128xi32, #tpu.memory_space<hbm>>
      %dma_wait3A_157 = arith.constant 0 : i32
      %dma_wait3A_158 = arith.constant 0 : i32
      %dma_wait3A_159 = tpu.memref_slice %arg8[%dma_wait3A_157, %dma_wait3A_158] : memref<80x128xi32, #tpu.memory_space<vmem>> -> memref<78x128xi32, #tpu.memory_space<vmem>>
      %dma_wait3A_160 = arith.constant 0 : i32
      %dma_wait3A_161 = tpu.memref_slice %arg3[%run_scoped3A_10, %mul3A_9, %dma_wait3A_160] : memref<2x2500x128xi32, #tpu.memory_space<hbm>> -> memref<1x78x128xi32, #tpu.memory_space<hbm>>
      %dma_wait3A_162 = tpu.memref_squeeze %dma_wait3A_161 : memref<1x78x128xi32, #tpu.memory_space<hbm>> -> memref<78x128xi32, #tpu.memory_space<hbm>>
      tpu.wait_dma2 semaphore(%run_scoped3A_138 : memref<!tpu.dma_semaphore, #tpu.memory_space<semaphore_mem>>) src(%dma_wait3A_162 : memref<78x128xi32, #tpu.memory_space<hbm>>) dst(%dma_wait3A_159 : memref<78x128xi32, #tpu.memory_space<vmem>>)
      tpu.yield
    }) : () -> ()
    %mul3A_11 = arith.constant 2 : i32
    %mul3A_12 = arith.muli %mul3A_11, %add3A : i32
    %run_scoped3A_13 = arith.constant 1 : i32
    "tpu.region"() ({
      %run_scoped3A_138 = tpu.sem_alloc : memref<!tpu.dma_semaphore, #tpu.memory_space<semaphore_mem>>
      %dma_start3A_139 = arith.constant 78 : i32
      %dma_start3A_140 = arith.constant 0 : i32
      %dma_start3A_141 = tpu.memref_slice %arg8[%dma_start3A_139, %dma_start3A_140] : memref<80x128xi32, #tpu.memory_space<vmem>> -> memref<2x128xi32, #tpu.memory_space<vmem>>
      %dma_start3A_142 = arith.constant 0 : i32
      %dma_start3A_143 = tpu.memref_slice %arg4[%run_scoped3A_13, %mul3A_12, %dma_start3A_142] : memref<2x64x128xi32, #tpu.memory_space<hbm>> -> memref<1x2x128xi32, #tpu.memory_space<hbm>>
      %dma_start3A_144 = tpu.memref_squeeze %dma_start3A_143 : memref<1x2x128xi32, #tpu.memory_space<hbm>> -> memref<2x128xi32, #tpu.memory_space<hbm>>
      %dma_start3A_145 = arith.constant 78 : i32
      %dma_start3A_146 = arith.constant 0 : i32
      %dma_start3A_147 = tpu.memref_slice %arg8[%dma_start3A_145, %dma_start3A_146] : memref<80x128xi32, #tpu.memory_space<vmem>> -> memref<2x128xi32, #tpu.memory_space<vmem>>
      %dma_start3A_148 = arith.constant 0 : i32
      %dma_start3A_149 = tpu.memref_slice %arg4[%run_scoped3A_13, %mul3A_12, %dma_start3A_148] : memref<2x64x128xi32, #tpu.memory_space<hbm>> -> memref<1x2x128xi32, #tpu.memory_space<hbm>>
      %dma_start3A_150 = tpu.memref_squeeze %dma_start3A_149 : memref<1x2x128xi32, #tpu.memory_space<hbm>> -> memref<2x128xi32, #tpu.memory_space<hbm>>
      tpu.enqueue_dma source(%dma_start3A_150 : memref<2x128xi32, #tpu.memory_space<hbm>>) target(%dma_start3A_147 : memref<2x128xi32, #tpu.memory_space<vmem>>) target_semaphore(%run_scoped3A_138 : memref<!tpu.dma_semaphore, #tpu.memory_space<semaphore_mem>>)
      %dma_wait3A_151 = arith.constant 78 : i32
      %dma_wait3A_152 = arith.constant 0 : i32
      %dma_wait3A_153 = tpu.memref_slice %arg8[%dma_wait3A_151, %dma_wait3A_152] : memref<80x128xi32, #tpu.memory_space<vmem>> -> memref<2x128xi32, #tpu.memory_space<vmem>>
      %dma_wait3A_154 = arith.constant 0 : i32
      %dma_wait3A_155 = tpu.memref_slice %arg4[%run_scoped3A_13, %mul3A_12, %dma_wait3A_154] : memref<2x64x128xi32, #tpu.memory_space<hbm>> -> memref<1x2x128xi32, #tpu.memory_space<hbm>>
      %dma_wait3A_156 = tpu.memref_squeeze %dma_wait3A_155 : memref<1x2x128xi32, #tpu.memory_space<hbm>> -> memref<2x128xi32, #tpu.memory_space<hbm>>
      %dma_wait3A_157 = arith.constant 78 : i32
      %dma_wait3A_158 = arith.constant 0 : i32
      %dma_wait3A_159 = tpu.memref_slice %arg8[%dma_wait3A_157, %dma_wait3A_158] : memref<80x128xi32, #tpu.memory_space<vmem>> -> memref<2x128xi32, #tpu.memory_space<vmem>>
      %dma_wait3A_160 = arith.constant 0 : i32
      %dma_wait3A_161 = tpu.memref_slice %arg4[%run_scoped3A_13, %mul3A_12, %dma_wait3A_160] : memref<2x64x128xi32, #tpu.memory_space<hbm>> -> memref<1x2x128xi32, #tpu.memory_space<hbm>>
      %dma_wait3A_162 = tpu.memref_squeeze %dma_wait3A_161 : memref<1x2x128xi32, #tpu.memory_space<hbm>> -> memref<2x128xi32, #tpu.memory_space<hbm>>
      tpu.wait_dma2 semaphore(%run_scoped3A_138 : memref<!tpu.dma_semaphore, #tpu.memory_space<semaphore_mem>>) src(%dma_wait3A_162 : memref<2x128xi32, #tpu.memory_space<hbm>>) dst(%dma_wait3A_159 : memref<2x128xi32, #tpu.memory_space<vmem>>)
      tpu.yield
    }) : () -> ()
    %barrier3A = arith.constant 0 : index
    tpu.barrier barrier_id(%barrier3A)
    %dma_start3A = arith.constant 0 : i32
    %dma_start3A_14 = arith.constant 0 : i32
    %dma_start3A_15 = tpu.memref_slice %arg7[%dma_start3A, %dma_start3A_14] : memref<80x128xi32, #tpu.memory_space<vmem>> -> memref<1x128xi32, #tpu.memory_space<vmem>>
    %dma_start3A_16 = tpu.memref_squeeze %dma_start3A_15 : memref<1x128xi32, #tpu.memory_space<vmem>> -> memref<128xi32, #tpu.memory_space<vmem>>
    %dma_start3A_17 = arith.constant 0 : i32
    %dma_start3A_18 = arith.constant 0 : i32
    %dma_start3A_19 = tpu.memref_slice %arg2[%dma_start3A_17, %dma_start3A_18] : memref<10112x16xf32, #tpu.memory_space<hbm>> -> memref<10112x16xf32, #tpu.memory_space<hbm>>
    tpu.enqueue_indirect_dma source(%dma_start3A_19 : memref<10112x16xf32, #tpu.memory_space<hbm>>) target(%arg9 : memref<128x16xf32, #tpu.memory_space<vmem>>) offsets(%dma_start3A_16 : memref<128xi32, #tpu.memory_space<vmem>>) semaphore(%arg18 : memref<!tpu.dma_semaphore, #tpu.memory_space<semaphore_mem>>)
    %dma_start3A_20 = arith.constant 1 : i32
    %dma_start3A_21 = arith.constant 0 : i32
    %dma_start3A_22 = tpu.memref_slice %arg7[%dma_start3A_20, %dma_start3A_21] : memref<80x128xi32, #tpu.memory_space<vmem>> -> memref<1x128xi32, #tpu.memory_space<vmem>>
    %dma_start3A_23 = tpu.memref_squeeze %dma_start3A_22 : memref<1x128xi32, #tpu.memory_space<vmem>> -> memref<128xi32, #tpu.memory_space<vmem>>
    %dma_start3A_24 = arith.constant 0 : i32
    %dma_start3A_25 = arith.constant 0 : i32
    %dma_start3A_26 = tpu.memref_slice %arg2[%dma_start3A_24, %dma_start3A_25] : memref<10112x16xf32, #tpu.memory_space<hbm>> -> memref<10112x16xf32, #tpu.memory_space<hbm>>
    tpu.enqueue_indirect_dma source(%dma_start3A_26 : memref<10112x16xf32, #tpu.memory_space<hbm>>) target(%arg10 : memref<128x16xf32, #tpu.memory_space<vmem>>) offsets(%dma_start3A_23 : memref<128xi32, #tpu.memory_space<vmem>>) semaphore(%arg19 : memref<!tpu.dma_semaphore, #tpu.memory_space<semaphore_mem>>)
    %dma_start3A_27 = arith.constant 2 : i32
    %dma_start3A_28 = arith.constant 0 : i32
    %dma_start3A_29 = tpu.memref_slice %arg7[%dma_start3A_27, %dma_start3A_28] : memref<80x128xi32, #tpu.memory_space<vmem>> -> memref<1x128xi32, #tpu.memory_space<vmem>>
    %dma_start3A_30 = tpu.memref_squeeze %dma_start3A_29 : memref<1x128xi32, #tpu.memory_space<vmem>> -> memref<128xi32, #tpu.memory_space<vmem>>
    %dma_start3A_31 = arith.constant 0 : i32
    %dma_start3A_32 = arith.constant 0 : i32
    %dma_start3A_33 = tpu.memref_slice %arg2[%dma_start3A_31, %dma_start3A_32] : memref<10112x16xf32, #tpu.memory_space<hbm>> -> memref<10112x16xf32, #tpu.memory_space<hbm>>
    tpu.enqueue_indirect_dma source(%dma_start3A_33 : memref<10112x16xf32, #tpu.memory_space<hbm>>) target(%arg11 : memref<128x16xf32, #tpu.memory_space<vmem>>) offsets(%dma_start3A_30 : memref<128xi32, #tpu.memory_space<vmem>>) semaphore(%arg20 : memref<!tpu.dma_semaphore, #tpu.memory_space<semaphore_mem>>)
    %dma_start3A_34 = arith.constant 3 : i32
    %dma_start3A_35 = arith.constant 0 : i32
    %dma_start3A_36 = tpu.memref_slice %arg7[%dma_start3A_34, %dma_start3A_35] : memref<80x128xi32, #tpu.memory_space<vmem>> -> memref<1x128xi32, #tpu.memory_space<vmem>>
    %dma_start3A_37 = tpu.memref_squeeze %dma_start3A_36 : memref<1x128xi32, #tpu.memory_space<vmem>> -> memref<128xi32, #tpu.memory_space<vmem>>
    %dma_start3A_38 = arith.constant 0 : i32
    %dma_start3A_39 = arith.constant 0 : i32
    %dma_start3A_40 = tpu.memref_slice %arg2[%dma_start3A_38, %dma_start3A_39] : memref<10112x16xf32, #tpu.memory_space<hbm>> -> memref<10112x16xf32, #tpu.memory_space<hbm>>
    tpu.enqueue_indirect_dma source(%dma_start3A_40 : memref<10112x16xf32, #tpu.memory_space<hbm>>) target(%arg12 : memref<128x16xf32, #tpu.memory_space<vmem>>) offsets(%dma_start3A_37 : memref<128xi32, #tpu.memory_space<vmem>>) semaphore(%arg21 : memref<!tpu.dma_semaphore, #tpu.memory_space<semaphore_mem>>)
    %dma_start3A_41 = arith.constant 4 : i32
    %dma_start3A_42 = arith.constant 0 : i32
    %dma_start3A_43 = tpu.memref_slice %arg7[%dma_start3A_41, %dma_start3A_42] : memref<80x128xi32, #tpu.memory_space<vmem>> -> memref<1x128xi32, #tpu.memory_space<vmem>>
    %dma_start3A_44 = tpu.memref_squeeze %dma_start3A_43 : memref<1x128xi32, #tpu.memory_space<vmem>> -> memref<128xi32, #tpu.memory_space<vmem>>
    %dma_start3A_45 = arith.constant 0 : i32
    %dma_start3A_46 = arith.constant 0 : i32
    %dma_start3A_47 = tpu.memref_slice %arg2[%dma_start3A_45, %dma_start3A_46] : memref<10112x16xf32, #tpu.memory_space<hbm>> -> memref<10112x16xf32, #tpu.memory_space<hbm>>
    tpu.enqueue_indirect_dma source(%dma_start3A_47 : memref<10112x16xf32, #tpu.memory_space<hbm>>) target(%arg13 : memref<128x16xf32, #tpu.memory_space<vmem>>) offsets(%dma_start3A_44 : memref<128xi32, #tpu.memory_space<vmem>>) semaphore(%arg22 : memref<!tpu.dma_semaphore, #tpu.memory_space<semaphore_mem>>)
    %dma_start3A_48 = arith.constant 5 : i32
    %dma_start3A_49 = arith.constant 0 : i32
    %dma_start3A_50 = tpu.memref_slice %arg7[%dma_start3A_48, %dma_start3A_49] : memref<80x128xi32, #tpu.memory_space<vmem>> -> memref<1x128xi32, #tpu.memory_space<vmem>>
    %dma_start3A_51 = tpu.memref_squeeze %dma_start3A_50 : memref<1x128xi32, #tpu.memory_space<vmem>> -> memref<128xi32, #tpu.memory_space<vmem>>
    %dma_start3A_52 = arith.constant 0 : i32
    %dma_start3A_53 = arith.constant 0 : i32
    %dma_start3A_54 = tpu.memref_slice %arg2[%dma_start3A_52, %dma_start3A_53] : memref<10112x16xf32, #tpu.memory_space<hbm>> -> memref<10112x16xf32, #tpu.memory_space<hbm>>
    tpu.enqueue_indirect_dma source(%dma_start3A_54 : memref<10112x16xf32, #tpu.memory_space<hbm>>) target(%arg14 : memref<128x16xf32, #tpu.memory_space<vmem>>) offsets(%dma_start3A_51 : memref<128xi32, #tpu.memory_space<vmem>>) semaphore(%arg23 : memref<!tpu.dma_semaphore, #tpu.memory_space<semaphore_mem>>)
    %dma_start3A_55 = arith.constant 6 : i32
    %dma_start3A_56 = arith.constant 0 : i32
    %dma_start3A_57 = tpu.memref_slice %arg7[%dma_start3A_55, %dma_start3A_56] : memref<80x128xi32, #tpu.memory_space<vmem>> -> memref<1x128xi32, #tpu.memory_space<vmem>>
    %dma_start3A_58 = tpu.memref_squeeze %dma_start3A_57 : memref<1x128xi32, #tpu.memory_space<vmem>> -> memref<128xi32, #tpu.memory_space<vmem>>
    %dma_start3A_59 = arith.constant 0 : i32
    %dma_start3A_60 = arith.constant 0 : i32
    %dma_start3A_61 = tpu.memref_slice %arg2[%dma_start3A_59, %dma_start3A_60] : memref<10112x16xf32, #tpu.memory_space<hbm>> -> memref<10112x16xf32, #tpu.memory_space<hbm>>
    tpu.enqueue_indirect_dma source(%dma_start3A_61 : memref<10112x16xf32, #tpu.memory_space<hbm>>) target(%arg15 : memref<128x16xf32, #tpu.memory_space<vmem>>) offsets(%dma_start3A_58 : memref<128xi32, #tpu.memory_space<vmem>>) semaphore(%arg24 : memref<!tpu.dma_semaphore, #tpu.memory_space<semaphore_mem>>)
    %dma_start3A_62 = arith.constant 7 : i32
    %dma_start3A_63 = arith.constant 0 : i32
    %dma_start3A_64 = tpu.memref_slice %arg7[%dma_start3A_62, %dma_start3A_63] : memref<80x128xi32, #tpu.memory_space<vmem>> -> memref<1x128xi32, #tpu.memory_space<vmem>>
    %dma_start3A_65 = tpu.memref_squeeze %dma_start3A_64 : memref<1x128xi32, #tpu.memory_space<vmem>> -> memref<128xi32, #tpu.memory_space<vmem>>
    %dma_start3A_66 = arith.constant 0 : i32
    %dma_start3A_67 = arith.constant 0 : i32
    %dma_start3A_68 = tpu.memref_slice %arg2[%dma_start3A_66, %dma_start3A_67] : memref<10112x16xf32, #tpu.memory_space<hbm>> -> memref<10112x16xf32, #tpu.memory_space<hbm>>
    tpu.enqueue_indirect_dma source(%dma_start3A_68 : memref<10112x16xf32, #tpu.memory_space<hbm>>) target(%arg16 : memref<128x16xf32, #tpu.memory_space<vmem>>) offsets(%dma_start3A_65 : memref<128xi32, #tpu.memory_space<vmem>>) semaphore(%arg25 : memref<!tpu.dma_semaphore, #tpu.memory_space<semaphore_mem>>)
    %scan3A = arith.constant 0 : i32
    %scan3A_69 = arith.constant 0 : i32
    %scan3A_70 = arith.constant 9 : i32
    %scan3A_71 = arith.addi %scan3A_69, %scan3A_70 : i32
    %scan3A_72 = arith.constant 1 : i32
    scf.for %scan3A_138 = %scan3A_69 to %scan3A_71 step %scan3A_72  : i32 {
      %mul3A_139 = arith.constant 8 : i32
      %mul3A_140 = arith.muli %mul3A_139, %scan3A_138 : i32
      %add3A_141 = arith.constant 0 : i32
      %add3A_142 = arith.addi %mul3A_140, %add3A_141 : i32
      %dma_wait3A_143 = arith.constant 0 : i32
      %dma_wait3A_144 = tpu.memref_slice %arg7[%add3A_142, %dma_wait3A_143] : memref<80x128xi32, #tpu.memory_space<vmem>> -> memref<1x128xi32, #tpu.memory_space<vmem>>
      %dma_wait3A_145 = tpu.memref_squeeze %dma_wait3A_144 : memref<1x128xi32, #tpu.memory_space<vmem>> -> memref<128xi32, #tpu.memory_space<vmem>>
      %dma_wait3A_146 = arith.constant 0 : i32
      %dma_wait3A_147 = arith.constant 0 : i32
      %dma_wait3A_148 = tpu.memref_slice %arg2[%dma_wait3A_146, %dma_wait3A_147] : memref<10112x16xf32, #tpu.memory_space<hbm>> -> memref<10112x16xf32, #tpu.memory_space<hbm>>
      tpu.wait_indirect_dma semaphore(%arg18 : memref<!tpu.dma_semaphore, #tpu.memory_space<semaphore_mem>>) src(%dma_wait3A_148 : memref<10112x16xf32, #tpu.memory_space<hbm>>) dst(%arg9 : memref<128x16xf32, #tpu.memory_space<vmem>>)
      %add3A_149 = arith.constant 0 : i32
      %add3A_150 = arith.addi %mul3A_140, %add3A_149 : i32
      "tpu.region"() ({
        %run_scoped3A_301 = tpu.sem_alloc : memref<!tpu.dma_semaphore, #tpu.memory_space<semaphore_mem>>
        %dma_start3A_302 = arith.constant 0 : i32
        %dma_start3A_303 = tpu.memref_slice %arg8[%add3A_150, %dma_start3A_302] : memref<80x128xi32, #tpu.memory_space<vmem>> -> memref<1x128xi32, #tpu.memory_space<vmem>>
        %dma_start3A_304 = tpu.memref_squeeze %dma_start3A_303 : memref<1x128xi32, #tpu.memory_space<vmem>> -> memref<128xi32, #tpu.memory_space<vmem>>
        %dma_start3A_305 = arith.constant 0 : i32
        %dma_start3A_306 = arith.constant 0 : i32
        %dma_start3A_307 = tpu.memref_slice %arg17[%dma_start3A_305, %dma_start3A_306] : memref<10112x16xf32, #tpu.memory_space<vmem_shared>> -> memref<10112x16xf32, #tpu.memory_space<vmem_shared>>
        tpu.enqueue_indirect_dma source(%arg9 : memref<128x16xf32, #tpu.memory_space<vmem>>) target(%dma_start3A_307 : memref<10112x16xf32, #tpu.memory_space<vmem_shared>>) offsets(%dma_start3A_304 : memref<128xi32, #tpu.memory_space<vmem>>) semaphore(%run_scoped3A_301 : memref<!tpu.dma_semaphore, #tpu.memory_space<semaphore_mem>>) {add = true}
        %dma_wait3A_308 = arith.constant 0 : i32
        %dma_wait3A_309 = tpu.memref_slice %arg8[%add3A_150, %dma_wait3A_308] : memref<80x128xi32, #tpu.memory_space<vmem>> -> memref<1x128xi32, #tpu.memory_space<vmem>>
        %dma_wait3A_310 = tpu.memref_squeeze %dma_wait3A_309 : memref<1x128xi32, #tpu.memory_space<vmem>> -> memref<128xi32, #tpu.memory_space<vmem>>
        %dma_wait3A_311 = arith.constant 0 : i32
        %dma_wait3A_312 = arith.constant 0 : i32
        %dma_wait3A_313 = tpu.memref_slice %arg17[%dma_wait3A_311, %dma_wait3A_312] : memref<10112x16xf32, #tpu.memory_space<vmem_shared>> -> memref<10112x16xf32, #tpu.memory_space<vmem_shared>>
        tpu.wait_indirect_dma semaphore(%run_scoped3A_301 : memref<!tpu.dma_semaphore, #tpu.memory_space<semaphore_mem>>) src(%arg9 : memref<128x16xf32, #tpu.memory_space<vmem>>) dst(%dma_wait3A_313 : memref<10112x16xf32, #tpu.memory_space<vmem_shared>>)
        tpu.yield
      }) : () -> ()
      %add3A_151 = arith.constant 8 : i32
      %add3A_152 = arith.addi %mul3A_140, %add3A_151 : i32
      %add3A_153 = arith.constant 0 : i32
      %add3A_154 = arith.addi %add3A_152, %add3A_153 : i32
      %dma_start3A_155 = arith.constant 0 : i32
      %dma_start3A_156 = tpu.memref_slice %arg7[%add3A_154, %dma_start3A_155] : memref<80x128xi32, #tpu.memory_space<vmem>> -> memref<1x128xi32, #tpu.memory_space<vmem>>
      %dma_start3A_157 = tpu.memref_squeeze %dma_start3A_156 : memref<1x128xi32, #tpu.memory_space<vmem>> -> memref<128xi32, #tpu.memory_space<vmem>>
      %dma_start3A_158 = arith.constant 0 : i32
      %dma_start3A_159 = arith.constant 0 : i32
      %dma_start3A_160 = tpu.memref_slice %arg2[%dma_start3A_158, %dma_start3A_159] : memref<10112x16xf32, #tpu.memory_space<hbm>> -> memref<10112x16xf32, #tpu.memory_space<hbm>>
      tpu.enqueue_indirect_dma source(%dma_start3A_160 : memref<10112x16xf32, #tpu.memory_space<hbm>>) target(%arg9 : memref<128x16xf32, #tpu.memory_space<vmem>>) offsets(%dma_start3A_157 : memref<128xi32, #tpu.memory_space<vmem>>) semaphore(%arg18 : memref<!tpu.dma_semaphore, #tpu.memory_space<semaphore_mem>>)
      %add3A_161 = arith.constant 1 : i32
      %add3A_162 = arith.addi %mul3A_140, %add3A_161 : i32
      %dma_wait3A_163 = arith.constant 0 : i32
      %dma_wait3A_164 = tpu.memref_slice %arg7[%add3A_162, %dma_wait3A_163] : memref<80x128xi32, #tpu.memory_space<vmem>> -> memref<1x128xi32, #tpu.memory_space<vmem>>
      %dma_wait3A_165 = tpu.memref_squeeze %dma_wait3A_164 : memref<1x128xi32, #tpu.memory_space<vmem>> -> memref<128xi32, #tpu.memory_space<vmem>>
      %dma_wait3A_166 = arith.constant 0 : i32
      %dma_wait3A_167 = arith.constant 0 : i32
      %dma_wait3A_168 = tpu.memref_slice %arg2[%dma_wait3A_166, %dma_wait3A_167] : memref<10112x16xf32, #tpu.memory_space<hbm>> -> memref<10112x16xf32, #tpu.memory_space<hbm>>
      tpu.wait_indirect_dma semaphore(%arg19 : memref<!tpu.dma_semaphore, #tpu.memory_space<semaphore_mem>>) src(%dma_wait3A_168 : memref<10112x16xf32, #tpu.memory_space<hbm>>) dst(%arg10 : memref<128x16xf32, #tpu.memory_space<vmem>>)
      %add3A_169 = arith.constant 1 : i32
      %add3A_170 = arith.addi %mul3A_140, %add3A_169 : i32
      "tpu.region"() ({
        %run_scoped3A_301 = tpu.sem_alloc : memref<!tpu.dma_semaphore, #tpu.memory_space<semaphore_mem>>
        %dma_start3A_302 = arith.constant 0 : i32
        %dma_start3A_303 = tpu.memref_slice %arg8[%add3A_170, %dma_start3A_302] : memref<80x128xi32, #tpu.memory_space<vmem>> -> memref<1x128xi32, #tpu.memory_space<vmem>>
        %dma_start3A_304 = tpu.memref_squeeze %dma_start3A_303 : memref<1x128xi32, #tpu.memory_space<vmem>> -> memref<128xi32, #tpu.memory_space<vmem>>
        %dma_start3A_305 = arith.constant 0 : i32
        %dma_start3A_306 = arith.constant 0 : i32
        %dma_start3A_307 = tpu.memref_slice %arg17[%dma_start3A_305, %dma_start3A_306] : memref<10112x16xf32, #tpu.memory_space<vmem_shared>> -> memref<10112x16xf32, #tpu.memory_space<vmem_shared>>
        tpu.enqueue_indirect_dma source(%arg10 : memref<128x16xf32, #tpu.memory_space<vmem>>) target(%dma_start3A_307 : memref<10112x16xf32, #tpu.memory_space<vmem_shared>>) offsets(%dma_start3A_304 : memref<128xi32, #tpu.memory_space<vmem>>) semaphore(%run_scoped3A_301 : memref<!tpu.dma_semaphore, #tpu.memory_space<semaphore_mem>>) {add = true}
        %dma_wait3A_308 = arith.constant 0 : i32
        %dma_wait3A_309 = tpu.memref_slice %arg8[%add3A_170, %dma_wait3A_308] : memref<80x128xi32, #tpu.memory_space<vmem>> -> memref<1x128xi32, #tpu.memory_space<vmem>>
        %dma_wait3A_310 = tpu.memref_squeeze %dma_wait3A_309 : memref<1x128xi32, #tpu.memory_space<vmem>> -> memref<128xi32, #tpu.memory_space<vmem>>
        %dma_wait3A_311 = arith.constant 0 : i32
        %dma_wait3A_312 = arith.constant 0 : i32
        %dma_wait3A_313 = tpu.memref_slice %arg17[%dma_wait3A_311, %dma_wait3A_312] : memref<10112x16xf32, #tpu.memory_space<vmem_shared>> -> memref<10112x16xf32, #tpu.memory_space<vmem_shared>>
        tpu.wait_indirect_dma semaphore(%run_scoped3A_301 : memref<!tpu.dma_semaphore, #tpu.memory_space<semaphore_mem>>) src(%arg10 : memref<128x16xf32, #tpu.memory_space<vmem>>) dst(%dma_wait3A_313 : memref<10112x16xf32, #tpu.memory_space<vmem_shared>>)
        tpu.yield
      }) : () -> ()
      %add3A_171 = arith.constant 8 : i32
      %add3A_172 = arith.addi %mul3A_140, %add3A_171 : i32
      %add3A_173 = arith.constant 1 : i32
      %add3A_174 = arith.addi %add3A_172, %add3A_173 : i32
      %dma_start3A_175 = arith.constant 0 : i32
      %dma_start3A_176 = tpu.memref_slice %arg7[%add3A_174, %dma_start3A_175] : memref<80x128xi32, #tpu.memory_space<vmem>> -> memref<1x128xi32, #tpu.memory_space<vmem>>
      %dma_start3A_177 = tpu.memref_squeeze %dma_start3A_176 : memref<1x128xi32, #tpu.memory_space<vmem>> -> memref<128xi32, #tpu.memory_space<vmem>>
      %dma_start3A_178 = arith.constant 0 : i32
      %dma_start3A_179 = arith.constant 0 : i32
      %dma_start3A_180 = tpu.memref_slice %arg2[%dma_start3A_178, %dma_start3A_179] : memref<10112x16xf32, #tpu.memory_space<hbm>> -> memref<10112x16xf32, #tpu.memory_space<hbm>>
      tpu.enqueue_indirect_dma source(%dma_start3A_180 : memref<10112x16xf32, #tpu.memory_space<hbm>>) target(%arg10 : memref<128x16xf32, #tpu.memory_space<vmem>>) offsets(%dma_start3A_177 : memref<128xi32, #tpu.memory_space<vmem>>) semaphore(%arg19 : memref<!tpu.dma_semaphore, #tpu.memory_space<semaphore_mem>>)
      %add3A_181 = arith.constant 2 : i32
      %add3A_182 = arith.addi %mul3A_140, %add3A_181 : i32
      %dma_wait3A_183 = arith.constant 0 : i32
      %dma_wait3A_184 = tpu.memref_slice %arg7[%add3A_182, %dma_wait3A_183] : memref<80x128xi32, #tpu.memory_space<vmem>> -> memref<1x128xi32, #tpu.memory_space<vmem>>
      %dma_wait3A_185 = tpu.memref_squeeze %dma_wait3A_184 : memref<1x128xi32, #tpu.memory_space<vmem>> -> memref<128xi32, #tpu.memory_space<vmem>>
      %dma_wait3A_186 = arith.constant 0 : i32
      %dma_wait3A_187 = arith.constant 0 : i32
      %dma_wait3A_188 = tpu.memref_slice %arg2[%dma_wait3A_186, %dma_wait3A_187] : memref<10112x16xf32, #tpu.memory_space<hbm>> -> memref<10112x16xf32, #tpu.memory_space<hbm>>
      tpu.wait_indirect_dma semaphore(%arg20 : memref<!tpu.dma_semaphore, #tpu.memory_space<semaphore_mem>>) src(%dma_wait3A_188 : memref<10112x16xf32, #tpu.memory_space<hbm>>) dst(%arg11 : memref<128x16xf32, #tpu.memory_space<vmem>>)
      %add3A_189 = arith.constant 2 : i32
      %add3A_190 = arith.addi %mul3A_140, %add3A_189 : i32
      "tpu.region"() ({
        %run_scoped3A_301 = tpu.sem_alloc : memref<!tpu.dma_semaphore, #tpu.memory_space<semaphore_mem>>
        %dma_start3A_302 = arith.constant 0 : i32
        %dma_start3A_303 = tpu.memref_slice %arg8[%add3A_190, %dma_start3A_302] : memref<80x128xi32, #tpu.memory_space<vmem>> -> memref<1x128xi32, #tpu.memory_space<vmem>>
        %dma_start3A_304 = tpu.memref_squeeze %dma_start3A_303 : memref<1x128xi32, #tpu.memory_space<vmem>> -> memref<128xi32, #tpu.memory_space<vmem>>
        %dma_start3A_305 = arith.constant 0 : i32
        %dma_start3A_306 = arith.constant 0 : i32
        %dma_start3A_307 = tpu.memref_slice %arg17[%dma_start3A_305, %dma_start3A_306] : memref<10112x16xf32, #tpu.memory_space<vmem_shared>> -> memref<10112x16xf32, #tpu.memory_space<vmem_shared>>
        tpu.enqueue_indirect_dma source(%arg11 : memref<128x16xf32, #tpu.memory_space<vmem>>) target(%dma_start3A_307 : memref<10112x16xf32, #tpu.memory_space<vmem_shared>>) offsets(%dma_start3A_304 : memref<128xi32, #tpu.memory_space<vmem>>) semaphore(%run_scoped3A_301 : memref<!tpu.dma_semaphore, #tpu.memory_space<semaphore_mem>>) {add = true}
        %dma_wait3A_308 = arith.constant 0 : i32
        %dma_wait3A_309 = tpu.memref_slice %arg8[%add3A_190, %dma_wait3A_308] : memref<80x128xi32, #tpu.memory_space<vmem>> -> memref<1x128xi32, #tpu.memory_space<vmem>>
        %dma_wait3A_310 = tpu.memref_squeeze %dma_wait3A_309 : memref<1x128xi32, #tpu.memory_space<vmem>> -> memref<128xi32, #tpu.memory_space<vmem>>
        %dma_wait3A_311 = arith.constant 0 : i32
        %dma_wait3A_312 = arith.constant 0 : i32
        %dma_wait3A_313 = tpu.memref_slice %arg17[%dma_wait3A_311, %dma_wait3A_312] : memref<10112x16xf32, #tpu.memory_space<vmem_shared>> -> memref<10112x16xf32, #tpu.memory_space<vmem_shared>>
        tpu.wait_indirect_dma semaphore(%run_scoped3A_301 : memref<!tpu.dma_semaphore, #tpu.memory_space<semaphore_mem>>) src(%arg11 : memref<128x16xf32, #tpu.memory_space<vmem>>) dst(%dma_wait3A_313 : memref<10112x16xf32, #tpu.memory_space<vmem_shared>>)
        tpu.yield
      }) : () -> ()
      %add3A_191 = arith.constant 8 : i32
      %add3A_192 = arith.addi %mul3A_140, %add3A_191 : i32
      %add3A_193 = arith.constant 2 : i32
      %add3A_194 = arith.addi %add3A_192, %add3A_193 : i32
      %dma_start3A_195 = arith.constant 0 : i32
      %dma_start3A_196 = tpu.memref_slice %arg7[%add3A_194, %dma_start3A_195] : memref<80x128xi32, #tpu.memory_space<vmem>> -> memref<1x128xi32, #tpu.memory_space<vmem>>
      %dma_start3A_197 = tpu.memref_squeeze %dma_start3A_196 : memref<1x128xi32, #tpu.memory_space<vmem>> -> memref<128xi32, #tpu.memory_space<vmem>>
      %dma_start3A_198 = arith.constant 0 : i32
      %dma_start3A_199 = arith.constant 0 : i32
      %dma_start3A_200 = tpu.memref_slice %arg2[%dma_start3A_198, %dma_start3A_199] : memref<10112x16xf32, #tpu.memory_space<hbm>> -> memref<10112x16xf32, #tpu.memory_space<hbm>>
      tpu.enqueue_indirect_dma source(%dma_start3A_200 : memref<10112x16xf32, #tpu.memory_space<hbm>>) target(%arg11 : memref<128x16xf32, #tpu.memory_space<vmem>>) offsets(%dma_start3A_197 : memref<128xi32, #tpu.memory_space<vmem>>) semaphore(%arg20 : memref<!tpu.dma_semaphore, #tpu.memory_space<semaphore_mem>>)
      %add3A_201 = arith.constant 3 : i32
      %add3A_202 = arith.addi %mul3A_140, %add3A_201 : i32
      %dma_wait3A_203 = arith.constant 0 : i32
      %dma_wait3A_204 = tpu.memref_slice %arg7[%add3A_202, %dma_wait3A_203] : memref<80x128xi32, #tpu.memory_space<vmem>> -> memref<1x128xi32, #tpu.memory_space<vmem>>
      %dma_wait3A_205 = tpu.memref_squeeze %dma_wait3A_204 : memref<1x128xi32, #tpu.memory_space<vmem>> -> memref<128xi32, #tpu.memory_space<vmem>>
      %dma_wait3A_206 = arith.constant 0 : i32
      %dma_wait3A_207 = arith.constant 0 : i32
      %dma_wait3A_208 = tpu.memref_slice %arg2[%dma_wait3A_206, %dma_wait3A_207] : memref<10112x16xf32, #tpu.memory_space<hbm>> -> memref<10112x16xf32, #tpu.memory_space<hbm>>
      tpu.wait_indirect_dma semaphore(%arg21 : memref<!tpu.dma_semaphore, #tpu.memory_space<semaphore_mem>>) src(%dma_wait3A_208 : memref<10112x16xf32, #tpu.memory_space<hbm>>) dst(%arg12 : memref<128x16xf32, #tpu.memory_space<vmem>>)
      %add3A_209 = arith.constant 3 : i32
      %add3A_210 = arith.addi %mul3A_140, %add3A_209 : i32
      "tpu.region"() ({
        %run_scoped3A_301 = tpu.sem_alloc : memref<!tpu.dma_semaphore, #tpu.memory_space<semaphore_mem>>
        %dma_start3A_302 = arith.constant 0 : i32
        %dma_start3A_303 = tpu.memref_slice %arg8[%add3A_210, %dma_start3A_302] : memref<80x128xi32, #tpu.memory_space<vmem>> -> memref<1x128xi32, #tpu.memory_space<vmem>>
        %dma_start3A_304 = tpu.memref_squeeze %dma_start3A_303 : memref<1x128xi32, #tpu.memory_space<vmem>> -> memref<128xi32, #tpu.memory_space<vmem>>
        %dma_start3A_305 = arith.constant 0 : i32
        %dma_start3A_306 = arith.constant 0 : i32
        %dma_start3A_307 = tpu.memref_slice %arg17[%dma_start3A_305, %dma_start3A_306] : memref<10112x16xf32, #tpu.memory_space<vmem_shared>> -> memref<10112x16xf32, #tpu.memory_space<vmem_shared>>
        tpu.enqueue_indirect_dma source(%arg12 : memref<128x16xf32, #tpu.memory_space<vmem>>) target(%dma_start3A_307 : memref<10112x16xf32, #tpu.memory_space<vmem_shared>>) offsets(%dma_start3A_304 : memref<128xi32, #tpu.memory_space<vmem>>) semaphore(%run_scoped3A_301 : memref<!tpu.dma_semaphore, #tpu.memory_space<semaphore_mem>>) {add = true}
        %dma_wait3A_308 = arith.constant 0 : i32
        %dma_wait3A_309 = tpu.memref_slice %arg8[%add3A_210, %dma_wait3A_308] : memref<80x128xi32, #tpu.memory_space<vmem>> -> memref<1x128xi32, #tpu.memory_space<vmem>>
        %dma_wait3A_310 = tpu.memref_squeeze %dma_wait3A_309 : memref<1x128xi32, #tpu.memory_space<vmem>> -> memref<128xi32, #tpu.memory_space<vmem>>
        %dma_wait3A_311 = arith.constant 0 : i32
        %dma_wait3A_312 = arith.constant 0 : i32
        %dma_wait3A_313 = tpu.memref_slice %arg17[%dma_wait3A_311, %dma_wait3A_312] : memref<10112x16xf32, #tpu.memory_space<vmem_shared>> -> memref<10112x16xf32, #tpu.memory_space<vmem_shared>>
        tpu.wait_indirect_dma semaphore(%run_scoped3A_301 : memref<!tpu.dma_semaphore, #tpu.memory_space<semaphore_mem>>) src(%arg12 : memref<128x16xf32, #tpu.memory_space<vmem>>) dst(%dma_wait3A_313 : memref<10112x16xf32, #tpu.memory_space<vmem_shared>>)
        tpu.yield
      }) : () -> ()
      %add3A_211 = arith.constant 8 : i32
      %add3A_212 = arith.addi %mul3A_140, %add3A_211 : i32
      %add3A_213 = arith.constant 3 : i32
      %add3A_214 = arith.addi %add3A_212, %add3A_213 : i32
      %dma_start3A_215 = arith.constant 0 : i32
      %dma_start3A_216 = tpu.memref_slice %arg7[%add3A_214, %dma_start3A_215] : memref<80x128xi32, #tpu.memory_space<vmem>> -> memref<1x128xi32, #tpu.memory_space<vmem>>
      %dma_start3A_217 = tpu.memref_squeeze %dma_start3A_216 : memref<1x128xi32, #tpu.memory_space<vmem>> -> memref<128xi32, #tpu.memory_space<vmem>>
      %dma_start3A_218 = arith.constant 0 : i32
      %dma_start3A_219 = arith.constant 0 : i32
      %dma_start3A_220 = tpu.memref_slice %arg2[%dma_start3A_218, %dma_start3A_219] : memref<10112x16xf32, #tpu.memory_space<hbm>> -> memref<10112x16xf32, #tpu.memory_space<hbm>>
      tpu.enqueue_indirect_dma source(%dma_start3A_220 : memref<10112x16xf32, #tpu.memory_space<hbm>>) target(%arg12 : memref<128x16xf32, #tpu.memory_space<vmem>>) offsets(%dma_start3A_217 : memref<128xi32, #tpu.memory_space<vmem>>) semaphore(%arg21 : memref<!tpu.dma_semaphore, #tpu.memory_space<semaphore_mem>>)
      %add3A_221 = arith.constant 4 : i32
      %add3A_222 = arith.addi %mul3A_140, %add3A_221 : i32
      %dma_wait3A_223 = arith.constant 0 : i32
      %dma_wait3A_224 = tpu.memref_slice %arg7[%add3A_222, %dma_wait3A_223] : memref<80x128xi32, #tpu.memory_space<vmem>> -> memref<1x128xi32, #tpu.memory_space<vmem>>
      %dma_wait3A_225 = tpu.memref_squeeze %dma_wait3A_224 : memref<1x128xi32, #tpu.memory_space<vmem>> -> memref<128xi32, #tpu.memory_space<vmem>>
      %dma_wait3A_226 = arith.constant 0 : i32
      %dma_wait3A_227 = arith.constant 0 : i32
      %dma_wait3A_228 = tpu.memref_slice %arg2[%dma_wait3A_226, %dma_wait3A_227] : memref<10112x16xf32, #tpu.memory_space<hbm>> -> memref<10112x16xf32, #tpu.memory_space<hbm>>
      tpu.wait_indirect_dma semaphore(%arg22 : memref<!tpu.dma_semaphore, #tpu.memory_space<semaphore_mem>>) src(%dma_wait3A_228 : memref<10112x16xf32, #tpu.memory_space<hbm>>) dst(%arg13 : memref<128x16xf32, #tpu.memory_space<vmem>>)
      %add3A_229 = arith.constant 4 : i32
      %add3A_230 = arith.addi %mul3A_140, %add3A_229 : i32
      "tpu.region"() ({
        %run_scoped3A_301 = tpu.sem_alloc : memref<!tpu.dma_semaphore, #tpu.memory_space<semaphore_mem>>
        %dma_start3A_302 = arith.constant 0 : i32
        %dma_start3A_303 = tpu.memref_slice %arg8[%add3A_230, %dma_start3A_302] : memref<80x128xi32, #tpu.memory_space<vmem>> -> memref<1x128xi32, #tpu.memory_space<vmem>>
        %dma_start3A_304 = tpu.memref_squeeze %dma_start3A_303 : memref<1x128xi32, #tpu.memory_space<vmem>> -> memref<128xi32, #tpu.memory_space<vmem>>
        %dma_start3A_305 = arith.constant 0 : i32
        %dma_start3A_306 = arith.constant 0 : i32
        %dma_start3A_307 = tpu.memref_slice %arg17[%dma_start3A_305, %dma_start3A_306] : memref<10112x16xf32, #tpu.memory_space<vmem_shared>> -> memref<10112x16xf32, #tpu.memory_space<vmem_shared>>
        tpu.enqueue_indirect_dma source(%arg13 : memref<128x16xf32, #tpu.memory_space<vmem>>) target(%dma_start3A_307 : memref<10112x16xf32, #tpu.memory_space<vmem_shared>>) offsets(%dma_start3A_304 : memref<128xi32, #tpu.memory_space<vmem>>) semaphore(%run_scoped3A_301 : memref<!tpu.dma_semaphore, #tpu.memory_space<semaphore_mem>>) {add = true}
        %dma_wait3A_308 = arith.constant 0 : i32
        %dma_wait3A_309 = tpu.memref_slice %arg8[%add3A_230, %dma_wait3A_308] : memref<80x128xi32, #tpu.memory_space<vmem>> -> memref<1x128xi32, #tpu.memory_space<vmem>>
        %dma_wait3A_310 = tpu.memref_squeeze %dma_wait3A_309 : memref<1x128xi32, #tpu.memory_space<vmem>> -> memref<128xi32, #tpu.memory_space<vmem>>
        %dma_wait3A_311 = arith.constant 0 : i32
        %dma_wait3A_312 = arith.constant 0 : i32
        %dma_wait3A_313 = tpu.memref_slice %arg17[%dma_wait3A_311, %dma_wait3A_312] : memref<10112x16xf32, #tpu.memory_space<vmem_shared>> -> memref<10112x16xf32, #tpu.memory_space<vmem_shared>>
        tpu.wait_indirect_dma semaphore(%run_scoped3A_301 : memref<!tpu.dma_semaphore, #tpu.memory_space<semaphore_mem>>) src(%arg13 : memref<128x16xf32, #tpu.memory_space<vmem>>) dst(%dma_wait3A_313 : memref<10112x16xf32, #tpu.memory_space<vmem_shared>>)
        tpu.yield
      }) : () -> ()
      %add3A_231 = arith.constant 8 : i32
      %add3A_232 = arith.addi %mul3A_140, %add3A_231 : i32
      %add3A_233 = arith.constant 4 : i32
      %add3A_234 = arith.addi %add3A_232, %add3A_233 : i32
      %dma_start3A_235 = arith.constant 0 : i32
      %dma_start3A_236 = tpu.memref_slice %arg7[%add3A_234, %dma_start3A_235] : memref<80x128xi32, #tpu.memory_space<vmem>> -> memref<1x128xi32, #tpu.memory_space<vmem>>
      %dma_start3A_237 = tpu.memref_squeeze %dma_start3A_236 : memref<1x128xi32, #tpu.memory_space<vmem>> -> memref<128xi32, #tpu.memory_space<vmem>>
      %dma_start3A_238 = arith.constant 0 : i32
      %dma_start3A_239 = arith.constant 0 : i32
      %dma_start3A_240 = tpu.memref_slice %arg2[%dma_start3A_238, %dma_start3A_239] : memref<10112x16xf32, #tpu.memory_space<hbm>> -> memref<10112x16xf32, #tpu.memory_space<hbm>>
      tpu.enqueue_indirect_dma source(%dma_start3A_240 : memref<10112x16xf32, #tpu.memory_space<hbm>>) target(%arg13 : memref<128x16xf32, #tpu.memory_space<vmem>>) offsets(%dma_start3A_237 : memref<128xi32, #tpu.memory_space<vmem>>) semaphore(%arg22 : memref<!tpu.dma_semaphore, #tpu.memory_space<semaphore_mem>>)
      %add3A_241 = arith.constant 5 : i32
      %add3A_242 = arith.addi %mul3A_140, %add3A_241 : i32
      %dma_wait3A_243 = arith.constant 0 : i32
      %dma_wait3A_244 = tpu.memref_slice %arg7[%add3A_242, %dma_wait3A_243] : memref<80x128xi32, #tpu.memory_space<vmem>> -> memref<1x128xi32, #tpu.memory_space<vmem>>
      %dma_wait3A_245 = tpu.memref_squeeze %dma_wait3A_244 : memref<1x128xi32, #tpu.memory_space<vmem>> -> memref<128xi32, #tpu.memory_space<vmem>>
      %dma_wait3A_246 = arith.constant 0 : i32
      %dma_wait3A_247 = arith.constant 0 : i32
      %dma_wait3A_248 = tpu.memref_slice %arg2[%dma_wait3A_246, %dma_wait3A_247] : memref<10112x16xf32, #tpu.memory_space<hbm>> -> memref<10112x16xf32, #tpu.memory_space<hbm>>
      tpu.wait_indirect_dma semaphore(%arg23 : memref<!tpu.dma_semaphore, #tpu.memory_space<semaphore_mem>>) src(%dma_wait3A_248 : memref<10112x16xf32, #tpu.memory_space<hbm>>) dst(%arg14 : memref<128x16xf32, #tpu.memory_space<vmem>>)
      %add3A_249 = arith.constant 5 : i32
      %add3A_250 = arith.addi %mul3A_140, %add3A_249 : i32
      "tpu.region"() ({
        %run_scoped3A_301 = tpu.sem_alloc : memref<!tpu.dma_semaphore, #tpu.memory_space<semaphore_mem>>
        %dma_start3A_302 = arith.constant 0 : i32
        %dma_start3A_303 = tpu.memref_slice %arg8[%add3A_250, %dma_start3A_302] : memref<80x128xi32, #tpu.memory_space<vmem>> -> memref<1x128xi32, #tpu.memory_space<vmem>>
        %dma_start3A_304 = tpu.memref_squeeze %dma_start3A_303 : memref<1x128xi32, #tpu.memory_space<vmem>> -> memref<128xi32, #tpu.memory_space<vmem>>
        %dma_start3A_305 = arith.constant 0 : i32
        %dma_start3A_306 = arith.constant 0 : i32
        %dma_start3A_307 = tpu.memref_slice %arg17[%dma_start3A_305, %dma_start3A_306] : memref<10112x16xf32, #tpu.memory_space<vmem_shared>> -> memref<10112x16xf32, #tpu.memory_space<vmem_shared>>
        tpu.enqueue_indirect_dma source(%arg14 : memref<128x16xf32, #tpu.memory_space<vmem>>) target(%dma_start3A_307 : memref<10112x16xf32, #tpu.memory_space<vmem_shared>>) offsets(%dma_start3A_304 : memref<128xi32, #tpu.memory_space<vmem>>) semaphore(%run_scoped3A_301 : memref<!tpu.dma_semaphore, #tpu.memory_space<semaphore_mem>>) {add = true}
        %dma_wait3A_308 = arith.constant 0 : i32
        %dma_wait3A_309 = tpu.memref_slice %arg8[%add3A_250, %dma_wait3A_308] : memref<80x128xi32, #tpu.memory_space<vmem>> -> memref<1x128xi32, #tpu.memory_space<vmem>>
        %dma_wait3A_310 = tpu.memref_squeeze %dma_wait3A_309 : memref<1x128xi32, #tpu.memory_space<vmem>> -> memref<128xi32, #tpu.memory_space<vmem>>
        %dma_wait3A_311 = arith.constant 0 : i32
        %dma_wait3A_312 = arith.constant 0 : i32
        %dma_wait3A_313 = tpu.memref_slice %arg17[%dma_wait3A_311, %dma_wait3A_312] : memref<10112x16xf32, #tpu.memory_space<vmem_shared>> -> memref<10112x16xf32, #tpu.memory_space<vmem_shared>>
        tpu.wait_indirect_dma semaphore(%run_scoped3A_301 : memref<!tpu.dma_semaphore, #tpu.memory_space<semaphore_mem>>) src(%arg14 : memref<128x16xf32, #tpu.memory_space<vmem>>) dst(%dma_wait3A_313 : memref<10112x16xf32, #tpu.memory_space<vmem_shared>>)
        tpu.yield
      }) : () -> ()
      %add3A_251 = arith.constant 8 : i32
      %add3A_252 = arith.addi %mul3A_140, %add3A_251 : i32
      %add3A_253 = arith.constant 5 : i32
      %add3A_254 = arith.addi %add3A_252, %add3A_253 : i32
      %dma_start3A_255 = arith.constant 0 : i32
      %dma_start3A_256 = tpu.memref_slice %arg7[%add3A_254, %dma_start3A_255] : memref<80x128xi32, #tpu.memory_space<vmem>> -> memref<1x128xi32, #tpu.memory_space<vmem>>
      %dma_start3A_257 = tpu.memref_squeeze %dma_start3A_256 : memref<1x128xi32, #tpu.memory_space<vmem>> -> memref<128xi32, #tpu.memory_space<vmem>>
      %dma_start3A_258 = arith.constant 0 : i32
      %dma_start3A_259 = arith.constant 0 : i32
      %dma_start3A_260 = tpu.memref_slice %arg2[%dma_start3A_258, %dma_start3A_259] : memref<10112x16xf32, #tpu.memory_space<hbm>> -> memref<10112x16xf32, #tpu.memory_space<hbm>>
      tpu.enqueue_indirect_dma source(%dma_start3A_260 : memref<10112x16xf32, #tpu.memory_space<hbm>>) target(%arg14 : memref<128x16xf32, #tpu.memory_space<vmem>>) offsets(%dma_start3A_257 : memref<128xi32, #tpu.memory_space<vmem>>) semaphore(%arg23 : memref<!tpu.dma_semaphore, #tpu.memory_space<semaphore_mem>>)
      %add3A_261 = arith.constant 6 : i32
      %add3A_262 = arith.addi %mul3A_140, %add3A_261 : i32
      %dma_wait3A_263 = arith.constant 0 : i32
      %dma_wait3A_264 = tpu.memref_slice %arg7[%add3A_262, %dma_wait3A_263] : memref<80x128xi32, #tpu.memory_space<vmem>> -> memref<1x128xi32, #tpu.memory_space<vmem>>
      %dma_wait3A_265 = tpu.memref_squeeze %dma_wait3A_264 : memref<1x128xi32, #tpu.memory_space<vmem>> -> memref<128xi32, #tpu.memory_space<vmem>>
      %dma_wait3A_266 = arith.constant 0 : i32
      %dma_wait3A_267 = arith.constant 0 : i32
      %dma_wait3A_268 = tpu.memref_slice %arg2[%dma_wait3A_266, %dma_wait3A_267] : memref<10112x16xf32, #tpu.memory_space<hbm>> -> memref<10112x16xf32, #tpu.memory_space<hbm>>
      tpu.wait_indirect_dma semaphore(%arg24 : memref<!tpu.dma_semaphore, #tpu.memory_space<semaphore_mem>>) src(%dma_wait3A_268 : memref<10112x16xf32, #tpu.memory_space<hbm>>) dst(%arg15 : memref<128x16xf32, #tpu.memory_space<vmem>>)
      %add3A_269 = arith.constant 6 : i32
      %add3A_270 = arith.addi %mul3A_140, %add3A_269 : i32
      "tpu.region"() ({
        %run_scoped3A_301 = tpu.sem_alloc : memref<!tpu.dma_semaphore, #tpu.memory_space<semaphore_mem>>
        %dma_start3A_302 = arith.constant 0 : i32
        %dma_start3A_303 = tpu.memref_slice %arg8[%add3A_270, %dma_start3A_302] : memref<80x128xi32, #tpu.memory_space<vmem>> -> memref<1x128xi32, #tpu.memory_space<vmem>>
        %dma_start3A_304 = tpu.memref_squeeze %dma_start3A_303 : memref<1x128xi32, #tpu.memory_space<vmem>> -> memref<128xi32, #tpu.memory_space<vmem>>
        %dma_start3A_305 = arith.constant 0 : i32
        %dma_start3A_306 = arith.constant 0 : i32
        %dma_start3A_307 = tpu.memref_slice %arg17[%dma_start3A_305, %dma_start3A_306] : memref<10112x16xf32, #tpu.memory_space<vmem_shared>> -> memref<10112x16xf32, #tpu.memory_space<vmem_shared>>
        tpu.enqueue_indirect_dma source(%arg15 : memref<128x16xf32, #tpu.memory_space<vmem>>) target(%dma_start3A_307 : memref<10112x16xf32, #tpu.memory_space<vmem_shared>>) offsets(%dma_start3A_304 : memref<128xi32, #tpu.memory_space<vmem>>) semaphore(%run_scoped3A_301 : memref<!tpu.dma_semaphore, #tpu.memory_space<semaphore_mem>>) {add = true}
        %dma_wait3A_308 = arith.constant 0 : i32
        %dma_wait3A_309 = tpu.memref_slice %arg8[%add3A_270, %dma_wait3A_308] : memref<80x128xi32, #tpu.memory_space<vmem>> -> memref<1x128xi32, #tpu.memory_space<vmem>>
        %dma_wait3A_310 = tpu.memref_squeeze %dma_wait3A_309 : memref<1x128xi32, #tpu.memory_space<vmem>> -> memref<128xi32, #tpu.memory_space<vmem>>
        %dma_wait3A_311 = arith.constant 0 : i32
        %dma_wait3A_312 = arith.constant 0 : i32
        %dma_wait3A_313 = tpu.memref_slice %arg17[%dma_wait3A_311, %dma_wait3A_312] : memref<10112x16xf32, #tpu.memory_space<vmem_shared>> -> memref<10112x16xf32, #tpu.memory_space<vmem_shared>>
        tpu.wait_indirect_dma semaphore(%run_scoped3A_301 : memref<!tpu.dma_semaphore, #tpu.memory_space<semaphore_mem>>) src(%arg15 : memref<128x16xf32, #tpu.memory_space<vmem>>) dst(%dma_wait3A_313 : memref<10112x16xf32, #tpu.memory_space<vmem_shared>>)
        tpu.yield
      }) : () -> ()
      %add3A_271 = arith.constant 8 : i32
      %add3A_272 = arith.addi %mul3A_140, %add3A_271 : i32
      %add3A_273 = arith.constant 6 : i32
      %add3A_274 = arith.addi %add3A_272, %add3A_273 : i32
      %dma_start3A_275 = arith.constant 0 : i32
      %dma_start3A_276 = tpu.memref_slice %arg7[%add3A_274, %dma_start3A_275] : memref<80x128xi32, #tpu.memory_space<vmem>> -> memref<1x128xi32, #tpu.memory_space<vmem>>
      %dma_start3A_277 = tpu.memref_squeeze %dma_start3A_276 : memref<1x128xi32, #tpu.memory_space<vmem>> -> memref<128xi32, #tpu.memory_space<vmem>>
      %dma_start3A_278 = arith.constant 0 : i32
      %dma_start3A_279 = arith.constant 0 : i32
      %dma_start3A_280 = tpu.memref_slice %arg2[%dma_start3A_278, %dma_start3A_279] : memref<10112x16xf32, #tpu.memory_space<hbm>> -> memref<10112x16xf32, #tpu.memory_space<hbm>>
      tpu.enqueue_indirect_dma source(%dma_start3A_280 : memref<10112x16xf32, #tpu.memory_space<hbm>>) target(%arg15 : memref<128x16xf32, #tpu.memory_space<vmem>>) offsets(%dma_start3A_277 : memref<128xi32, #tpu.memory_space<vmem>>) semaphore(%arg24 : memref<!tpu.dma_semaphore, #tpu.memory_space<semaphore_mem>>)
      %add3A_281 = arith.constant 7 : i32
      %add3A_282 = arith.addi %mul3A_140, %add3A_281 : i32
      %dma_wait3A_283 = arith.constant 0 : i32
      %dma_wait3A_284 = tpu.memref_slice %arg7[%add3A_282, %dma_wait3A_283] : memref<80x128xi32, #tpu.memory_space<vmem>> -> memref<1x128xi32, #tpu.memory_space<vmem>>
      %dma_wait3A_285 = tpu.memref_squeeze %dma_wait3A_284 : memref<1x128xi32, #tpu.memory_space<vmem>> -> memref<128xi32, #tpu.memory_space<vmem>>
      %dma_wait3A_286 = arith.constant 0 : i32
      %dma_wait3A_287 = arith.constant 0 : i32
      %dma_wait3A_288 = tpu.memref_slice %arg2[%dma_wait3A_286, %dma_wait3A_287] : memref<10112x16xf32, #tpu.memory_space<hbm>> -> memref<10112x16xf32, #tpu.memory_space<hbm>>
      tpu.wait_indirect_dma semaphore(%arg25 : memref<!tpu.dma_semaphore, #tpu.memory_space<semaphore_mem>>) src(%dma_wait3A_288 : memref<10112x16xf32, #tpu.memory_space<hbm>>) dst(%arg16 : memref<128x16xf32, #tpu.memory_space<vmem>>)
      %add3A_289 = arith.constant 7 : i32
      %add3A_290 = arith.addi %mul3A_140, %add3A_289 : i32
      "tpu.region"() ({
        %run_scoped3A_301 = tpu.sem_alloc : memref<!tpu.dma_semaphore, #tpu.memory_space<semaphore_mem>>
        %dma_start3A_302 = arith.constant 0 : i32
        %dma_start3A_303 = tpu.memref_slice %arg8[%add3A_290, %dma_start3A_302] : memref<80x128xi32, #tpu.memory_space<vmem>> -> memref<1x128xi32, #tpu.memory_space<vmem>>
        %dma_start3A_304 = tpu.memref_squeeze %dma_start3A_303 : memref<1x128xi32, #tpu.memory_space<vmem>> -> memref<128xi32, #tpu.memory_space<vmem>>
        %dma_start3A_305 = arith.constant 0 : i32
        %dma_start3A_306 = arith.constant 0 : i32
        %dma_start3A_307 = tpu.memref_slice %arg17[%dma_start3A_305, %dma_start3A_306] : memref<10112x16xf32, #tpu.memory_space<vmem_shared>> -> memref<10112x16xf32, #tpu.memory_space<vmem_shared>>
        tpu.enqueue_indirect_dma source(%arg16 : memref<128x16xf32, #tpu.memory_space<vmem>>) target(%dma_start3A_307 : memref<10112x16xf32, #tpu.memory_space<vmem_shared>>) offsets(%dma_start3A_304 : memref<128xi32, #tpu.memory_space<vmem>>) semaphore(%run_scoped3A_301 : memref<!tpu.dma_semaphore, #tpu.memory_space<semaphore_mem>>) {add = true}
        %dma_wait3A_308 = arith.constant 0 : i32
        %dma_wait3A_309 = tpu.memref_slice %arg8[%add3A_290, %dma_wait3A_308] : memref<80x128xi32, #tpu.memory_space<vmem>> -> memref<1x128xi32, #tpu.memory_space<vmem>>
        %dma_wait3A_310 = tpu.memref_squeeze %dma_wait3A_309 : memref<1x128xi32, #tpu.memory_space<vmem>> -> memref<128xi32, #tpu.memory_space<vmem>>
        %dma_wait3A_311 = arith.constant 0 : i32
        %dma_wait3A_312 = arith.constant 0 : i32
        %dma_wait3A_313 = tpu.memref_slice %arg17[%dma_wait3A_311, %dma_wait3A_312] : memref<10112x16xf32, #tpu.memory_space<vmem_shared>> -> memref<10112x16xf32, #tpu.memory_space<vmem_shared>>
        tpu.wait_indirect_dma semaphore(%run_scoped3A_301 : memref<!tpu.dma_semaphore, #tpu.memory_space<semaphore_mem>>) src(%arg16 : memref<128x16xf32, #tpu.memory_space<vmem>>) dst(%dma_wait3A_313 : memref<10112x16xf32, #tpu.memory_space<vmem_shared>>)
        tpu.yield
      }) : () -> ()
      %add3A_291 = arith.constant 8 : i32
      %add3A_292 = arith.addi %mul3A_140, %add3A_291 : i32
      %add3A_293 = arith.constant 7 : i32
      %add3A_294 = arith.addi %add3A_292, %add3A_293 : i32
      %dma_start3A_295 = arith.constant 0 : i32
      %dma_start3A_296 = tpu.memref_slice %arg7[%add3A_294, %dma_start3A_295] : memref<80x128xi32, #tpu.memory_space<vmem>> -> memref<1x128xi32, #tpu.memory_space<vmem>>
      %dma_start3A_297 = tpu.memref_squeeze %dma_start3A_296 : memref<1x128xi32, #tpu.memory_space<vmem>> -> memref<128xi32, #tpu.memory_space<vmem>>
      %dma_start3A_298 = arith.constant 0 : i32
      %dma_start3A_299 = arith.constant 0 : i32
      %dma_start3A_300 = tpu.memref_slice %arg2[%dma_start3A_298, %dma_start3A_299] : memref<10112x16xf32, #tpu.memory_space<hbm>> -> memref<10112x16xf32, #tpu.memory_space<hbm>>
      tpu.enqueue_indirect_dma source(%dma_start3A_300 : memref<10112x16xf32, #tpu.memory_space<hbm>>) target(%arg16 : memref<128x16xf32, #tpu.memory_space<vmem>>) offsets(%dma_start3A_297 : memref<128xi32, #tpu.memory_space<vmem>>) semaphore(%arg25 : memref<!tpu.dma_semaphore, #tpu.memory_space<semaphore_mem>>)
    }
    %scan3A_73 = arith.constant 9 : i32
    %dma_wait3A = arith.constant 72 : i32
    %dma_wait3A_74 = arith.constant 0 : i32
    %dma_wait3A_75 = tpu.memref_slice %arg7[%dma_wait3A, %dma_wait3A_74] : memref<80x128xi32, #tpu.memory_space<vmem>> -> memref<1x128xi32, #tpu.memory_space<vmem>>
    %dma_wait3A_76 = tpu.memref_squeeze %dma_wait3A_75 : memref<1x128xi32, #tpu.memory_space<vmem>> -> memref<128xi32, #tpu.memory_space<vmem>>
    %dma_wait3A_77 = arith.constant 0 : i32
    %dma_wait3A_78 = arith.constant 0 : i32
    %dma_wait3A_79 = tpu.memref_slice %arg2[%dma_wait3A_77, %dma_wait3A_78] : memref<10112x16xf32, #tpu.memory_space<hbm>> -> memref<10112x16xf32, #tpu.memory_space<hbm>>
    tpu.wait_indirect_dma semaphore(%arg18 : memref<!tpu.dma_semaphore, #tpu.memory_space<semaphore_mem>>) src(%dma_wait3A_79 : memref<10112x16xf32, #tpu.memory_space<hbm>>) dst(%arg9 : memref<128x16xf32, #tpu.memory_space<vmem>>)
    %run_scoped3A_80 = arith.constant 72 : i32
    "tpu.region"() ({
      %run_scoped3A_138 = tpu.sem_alloc : memref<!tpu.dma_semaphore, #tpu.memory_space<semaphore_mem>>
      %dma_start3A_139 = arith.constant 0 : i32
      %dma_start3A_140 = tpu.memref_slice %arg8[%run_scoped3A_80, %dma_start3A_139] : memref<80x128xi32, #tpu.memory_space<vmem>> -> memref<1x128xi32, #tpu.memory_space<vmem>>
      %dma_start3A_141 = tpu.memref_squeeze %dma_start3A_140 : memref<1x128xi32, #tpu.memory_space<vmem>> -> memref<128xi32, #tpu.memory_space<vmem>>
      %dma_start3A_142 = arith.constant 0 : i32
      %dma_start3A_143 = arith.constant 0 : i32
      %dma_start3A_144 = tpu.memref_slice %arg17[%dma_start3A_142, %dma_start3A_143] : memref<10112x16xf32, #tpu.memory_space<vmem_shared>> -> memref<10112x16xf32, #tpu.memory_space<vmem_shared>>
      tpu.enqueue_indirect_dma source(%arg9 : memref<128x16xf32, #tpu.memory_space<vmem>>) target(%dma_start3A_144 : memref<10112x16xf32, #tpu.memory_space<vmem_shared>>) offsets(%dma_start3A_141 : memref<128xi32, #tpu.memory_space<vmem>>) semaphore(%run_scoped3A_138 : memref<!tpu.dma_semaphore, #tpu.memory_space<semaphore_mem>>) {add = true}
      %dma_wait3A_145 = arith.constant 0 : i32
      %dma_wait3A_146 = tpu.memref_slice %arg8[%run_scoped3A_80, %dma_wait3A_145] : memref<80x128xi32, #tpu.memory_space<vmem>> -> memref<1x128xi32, #tpu.memory_space<vmem>>
      %dma_wait3A_147 = tpu.memref_squeeze %dma_wait3A_146 : memref<1x128xi32, #tpu.memory_space<vmem>> -> memref<128xi32, #tpu.memory_space<vmem>>
      %dma_wait3A_148 = arith.constant 0 : i32
      %dma_wait3A_149 = arith.constant 0 : i32
      %dma_wait3A_150 = tpu.memref_slice %arg17[%dma_wait3A_148, %dma_wait3A_149] : memref<10112x16xf32, #tpu.memory_space<vmem_shared>> -> memref<10112x16xf32, #tpu.memory_space<vmem_shared>>
      tpu.wait_indirect_dma semaphore(%run_scoped3A_138 : memref<!tpu.dma_semaphore, #tpu.memory_space<semaphore_mem>>) src(%arg9 : memref<128x16xf32, #tpu.memory_space<vmem>>) dst(%dma_wait3A_150 : memref<10112x16xf32, #tpu.memory_space<vmem_shared>>)
      tpu.yield
    }) : () -> ()
    %dma_wait3A_81 = arith.constant 73 : i32
    %dma_wait3A_82 = arith.constant 0 : i32
    %dma_wait3A_83 = tpu.memref_slice %arg7[%dma_wait3A_81, %dma_wait3A_82] : memref<80x128xi32, #tpu.memory_space<vmem>> -> memref<1x128xi32, #tpu.memory_space<vmem>>
    %dma_wait3A_84 = tpu.memref_squeeze %dma_wait3A_83 : memref<1x128xi32, #tpu.memory_space<vmem>> -> memref<128xi32, #tpu.memory_space<vmem>>
    %dma_wait3A_85 = arith.constant 0 : i32
    %dma_wait3A_86 = arith.constant 0 : i32
    %dma_wait3A_87 = tpu.memref_slice %arg2[%dma_wait3A_85, %dma_wait3A_86] : memref<10112x16xf32, #tpu.memory_space<hbm>> -> memref<10112x16xf32, #tpu.memory_space<hbm>>
    tpu.wait_indirect_dma semaphore(%arg19 : memref<!tpu.dma_semaphore, #tpu.memory_space<semaphore_mem>>) src(%dma_wait3A_87 : memref<10112x16xf32, #tpu.memory_space<hbm>>) dst(%arg10 : memref<128x16xf32, #tpu.memory_space<vmem>>)
    %run_scoped3A_88 = arith.constant 73 : i32
    "tpu.region"() ({
      %run_scoped3A_138 = tpu.sem_alloc : memref<!tpu.dma_semaphore, #tpu.memory_space<semaphore_mem>>
      %dma_start3A_139 = arith.constant 0 : i32
      %dma_start3A_140 = tpu.memref_slice %arg8[%run_scoped3A_88, %dma_start3A_139] : memref<80x128xi32, #tpu.memory_space<vmem>> -> memref<1x128xi32, #tpu.memory_space<vmem>>
      %dma_start3A_141 = tpu.memref_squeeze %dma_start3A_140 : memref<1x128xi32, #tpu.memory_space<vmem>> -> memref<128xi32, #tpu.memory_space<vmem>>
      %dma_start3A_142 = arith.constant 0 : i32
      %dma_start3A_143 = arith.constant 0 : i32
      %dma_start3A_144 = tpu.memref_slice %arg17[%dma_start3A_142, %dma_start3A_143] : memref<10112x16xf32, #tpu.memory_space<vmem_shared>> -> memref<10112x16xf32, #tpu.memory_space<vmem_shared>>
      tpu.enqueue_indirect_dma source(%arg10 : memref<128x16xf32, #tpu.memory_space<vmem>>) target(%dma_start3A_144 : memref<10112x16xf32, #tpu.memory_space<vmem_shared>>) offsets(%dma_start3A_141 : memref<128xi32, #tpu.memory_space<vmem>>) semaphore(%run_scoped3A_138 : memref<!tpu.dma_semaphore, #tpu.memory_space<semaphore_mem>>) {add = true}
      %dma_wait3A_145 = arith.constant 0 : i32
      %dma_wait3A_146 = tpu.memref_slice %arg8[%run_scoped3A_88, %dma_wait3A_145] : memref<80x128xi32, #tpu.memory_space<vmem>> -> memref<1x128xi32, #tpu.memory_space<vmem>>
      %dma_wait3A_147 = tpu.memref_squeeze %dma_wait3A_146 : memref<1x128xi32, #tpu.memory_space<vmem>> -> memref<128xi32, #tpu.memory_space<vmem>>
      %dma_wait3A_148 = arith.constant 0 : i32
      %dma_wait3A_149 = arith.constant 0 : i32
      %dma_wait3A_150 = tpu.memref_slice %arg17[%dma_wait3A_148, %dma_wait3A_149] : memref<10112x16xf32, #tpu.memory_space<vmem_shared>> -> memref<10112x16xf32, #tpu.memory_space<vmem_shared>>
      tpu.wait_indirect_dma semaphore(%run_scoped3A_138 : memref<!tpu.dma_semaphore, #tpu.memory_space<semaphore_mem>>) src(%arg10 : memref<128x16xf32, #tpu.memory_space<vmem>>) dst(%dma_wait3A_150 : memref<10112x16xf32, #tpu.memory_space<vmem_shared>>)
      tpu.yield
    }) : () -> ()
    %dma_wait3A_89 = arith.constant 74 : i32
    %dma_wait3A_90 = arith.constant 0 : i32
    %dma_wait3A_91 = tpu.memref_slice %arg7[%dma_wait3A_89, %dma_wait3A_90] : memref<80x128xi32, #tpu.memory_space<vmem>> -> memref<1x128xi32, #tpu.memory_space<vmem>>
    %dma_wait3A_92 = tpu.memref_squeeze %dma_wait3A_91 : memref<1x128xi32, #tpu.memory_space<vmem>> -> memref<128xi32, #tpu.memory_space<vmem>>
    %dma_wait3A_93 = arith.constant 0 : i32
    %dma_wait3A_94 = arith.constant 0 : i32
    %dma_wait3A_95 = tpu.memref_slice %arg2[%dma_wait3A_93, %dma_wait3A_94] : memref<10112x16xf32, #tpu.memory_space<hbm>> -> memref<10112x16xf32, #tpu.memory_space<hbm>>
    tpu.wait_indirect_dma semaphore(%arg20 : memref<!tpu.dma_semaphore, #tpu.memory_space<semaphore_mem>>) src(%dma_wait3A_95 : memref<10112x16xf32, #tpu.memory_space<hbm>>) dst(%arg11 : memref<128x16xf32, #tpu.memory_space<vmem>>)
    %run_scoped3A_96 = arith.constant 74 : i32
    "tpu.region"() ({
      %run_scoped3A_138 = tpu.sem_alloc : memref<!tpu.dma_semaphore, #tpu.memory_space<semaphore_mem>>
      %dma_start3A_139 = arith.constant 0 : i32
      %dma_start3A_140 = tpu.memref_slice %arg8[%run_scoped3A_96, %dma_start3A_139] : memref<80x128xi32, #tpu.memory_space<vmem>> -> memref<1x128xi32, #tpu.memory_space<vmem>>
      %dma_start3A_141 = tpu.memref_squeeze %dma_start3A_140 : memref<1x128xi32, #tpu.memory_space<vmem>> -> memref<128xi32, #tpu.memory_space<vmem>>
      %dma_start3A_142 = arith.constant 0 : i32
      %dma_start3A_143 = arith.constant 0 : i32
      %dma_start3A_144 = tpu.memref_slice %arg17[%dma_start3A_142, %dma_start3A_143] : memref<10112x16xf32, #tpu.memory_space<vmem_shared>> -> memref<10112x16xf32, #tpu.memory_space<vmem_shared>>
      tpu.enqueue_indirect_dma source(%arg11 : memref<128x16xf32, #tpu.memory_space<vmem>>) target(%dma_start3A_144 : memref<10112x16xf32, #tpu.memory_space<vmem_shared>>) offsets(%dma_start3A_141 : memref<128xi32, #tpu.memory_space<vmem>>) semaphore(%run_scoped3A_138 : memref<!tpu.dma_semaphore, #tpu.memory_space<semaphore_mem>>) {add = true}
      %dma_wait3A_145 = arith.constant 0 : i32
      %dma_wait3A_146 = tpu.memref_slice %arg8[%run_scoped3A_96, %dma_wait3A_145] : memref<80x128xi32, #tpu.memory_space<vmem>> -> memref<1x128xi32, #tpu.memory_space<vmem>>
      %dma_wait3A_147 = tpu.memref_squeeze %dma_wait3A_146 : memref<1x128xi32, #tpu.memory_space<vmem>> -> memref<128xi32, #tpu.memory_space<vmem>>
      %dma_wait3A_148 = arith.constant 0 : i32
      %dma_wait3A_149 = arith.constant 0 : i32
      %dma_wait3A_150 = tpu.memref_slice %arg17[%dma_wait3A_148, %dma_wait3A_149] : memref<10112x16xf32, #tpu.memory_space<vmem_shared>> -> memref<10112x16xf32, #tpu.memory_space<vmem_shared>>
      tpu.wait_indirect_dma semaphore(%run_scoped3A_138 : memref<!tpu.dma_semaphore, #tpu.memory_space<semaphore_mem>>) src(%arg11 : memref<128x16xf32, #tpu.memory_space<vmem>>) dst(%dma_wait3A_150 : memref<10112x16xf32, #tpu.memory_space<vmem_shared>>)
      tpu.yield
    }) : () -> ()
    %dma_wait3A_97 = arith.constant 75 : i32
    %dma_wait3A_98 = arith.constant 0 : i32
    %dma_wait3A_99 = tpu.memref_slice %arg7[%dma_wait3A_97, %dma_wait3A_98] : memref<80x128xi32, #tpu.memory_space<vmem>> -> memref<1x128xi32, #tpu.memory_space<vmem>>
    %dma_wait3A_100 = tpu.memref_squeeze %dma_wait3A_99 : memref<1x128xi32, #tpu.memory_space<vmem>> -> memref<128xi32, #tpu.memory_space<vmem>>
    %dma_wait3A_101 = arith.constant 0 : i32
    %dma_wait3A_102 = arith.constant 0 : i32
    %dma_wait3A_103 = tpu.memref_slice %arg2[%dma_wait3A_101, %dma_wait3A_102] : memref<10112x16xf32, #tpu.memory_space<hbm>> -> memref<10112x16xf32, #tpu.memory_space<hbm>>
    tpu.wait_indirect_dma semaphore(%arg21 : memref<!tpu.dma_semaphore, #tpu.memory_space<semaphore_mem>>) src(%dma_wait3A_103 : memref<10112x16xf32, #tpu.memory_space<hbm>>) dst(%arg12 : memref<128x16xf32, #tpu.memory_space<vmem>>)
    %run_scoped3A_104 = arith.constant 75 : i32
    "tpu.region"() ({
      %run_scoped3A_138 = tpu.sem_alloc : memref<!tpu.dma_semaphore, #tpu.memory_space<semaphore_mem>>
      %dma_start3A_139 = arith.constant 0 : i32
      %dma_start3A_140 = tpu.memref_slice %arg8[%run_scoped3A_104, %dma_start3A_139] : memref<80x128xi32, #tpu.memory_space<vmem>> -> memref<1x128xi32, #tpu.memory_space<vmem>>
      %dma_start3A_141 = tpu.memref_squeeze %dma_start3A_140 : memref<1x128xi32, #tpu.memory_space<vmem>> -> memref<128xi32, #tpu.memory_space<vmem>>
      %dma_start3A_142 = arith.constant 0 : i32
      %dma_start3A_143 = arith.constant 0 : i32
      %dma_start3A_144 = tpu.memref_slice %arg17[%dma_start3A_142, %dma_start3A_143] : memref<10112x16xf32, #tpu.memory_space<vmem_shared>> -> memref<10112x16xf32, #tpu.memory_space<vmem_shared>>
      tpu.enqueue_indirect_dma source(%arg12 : memref<128x16xf32, #tpu.memory_space<vmem>>) target(%dma_start3A_144 : memref<10112x16xf32, #tpu.memory_space<vmem_shared>>) offsets(%dma_start3A_141 : memref<128xi32, #tpu.memory_space<vmem>>) semaphore(%run_scoped3A_138 : memref<!tpu.dma_semaphore, #tpu.memory_space<semaphore_mem>>) {add = true}
      %dma_wait3A_145 = arith.constant 0 : i32
      %dma_wait3A_146 = tpu.memref_slice %arg8[%run_scoped3A_104, %dma_wait3A_145] : memref<80x128xi32, #tpu.memory_space<vmem>> -> memref<1x128xi32, #tpu.memory_space<vmem>>
      %dma_wait3A_147 = tpu.memref_squeeze %dma_wait3A_146 : memref<1x128xi32, #tpu.memory_space<vmem>> -> memref<128xi32, #tpu.memory_space<vmem>>
      %dma_wait3A_148 = arith.constant 0 : i32
      %dma_wait3A_149 = arith.constant 0 : i32
      %dma_wait3A_150 = tpu.memref_slice %arg17[%dma_wait3A_148, %dma_wait3A_149] : memref<10112x16xf32, #tpu.memory_space<vmem_shared>> -> memref<10112x16xf32, #tpu.memory_space<vmem_shared>>
      tpu.wait_indirect_dma semaphore(%run_scoped3A_138 : memref<!tpu.dma_semaphore, #tpu.memory_space<semaphore_mem>>) src(%arg12 : memref<128x16xf32, #tpu.memory_space<vmem>>) dst(%dma_wait3A_150 : memref<10112x16xf32, #tpu.memory_space<vmem_shared>>)
      tpu.yield
    }) : () -> ()
    %dma_wait3A_105 = arith.constant 76 : i32
    %dma_wait3A_106 = arith.constant 0 : i32
    %dma_wait3A_107 = tpu.memref_slice %arg7[%dma_wait3A_105, %dma_wait3A_106] : memref<80x128xi32, #tpu.memory_space<vmem>> -> memref<1x128xi32, #tpu.memory_space<vmem>>
    %dma_wait3A_108 = tpu.memref_squeeze %dma_wait3A_107 : memref<1x128xi32, #tpu.memory_space<vmem>> -> memref<128xi32, #tpu.memory_space<vmem>>
    %dma_wait3A_109 = arith.constant 0 : i32
    %dma_wait3A_110 = arith.constant 0 : i32
    %dma_wait3A_111 = tpu.memref_slice %arg2[%dma_wait3A_109, %dma_wait3A_110] : memref<10112x16xf32, #tpu.memory_space<hbm>> -> memref<10112x16xf32, #tpu.memory_space<hbm>>
    tpu.wait_indirect_dma semaphore(%arg22 : memref<!tpu.dma_semaphore, #tpu.memory_space<semaphore_mem>>) src(%dma_wait3A_111 : memref<10112x16xf32, #tpu.memory_space<hbm>>) dst(%arg13 : memref<128x16xf32, #tpu.memory_space<vmem>>)
    %run_scoped3A_112 = arith.constant 76 : i32
    "tpu.region"() ({
      %run_scoped3A_138 = tpu.sem_alloc : memref<!tpu.dma_semaphore, #tpu.memory_space<semaphore_mem>>
      %dma_start3A_139 = arith.constant 0 : i32
      %dma_start3A_140 = tpu.memref_slice %arg8[%run_scoped3A_112, %dma_start3A_139] : memref<80x128xi32, #tpu.memory_space<vmem>> -> memref<1x128xi32, #tpu.memory_space<vmem>>
      %dma_start3A_141 = tpu.memref_squeeze %dma_start3A_140 : memref<1x128xi32, #tpu.memory_space<vmem>> -> memref<128xi32, #tpu.memory_space<vmem>>
      %dma_start3A_142 = arith.constant 0 : i32
      %dma_start3A_143 = arith.constant 0 : i32
      %dma_start3A_144 = tpu.memref_slice %arg17[%dma_start3A_142, %dma_start3A_143] : memref<10112x16xf32, #tpu.memory_space<vmem_shared>> -> memref<10112x16xf32, #tpu.memory_space<vmem_shared>>
      tpu.enqueue_indirect_dma source(%arg13 : memref<128x16xf32, #tpu.memory_space<vmem>>) target(%dma_start3A_144 : memref<10112x16xf32, #tpu.memory_space<vmem_shared>>) offsets(%dma_start3A_141 : memref<128xi32, #tpu.memory_space<vmem>>) semaphore(%run_scoped3A_138 : memref<!tpu.dma_semaphore, #tpu.memory_space<semaphore_mem>>) {add = true}
      %dma_wait3A_145 = arith.constant 0 : i32
      %dma_wait3A_146 = tpu.memref_slice %arg8[%run_scoped3A_112, %dma_wait3A_145] : memref<80x128xi32, #tpu.memory_space<vmem>> -> memref<1x128xi32, #tpu.memory_space<vmem>>
      %dma_wait3A_147 = tpu.memref_squeeze %dma_wait3A_146 : memref<1x128xi32, #tpu.memory_space<vmem>> -> memref<128xi32, #tpu.memory_space<vmem>>
      %dma_wait3A_148 = arith.constant 0 : i32
      %dma_wait3A_149 = arith.constant 0 : i32
      %dma_wait3A_150 = tpu.memref_slice %arg17[%dma_wait3A_148, %dma_wait3A_149] : memref<10112x16xf32, #tpu.memory_space<vmem_shared>> -> memref<10112x16xf32, #tpu.memory_space<vmem_shared>>
      tpu.wait_indirect_dma semaphore(%run_scoped3A_138 : memref<!tpu.dma_semaphore, #tpu.memory_space<semaphore_mem>>) src(%arg13 : memref<128x16xf32, #tpu.memory_space<vmem>>) dst(%dma_wait3A_150 : memref<10112x16xf32, #tpu.memory_space<vmem_shared>>)
      tpu.yield
    }) : () -> ()
    %dma_wait3A_113 = arith.constant 77 : i32
    %dma_wait3A_114 = arith.constant 0 : i32
    %dma_wait3A_115 = tpu.memref_slice %arg7[%dma_wait3A_113, %dma_wait3A_114] : memref<80x128xi32, #tpu.memory_space<vmem>> -> memref<1x128xi32, #tpu.memory_space<vmem>>
    %dma_wait3A_116 = tpu.memref_squeeze %dma_wait3A_115 : memref<1x128xi32, #tpu.memory_space<vmem>> -> memref<128xi32, #tpu.memory_space<vmem>>
    %dma_wait3A_117 = arith.constant 0 : i32
    %dma_wait3A_118 = arith.constant 0 : i32
    %dma_wait3A_119 = tpu.memref_slice %arg2[%dma_wait3A_117, %dma_wait3A_118] : memref<10112x16xf32, #tpu.memory_space<hbm>> -> memref<10112x16xf32, #tpu.memory_space<hbm>>
    tpu.wait_indirect_dma semaphore(%arg23 : memref<!tpu.dma_semaphore, #tpu.memory_space<semaphore_mem>>) src(%dma_wait3A_119 : memref<10112x16xf32, #tpu.memory_space<hbm>>) dst(%arg14 : memref<128x16xf32, #tpu.memory_space<vmem>>)
    %run_scoped3A_120 = arith.constant 77 : i32
    "tpu.region"() ({
      %run_scoped3A_138 = tpu.sem_alloc : memref<!tpu.dma_semaphore, #tpu.memory_space<semaphore_mem>>
      %dma_start3A_139 = arith.constant 0 : i32
      %dma_start3A_140 = tpu.memref_slice %arg8[%run_scoped3A_120, %dma_start3A_139] : memref<80x128xi32, #tpu.memory_space<vmem>> -> memref<1x128xi32, #tpu.memory_space<vmem>>
      %dma_start3A_141 = tpu.memref_squeeze %dma_start3A_140 : memref<1x128xi32, #tpu.memory_space<vmem>> -> memref<128xi32, #tpu.memory_space<vmem>>
      %dma_start3A_142 = arith.constant 0 : i32
      %dma_start3A_143 = arith.constant 0 : i32
      %dma_start3A_144 = tpu.memref_slice %arg17[%dma_start3A_142, %dma_start3A_143] : memref<10112x16xf32, #tpu.memory_space<vmem_shared>> -> memref<10112x16xf32, #tpu.memory_space<vmem_shared>>
      tpu.enqueue_indirect_dma source(%arg14 : memref<128x16xf32, #tpu.memory_space<vmem>>) target(%dma_start3A_144 : memref<10112x16xf32, #tpu.memory_space<vmem_shared>>) offsets(%dma_start3A_141 : memref<128xi32, #tpu.memory_space<vmem>>) semaphore(%run_scoped3A_138 : memref<!tpu.dma_semaphore, #tpu.memory_space<semaphore_mem>>) {add = true}
      %dma_wait3A_145 = arith.constant 0 : i32
      %dma_wait3A_146 = tpu.memref_slice %arg8[%run_scoped3A_120, %dma_wait3A_145] : memref<80x128xi32, #tpu.memory_space<vmem>> -> memref<1x128xi32, #tpu.memory_space<vmem>>
      %dma_wait3A_147 = tpu.memref_squeeze %dma_wait3A_146 : memref<1x128xi32, #tpu.memory_space<vmem>> -> memref<128xi32, #tpu.memory_space<vmem>>
      %dma_wait3A_148 = arith.constant 0 : i32
      %dma_wait3A_149 = arith.constant 0 : i32
      %dma_wait3A_150 = tpu.memref_slice %arg17[%dma_wait3A_148, %dma_wait3A_149] : memref<10112x16xf32, #tpu.memory_space<vmem_shared>> -> memref<10112x16xf32, #tpu.memory_space<vmem_shared>>
      tpu.wait_indirect_dma semaphore(%run_scoped3A_138 : memref<!tpu.dma_semaphore, #tpu.memory_space<semaphore_mem>>) src(%arg14 : memref<128x16xf32, #tpu.memory_space<vmem>>) dst(%dma_wait3A_150 : memref<10112x16xf32, #tpu.memory_space<vmem_shared>>)
      tpu.yield
    }) : () -> ()
    %dma_wait3A_121 = arith.constant 78 : i32
    %dma_wait3A_122 = arith.constant 0 : i32
    %dma_wait3A_123 = tpu.memref_slice %arg7[%dma_wait3A_121, %dma_wait3A_122] : memref<80x128xi32, #tpu.memory_space<vmem>> -> memref<1x128xi32, #tpu.memory_space<vmem>>
    %dma_wait3A_124 = tpu.memref_squeeze %dma_wait3A_123 : memref<1x128xi32, #tpu.memory_space<vmem>> -> memref<128xi32, #tpu.memory_space<vmem>>
    %dma_wait3A_125 = arith.constant 0 : i32
    %dma_wait3A_126 = arith.constant 0 : i32
    %dma_wait3A_127 = tpu.memref_slice %arg2[%dma_wait3A_125, %dma_wait3A_126] : memref<10112x16xf32, #tpu.memory_space<hbm>> -> memref<10112x16xf32, #tpu.memory_space<hbm>>
    tpu.wait_indirect_dma semaphore(%arg24 : memref<!tpu.dma_semaphore, #tpu.memory_space<semaphore_mem>>) src(%dma_wait3A_127 : memref<10112x16xf32, #tpu.memory_space<hbm>>) dst(%arg15 : memref<128x16xf32, #tpu.memory_space<vmem>>)
    %run_scoped3A_128 = arith.constant 78 : i32
    "tpu.region"() ({
      %run_scoped3A_138 = tpu.sem_alloc : memref<!tpu.dma_semaphore, #tpu.memory_space<semaphore_mem>>
      %dma_start3A_139 = arith.constant 0 : i32
      %dma_start3A_140 = tpu.memref_slice %arg8[%run_scoped3A_128, %dma_start3A_139] : memref<80x128xi32, #tpu.memory_space<vmem>> -> memref<1x128xi32, #tpu.memory_space<vmem>>
      %dma_start3A_141 = tpu.memref_squeeze %dma_start3A_140 : memref<1x128xi32, #tpu.memory_space<vmem>> -> memref<128xi32, #tpu.memory_space<vmem>>
      %dma_start3A_142 = arith.constant 0 : i32
      %dma_start3A_143 = arith.constant 0 : i32
      %dma_start3A_144 = tpu.memref_slice %arg17[%dma_start3A_142, %dma_start3A_143] : memref<10112x16xf32, #tpu.memory_space<vmem_shared>> -> memref<10112x16xf32, #tpu.memory_space<vmem_shared>>
      tpu.enqueue_indirect_dma source(%arg15 : memref<128x16xf32, #tpu.memory_space<vmem>>) target(%dma_start3A_144 : memref<10112x16xf32, #tpu.memory_space<vmem_shared>>) offsets(%dma_start3A_141 : memref<128xi32, #tpu.memory_space<vmem>>) semaphore(%run_scoped3A_138 : memref<!tpu.dma_semaphore, #tpu.memory_space<semaphore_mem>>) {add = true}
      %dma_wait3A_145 = arith.constant 0 : i32
      %dma_wait3A_146 = tpu.memref_slice %arg8[%run_scoped3A_128, %dma_wait3A_145] : memref<80x128xi32, #tpu.memory_space<vmem>> -> memref<1x128xi32, #tpu.memory_space<vmem>>
      %dma_wait3A_147 = tpu.memref_squeeze %dma_wait3A_146 : memref<1x128xi32, #tpu.memory_space<vmem>> -> memref<128xi32, #tpu.memory_space<vmem>>
      %dma_wait3A_148 = arith.constant 0 : i32
      %dma_wait3A_149 = arith.constant 0 : i32
      %dma_wait3A_150 = tpu.memref_slice %arg17[%dma_wait3A_148, %dma_wait3A_149] : memref<10112x16xf32, #tpu.memory_space<vmem_shared>> -> memref<10112x16xf32, #tpu.memory_space<vmem_shared>>
      tpu.wait_indirect_dma semaphore(%run_scoped3A_138 : memref<!tpu.dma_semaphore, #tpu.memory_space<semaphore_mem>>) src(%arg15 : memref<128x16xf32, #tpu.memory_space<vmem>>) dst(%dma_wait3A_150 : memref<10112x16xf32, #tpu.memory_space<vmem_shared>>)
      tpu.yield
    }) : () -> ()
    %dma_wait3A_129 = arith.constant 79 : i32
    %dma_wait3A_130 = arith.constant 0 : i32
    %dma_wait3A_131 = tpu.memref_slice %arg7[%dma_wait3A_129, %dma_wait3A_130] : memref<80x128xi32, #tpu.memory_space<vmem>> -> memref<1x128xi32, #tpu.memory_space<vmem>>
    %dma_wait3A_132 = tpu.memref_squeeze %dma_wait3A_131 : memref<1x128xi32, #tpu.memory_space<vmem>> -> memref<128xi32, #tpu.memory_space<vmem>>
    %dma_wait3A_133 = arith.constant 0 : i32
    %dma_wait3A_134 = arith.constant 0 : i32
    %dma_wait3A_135 = tpu.memref_slice %arg2[%dma_wait3A_133, %dma_wait3A_134] : memref<10112x16xf32, #tpu.memory_space<hbm>> -> memref<10112x16xf32, #tpu.memory_space<hbm>>
    tpu.wait_indirect_dma semaphore(%arg25 : memref<!tpu.dma_semaphore, #tpu.memory_space<semaphore_mem>>) src(%dma_wait3A_135 : memref<10112x16xf32, #tpu.memory_space<hbm>>) dst(%arg16 : memref<128x16xf32, #tpu.memory_space<vmem>>)
    %run_scoped3A_136 = arith.constant 79 : i32
    "tpu.region"() ({
      %run_scoped3A_138 = tpu.sem_alloc : memref<!tpu.dma_semaphore, #tpu.memory_space<semaphore_mem>>
      %dma_start3A_139 = arith.constant 0 : i32
      %dma_start3A_140 = tpu.memref_slice %arg8[%run_scoped3A_136, %dma_start3A_139] : memref<80x128xi32, #tpu.memory_space<vmem>> -> memref<1x128xi32, #tpu.memory_space<vmem>>
      %dma_start3A_141 = tpu.memref_squeeze %dma_start3A_140 : memref<1x128xi32, #tpu.memory_space<vmem>> -> memref<128xi32, #tpu.memory_space<vmem>>
      %dma_start3A_142 = arith.constant 0 : i32
      %dma_start3A_143 = arith.constant 0 : i32
      %dma_start3A_144 = tpu.memref_slice %arg17[%dma_start3A_142, %dma_start3A_143] : memref<10112x16xf32, #tpu.memory_space<vmem_shared>> -> memref<10112x16xf32, #tpu.memory_space<vmem_shared>>
      tpu.enqueue_indirect_dma source(%arg16 : memref<128x16xf32, #tpu.memory_space<vmem>>) target(%dma_start3A_144 : memref<10112x16xf32, #tpu.memory_space<vmem_shared>>) offsets(%dma_start3A_141 : memref<128xi32, #tpu.memory_space<vmem>>) semaphore(%run_scoped3A_138 : memref<!tpu.dma_semaphore, #tpu.memory_space<semaphore_mem>>) {add = true}
      %dma_wait3A_145 = arith.constant 0 : i32
      %dma_wait3A_146 = tpu.memref_slice %arg8[%run_scoped3A_136, %dma_wait3A_145] : memref<80x128xi32, #tpu.memory_space<vmem>> -> memref<1x128xi32, #tpu.memory_space<vmem>>
      %dma_wait3A_147 = tpu.memref_squeeze %dma_wait3A_146 : memref<1x128xi32, #tpu.memory_space<vmem>> -> memref<128xi32, #tpu.memory_space<vmem>>
      %dma_wait3A_148 = arith.constant 0 : i32
      %dma_wait3A_149 = arith.constant 0 : i32
      %dma_wait3A_150 = tpu.memref_slice %arg17[%dma_wait3A_148, %dma_wait3A_149] : memref<10112x16xf32, #tpu.memory_space<vmem_shared>> -> memref<10112x16xf32, #tpu.memory_space<vmem_shared>>
      tpu.wait_indirect_dma semaphore(%run_scoped3A_138 : memref<!tpu.dma_semaphore, #tpu.memory_space<semaphore_mem>>) src(%arg16 : memref<128x16xf32, #tpu.memory_space<vmem>>) dst(%dma_wait3A_150 : memref<10112x16xf32, #tpu.memory_space<vmem_shared>>)
      tpu.yield
    }) : () -> ()
    %barrier3A_137 = arith.constant 0 : index
    tpu.barrier barrier_id(%barrier3A_137)
    "tpu.region"() ({
      %run_scoped3A_138 = tpu.sem_alloc : memref<!tpu.dma_semaphore, #tpu.memory_space<semaphore_mem>>
      %dma_start3A_139 = arith.constant 0 : i32
      %dma_start3A_140 = tpu.memref_slice %arg6[%arg0, %mul3A_2, %dma_start3A_139] : memref<2x10112x16xf32, #tpu.memory_space<hbm>> -> memref<1x632x16xf32, #tpu.memory_space<hbm>>
      %dma_start3A_141 = tpu.memref_squeeze %dma_start3A_140 : memref<1x632x16xf32, #tpu.memory_space<hbm>> -> memref<632x16xf32, #tpu.memory_space<hbm>>
      %dma_start3A_142 = arith.constant 0 : i32
      %dma_start3A_143 = tpu.memref_slice %arg17[%mul3A_2, %dma_start3A_142] : memref<10112x16xf32, #tpu.memory_space<vmem_shared>> -> memref<632x16xf32, #tpu.memory_space<vmem_shared>>
      tpu.enqueue_dma source(%dma_start3A_143 : memref<632x16xf32, #tpu.memory_space<vmem_shared>>) target(%dma_start3A_141 : memref<632x16xf32, #tpu.memory_space<hbm>>) target_semaphore(%run_scoped3A_138 : memref<!tpu.dma_semaphore, #tpu.memory_space<semaphore_mem>>)
      %dma_wait3A_144 = arith.constant 0 : i32
      %dma_wait3A_145 = tpu.memref_slice %arg6[%arg0, %mul3A_2, %dma_wait3A_144] : memref<2x10112x16xf32, #tpu.memory_space<hbm>> -> memref<1x632x16xf32, #tpu.memory_space<hbm>>
      %dma_wait3A_146 = tpu.memref_squeeze %dma_wait3A_145 : memref<1x632x16xf32, #tpu.memory_space<hbm>> -> memref<632x16xf32, #tpu.memory_space<hbm>>
      %dma_wait3A_147 = arith.constant 0 : i32
      %dma_wait3A_148 = tpu.memref_slice %arg17[%mul3A_2, %dma_wait3A_147] : memref<10112x16xf32, #tpu.memory_space<vmem_shared>> -> memref<632x16xf32, #tpu.memory_space<vmem_shared>>
      tpu.wait_dma2 semaphore(%run_scoped3A_138 : memref<!tpu.dma_semaphore, #tpu.memory_space<semaphore_mem>>) src(%dma_wait3A_148 : memref<632x16xf32, #tpu.memory_space<vmem_shared>>) dst(%dma_wait3A_146 : memref<632x16xf32, #tpu.memory_space<hbm>>)
      tpu.yield
    }) : () -> ()
    return
  }
}

#map = affine_map<(d0, d1) -> (0, 0)>
#map1 = affine_map<(d0, d1) -> (0, 0, 0)>
module attributes {stable_mosaic.version = 14 : i64} {
  func.func @_sc_l1_body(%arg0: i32, %arg1: i32, %arg2: memref<10112x16xf32, #tpu.memory_space<hbm>>, %arg3: memref<2x2500x128xi32, #tpu.memory_space<hbm>>, %arg4: memref<2x64x128xi32, #tpu.memory_space<hbm>>, %arg5: memref<10112x16xf32, #tpu.memory_space<hbm>>, %arg6: memref<128x16xf32, #tpu.memory_space<hbm>>, %arg7: memref<2x10112x16xf32, #tpu.memory_space<hbm>>, %arg8: memref<2x10112x16xf32, #tpu.memory_space<hbm>>, %arg9: memref<80x128xi32, #tpu.memory_space<vmem>>, %arg10: memref<80x128xi32, #tpu.memory_space<vmem>>, %arg11: memref<128x16xf32, #tpu.memory_space<vmem>>, %arg12: memref<128x16xf32, #tpu.memory_space<vmem>>, %arg13: memref<128x16xf32, #tpu.memory_space<vmem>>, %arg14: memref<128x16xf32, #tpu.memory_space<vmem>>, %arg15: memref<128x16xf32, #tpu.memory_space<vmem>>, %arg16: memref<128x16xf32, #tpu.memory_space<vmem>>, %arg17: memref<128x16xf32, #tpu.memory_space<vmem>>, %arg18: memref<128x16xf32, #tpu.memory_space<vmem>>, %arg19: memref<128x16xf32, #tpu.memory_space<vmem>>, %arg20: memref<10112x16xf32, #tpu.memory_space<vmem_shared>>, %arg21: memref<10112x16xf32, #tpu.memory_space<vmem_shared>>, %arg22: memref<!tpu.dma_semaphore, #tpu.memory_space<semaphore_mem>>, %arg23: memref<!tpu.dma_semaphore, #tpu.memory_space<semaphore_mem>>, %arg24: memref<!tpu.dma_semaphore, #tpu.memory_space<semaphore_mem>>, %arg25: memref<!tpu.dma_semaphore, #tpu.memory_space<semaphore_mem>>, %arg26: memref<!tpu.dma_semaphore, #tpu.memory_space<semaphore_mem>>, %arg27: memref<!tpu.dma_semaphore, #tpu.memory_space<semaphore_mem>>, %arg28: memref<!tpu.dma_semaphore, #tpu.memory_space<semaphore_mem>>, %arg29: memref<!tpu.dma_semaphore, #tpu.memory_space<semaphore_mem>>, %arg30: memref<!tpu.dma_semaphore, #tpu.memory_space<semaphore_mem>>, %arg31: memref<!tpu.dma_semaphore, #tpu.memory_space<semaphore_mem>>, %arg32: memref<!tpu.dma_semaphore, #tpu.memory_space<semaphore_mem>>, %arg33: memref<!tpu.dma_semaphore, #tpu.memory_space<semaphore_mem>>, %arg34: memref<!tpu.dma_semaphore, #tpu.memory_space<semaphore_mem>>, %arg35: memref<!tpu.dma_semaphore, #tpu.memory_space<semaphore_mem>>, %arg36: memref<!tpu.dma_semaphore, #tpu.memory_space<semaphore_mem>>, %arg37: memref<!tpu.dma_semaphore, #tpu.memory_space<semaphore_mem>>, %arg38: memref<!tpu.dma_semaphore, #tpu.memory_space<semaphore_mem>>) attributes {dimension_semantics = [#tpu.dimension_semantics<core_parallel>, #tpu.dimension_semantics<subcore_parallel>], iteration_bounds = array<i64: 2, 16>, scalar_prefetch = 0 : i64, scratch_operands = 30 : i64, tpu.core_type = #tpu.core_type<sc_vector_subcore>, window_params = [{transform_indices = #map}, {transform_indices = #map1}, {transform_indices = #map1}, {transform_indices = #map}, {transform_indices = #map}, {transform_indices = #map1}, {transform_indices = #map1}]} {
    %mul3A = arith.constant 2 : i32
    %mul3A_0 = arith.muli %arg1, %mul3A : i32
    %add3A = arith.addi %mul3A_0, %arg0 : i32
    %mul3A_1 = arith.constant 632 : i32
    %mul3A_2 = arith.muli %arg1, %mul3A_1 : i32
    "tpu.region"() ({
      %run_scoped3A_146 = tpu.sem_alloc : memref<!tpu.dma_semaphore, #tpu.memory_space<semaphore_mem>>
      %dma_start3A_147 = arith.constant 0 : i32
      %dma_start3A_148 = tpu.memref_slice %arg20[%mul3A_2, %dma_start3A_147] : memref<10112x16xf32, #tpu.memory_space<vmem_shared>> -> memref<632x16xf32, #tpu.memory_space<vmem_shared>>
      %dma_start3A_149 = arith.constant 0 : i32
      %dma_start3A_150 = tpu.memref_slice %arg5[%mul3A_2, %dma_start3A_149] : memref<10112x16xf32, #tpu.memory_space<hbm>> -> memref<632x16xf32, #tpu.memory_space<hbm>>
      tpu.enqueue_dma source(%dma_start3A_150 : memref<632x16xf32, #tpu.memory_space<hbm>>) target(%dma_start3A_148 : memref<632x16xf32, #tpu.memory_space<vmem_shared>>) target_semaphore(%run_scoped3A_146 : memref<!tpu.dma_semaphore, #tpu.memory_space<semaphore_mem>>)
      %dma_wait3A_151 = arith.constant 0 : i32
      %dma_wait3A_152 = tpu.memref_slice %arg20[%mul3A_2, %dma_wait3A_151] : memref<10112x16xf32, #tpu.memory_space<vmem_shared>> -> memref<632x16xf32, #tpu.memory_space<vmem_shared>>
      %dma_wait3A_153 = arith.constant 0 : i32
      %dma_wait3A_154 = tpu.memref_slice %arg5[%mul3A_2, %dma_wait3A_153] : memref<10112x16xf32, #tpu.memory_space<hbm>> -> memref<632x16xf32, #tpu.memory_space<hbm>>
      tpu.wait_dma2 semaphore(%run_scoped3A_146 : memref<!tpu.dma_semaphore, #tpu.memory_space<semaphore_mem>>) src(%dma_wait3A_154 : memref<632x16xf32, #tpu.memory_space<hbm>>) dst(%dma_wait3A_152 : memref<632x16xf32, #tpu.memory_space<vmem_shared>>)
      tpu.yield
    }) : () -> ()
    "tpu.region"() ({
      %run_scoped3A_146 = tpu.sem_alloc : memref<!tpu.dma_semaphore, #tpu.memory_space<semaphore_mem>>
      %dma_start3A_147 = arith.constant 0 : i32
      %dma_start3A_148 = tpu.memref_slice %arg21[%mul3A_2, %dma_start3A_147] : memref<10112x16xf32, #tpu.memory_space<vmem_shared>> -> memref<632x16xf32, #tpu.memory_space<vmem_shared>>
      %dma_start3A_149 = arith.constant 0 : i32
      %dma_start3A_150 = tpu.memref_slice %arg5[%mul3A_2, %dma_start3A_149] : memref<10112x16xf32, #tpu.memory_space<hbm>> -> memref<632x16xf32, #tpu.memory_space<hbm>>
      tpu.enqueue_dma source(%dma_start3A_150 : memref<632x16xf32, #tpu.memory_space<hbm>>) target(%dma_start3A_148 : memref<632x16xf32, #tpu.memory_space<vmem_shared>>) target_semaphore(%run_scoped3A_146 : memref<!tpu.dma_semaphore, #tpu.memory_space<semaphore_mem>>)
      %dma_wait3A_151 = arith.constant 0 : i32
      %dma_wait3A_152 = tpu.memref_slice %arg21[%mul3A_2, %dma_wait3A_151] : memref<10112x16xf32, #tpu.memory_space<vmem_shared>> -> memref<632x16xf32, #tpu.memory_space<vmem_shared>>
      %dma_wait3A_153 = arith.constant 0 : i32
      %dma_wait3A_154 = tpu.memref_slice %arg5[%mul3A_2, %dma_wait3A_153] : memref<10112x16xf32, #tpu.memory_space<hbm>> -> memref<632x16xf32, #tpu.memory_space<hbm>>
      tpu.wait_dma2 semaphore(%run_scoped3A_146 : memref<!tpu.dma_semaphore, #tpu.memory_space<semaphore_mem>>) src(%dma_wait3A_154 : memref<632x16xf32, #tpu.memory_space<hbm>>) dst(%dma_wait3A_152 : memref<632x16xf32, #tpu.memory_space<vmem_shared>>)
      tpu.yield
    }) : () -> ()
    "tpu.region"() ({
      %run_scoped3A_146 = tpu.sem_alloc : memref<!tpu.dma_semaphore, #tpu.memory_space<semaphore_mem>>
      tpu.enqueue_dma source(%arg6 : memref<128x16xf32, #tpu.memory_space<hbm>>) target(%arg19 : memref<128x16xf32, #tpu.memory_space<vmem>>) target_semaphore(%run_scoped3A_146 : memref<!tpu.dma_semaphore, #tpu.memory_space<semaphore_mem>>)
      tpu.wait_dma2 semaphore(%run_scoped3A_146 : memref<!tpu.dma_semaphore, #tpu.memory_space<semaphore_mem>>) src(%arg6 : memref<128x16xf32, #tpu.memory_space<hbm>>) dst(%arg19 : memref<128x16xf32, #tpu.memory_space<vmem>>)
      tpu.yield
    }) : () -> ()
    %mul3A_3 = arith.constant 78 : i32
    %mul3A_4 = arith.muli %add3A, %mul3A_3 : i32
    %run_scoped3A = arith.constant 0 : i32
    "tpu.region"() ({
      %run_scoped3A_146 = tpu.sem_alloc : memref<!tpu.dma_semaphore, #tpu.memory_space<semaphore_mem>>
      %dma_start3A_147 = arith.constant 0 : i32
      %dma_start3A_148 = arith.constant 0 : i32
      %dma_start3A_149 = tpu.memref_slice %arg9[%dma_start3A_147, %dma_start3A_148] : memref<80x128xi32, #tpu.memory_space<vmem>> -> memref<78x128xi32, #tpu.memory_space<vmem>>
      %dma_start3A_150 = arith.constant 0 : i32
      %dma_start3A_151 = tpu.memref_slice %arg3[%run_scoped3A, %mul3A_4, %dma_start3A_150] : memref<2x2500x128xi32, #tpu.memory_space<hbm>> -> memref<1x78x128xi32, #tpu.memory_space<hbm>>
      %dma_start3A_152 = tpu.memref_squeeze %dma_start3A_151 : memref<1x78x128xi32, #tpu.memory_space<hbm>> -> memref<78x128xi32, #tpu.memory_space<hbm>>
      %dma_start3A_153 = arith.constant 0 : i32
      %dma_start3A_154 = arith.constant 0 : i32
      %dma_start3A_155 = tpu.memref_slice %arg9[%dma_start3A_153, %dma_start3A_154] : memref<80x128xi32, #tpu.memory_space<vmem>> -> memref<78x128xi32, #tpu.memory_space<vmem>>
      %dma_start3A_156 = arith.constant 0 : i32
      %dma_start3A_157 = tpu.memref_slice %arg3[%run_scoped3A, %mul3A_4, %dma_start3A_156] : memref<2x2500x128xi32, #tpu.memory_space<hbm>> -> memref<1x78x128xi32, #tpu.memory_space<hbm>>
      %dma_start3A_158 = tpu.memref_squeeze %dma_start3A_157 : memref<1x78x128xi32, #tpu.memory_space<hbm>> -> memref<78x128xi32, #tpu.memory_space<hbm>>
      tpu.enqueue_dma source(%dma_start3A_158 : memref<78x128xi32, #tpu.memory_space<hbm>>) target(%dma_start3A_155 : memref<78x128xi32, #tpu.memory_space<vmem>>) target_semaphore(%run_scoped3A_146 : memref<!tpu.dma_semaphore, #tpu.memory_space<semaphore_mem>>)
      %dma_wait3A_159 = arith.constant 0 : i32
      %dma_wait3A_160 = arith.constant 0 : i32
      %dma_wait3A_161 = tpu.memref_slice %arg9[%dma_wait3A_159, %dma_wait3A_160] : memref<80x128xi32, #tpu.memory_space<vmem>> -> memref<78x128xi32, #tpu.memory_space<vmem>>
      %dma_wait3A_162 = arith.constant 0 : i32
      %dma_wait3A_163 = tpu.memref_slice %arg3[%run_scoped3A, %mul3A_4, %dma_wait3A_162] : memref<2x2500x128xi32, #tpu.memory_space<hbm>> -> memref<1x78x128xi32, #tpu.memory_space<hbm>>
      %dma_wait3A_164 = tpu.memref_squeeze %dma_wait3A_163 : memref<1x78x128xi32, #tpu.memory_space<hbm>> -> memref<78x128xi32, #tpu.memory_space<hbm>>
      %dma_wait3A_165 = arith.constant 0 : i32
      %dma_wait3A_166 = arith.constant 0 : i32
      %dma_wait3A_167 = tpu.memref_slice %arg9[%dma_wait3A_165, %dma_wait3A_166] : memref<80x128xi32, #tpu.memory_space<vmem>> -> memref<78x128xi32, #tpu.memory_space<vmem>>
      %dma_wait3A_168 = arith.constant 0 : i32
      %dma_wait3A_169 = tpu.memref_slice %arg3[%run_scoped3A, %mul3A_4, %dma_wait3A_168] : memref<2x2500x128xi32, #tpu.memory_space<hbm>> -> memref<1x78x128xi32, #tpu.memory_space<hbm>>
      %dma_wait3A_170 = tpu.memref_squeeze %dma_wait3A_169 : memref<1x78x128xi32, #tpu.memory_space<hbm>> -> memref<78x128xi32, #tpu.memory_space<hbm>>
      tpu.wait_dma2 semaphore(%run_scoped3A_146 : memref<!tpu.dma_semaphore, #tpu.memory_space<semaphore_mem>>) src(%dma_wait3A_170 : memref<78x128xi32, #tpu.memory_space<hbm>>) dst(%dma_wait3A_167 : memref<78x128xi32, #tpu.memory_space<vmem>>)
      tpu.yield
    }) : () -> ()
    %mul3A_5 = arith.constant 2 : i32
    %mul3A_6 = arith.muli %mul3A_5, %add3A : i32
    %run_scoped3A_7 = arith.constant 0 : i32
    "tpu.region"() ({
      %run_scoped3A_146 = tpu.sem_alloc : memref<!tpu.dma_semaphore, #tpu.memory_space<semaphore_mem>>
      %dma_start3A_147 = arith.constant 78 : i32
      %dma_start3A_148 = arith.constant 0 : i32
      %dma_start3A_149 = tpu.memref_slice %arg9[%dma_start3A_147, %dma_start3A_148] : memref<80x128xi32, #tpu.memory_space<vmem>> -> memref<2x128xi32, #tpu.memory_space<vmem>>
      %dma_start3A_150 = arith.constant 0 : i32
      %dma_start3A_151 = tpu.memref_slice %arg4[%run_scoped3A_7, %mul3A_6, %dma_start3A_150] : memref<2x64x128xi32, #tpu.memory_space<hbm>> -> memref<1x2x128xi32, #tpu.memory_space<hbm>>
      %dma_start3A_152 = tpu.memref_squeeze %dma_start3A_151 : memref<1x2x128xi32, #tpu.memory_space<hbm>> -> memref<2x128xi32, #tpu.memory_space<hbm>>
      %dma_start3A_153 = arith.constant 78 : i32
      %dma_start3A_154 = arith.constant 0 : i32
      %dma_start3A_155 = tpu.memref_slice %arg9[%dma_start3A_153, %dma_start3A_154] : memref<80x128xi32, #tpu.memory_space<vmem>> -> memref<2x128xi32, #tpu.memory_space<vmem>>
      %dma_start3A_156 = arith.constant 0 : i32
      %dma_start3A_157 = tpu.memref_slice %arg4[%run_scoped3A_7, %mul3A_6, %dma_start3A_156] : memref<2x64x128xi32, #tpu.memory_space<hbm>> -> memref<1x2x128xi32, #tpu.memory_space<hbm>>
      %dma_start3A_158 = tpu.memref_squeeze %dma_start3A_157 : memref<1x2x128xi32, #tpu.memory_space<hbm>> -> memref<2x128xi32, #tpu.memory_space<hbm>>
      tpu.enqueue_dma source(%dma_start3A_158 : memref<2x128xi32, #tpu.memory_space<hbm>>) target(%dma_start3A_155 : memref<2x128xi32, #tpu.memory_space<vmem>>) target_semaphore(%run_scoped3A_146 : memref<!tpu.dma_semaphore, #tpu.memory_space<semaphore_mem>>)
      %dma_wait3A_159 = arith.constant 78 : i32
      %dma_wait3A_160 = arith.constant 0 : i32
      %dma_wait3A_161 = tpu.memref_slice %arg9[%dma_wait3A_159, %dma_wait3A_160] : memref<80x128xi32, #tpu.memory_space<vmem>> -> memref<2x128xi32, #tpu.memory_space<vmem>>
      %dma_wait3A_162 = arith.constant 0 : i32
      %dma_wait3A_163 = tpu.memref_slice %arg4[%run_scoped3A_7, %mul3A_6, %dma_wait3A_162] : memref<2x64x128xi32, #tpu.memory_space<hbm>> -> memref<1x2x128xi32, #tpu.memory_space<hbm>>
      %dma_wait3A_164 = tpu.memref_squeeze %dma_wait3A_163 : memref<1x2x128xi32, #tpu.memory_space<hbm>> -> memref<2x128xi32, #tpu.memory_space<hbm>>
      %dma_wait3A_165 = arith.constant 78 : i32
      %dma_wait3A_166 = arith.constant 0 : i32
      %dma_wait3A_167 = tpu.memref_slice %arg9[%dma_wait3A_165, %dma_wait3A_166] : memref<80x128xi32, #tpu.memory_space<vmem>> -> memref<2x128xi32, #tpu.memory_space<vmem>>
      %dma_wait3A_168 = arith.constant 0 : i32
      %dma_wait3A_169 = tpu.memref_slice %arg4[%run_scoped3A_7, %mul3A_6, %dma_wait3A_168] : memref<2x64x128xi32, #tpu.memory_space<hbm>> -> memref<1x2x128xi32, #tpu.memory_space<hbm>>
      %dma_wait3A_170 = tpu.memref_squeeze %dma_wait3A_169 : memref<1x2x128xi32, #tpu.memory_space<hbm>> -> memref<2x128xi32, #tpu.memory_space<hbm>>
      tpu.wait_dma2 semaphore(%run_scoped3A_146 : memref<!tpu.dma_semaphore, #tpu.memory_space<semaphore_mem>>) src(%dma_wait3A_170 : memref<2x128xi32, #tpu.memory_space<hbm>>) dst(%dma_wait3A_167 : memref<2x128xi32, #tpu.memory_space<vmem>>)
      tpu.yield
    }) : () -> ()
    %mul3A_8 = arith.constant 78 : i32
    %mul3A_9 = arith.muli %add3A, %mul3A_8 : i32
    %run_scoped3A_10 = arith.constant 1 : i32
    "tpu.region"() ({
      %run_scoped3A_146 = tpu.sem_alloc : memref<!tpu.dma_semaphore, #tpu.memory_space<semaphore_mem>>
      %dma_start3A_147 = arith.constant 0 : i32
      %dma_start3A_148 = arith.constant 0 : i32
      %dma_start3A_149 = tpu.memref_slice %arg10[%dma_start3A_147, %dma_start3A_148] : memref<80x128xi32, #tpu.memory_space<vmem>> -> memref<78x128xi32, #tpu.memory_space<vmem>>
      %dma_start3A_150 = arith.constant 0 : i32
      %dma_start3A_151 = tpu.memref_slice %arg3[%run_scoped3A_10, %mul3A_9, %dma_start3A_150] : memref<2x2500x128xi32, #tpu.memory_space<hbm>> -> memref<1x78x128xi32, #tpu.memory_space<hbm>>
      %dma_start3A_152 = tpu.memref_squeeze %dma_start3A_151 : memref<1x78x128xi32, #tpu.memory_space<hbm>> -> memref<78x128xi32, #tpu.memory_space<hbm>>
      %dma_start3A_153 = arith.constant 0 : i32
      %dma_start3A_154 = arith.constant 0 : i32
      %dma_start3A_155 = tpu.memref_slice %arg10[%dma_start3A_153, %dma_start3A_154] : memref<80x128xi32, #tpu.memory_space<vmem>> -> memref<78x128xi32, #tpu.memory_space<vmem>>
      %dma_start3A_156 = arith.constant 0 : i32
      %dma_start3A_157 = tpu.memref_slice %arg3[%run_scoped3A_10, %mul3A_9, %dma_start3A_156] : memref<2x2500x128xi32, #tpu.memory_space<hbm>> -> memref<1x78x128xi32, #tpu.memory_space<hbm>>
      %dma_start3A_158 = tpu.memref_squeeze %dma_start3A_157 : memref<1x78x128xi32, #tpu.memory_space<hbm>> -> memref<78x128xi32, #tpu.memory_space<hbm>>
      tpu.enqueue_dma source(%dma_start3A_158 : memref<78x128xi32, #tpu.memory_space<hbm>>) target(%dma_start3A_155 : memref<78x128xi32, #tpu.memory_space<vmem>>) target_semaphore(%run_scoped3A_146 : memref<!tpu.dma_semaphore, #tpu.memory_space<semaphore_mem>>)
      %dma_wait3A_159 = arith.constant 0 : i32
      %dma_wait3A_160 = arith.constant 0 : i32
      %dma_wait3A_161 = tpu.memref_slice %arg10[%dma_wait3A_159, %dma_wait3A_160] : memref<80x128xi32, #tpu.memory_space<vmem>> -> memref<78x128xi32, #tpu.memory_space<vmem>>
      %dma_wait3A_162 = arith.constant 0 : i32
      %dma_wait3A_163 = tpu.memref_slice %arg3[%run_scoped3A_10, %mul3A_9, %dma_wait3A_162] : memref<2x2500x128xi32, #tpu.memory_space<hbm>> -> memref<1x78x128xi32, #tpu.memory_space<hbm>>
      %dma_wait3A_164 = tpu.memref_squeeze %dma_wait3A_163 : memref<1x78x128xi32, #tpu.memory_space<hbm>> -> memref<78x128xi32, #tpu.memory_space<hbm>>
      %dma_wait3A_165 = arith.constant 0 : i32
      %dma_wait3A_166 = arith.constant 0 : i32
      %dma_wait3A_167 = tpu.memref_slice %arg10[%dma_wait3A_165, %dma_wait3A_166] : memref<80x128xi32, #tpu.memory_space<vmem>> -> memref<78x128xi32, #tpu.memory_space<vmem>>
      %dma_wait3A_168 = arith.constant 0 : i32
      %dma_wait3A_169 = tpu.memref_slice %arg3[%run_scoped3A_10, %mul3A_9, %dma_wait3A_168] : memref<2x2500x128xi32, #tpu.memory_space<hbm>> -> memref<1x78x128xi32, #tpu.memory_space<hbm>>
      %dma_wait3A_170 = tpu.memref_squeeze %dma_wait3A_169 : memref<1x78x128xi32, #tpu.memory_space<hbm>> -> memref<78x128xi32, #tpu.memory_space<hbm>>
      tpu.wait_dma2 semaphore(%run_scoped3A_146 : memref<!tpu.dma_semaphore, #tpu.memory_space<semaphore_mem>>) src(%dma_wait3A_170 : memref<78x128xi32, #tpu.memory_space<hbm>>) dst(%dma_wait3A_167 : memref<78x128xi32, #tpu.memory_space<vmem>>)
      tpu.yield
    }) : () -> ()
    %mul3A_11 = arith.constant 2 : i32
    %mul3A_12 = arith.muli %mul3A_11, %add3A : i32
    %run_scoped3A_13 = arith.constant 1 : i32
    "tpu.region"() ({
      %run_scoped3A_146 = tpu.sem_alloc : memref<!tpu.dma_semaphore, #tpu.memory_space<semaphore_mem>>
      %dma_start3A_147 = arith.constant 78 : i32
      %dma_start3A_148 = arith.constant 0 : i32
      %dma_start3A_149 = tpu.memref_slice %arg10[%dma_start3A_147, %dma_start3A_148] : memref<80x128xi32, #tpu.memory_space<vmem>> -> memref<2x128xi32, #tpu.memory_space<vmem>>
      %dma_start3A_150 = arith.constant 0 : i32
      %dma_start3A_151 = tpu.memref_slice %arg4[%run_scoped3A_13, %mul3A_12, %dma_start3A_150] : memref<2x64x128xi32, #tpu.memory_space<hbm>> -> memref<1x2x128xi32, #tpu.memory_space<hbm>>
      %dma_start3A_152 = tpu.memref_squeeze %dma_start3A_151 : memref<1x2x128xi32, #tpu.memory_space<hbm>> -> memref<2x128xi32, #tpu.memory_space<hbm>>
      %dma_start3A_153 = arith.constant 78 : i32
      %dma_start3A_154 = arith.constant 0 : i32
      %dma_start3A_155 = tpu.memref_slice %arg10[%dma_start3A_153, %dma_start3A_154] : memref<80x128xi32, #tpu.memory_space<vmem>> -> memref<2x128xi32, #tpu.memory_space<vmem>>
      %dma_start3A_156 = arith.constant 0 : i32
      %dma_start3A_157 = tpu.memref_slice %arg4[%run_scoped3A_13, %mul3A_12, %dma_start3A_156] : memref<2x64x128xi32, #tpu.memory_space<hbm>> -> memref<1x2x128xi32, #tpu.memory_space<hbm>>
      %dma_start3A_158 = tpu.memref_squeeze %dma_start3A_157 : memref<1x2x128xi32, #tpu.memory_space<hbm>> -> memref<2x128xi32, #tpu.memory_space<hbm>>
      tpu.enqueue_dma source(%dma_start3A_158 : memref<2x128xi32, #tpu.memory_space<hbm>>) target(%dma_start3A_155 : memref<2x128xi32, #tpu.memory_space<vmem>>) target_semaphore(%run_scoped3A_146 : memref<!tpu.dma_semaphore, #tpu.memory_space<semaphore_mem>>)
      %dma_wait3A_159 = arith.constant 78 : i32
      %dma_wait3A_160 = arith.constant 0 : i32
      %dma_wait3A_161 = tpu.memref_slice %arg10[%dma_wait3A_159, %dma_wait3A_160] : memref<80x128xi32, #tpu.memory_space<vmem>> -> memref<2x128xi32, #tpu.memory_space<vmem>>
      %dma_wait3A_162 = arith.constant 0 : i32
      %dma_wait3A_163 = tpu.memref_slice %arg4[%run_scoped3A_13, %mul3A_12, %dma_wait3A_162] : memref<2x64x128xi32, #tpu.memory_space<hbm>> -> memref<1x2x128xi32, #tpu.memory_space<hbm>>
      %dma_wait3A_164 = tpu.memref_squeeze %dma_wait3A_163 : memref<1x2x128xi32, #tpu.memory_space<hbm>> -> memref<2x128xi32, #tpu.memory_space<hbm>>
      %dma_wait3A_165 = arith.constant 78 : i32
      %dma_wait3A_166 = arith.constant 0 : i32
      %dma_wait3A_167 = tpu.memref_slice %arg10[%dma_wait3A_165, %dma_wait3A_166] : memref<80x128xi32, #tpu.memory_space<vmem>> -> memref<2x128xi32, #tpu.memory_space<vmem>>
      %dma_wait3A_168 = arith.constant 0 : i32
      %dma_wait3A_169 = tpu.memref_slice %arg4[%run_scoped3A_13, %mul3A_12, %dma_wait3A_168] : memref<2x64x128xi32, #tpu.memory_space<hbm>> -> memref<1x2x128xi32, #tpu.memory_space<hbm>>
      %dma_wait3A_170 = tpu.memref_squeeze %dma_wait3A_169 : memref<1x2x128xi32, #tpu.memory_space<hbm>> -> memref<2x128xi32, #tpu.memory_space<hbm>>
      tpu.wait_dma2 semaphore(%run_scoped3A_146 : memref<!tpu.dma_semaphore, #tpu.memory_space<semaphore_mem>>) src(%dma_wait3A_170 : memref<2x128xi32, #tpu.memory_space<hbm>>) dst(%dma_wait3A_167 : memref<2x128xi32, #tpu.memory_space<vmem>>)
      tpu.yield
    }) : () -> ()
    %barrier3A = arith.constant 0 : index
    tpu.barrier barrier_id(%barrier3A)
    %dma_start3A = arith.constant 0 : i32
    %dma_start3A_14 = arith.constant 0 : i32
    %dma_start3A_15 = tpu.memref_slice %arg9[%dma_start3A, %dma_start3A_14] : memref<80x128xi32, #tpu.memory_space<vmem>> -> memref<1x128xi32, #tpu.memory_space<vmem>>
    %dma_start3A_16 = tpu.memref_squeeze %dma_start3A_15 : memref<1x128xi32, #tpu.memory_space<vmem>> -> memref<128xi32, #tpu.memory_space<vmem>>
    %dma_start3A_17 = arith.constant 0 : i32
    %dma_start3A_18 = arith.constant 0 : i32
    %dma_start3A_19 = tpu.memref_slice %arg2[%dma_start3A_17, %dma_start3A_18] : memref<10112x16xf32, #tpu.memory_space<hbm>> -> memref<10112x16xf32, #tpu.memory_space<hbm>>
    tpu.enqueue_indirect_dma source(%dma_start3A_19 : memref<10112x16xf32, #tpu.memory_space<hbm>>) target(%arg11 : memref<128x16xf32, #tpu.memory_space<vmem>>) offsets(%dma_start3A_16 : memref<128xi32, #tpu.memory_space<vmem>>) semaphore(%arg22 : memref<!tpu.dma_semaphore, #tpu.memory_space<semaphore_mem>>)
    %dma_start3A_20 = arith.constant 1 : i32
    %dma_start3A_21 = arith.constant 0 : i32
    %dma_start3A_22 = tpu.memref_slice %arg9[%dma_start3A_20, %dma_start3A_21] : memref<80x128xi32, #tpu.memory_space<vmem>> -> memref<1x128xi32, #tpu.memory_space<vmem>>
    %dma_start3A_23 = tpu.memref_squeeze %dma_start3A_22 : memref<1x128xi32, #tpu.memory_space<vmem>> -> memref<128xi32, #tpu.memory_space<vmem>>
    %dma_start3A_24 = arith.constant 0 : i32
    %dma_start3A_25 = arith.constant 0 : i32
    %dma_start3A_26 = tpu.memref_slice %arg2[%dma_start3A_24, %dma_start3A_25] : memref<10112x16xf32, #tpu.memory_space<hbm>> -> memref<10112x16xf32, #tpu.memory_space<hbm>>
    tpu.enqueue_indirect_dma source(%dma_start3A_26 : memref<10112x16xf32, #tpu.memory_space<hbm>>) target(%arg12 : memref<128x16xf32, #tpu.memory_space<vmem>>) offsets(%dma_start3A_23 : memref<128xi32, #tpu.memory_space<vmem>>) semaphore(%arg23 : memref<!tpu.dma_semaphore, #tpu.memory_space<semaphore_mem>>)
    %dma_start3A_27 = arith.constant 2 : i32
    %dma_start3A_28 = arith.constant 0 : i32
    %dma_start3A_29 = tpu.memref_slice %arg9[%dma_start3A_27, %dma_start3A_28] : memref<80x128xi32, #tpu.memory_space<vmem>> -> memref<1x128xi32, #tpu.memory_space<vmem>>
    %dma_start3A_30 = tpu.memref_squeeze %dma_start3A_29 : memref<1x128xi32, #tpu.memory_space<vmem>> -> memref<128xi32, #tpu.memory_space<vmem>>
    %dma_start3A_31 = arith.constant 0 : i32
    %dma_start3A_32 = arith.constant 0 : i32
    %dma_start3A_33 = tpu.memref_slice %arg2[%dma_start3A_31, %dma_start3A_32] : memref<10112x16xf32, #tpu.memory_space<hbm>> -> memref<10112x16xf32, #tpu.memory_space<hbm>>
    tpu.enqueue_indirect_dma source(%dma_start3A_33 : memref<10112x16xf32, #tpu.memory_space<hbm>>) target(%arg13 : memref<128x16xf32, #tpu.memory_space<vmem>>) offsets(%dma_start3A_30 : memref<128xi32, #tpu.memory_space<vmem>>) semaphore(%arg24 : memref<!tpu.dma_semaphore, #tpu.memory_space<semaphore_mem>>)
    %dma_start3A_34 = arith.constant 3 : i32
    %dma_start3A_35 = arith.constant 0 : i32
    %dma_start3A_36 = tpu.memref_slice %arg9[%dma_start3A_34, %dma_start3A_35] : memref<80x128xi32, #tpu.memory_space<vmem>> -> memref<1x128xi32, #tpu.memory_space<vmem>>
    %dma_start3A_37 = tpu.memref_squeeze %dma_start3A_36 : memref<1x128xi32, #tpu.memory_space<vmem>> -> memref<128xi32, #tpu.memory_space<vmem>>
    %dma_start3A_38 = arith.constant 0 : i32
    %dma_start3A_39 = arith.constant 0 : i32
    %dma_start3A_40 = tpu.memref_slice %arg2[%dma_start3A_38, %dma_start3A_39] : memref<10112x16xf32, #tpu.memory_space<hbm>> -> memref<10112x16xf32, #tpu.memory_space<hbm>>
    tpu.enqueue_indirect_dma source(%dma_start3A_40 : memref<10112x16xf32, #tpu.memory_space<hbm>>) target(%arg14 : memref<128x16xf32, #tpu.memory_space<vmem>>) offsets(%dma_start3A_37 : memref<128xi32, #tpu.memory_space<vmem>>) semaphore(%arg25 : memref<!tpu.dma_semaphore, #tpu.memory_space<semaphore_mem>>)
    %dma_start3A_41 = arith.constant 4 : i32
    %dma_start3A_42 = arith.constant 0 : i32
    %dma_start3A_43 = tpu.memref_slice %arg9[%dma_start3A_41, %dma_start3A_42] : memref<80x128xi32, #tpu.memory_space<vmem>> -> memref<1x128xi32, #tpu.memory_space<vmem>>
    %dma_start3A_44 = tpu.memref_squeeze %dma_start3A_43 : memref<1x128xi32, #tpu.memory_space<vmem>> -> memref<128xi32, #tpu.memory_space<vmem>>
    %dma_start3A_45 = arith.constant 0 : i32
    %dma_start3A_46 = arith.constant 0 : i32
    %dma_start3A_47 = tpu.memref_slice %arg2[%dma_start3A_45, %dma_start3A_46] : memref<10112x16xf32, #tpu.memory_space<hbm>> -> memref<10112x16xf32, #tpu.memory_space<hbm>>
    tpu.enqueue_indirect_dma source(%dma_start3A_47 : memref<10112x16xf32, #tpu.memory_space<hbm>>) target(%arg15 : memref<128x16xf32, #tpu.memory_space<vmem>>) offsets(%dma_start3A_44 : memref<128xi32, #tpu.memory_space<vmem>>) semaphore(%arg26 : memref<!tpu.dma_semaphore, #tpu.memory_space<semaphore_mem>>)
    %dma_start3A_48 = arith.constant 5 : i32
    %dma_start3A_49 = arith.constant 0 : i32
    %dma_start3A_50 = tpu.memref_slice %arg9[%dma_start3A_48, %dma_start3A_49] : memref<80x128xi32, #tpu.memory_space<vmem>> -> memref<1x128xi32, #tpu.memory_space<vmem>>
    %dma_start3A_51 = tpu.memref_squeeze %dma_start3A_50 : memref<1x128xi32, #tpu.memory_space<vmem>> -> memref<128xi32, #tpu.memory_space<vmem>>
    %dma_start3A_52 = arith.constant 0 : i32
    %dma_start3A_53 = arith.constant 0 : i32
    %dma_start3A_54 = tpu.memref_slice %arg2[%dma_start3A_52, %dma_start3A_53] : memref<10112x16xf32, #tpu.memory_space<hbm>> -> memref<10112x16xf32, #tpu.memory_space<hbm>>
    tpu.enqueue_indirect_dma source(%dma_start3A_54 : memref<10112x16xf32, #tpu.memory_space<hbm>>) target(%arg16 : memref<128x16xf32, #tpu.memory_space<vmem>>) offsets(%dma_start3A_51 : memref<128xi32, #tpu.memory_space<vmem>>) semaphore(%arg27 : memref<!tpu.dma_semaphore, #tpu.memory_space<semaphore_mem>>)
    %dma_start3A_55 = arith.constant 6 : i32
    %dma_start3A_56 = arith.constant 0 : i32
    %dma_start3A_57 = tpu.memref_slice %arg9[%dma_start3A_55, %dma_start3A_56] : memref<80x128xi32, #tpu.memory_space<vmem>> -> memref<1x128xi32, #tpu.memory_space<vmem>>
    %dma_start3A_58 = tpu.memref_squeeze %dma_start3A_57 : memref<1x128xi32, #tpu.memory_space<vmem>> -> memref<128xi32, #tpu.memory_space<vmem>>
    %dma_start3A_59 = arith.constant 0 : i32
    %dma_start3A_60 = arith.constant 0 : i32
    %dma_start3A_61 = tpu.memref_slice %arg2[%dma_start3A_59, %dma_start3A_60] : memref<10112x16xf32, #tpu.memory_space<hbm>> -> memref<10112x16xf32, #tpu.memory_space<hbm>>
    tpu.enqueue_indirect_dma source(%dma_start3A_61 : memref<10112x16xf32, #tpu.memory_space<hbm>>) target(%arg17 : memref<128x16xf32, #tpu.memory_space<vmem>>) offsets(%dma_start3A_58 : memref<128xi32, #tpu.memory_space<vmem>>) semaphore(%arg28 : memref<!tpu.dma_semaphore, #tpu.memory_space<semaphore_mem>>)
    %dma_start3A_62 = arith.constant 7 : i32
    %dma_start3A_63 = arith.constant 0 : i32
    %dma_start3A_64 = tpu.memref_slice %arg9[%dma_start3A_62, %dma_start3A_63] : memref<80x128xi32, #tpu.memory_space<vmem>> -> memref<1x128xi32, #tpu.memory_space<vmem>>
    %dma_start3A_65 = tpu.memref_squeeze %dma_start3A_64 : memref<1x128xi32, #tpu.memory_space<vmem>> -> memref<128xi32, #tpu.memory_space<vmem>>
    %dma_start3A_66 = arith.constant 0 : i32
    %dma_start3A_67 = arith.constant 0 : i32
    %dma_start3A_68 = tpu.memref_slice %arg2[%dma_start3A_66, %dma_start3A_67] : memref<10112x16xf32, #tpu.memory_space<hbm>> -> memref<10112x16xf32, #tpu.memory_space<hbm>>
    tpu.enqueue_indirect_dma source(%dma_start3A_68 : memref<10112x16xf32, #tpu.memory_space<hbm>>) target(%arg18 : memref<128x16xf32, #tpu.memory_space<vmem>>) offsets(%dma_start3A_65 : memref<128xi32, #tpu.memory_space<vmem>>) semaphore(%arg29 : memref<!tpu.dma_semaphore, #tpu.memory_space<semaphore_mem>>)
    %scan3A = arith.constant 0 : i32
    %scan3A_69 = arith.constant 0 : i32
    %scan3A_70 = arith.constant 9 : i32
    %scan3A_71 = arith.addi %scan3A_69, %scan3A_70 : i32
    %scan3A_72 = arith.constant 1 : i32
    scf.for %scan3A_146 = %scan3A_69 to %scan3A_71 step %scan3A_72  : i32 {
      %mul3A_147 = arith.constant 8 : i32
      %mul3A_148 = arith.muli %mul3A_147, %scan3A_146 : i32
      %add3A_149 = arith.constant 0 : i32
      %add3A_150 = arith.addi %mul3A_148, %add3A_149 : i32
      %dma_wait3A_151 = arith.constant 0 : i32
      %dma_wait3A_152 = tpu.memref_slice %arg9[%add3A_150, %dma_wait3A_151] : memref<80x128xi32, #tpu.memory_space<vmem>> -> memref<1x128xi32, #tpu.memory_space<vmem>>
      %dma_wait3A_153 = tpu.memref_squeeze %dma_wait3A_152 : memref<1x128xi32, #tpu.memory_space<vmem>> -> memref<128xi32, #tpu.memory_space<vmem>>
      %dma_wait3A_154 = arith.constant 0 : i32
      %dma_wait3A_155 = arith.constant 0 : i32
      %dma_wait3A_156 = tpu.memref_slice %arg2[%dma_wait3A_154, %dma_wait3A_155] : memref<10112x16xf32, #tpu.memory_space<hbm>> -> memref<10112x16xf32, #tpu.memory_space<hbm>>
      tpu.wait_indirect_dma semaphore(%arg22 : memref<!tpu.dma_semaphore, #tpu.memory_space<semaphore_mem>>) src(%dma_wait3A_156 : memref<10112x16xf32, #tpu.memory_space<hbm>>) dst(%arg11 : memref<128x16xf32, #tpu.memory_space<vmem>>)
      %add3A_157 = arith.constant 0 : i32
      %add3A_158 = arith.addi %mul3A_148, %add3A_157 : i32
      "tpu.region"() ({
        %run_scoped3A_309 = tpu.sem_alloc : memref<!tpu.dma_semaphore, #tpu.memory_space<semaphore_mem>>
        %dma_start3A_310 = arith.constant 0 : i32
        %dma_start3A_311 = tpu.memref_slice %arg10[%add3A_158, %dma_start3A_310] : memref<80x128xi32, #tpu.memory_space<vmem>> -> memref<1x128xi32, #tpu.memory_space<vmem>>
        %dma_start3A_312 = tpu.memref_squeeze %dma_start3A_311 : memref<1x128xi32, #tpu.memory_space<vmem>> -> memref<128xi32, #tpu.memory_space<vmem>>
        %dma_start3A_313 = arith.constant 0 : i32
        %dma_start3A_314 = arith.constant 0 : i32
        %dma_start3A_315 = tpu.memref_slice %arg20[%dma_start3A_313, %dma_start3A_314] : memref<10112x16xf32, #tpu.memory_space<vmem_shared>> -> memref<10112x16xf32, #tpu.memory_space<vmem_shared>>
        tpu.enqueue_indirect_dma source(%arg11 : memref<128x16xf32, #tpu.memory_space<vmem>>) target(%dma_start3A_315 : memref<10112x16xf32, #tpu.memory_space<vmem_shared>>) offsets(%dma_start3A_312 : memref<128xi32, #tpu.memory_space<vmem>>) semaphore(%run_scoped3A_309 : memref<!tpu.dma_semaphore, #tpu.memory_space<semaphore_mem>>) {add = true}
        %dma_wait3A_316 = arith.constant 0 : i32
        %dma_wait3A_317 = tpu.memref_slice %arg10[%add3A_158, %dma_wait3A_316] : memref<80x128xi32, #tpu.memory_space<vmem>> -> memref<1x128xi32, #tpu.memory_space<vmem>>
        %dma_wait3A_318 = tpu.memref_squeeze %dma_wait3A_317 : memref<1x128xi32, #tpu.memory_space<vmem>> -> memref<128xi32, #tpu.memory_space<vmem>>
        %dma_wait3A_319 = arith.constant 0 : i32
        %dma_wait3A_320 = arith.constant 0 : i32
        %dma_wait3A_321 = tpu.memref_slice %arg20[%dma_wait3A_319, %dma_wait3A_320] : memref<10112x16xf32, #tpu.memory_space<vmem_shared>> -> memref<10112x16xf32, #tpu.memory_space<vmem_shared>>
        tpu.wait_indirect_dma semaphore(%run_scoped3A_309 : memref<!tpu.dma_semaphore, #tpu.memory_space<semaphore_mem>>) src(%arg11 : memref<128x16xf32, #tpu.memory_space<vmem>>) dst(%dma_wait3A_321 : memref<10112x16xf32, #tpu.memory_space<vmem_shared>>)
        tpu.yield
      }) : () -> ()
      "tpu.region"() ({
        %run_scoped3A_309 = tpu.sem_alloc : memref<!tpu.dma_semaphore, #tpu.memory_space<semaphore_mem>>
        %dma_start3A_310 = arith.constant 0 : i32
        %dma_start3A_311 = tpu.memref_slice %arg10[%add3A_158, %dma_start3A_310] : memref<80x128xi32, #tpu.memory_space<vmem>> -> memref<1x128xi32, #tpu.memory_space<vmem>>
        %dma_start3A_312 = tpu.memref_squeeze %dma_start3A_311 : memref<1x128xi32, #tpu.memory_space<vmem>> -> memref<128xi32, #tpu.memory_space<vmem>>
        %dma_start3A_313 = arith.constant 0 : i32
        %dma_start3A_314 = arith.constant 0 : i32
        %dma_start3A_315 = tpu.memref_slice %arg21[%dma_start3A_313, %dma_start3A_314] : memref<10112x16xf32, #tpu.memory_space<vmem_shared>> -> memref<10112x16xf32, #tpu.memory_space<vmem_shared>>
        tpu.enqueue_indirect_dma source(%arg19 : memref<128x16xf32, #tpu.memory_space<vmem>>) target(%dma_start3A_315 : memref<10112x16xf32, #tpu.memory_space<vmem_shared>>) offsets(%dma_start3A_312 : memref<128xi32, #tpu.memory_space<vmem>>) semaphore(%run_scoped3A_309 : memref<!tpu.dma_semaphore, #tpu.memory_space<semaphore_mem>>) {add = true}
        %dma_wait3A_316 = arith.constant 0 : i32
        %dma_wait3A_317 = tpu.memref_slice %arg10[%add3A_158, %dma_wait3A_316] : memref<80x128xi32, #tpu.memory_space<vmem>> -> memref<1x128xi32, #tpu.memory_space<vmem>>
        %dma_wait3A_318 = tpu.memref_squeeze %dma_wait3A_317 : memref<1x128xi32, #tpu.memory_space<vmem>> -> memref<128xi32, #tpu.memory_space<vmem>>
        %dma_wait3A_319 = arith.constant 0 : i32
        %dma_wait3A_320 = arith.constant 0 : i32
        %dma_wait3A_321 = tpu.memref_slice %arg21[%dma_wait3A_319, %dma_wait3A_320] : memref<10112x16xf32, #tpu.memory_space<vmem_shared>> -> memref<10112x16xf32, #tpu.memory_space<vmem_shared>>
        tpu.wait_indirect_dma semaphore(%run_scoped3A_309 : memref<!tpu.dma_semaphore, #tpu.memory_space<semaphore_mem>>) src(%arg19 : memref<128x16xf32, #tpu.memory_space<vmem>>) dst(%dma_wait3A_321 : memref<10112x16xf32, #tpu.memory_space<vmem_shared>>)
        tpu.yield
      }) : () -> ()
      %add3A_159 = arith.constant 8 : i32
      %add3A_160 = arith.addi %mul3A_148, %add3A_159 : i32
      %add3A_161 = arith.constant 0 : i32
      %add3A_162 = arith.addi %add3A_160, %add3A_161 : i32
      %dma_start3A_163 = arith.constant 0 : i32
      %dma_start3A_164 = tpu.memref_slice %arg9[%add3A_162, %dma_start3A_163] : memref<80x128xi32, #tpu.memory_space<vmem>> -> memref<1x128xi32, #tpu.memory_space<vmem>>
      %dma_start3A_165 = tpu.memref_squeeze %dma_start3A_164 : memref<1x128xi32, #tpu.memory_space<vmem>> -> memref<128xi32, #tpu.memory_space<vmem>>
      %dma_start3A_166 = arith.constant 0 : i32
      %dma_start3A_167 = arith.constant 0 : i32
      %dma_start3A_168 = tpu.memref_slice %arg2[%dma_start3A_166, %dma_start3A_167] : memref<10112x16xf32, #tpu.memory_space<hbm>> -> memref<10112x16xf32, #tpu.memory_space<hbm>>
      tpu.enqueue_indirect_dma source(%dma_start3A_168 : memref<10112x16xf32, #tpu.memory_space<hbm>>) target(%arg11 : memref<128x16xf32, #tpu.memory_space<vmem>>) offsets(%dma_start3A_165 : memref<128xi32, #tpu.memory_space<vmem>>) semaphore(%arg22 : memref<!tpu.dma_semaphore, #tpu.memory_space<semaphore_mem>>)
      %add3A_169 = arith.constant 1 : i32
      %add3A_170 = arith.addi %mul3A_148, %add3A_169 : i32
      %dma_wait3A_171 = arith.constant 0 : i32
      %dma_wait3A_172 = tpu.memref_slice %arg9[%add3A_170, %dma_wait3A_171] : memref<80x128xi32, #tpu.memory_space<vmem>> -> memref<1x128xi32, #tpu.memory_space<vmem>>
      %dma_wait3A_173 = tpu.memref_squeeze %dma_wait3A_172 : memref<1x128xi32, #tpu.memory_space<vmem>> -> memref<128xi32, #tpu.memory_space<vmem>>
      %dma_wait3A_174 = arith.constant 0 : i32
      %dma_wait3A_175 = arith.constant 0 : i32
      %dma_wait3A_176 = tpu.memref_slice %arg2[%dma_wait3A_174, %dma_wait3A_175] : memref<10112x16xf32, #tpu.memory_space<hbm>> -> memref<10112x16xf32, #tpu.memory_space<hbm>>
      tpu.wait_indirect_dma semaphore(%arg23 : memref<!tpu.dma_semaphore, #tpu.memory_space<semaphore_mem>>) src(%dma_wait3A_176 : memref<10112x16xf32, #tpu.memory_space<hbm>>) dst(%arg12 : memref<128x16xf32, #tpu.memory_space<vmem>>)
      %add3A_177 = arith.constant 1 : i32
      %add3A_178 = arith.addi %mul3A_148, %add3A_177 : i32
      "tpu.region"() ({
        %run_scoped3A_309 = tpu.sem_alloc : memref<!tpu.dma_semaphore, #tpu.memory_space<semaphore_mem>>
        %dma_start3A_310 = arith.constant 0 : i32
        %dma_start3A_311 = tpu.memref_slice %arg10[%add3A_178, %dma_start3A_310] : memref<80x128xi32, #tpu.memory_space<vmem>> -> memref<1x128xi32, #tpu.memory_space<vmem>>
        %dma_start3A_312 = tpu.memref_squeeze %dma_start3A_311 : memref<1x128xi32, #tpu.memory_space<vmem>> -> memref<128xi32, #tpu.memory_space<vmem>>
        %dma_start3A_313 = arith.constant 0 : i32
        %dma_start3A_314 = arith.constant 0 : i32
        %dma_start3A_315 = tpu.memref_slice %arg20[%dma_start3A_313, %dma_start3A_314] : memref<10112x16xf32, #tpu.memory_space<vmem_shared>> -> memref<10112x16xf32, #tpu.memory_space<vmem_shared>>
        tpu.enqueue_indirect_dma source(%arg12 : memref<128x16xf32, #tpu.memory_space<vmem>>) target(%dma_start3A_315 : memref<10112x16xf32, #tpu.memory_space<vmem_shared>>) offsets(%dma_start3A_312 : memref<128xi32, #tpu.memory_space<vmem>>) semaphore(%run_scoped3A_309 : memref<!tpu.dma_semaphore, #tpu.memory_space<semaphore_mem>>) {add = true}
        %dma_wait3A_316 = arith.constant 0 : i32
        %dma_wait3A_317 = tpu.memref_slice %arg10[%add3A_178, %dma_wait3A_316] : memref<80x128xi32, #tpu.memory_space<vmem>> -> memref<1x128xi32, #tpu.memory_space<vmem>>
        %dma_wait3A_318 = tpu.memref_squeeze %dma_wait3A_317 : memref<1x128xi32, #tpu.memory_space<vmem>> -> memref<128xi32, #tpu.memory_space<vmem>>
        %dma_wait3A_319 = arith.constant 0 : i32
        %dma_wait3A_320 = arith.constant 0 : i32
        %dma_wait3A_321 = tpu.memref_slice %arg20[%dma_wait3A_319, %dma_wait3A_320] : memref<10112x16xf32, #tpu.memory_space<vmem_shared>> -> memref<10112x16xf32, #tpu.memory_space<vmem_shared>>
        tpu.wait_indirect_dma semaphore(%run_scoped3A_309 : memref<!tpu.dma_semaphore, #tpu.memory_space<semaphore_mem>>) src(%arg12 : memref<128x16xf32, #tpu.memory_space<vmem>>) dst(%dma_wait3A_321 : memref<10112x16xf32, #tpu.memory_space<vmem_shared>>)
        tpu.yield
      }) : () -> ()
      "tpu.region"() ({
        %run_scoped3A_309 = tpu.sem_alloc : memref<!tpu.dma_semaphore, #tpu.memory_space<semaphore_mem>>
        %dma_start3A_310 = arith.constant 0 : i32
        %dma_start3A_311 = tpu.memref_slice %arg10[%add3A_178, %dma_start3A_310] : memref<80x128xi32, #tpu.memory_space<vmem>> -> memref<1x128xi32, #tpu.memory_space<vmem>>
        %dma_start3A_312 = tpu.memref_squeeze %dma_start3A_311 : memref<1x128xi32, #tpu.memory_space<vmem>> -> memref<128xi32, #tpu.memory_space<vmem>>
        %dma_start3A_313 = arith.constant 0 : i32
        %dma_start3A_314 = arith.constant 0 : i32
        %dma_start3A_315 = tpu.memref_slice %arg21[%dma_start3A_313, %dma_start3A_314] : memref<10112x16xf32, #tpu.memory_space<vmem_shared>> -> memref<10112x16xf32, #tpu.memory_space<vmem_shared>>
        tpu.enqueue_indirect_dma source(%arg19 : memref<128x16xf32, #tpu.memory_space<vmem>>) target(%dma_start3A_315 : memref<10112x16xf32, #tpu.memory_space<vmem_shared>>) offsets(%dma_start3A_312 : memref<128xi32, #tpu.memory_space<vmem>>) semaphore(%run_scoped3A_309 : memref<!tpu.dma_semaphore, #tpu.memory_space<semaphore_mem>>) {add = true}
        %dma_wait3A_316 = arith.constant 0 : i32
        %dma_wait3A_317 = tpu.memref_slice %arg10[%add3A_178, %dma_wait3A_316] : memref<80x128xi32, #tpu.memory_space<vmem>> -> memref<1x128xi32, #tpu.memory_space<vmem>>
        %dma_wait3A_318 = tpu.memref_squeeze %dma_wait3A_317 : memref<1x128xi32, #tpu.memory_space<vmem>> -> memref<128xi32, #tpu.memory_space<vmem>>
        %dma_wait3A_319 = arith.constant 0 : i32
        %dma_wait3A_320 = arith.constant 0 : i32
        %dma_wait3A_321 = tpu.memref_slice %arg21[%dma_wait3A_319, %dma_wait3A_320] : memref<10112x16xf32, #tpu.memory_space<vmem_shared>> -> memref<10112x16xf32, #tpu.memory_space<vmem_shared>>
        tpu.wait_indirect_dma semaphore(%run_scoped3A_309 : memref<!tpu.dma_semaphore, #tpu.memory_space<semaphore_mem>>) src(%arg19 : memref<128x16xf32, #tpu.memory_space<vmem>>) dst(%dma_wait3A_321 : memref<10112x16xf32, #tpu.memory_space<vmem_shared>>)
        tpu.yield
      }) : () -> ()
      %add3A_179 = arith.constant 8 : i32
      %add3A_180 = arith.addi %mul3A_148, %add3A_179 : i32
      %add3A_181 = arith.constant 1 : i32
      %add3A_182 = arith.addi %add3A_180, %add3A_181 : i32
      %dma_start3A_183 = arith.constant 0 : i32
      %dma_start3A_184 = tpu.memref_slice %arg9[%add3A_182, %dma_start3A_183] : memref<80x128xi32, #tpu.memory_space<vmem>> -> memref<1x128xi32, #tpu.memory_space<vmem>>
      %dma_start3A_185 = tpu.memref_squeeze %dma_start3A_184 : memref<1x128xi32, #tpu.memory_space<vmem>> -> memref<128xi32, #tpu.memory_space<vmem>>
      %dma_start3A_186 = arith.constant 0 : i32
      %dma_start3A_187 = arith.constant 0 : i32
      %dma_start3A_188 = tpu.memref_slice %arg2[%dma_start3A_186, %dma_start3A_187] : memref<10112x16xf32, #tpu.memory_space<hbm>> -> memref<10112x16xf32, #tpu.memory_space<hbm>>
      tpu.enqueue_indirect_dma source(%dma_start3A_188 : memref<10112x16xf32, #tpu.memory_space<hbm>>) target(%arg12 : memref<128x16xf32, #tpu.memory_space<vmem>>) offsets(%dma_start3A_185 : memref<128xi32, #tpu.memory_space<vmem>>) semaphore(%arg23 : memref<!tpu.dma_semaphore, #tpu.memory_space<semaphore_mem>>)
      %add3A_189 = arith.constant 2 : i32
      %add3A_190 = arith.addi %mul3A_148, %add3A_189 : i32
      %dma_wait3A_191 = arith.constant 0 : i32
      %dma_wait3A_192 = tpu.memref_slice %arg9[%add3A_190, %dma_wait3A_191] : memref<80x128xi32, #tpu.memory_space<vmem>> -> memref<1x128xi32, #tpu.memory_space<vmem>>
      %dma_wait3A_193 = tpu.memref_squeeze %dma_wait3A_192 : memref<1x128xi32, #tpu.memory_space<vmem>> -> memref<128xi32, #tpu.memory_space<vmem>>
      %dma_wait3A_194 = arith.constant 0 : i32
      %dma_wait3A_195 = arith.constant 0 : i32
      %dma_wait3A_196 = tpu.memref_slice %arg2[%dma_wait3A_194, %dma_wait3A_195] : memref<10112x16xf32, #tpu.memory_space<hbm>> -> memref<10112x16xf32, #tpu.memory_space<hbm>>
      tpu.wait_indirect_dma semaphore(%arg24 : memref<!tpu.dma_semaphore, #tpu.memory_space<semaphore_mem>>) src(%dma_wait3A_196 : memref<10112x16xf32, #tpu.memory_space<hbm>>) dst(%arg13 : memref<128x16xf32, #tpu.memory_space<vmem>>)
      %add3A_197 = arith.constant 2 : i32
      %add3A_198 = arith.addi %mul3A_148, %add3A_197 : i32
      "tpu.region"() ({
        %run_scoped3A_309 = tpu.sem_alloc : memref<!tpu.dma_semaphore, #tpu.memory_space<semaphore_mem>>
        %dma_start3A_310 = arith.constant 0 : i32
        %dma_start3A_311 = tpu.memref_slice %arg10[%add3A_198, %dma_start3A_310] : memref<80x128xi32, #tpu.memory_space<vmem>> -> memref<1x128xi32, #tpu.memory_space<vmem>>
        %dma_start3A_312 = tpu.memref_squeeze %dma_start3A_311 : memref<1x128xi32, #tpu.memory_space<vmem>> -> memref<128xi32, #tpu.memory_space<vmem>>
        %dma_start3A_313 = arith.constant 0 : i32
        %dma_start3A_314 = arith.constant 0 : i32
        %dma_start3A_315 = tpu.memref_slice %arg20[%dma_start3A_313, %dma_start3A_314] : memref<10112x16xf32, #tpu.memory_space<vmem_shared>> -> memref<10112x16xf32, #tpu.memory_space<vmem_shared>>
        tpu.enqueue_indirect_dma source(%arg13 : memref<128x16xf32, #tpu.memory_space<vmem>>) target(%dma_start3A_315 : memref<10112x16xf32, #tpu.memory_space<vmem_shared>>) offsets(%dma_start3A_312 : memref<128xi32, #tpu.memory_space<vmem>>) semaphore(%run_scoped3A_309 : memref<!tpu.dma_semaphore, #tpu.memory_space<semaphore_mem>>) {add = true}
        %dma_wait3A_316 = arith.constant 0 : i32
        %dma_wait3A_317 = tpu.memref_slice %arg10[%add3A_198, %dma_wait3A_316] : memref<80x128xi32, #tpu.memory_space<vmem>> -> memref<1x128xi32, #tpu.memory_space<vmem>>
        %dma_wait3A_318 = tpu.memref_squeeze %dma_wait3A_317 : memref<1x128xi32, #tpu.memory_space<vmem>> -> memref<128xi32, #tpu.memory_space<vmem>>
        %dma_wait3A_319 = arith.constant 0 : i32
        %dma_wait3A_320 = arith.constant 0 : i32
        %dma_wait3A_321 = tpu.memref_slice %arg20[%dma_wait3A_319, %dma_wait3A_320] : memref<10112x16xf32, #tpu.memory_space<vmem_shared>> -> memref<10112x16xf32, #tpu.memory_space<vmem_shared>>
        tpu.wait_indirect_dma semaphore(%run_scoped3A_309 : memref<!tpu.dma_semaphore, #tpu.memory_space<semaphore_mem>>) src(%arg13 : memref<128x16xf32, #tpu.memory_space<vmem>>) dst(%dma_wait3A_321 : memref<10112x16xf32, #tpu.memory_space<vmem_shared>>)
        tpu.yield
      }) : () -> ()
      "tpu.region"() ({
        %run_scoped3A_309 = tpu.sem_alloc : memref<!tpu.dma_semaphore, #tpu.memory_space<semaphore_mem>>
        %dma_start3A_310 = arith.constant 0 : i32
        %dma_start3A_311 = tpu.memref_slice %arg10[%add3A_198, %dma_start3A_310] : memref<80x128xi32, #tpu.memory_space<vmem>> -> memref<1x128xi32, #tpu.memory_space<vmem>>
        %dma_start3A_312 = tpu.memref_squeeze %dma_start3A_311 : memref<1x128xi32, #tpu.memory_space<vmem>> -> memref<128xi32, #tpu.memory_space<vmem>>
        %dma_start3A_313 = arith.constant 0 : i32
        %dma_start3A_314 = arith.constant 0 : i32
        %dma_start3A_315 = tpu.memref_slice %arg21[%dma_start3A_313, %dma_start3A_314] : memref<10112x16xf32, #tpu.memory_space<vmem_shared>> -> memref<10112x16xf32, #tpu.memory_space<vmem_shared>>
        tpu.enqueue_indirect_dma source(%arg19 : memref<128x16xf32, #tpu.memory_space<vmem>>) target(%dma_start3A_315 : memref<10112x16xf32, #tpu.memory_space<vmem_shared>>) offsets(%dma_start3A_312 : memref<128xi32, #tpu.memory_space<vmem>>) semaphore(%run_scoped3A_309 : memref<!tpu.dma_semaphore, #tpu.memory_space<semaphore_mem>>) {add = true}
        %dma_wait3A_316 = arith.constant 0 : i32
        %dma_wait3A_317 = tpu.memref_slice %arg10[%add3A_198, %dma_wait3A_316] : memref<80x128xi32, #tpu.memory_space<vmem>> -> memref<1x128xi32, #tpu.memory_space<vmem>>
        %dma_wait3A_318 = tpu.memref_squeeze %dma_wait3A_317 : memref<1x128xi32, #tpu.memory_space<vmem>> -> memref<128xi32, #tpu.memory_space<vmem>>
        %dma_wait3A_319 = arith.constant 0 : i32
        %dma_wait3A_320 = arith.constant 0 : i32
        %dma_wait3A_321 = tpu.memref_slice %arg21[%dma_wait3A_319, %dma_wait3A_320] : memref<10112x16xf32, #tpu.memory_space<vmem_shared>> -> memref<10112x16xf32, #tpu.memory_space<vmem_shared>>
        tpu.wait_indirect_dma semaphore(%run_scoped3A_309 : memref<!tpu.dma_semaphore, #tpu.memory_space<semaphore_mem>>) src(%arg19 : memref<128x16xf32, #tpu.memory_space<vmem>>) dst(%dma_wait3A_321 : memref<10112x16xf32, #tpu.memory_space<vmem_shared>>)
        tpu.yield
      }) : () -> ()
      %add3A_199 = arith.constant 8 : i32
      %add3A_200 = arith.addi %mul3A_148, %add3A_199 : i32
      %add3A_201 = arith.constant 2 : i32
      %add3A_202 = arith.addi %add3A_200, %add3A_201 : i32
      %dma_start3A_203 = arith.constant 0 : i32
      %dma_start3A_204 = tpu.memref_slice %arg9[%add3A_202, %dma_start3A_203] : memref<80x128xi32, #tpu.memory_space<vmem>> -> memref<1x128xi32, #tpu.memory_space<vmem>>
      %dma_start3A_205 = tpu.memref_squeeze %dma_start3A_204 : memref<1x128xi32, #tpu.memory_space<vmem>> -> memref<128xi32, #tpu.memory_space<vmem>>
      %dma_start3A_206 = arith.constant 0 : i32
      %dma_start3A_207 = arith.constant 0 : i32
      %dma_start3A_208 = tpu.memref_slice %arg2[%dma_start3A_206, %dma_start3A_207] : memref<10112x16xf32, #tpu.memory_space<hbm>> -> memref<10112x16xf32, #tpu.memory_space<hbm>>
      tpu.enqueue_indirect_dma source(%dma_start3A_208 : memref<10112x16xf32, #tpu.memory_space<hbm>>) target(%arg13 : memref<128x16xf32, #tpu.memory_space<vmem>>) offsets(%dma_start3A_205 : memref<128xi32, #tpu.memory_space<vmem>>) semaphore(%arg24 : memref<!tpu.dma_semaphore, #tpu.memory_space<semaphore_mem>>)
      %add3A_209 = arith.constant 3 : i32
      %add3A_210 = arith.addi %mul3A_148, %add3A_209 : i32
      %dma_wait3A_211 = arith.constant 0 : i32
      %dma_wait3A_212 = tpu.memref_slice %arg9[%add3A_210, %dma_wait3A_211] : memref<80x128xi32, #tpu.memory_space<vmem>> -> memref<1x128xi32, #tpu.memory_space<vmem>>
      %dma_wait3A_213 = tpu.memref_squeeze %dma_wait3A_212 : memref<1x128xi32, #tpu.memory_space<vmem>> -> memref<128xi32, #tpu.memory_space<vmem>>
      %dma_wait3A_214 = arith.constant 0 : i32
      %dma_wait3A_215 = arith.constant 0 : i32
      %dma_wait3A_216 = tpu.memref_slice %arg2[%dma_wait3A_214, %dma_wait3A_215] : memref<10112x16xf32, #tpu.memory_space<hbm>> -> memref<10112x16xf32, #tpu.memory_space<hbm>>
      tpu.wait_indirect_dma semaphore(%arg25 : memref<!tpu.dma_semaphore, #tpu.memory_space<semaphore_mem>>) src(%dma_wait3A_216 : memref<10112x16xf32, #tpu.memory_space<hbm>>) dst(%arg14 : memref<128x16xf32, #tpu.memory_space<vmem>>)
      %add3A_217 = arith.constant 3 : i32
      %add3A_218 = arith.addi %mul3A_148, %add3A_217 : i32
      "tpu.region"() ({
        %run_scoped3A_309 = tpu.sem_alloc : memref<!tpu.dma_semaphore, #tpu.memory_space<semaphore_mem>>
        %dma_start3A_310 = arith.constant 0 : i32
        %dma_start3A_311 = tpu.memref_slice %arg10[%add3A_218, %dma_start3A_310] : memref<80x128xi32, #tpu.memory_space<vmem>> -> memref<1x128xi32, #tpu.memory_space<vmem>>
        %dma_start3A_312 = tpu.memref_squeeze %dma_start3A_311 : memref<1x128xi32, #tpu.memory_space<vmem>> -> memref<128xi32, #tpu.memory_space<vmem>>
        %dma_start3A_313 = arith.constant 0 : i32
        %dma_start3A_314 = arith.constant 0 : i32
        %dma_start3A_315 = tpu.memref_slice %arg20[%dma_start3A_313, %dma_start3A_314] : memref<10112x16xf32, #tpu.memory_space<vmem_shared>> -> memref<10112x16xf32, #tpu.memory_space<vmem_shared>>
        tpu.enqueue_indirect_dma source(%arg14 : memref<128x16xf32, #tpu.memory_space<vmem>>) target(%dma_start3A_315 : memref<10112x16xf32, #tpu.memory_space<vmem_shared>>) offsets(%dma_start3A_312 : memref<128xi32, #tpu.memory_space<vmem>>) semaphore(%run_scoped3A_309 : memref<!tpu.dma_semaphore, #tpu.memory_space<semaphore_mem>>) {add = true}
        %dma_wait3A_316 = arith.constant 0 : i32
        %dma_wait3A_317 = tpu.memref_slice %arg10[%add3A_218, %dma_wait3A_316] : memref<80x128xi32, #tpu.memory_space<vmem>> -> memref<1x128xi32, #tpu.memory_space<vmem>>
        %dma_wait3A_318 = tpu.memref_squeeze %dma_wait3A_317 : memref<1x128xi32, #tpu.memory_space<vmem>> -> memref<128xi32, #tpu.memory_space<vmem>>
        %dma_wait3A_319 = arith.constant 0 : i32
        %dma_wait3A_320 = arith.constant 0 : i32
        %dma_wait3A_321 = tpu.memref_slice %arg20[%dma_wait3A_319, %dma_wait3A_320] : memref<10112x16xf32, #tpu.memory_space<vmem_shared>> -> memref<10112x16xf32, #tpu.memory_space<vmem_shared>>
        tpu.wait_indirect_dma semaphore(%run_scoped3A_309 : memref<!tpu.dma_semaphore, #tpu.memory_space<semaphore_mem>>) src(%arg14 : memref<128x16xf32, #tpu.memory_space<vmem>>) dst(%dma_wait3A_321 : memref<10112x16xf32, #tpu.memory_space<vmem_shared>>)
        tpu.yield
      }) : () -> ()
      "tpu.region"() ({
        %run_scoped3A_309 = tpu.sem_alloc : memref<!tpu.dma_semaphore, #tpu.memory_space<semaphore_mem>>
        %dma_start3A_310 = arith.constant 0 : i32
        %dma_start3A_311 = tpu.memref_slice %arg10[%add3A_218, %dma_start3A_310] : memref<80x128xi32, #tpu.memory_space<vmem>> -> memref<1x128xi32, #tpu.memory_space<vmem>>
        %dma_start3A_312 = tpu.memref_squeeze %dma_start3A_311 : memref<1x128xi32, #tpu.memory_space<vmem>> -> memref<128xi32, #tpu.memory_space<vmem>>
        %dma_start3A_313 = arith.constant 0 : i32
        %dma_start3A_314 = arith.constant 0 : i32
        %dma_start3A_315 = tpu.memref_slice %arg21[%dma_start3A_313, %dma_start3A_314] : memref<10112x16xf32, #tpu.memory_space<vmem_shared>> -> memref<10112x16xf32, #tpu.memory_space<vmem_shared>>
        tpu.enqueue_indirect_dma source(%arg19 : memref<128x16xf32, #tpu.memory_space<vmem>>) target(%dma_start3A_315 : memref<10112x16xf32, #tpu.memory_space<vmem_shared>>) offsets(%dma_start3A_312 : memref<128xi32, #tpu.memory_space<vmem>>) semaphore(%run_scoped3A_309 : memref<!tpu.dma_semaphore, #tpu.memory_space<semaphore_mem>>) {add = true}
        %dma_wait3A_316 = arith.constant 0 : i32
        %dma_wait3A_317 = tpu.memref_slice %arg10[%add3A_218, %dma_wait3A_316] : memref<80x128xi32, #tpu.memory_space<vmem>> -> memref<1x128xi32, #tpu.memory_space<vmem>>
        %dma_wait3A_318 = tpu.memref_squeeze %dma_wait3A_317 : memref<1x128xi32, #tpu.memory_space<vmem>> -> memref<128xi32, #tpu.memory_space<vmem>>
        %dma_wait3A_319 = arith.constant 0 : i32
        %dma_wait3A_320 = arith.constant 0 : i32
        %dma_wait3A_321 = tpu.memref_slice %arg21[%dma_wait3A_319, %dma_wait3A_320] : memref<10112x16xf32, #tpu.memory_space<vmem_shared>> -> memref<10112x16xf32, #tpu.memory_space<vmem_shared>>
        tpu.wait_indirect_dma semaphore(%run_scoped3A_309 : memref<!tpu.dma_semaphore, #tpu.memory_space<semaphore_mem>>) src(%arg19 : memref<128x16xf32, #tpu.memory_space<vmem>>) dst(%dma_wait3A_321 : memref<10112x16xf32, #tpu.memory_space<vmem_shared>>)
        tpu.yield
      }) : () -> ()
      %add3A_219 = arith.constant 8 : i32
      %add3A_220 = arith.addi %mul3A_148, %add3A_219 : i32
      %add3A_221 = arith.constant 3 : i32
      %add3A_222 = arith.addi %add3A_220, %add3A_221 : i32
      %dma_start3A_223 = arith.constant 0 : i32
      %dma_start3A_224 = tpu.memref_slice %arg9[%add3A_222, %dma_start3A_223] : memref<80x128xi32, #tpu.memory_space<vmem>> -> memref<1x128xi32, #tpu.memory_space<vmem>>
      %dma_start3A_225 = tpu.memref_squeeze %dma_start3A_224 : memref<1x128xi32, #tpu.memory_space<vmem>> -> memref<128xi32, #tpu.memory_space<vmem>>
      %dma_start3A_226 = arith.constant 0 : i32
      %dma_start3A_227 = arith.constant 0 : i32
      %dma_start3A_228 = tpu.memref_slice %arg2[%dma_start3A_226, %dma_start3A_227] : memref<10112x16xf32, #tpu.memory_space<hbm>> -> memref<10112x16xf32, #tpu.memory_space<hbm>>
      tpu.enqueue_indirect_dma source(%dma_start3A_228 : memref<10112x16xf32, #tpu.memory_space<hbm>>) target(%arg14 : memref<128x16xf32, #tpu.memory_space<vmem>>) offsets(%dma_start3A_225 : memref<128xi32, #tpu.memory_space<vmem>>) semaphore(%arg25 : memref<!tpu.dma_semaphore, #tpu.memory_space<semaphore_mem>>)
      %add3A_229 = arith.constant 4 : i32
      %add3A_230 = arith.addi %mul3A_148, %add3A_229 : i32
      %dma_wait3A_231 = arith.constant 0 : i32
      %dma_wait3A_232 = tpu.memref_slice %arg9[%add3A_230, %dma_wait3A_231] : memref<80x128xi32, #tpu.memory_space<vmem>> -> memref<1x128xi32, #tpu.memory_space<vmem>>
      %dma_wait3A_233 = tpu.memref_squeeze %dma_wait3A_232 : memref<1x128xi32, #tpu.memory_space<vmem>> -> memref<128xi32, #tpu.memory_space<vmem>>
      %dma_wait3A_234 = arith.constant 0 : i32
      %dma_wait3A_235 = arith.constant 0 : i32
      %dma_wait3A_236 = tpu.memref_slice %arg2[%dma_wait3A_234, %dma_wait3A_235] : memref<10112x16xf32, #tpu.memory_space<hbm>> -> memref<10112x16xf32, #tpu.memory_space<hbm>>
      tpu.wait_indirect_dma semaphore(%arg26 : memref<!tpu.dma_semaphore, #tpu.memory_space<semaphore_mem>>) src(%dma_wait3A_236 : memref<10112x16xf32, #tpu.memory_space<hbm>>) dst(%arg15 : memref<128x16xf32, #tpu.memory_space<vmem>>)
      %add3A_237 = arith.constant 4 : i32
      %add3A_238 = arith.addi %mul3A_148, %add3A_237 : i32
      "tpu.region"() ({
        %run_scoped3A_309 = tpu.sem_alloc : memref<!tpu.dma_semaphore, #tpu.memory_space<semaphore_mem>>
        %dma_start3A_310 = arith.constant 0 : i32
        %dma_start3A_311 = tpu.memref_slice %arg10[%add3A_238, %dma_start3A_310] : memref<80x128xi32, #tpu.memory_space<vmem>> -> memref<1x128xi32, #tpu.memory_space<vmem>>
        %dma_start3A_312 = tpu.memref_squeeze %dma_start3A_311 : memref<1x128xi32, #tpu.memory_space<vmem>> -> memref<128xi32, #tpu.memory_space<vmem>>
        %dma_start3A_313 = arith.constant 0 : i32
        %dma_start3A_314 = arith.constant 0 : i32
        %dma_start3A_315 = tpu.memref_slice %arg20[%dma_start3A_313, %dma_start3A_314] : memref<10112x16xf32, #tpu.memory_space<vmem_shared>> -> memref<10112x16xf32, #tpu.memory_space<vmem_shared>>
        tpu.enqueue_indirect_dma source(%arg15 : memref<128x16xf32, #tpu.memory_space<vmem>>) target(%dma_start3A_315 : memref<10112x16xf32, #tpu.memory_space<vmem_shared>>) offsets(%dma_start3A_312 : memref<128xi32, #tpu.memory_space<vmem>>) semaphore(%run_scoped3A_309 : memref<!tpu.dma_semaphore, #tpu.memory_space<semaphore_mem>>) {add = true}
        %dma_wait3A_316 = arith.constant 0 : i32
        %dma_wait3A_317 = tpu.memref_slice %arg10[%add3A_238, %dma_wait3A_316] : memref<80x128xi32, #tpu.memory_space<vmem>> -> memref<1x128xi32, #tpu.memory_space<vmem>>
        %dma_wait3A_318 = tpu.memref_squeeze %dma_wait3A_317 : memref<1x128xi32, #tpu.memory_space<vmem>> -> memref<128xi32, #tpu.memory_space<vmem>>
        %dma_wait3A_319 = arith.constant 0 : i32
        %dma_wait3A_320 = arith.constant 0 : i32
        %dma_wait3A_321 = tpu.memref_slice %arg20[%dma_wait3A_319, %dma_wait3A_320] : memref<10112x16xf32, #tpu.memory_space<vmem_shared>> -> memref<10112x16xf32, #tpu.memory_space<vmem_shared>>
        tpu.wait_indirect_dma semaphore(%run_scoped3A_309 : memref<!tpu.dma_semaphore, #tpu.memory_space<semaphore_mem>>) src(%arg15 : memref<128x16xf32, #tpu.memory_space<vmem>>) dst(%dma_wait3A_321 : memref<10112x16xf32, #tpu.memory_space<vmem_shared>>)
        tpu.yield
      }) : () -> ()
      "tpu.region"() ({
        %run_scoped3A_309 = tpu.sem_alloc : memref<!tpu.dma_semaphore, #tpu.memory_space<semaphore_mem>>
        %dma_start3A_310 = arith.constant 0 : i32
        %dma_start3A_311 = tpu.memref_slice %arg10[%add3A_238, %dma_start3A_310] : memref<80x128xi32, #tpu.memory_space<vmem>> -> memref<1x128xi32, #tpu.memory_space<vmem>>
        %dma_start3A_312 = tpu.memref_squeeze %dma_start3A_311 : memref<1x128xi32, #tpu.memory_space<vmem>> -> memref<128xi32, #tpu.memory_space<vmem>>
        %dma_start3A_313 = arith.constant 0 : i32
        %dma_start3A_314 = arith.constant 0 : i32
        %dma_start3A_315 = tpu.memref_slice %arg21[%dma_start3A_313, %dma_start3A_314] : memref<10112x16xf32, #tpu.memory_space<vmem_shared>> -> memref<10112x16xf32, #tpu.memory_space<vmem_shared>>
        tpu.enqueue_indirect_dma source(%arg19 : memref<128x16xf32, #tpu.memory_space<vmem>>) target(%dma_start3A_315 : memref<10112x16xf32, #tpu.memory_space<vmem_shared>>) offsets(%dma_start3A_312 : memref<128xi32, #tpu.memory_space<vmem>>) semaphore(%run_scoped3A_309 : memref<!tpu.dma_semaphore, #tpu.memory_space<semaphore_mem>>) {add = true}
        %dma_wait3A_316 = arith.constant 0 : i32
        %dma_wait3A_317 = tpu.memref_slice %arg10[%add3A_238, %dma_wait3A_316] : memref<80x128xi32, #tpu.memory_space<vmem>> -> memref<1x128xi32, #tpu.memory_space<vmem>>
        %dma_wait3A_318 = tpu.memref_squeeze %dma_wait3A_317 : memref<1x128xi32, #tpu.memory_space<vmem>> -> memref<128xi32, #tpu.memory_space<vmem>>
        %dma_wait3A_319 = arith.constant 0 : i32
        %dma_wait3A_320 = arith.constant 0 : i32
        %dma_wait3A_321 = tpu.memref_slice %arg21[%dma_wait3A_319, %dma_wait3A_320] : memref<10112x16xf32, #tpu.memory_space<vmem_shared>> -> memref<10112x16xf32, #tpu.memory_space<vmem_shared>>
        tpu.wait_indirect_dma semaphore(%run_scoped3A_309 : memref<!tpu.dma_semaphore, #tpu.memory_space<semaphore_mem>>) src(%arg19 : memref<128x16xf32, #tpu.memory_space<vmem>>) dst(%dma_wait3A_321 : memref<10112x16xf32, #tpu.memory_space<vmem_shared>>)
        tpu.yield
      }) : () -> ()
      %add3A_239 = arith.constant 8 : i32
      %add3A_240 = arith.addi %mul3A_148, %add3A_239 : i32
      %add3A_241 = arith.constant 4 : i32
      %add3A_242 = arith.addi %add3A_240, %add3A_241 : i32
      %dma_start3A_243 = arith.constant 0 : i32
      %dma_start3A_244 = tpu.memref_slice %arg9[%add3A_242, %dma_start3A_243] : memref<80x128xi32, #tpu.memory_space<vmem>> -> memref<1x128xi32, #tpu.memory_space<vmem>>
      %dma_start3A_245 = tpu.memref_squeeze %dma_start3A_244 : memref<1x128xi32, #tpu.memory_space<vmem>> -> memref<128xi32, #tpu.memory_space<vmem>>
      %dma_start3A_246 = arith.constant 0 : i32
      %dma_start3A_247 = arith.constant 0 : i32
      %dma_start3A_248 = tpu.memref_slice %arg2[%dma_start3A_246, %dma_start3A_247] : memref<10112x16xf32, #tpu.memory_space<hbm>> -> memref<10112x16xf32, #tpu.memory_space<hbm>>
      tpu.enqueue_indirect_dma source(%dma_start3A_248 : memref<10112x16xf32, #tpu.memory_space<hbm>>) target(%arg15 : memref<128x16xf32, #tpu.memory_space<vmem>>) offsets(%dma_start3A_245 : memref<128xi32, #tpu.memory_space<vmem>>) semaphore(%arg26 : memref<!tpu.dma_semaphore, #tpu.memory_space<semaphore_mem>>)
      %add3A_249 = arith.constant 5 : i32
      %add3A_250 = arith.addi %mul3A_148, %add3A_249 : i32
      %dma_wait3A_251 = arith.constant 0 : i32
      %dma_wait3A_252 = tpu.memref_slice %arg9[%add3A_250, %dma_wait3A_251] : memref<80x128xi32, #tpu.memory_space<vmem>> -> memref<1x128xi32, #tpu.memory_space<vmem>>
      %dma_wait3A_253 = tpu.memref_squeeze %dma_wait3A_252 : memref<1x128xi32, #tpu.memory_space<vmem>> -> memref<128xi32, #tpu.memory_space<vmem>>
      %dma_wait3A_254 = arith.constant 0 : i32
      %dma_wait3A_255 = arith.constant 0 : i32
      %dma_wait3A_256 = tpu.memref_slice %arg2[%dma_wait3A_254, %dma_wait3A_255] : memref<10112x16xf32, #tpu.memory_space<hbm>> -> memref<10112x16xf32, #tpu.memory_space<hbm>>
      tpu.wait_indirect_dma semaphore(%arg27 : memref<!tpu.dma_semaphore, #tpu.memory_space<semaphore_mem>>) src(%dma_wait3A_256 : memref<10112x16xf32, #tpu.memory_space<hbm>>) dst(%arg16 : memref<128x16xf32, #tpu.memory_space<vmem>>)
      %add3A_257 = arith.constant 5 : i32
      %add3A_258 = arith.addi %mul3A_148, %add3A_257 : i32
      "tpu.region"() ({
        %run_scoped3A_309 = tpu.sem_alloc : memref<!tpu.dma_semaphore, #tpu.memory_space<semaphore_mem>>
        %dma_start3A_310 = arith.constant 0 : i32
        %dma_start3A_311 = tpu.memref_slice %arg10[%add3A_258, %dma_start3A_310] : memref<80x128xi32, #tpu.memory_space<vmem>> -> memref<1x128xi32, #tpu.memory_space<vmem>>
        %dma_start3A_312 = tpu.memref_squeeze %dma_start3A_311 : memref<1x128xi32, #tpu.memory_space<vmem>> -> memref<128xi32, #tpu.memory_space<vmem>>
        %dma_start3A_313 = arith.constant 0 : i32
        %dma_start3A_314 = arith.constant 0 : i32
        %dma_start3A_315 = tpu.memref_slice %arg20[%dma_start3A_313, %dma_start3A_314] : memref<10112x16xf32, #tpu.memory_space<vmem_shared>> -> memref<10112x16xf32, #tpu.memory_space<vmem_shared>>
        tpu.enqueue_indirect_dma source(%arg16 : memref<128x16xf32, #tpu.memory_space<vmem>>) target(%dma_start3A_315 : memref<10112x16xf32, #tpu.memory_space<vmem_shared>>) offsets(%dma_start3A_312 : memref<128xi32, #tpu.memory_space<vmem>>) semaphore(%run_scoped3A_309 : memref<!tpu.dma_semaphore, #tpu.memory_space<semaphore_mem>>) {add = true}
        %dma_wait3A_316 = arith.constant 0 : i32
        %dma_wait3A_317 = tpu.memref_slice %arg10[%add3A_258, %dma_wait3A_316] : memref<80x128xi32, #tpu.memory_space<vmem>> -> memref<1x128xi32, #tpu.memory_space<vmem>>
        %dma_wait3A_318 = tpu.memref_squeeze %dma_wait3A_317 : memref<1x128xi32, #tpu.memory_space<vmem>> -> memref<128xi32, #tpu.memory_space<vmem>>
        %dma_wait3A_319 = arith.constant 0 : i32
        %dma_wait3A_320 = arith.constant 0 : i32
        %dma_wait3A_321 = tpu.memref_slice %arg20[%dma_wait3A_319, %dma_wait3A_320] : memref<10112x16xf32, #tpu.memory_space<vmem_shared>> -> memref<10112x16xf32, #tpu.memory_space<vmem_shared>>
        tpu.wait_indirect_dma semaphore(%run_scoped3A_309 : memref<!tpu.dma_semaphore, #tpu.memory_space<semaphore_mem>>) src(%arg16 : memref<128x16xf32, #tpu.memory_space<vmem>>) dst(%dma_wait3A_321 : memref<10112x16xf32, #tpu.memory_space<vmem_shared>>)
        tpu.yield
      }) : () -> ()
      "tpu.region"() ({
        %run_scoped3A_309 = tpu.sem_alloc : memref<!tpu.dma_semaphore, #tpu.memory_space<semaphore_mem>>
        %dma_start3A_310 = arith.constant 0 : i32
        %dma_start3A_311 = tpu.memref_slice %arg10[%add3A_258, %dma_start3A_310] : memref<80x128xi32, #tpu.memory_space<vmem>> -> memref<1x128xi32, #tpu.memory_space<vmem>>
        %dma_start3A_312 = tpu.memref_squeeze %dma_start3A_311 : memref<1x128xi32, #tpu.memory_space<vmem>> -> memref<128xi32, #tpu.memory_space<vmem>>
        %dma_start3A_313 = arith.constant 0 : i32
        %dma_start3A_314 = arith.constant 0 : i32
        %dma_start3A_315 = tpu.memref_slice %arg21[%dma_start3A_313, %dma_start3A_314] : memref<10112x16xf32, #tpu.memory_space<vmem_shared>> -> memref<10112x16xf32, #tpu.memory_space<vmem_shared>>
        tpu.enqueue_indirect_dma source(%arg19 : memref<128x16xf32, #tpu.memory_space<vmem>>) target(%dma_start3A_315 : memref<10112x16xf32, #tpu.memory_space<vmem_shared>>) offsets(%dma_start3A_312 : memref<128xi32, #tpu.memory_space<vmem>>) semaphore(%run_scoped3A_309 : memref<!tpu.dma_semaphore, #tpu.memory_space<semaphore_mem>>) {add = true}
        %dma_wait3A_316 = arith.constant 0 : i32
        %dma_wait3A_317 = tpu.memref_slice %arg10[%add3A_258, %dma_wait3A_316] : memref<80x128xi32, #tpu.memory_space<vmem>> -> memref<1x128xi32, #tpu.memory_space<vmem>>
        %dma_wait3A_318 = tpu.memref_squeeze %dma_wait3A_317 : memref<1x128xi32, #tpu.memory_space<vmem>> -> memref<128xi32, #tpu.memory_space<vmem>>
        %dma_wait3A_319 = arith.constant 0 : i32
        %dma_wait3A_320 = arith.constant 0 : i32
        %dma_wait3A_321 = tpu.memref_slice %arg21[%dma_wait3A_319, %dma_wait3A_320] : memref<10112x16xf32, #tpu.memory_space<vmem_shared>> -> memref<10112x16xf32, #tpu.memory_space<vmem_shared>>
        tpu.wait_indirect_dma semaphore(%run_scoped3A_309 : memref<!tpu.dma_semaphore, #tpu.memory_space<semaphore_mem>>) src(%arg19 : memref<128x16xf32, #tpu.memory_space<vmem>>) dst(%dma_wait3A_321 : memref<10112x16xf32, #tpu.memory_space<vmem_shared>>)
        tpu.yield
      }) : () -> ()
      %add3A_259 = arith.constant 8 : i32
      %add3A_260 = arith.addi %mul3A_148, %add3A_259 : i32
      %add3A_261 = arith.constant 5 : i32
      %add3A_262 = arith.addi %add3A_260, %add3A_261 : i32
      %dma_start3A_263 = arith.constant 0 : i32
      %dma_start3A_264 = tpu.memref_slice %arg9[%add3A_262, %dma_start3A_263] : memref<80x128xi32, #tpu.memory_space<vmem>> -> memref<1x128xi32, #tpu.memory_space<vmem>>
      %dma_start3A_265 = tpu.memref_squeeze %dma_start3A_264 : memref<1x128xi32, #tpu.memory_space<vmem>> -> memref<128xi32, #tpu.memory_space<vmem>>
      %dma_start3A_266 = arith.constant 0 : i32
      %dma_start3A_267 = arith.constant 0 : i32
      %dma_start3A_268 = tpu.memref_slice %arg2[%dma_start3A_266, %dma_start3A_267] : memref<10112x16xf32, #tpu.memory_space<hbm>> -> memref<10112x16xf32, #tpu.memory_space<hbm>>
      tpu.enqueue_indirect_dma source(%dma_start3A_268 : memref<10112x16xf32, #tpu.memory_space<hbm>>) target(%arg16 : memref<128x16xf32, #tpu.memory_space<vmem>>) offsets(%dma_start3A_265 : memref<128xi32, #tpu.memory_space<vmem>>) semaphore(%arg27 : memref<!tpu.dma_semaphore, #tpu.memory_space<semaphore_mem>>)
      %add3A_269 = arith.constant 6 : i32
      %add3A_270 = arith.addi %mul3A_148, %add3A_269 : i32
      %dma_wait3A_271 = arith.constant 0 : i32
      %dma_wait3A_272 = tpu.memref_slice %arg9[%add3A_270, %dma_wait3A_271] : memref<80x128xi32, #tpu.memory_space<vmem>> -> memref<1x128xi32, #tpu.memory_space<vmem>>
      %dma_wait3A_273 = tpu.memref_squeeze %dma_wait3A_272 : memref<1x128xi32, #tpu.memory_space<vmem>> -> memref<128xi32, #tpu.memory_space<vmem>>
      %dma_wait3A_274 = arith.constant 0 : i32
      %dma_wait3A_275 = arith.constant 0 : i32
      %dma_wait3A_276 = tpu.memref_slice %arg2[%dma_wait3A_274, %dma_wait3A_275] : memref<10112x16xf32, #tpu.memory_space<hbm>> -> memref<10112x16xf32, #tpu.memory_space<hbm>>
      tpu.wait_indirect_dma semaphore(%arg28 : memref<!tpu.dma_semaphore, #tpu.memory_space<semaphore_mem>>) src(%dma_wait3A_276 : memref<10112x16xf32, #tpu.memory_space<hbm>>) dst(%arg17 : memref<128x16xf32, #tpu.memory_space<vmem>>)
      %add3A_277 = arith.constant 6 : i32
      %add3A_278 = arith.addi %mul3A_148, %add3A_277 : i32
      "tpu.region"() ({
        %run_scoped3A_309 = tpu.sem_alloc : memref<!tpu.dma_semaphore, #tpu.memory_space<semaphore_mem>>
        %dma_start3A_310 = arith.constant 0 : i32
        %dma_start3A_311 = tpu.memref_slice %arg10[%add3A_278, %dma_start3A_310] : memref<80x128xi32, #tpu.memory_space<vmem>> -> memref<1x128xi32, #tpu.memory_space<vmem>>
        %dma_start3A_312 = tpu.memref_squeeze %dma_start3A_311 : memref<1x128xi32, #tpu.memory_space<vmem>> -> memref<128xi32, #tpu.memory_space<vmem>>
        %dma_start3A_313 = arith.constant 0 : i32
        %dma_start3A_314 = arith.constant 0 : i32
        %dma_start3A_315 = tpu.memref_slice %arg20[%dma_start3A_313, %dma_start3A_314] : memref<10112x16xf32, #tpu.memory_space<vmem_shared>> -> memref<10112x16xf32, #tpu.memory_space<vmem_shared>>
        tpu.enqueue_indirect_dma source(%arg17 : memref<128x16xf32, #tpu.memory_space<vmem>>) target(%dma_start3A_315 : memref<10112x16xf32, #tpu.memory_space<vmem_shared>>) offsets(%dma_start3A_312 : memref<128xi32, #tpu.memory_space<vmem>>) semaphore(%run_scoped3A_309 : memref<!tpu.dma_semaphore, #tpu.memory_space<semaphore_mem>>) {add = true}
        %dma_wait3A_316 = arith.constant 0 : i32
        %dma_wait3A_317 = tpu.memref_slice %arg10[%add3A_278, %dma_wait3A_316] : memref<80x128xi32, #tpu.memory_space<vmem>> -> memref<1x128xi32, #tpu.memory_space<vmem>>
        %dma_wait3A_318 = tpu.memref_squeeze %dma_wait3A_317 : memref<1x128xi32, #tpu.memory_space<vmem>> -> memref<128xi32, #tpu.memory_space<vmem>>
        %dma_wait3A_319 = arith.constant 0 : i32
        %dma_wait3A_320 = arith.constant 0 : i32
        %dma_wait3A_321 = tpu.memref_slice %arg20[%dma_wait3A_319, %dma_wait3A_320] : memref<10112x16xf32, #tpu.memory_space<vmem_shared>> -> memref<10112x16xf32, #tpu.memory_space<vmem_shared>>
        tpu.wait_indirect_dma semaphore(%run_scoped3A_309 : memref<!tpu.dma_semaphore, #tpu.memory_space<semaphore_mem>>) src(%arg17 : memref<128x16xf32, #tpu.memory_space<vmem>>) dst(%dma_wait3A_321 : memref<10112x16xf32, #tpu.memory_space<vmem_shared>>)
        tpu.yield
      }) : () -> ()
      "tpu.region"() ({
        %run_scoped3A_309 = tpu.sem_alloc : memref<!tpu.dma_semaphore, #tpu.memory_space<semaphore_mem>>
        %dma_start3A_310 = arith.constant 0 : i32
        %dma_start3A_311 = tpu.memref_slice %arg10[%add3A_278, %dma_start3A_310] : memref<80x128xi32, #tpu.memory_space<vmem>> -> memref<1x128xi32, #tpu.memory_space<vmem>>
        %dma_start3A_312 = tpu.memref_squeeze %dma_start3A_311 : memref<1x128xi32, #tpu.memory_space<vmem>> -> memref<128xi32, #tpu.memory_space<vmem>>
        %dma_start3A_313 = arith.constant 0 : i32
        %dma_start3A_314 = arith.constant 0 : i32
        %dma_start3A_315 = tpu.memref_slice %arg21[%dma_start3A_313, %dma_start3A_314] : memref<10112x16xf32, #tpu.memory_space<vmem_shared>> -> memref<10112x16xf32, #tpu.memory_space<vmem_shared>>
        tpu.enqueue_indirect_dma source(%arg19 : memref<128x16xf32, #tpu.memory_space<vmem>>) target(%dma_start3A_315 : memref<10112x16xf32, #tpu.memory_space<vmem_shared>>) offsets(%dma_start3A_312 : memref<128xi32, #tpu.memory_space<vmem>>) semaphore(%run_scoped3A_309 : memref<!tpu.dma_semaphore, #tpu.memory_space<semaphore_mem>>) {add = true}
        %dma_wait3A_316 = arith.constant 0 : i32
        %dma_wait3A_317 = tpu.memref_slice %arg10[%add3A_278, %dma_wait3A_316] : memref<80x128xi32, #tpu.memory_space<vmem>> -> memref<1x128xi32, #tpu.memory_space<vmem>>
        %dma_wait3A_318 = tpu.memref_squeeze %dma_wait3A_317 : memref<1x128xi32, #tpu.memory_space<vmem>> -> memref<128xi32, #tpu.memory_space<vmem>>
        %dma_wait3A_319 = arith.constant 0 : i32
        %dma_wait3A_320 = arith.constant 0 : i32
        %dma_wait3A_321 = tpu.memref_slice %arg21[%dma_wait3A_319, %dma_wait3A_320] : memref<10112x16xf32, #tpu.memory_space<vmem_shared>> -> memref<10112x16xf32, #tpu.memory_space<vmem_shared>>
        tpu.wait_indirect_dma semaphore(%run_scoped3A_309 : memref<!tpu.dma_semaphore, #tpu.memory_space<semaphore_mem>>) src(%arg19 : memref<128x16xf32, #tpu.memory_space<vmem>>) dst(%dma_wait3A_321 : memref<10112x16xf32, #tpu.memory_space<vmem_shared>>)
        tpu.yield
      }) : () -> ()
      %add3A_279 = arith.constant 8 : i32
      %add3A_280 = arith.addi %mul3A_148, %add3A_279 : i32
      %add3A_281 = arith.constant 6 : i32
      %add3A_282 = arith.addi %add3A_280, %add3A_281 : i32
      %dma_start3A_283 = arith.constant 0 : i32
      %dma_start3A_284 = tpu.memref_slice %arg9[%add3A_282, %dma_start3A_283] : memref<80x128xi32, #tpu.memory_space<vmem>> -> memref<1x128xi32, #tpu.memory_space<vmem>>
      %dma_start3A_285 = tpu.memref_squeeze %dma_start3A_284 : memref<1x128xi32, #tpu.memory_space<vmem>> -> memref<128xi32, #tpu.memory_space<vmem>>
      %dma_start3A_286 = arith.constant 0 : i32
      %dma_start3A_287 = arith.constant 0 : i32
      %dma_start3A_288 = tpu.memref_slice %arg2[%dma_start3A_286, %dma_start3A_287] : memref<10112x16xf32, #tpu.memory_space<hbm>> -> memref<10112x16xf32, #tpu.memory_space<hbm>>
      tpu.enqueue_indirect_dma source(%dma_start3A_288 : memref<10112x16xf32, #tpu.memory_space<hbm>>) target(%arg17 : memref<128x16xf32, #tpu.memory_space<vmem>>) offsets(%dma_start3A_285 : memref<128xi32, #tpu.memory_space<vmem>>) semaphore(%arg28 : memref<!tpu.dma_semaphore, #tpu.memory_space<semaphore_mem>>)
      %add3A_289 = arith.constant 7 : i32
      %add3A_290 = arith.addi %mul3A_148, %add3A_289 : i32
      %dma_wait3A_291 = arith.constant 0 : i32
      %dma_wait3A_292 = tpu.memref_slice %arg9[%add3A_290, %dma_wait3A_291] : memref<80x128xi32, #tpu.memory_space<vmem>> -> memref<1x128xi32, #tpu.memory_space<vmem>>
      %dma_wait3A_293 = tpu.memref_squeeze %dma_wait3A_292 : memref<1x128xi32, #tpu.memory_space<vmem>> -> memref<128xi32, #tpu.memory_space<vmem>>
      %dma_wait3A_294 = arith.constant 0 : i32
      %dma_wait3A_295 = arith.constant 0 : i32
      %dma_wait3A_296 = tpu.memref_slice %arg2[%dma_wait3A_294, %dma_wait3A_295] : memref<10112x16xf32, #tpu.memory_space<hbm>> -> memref<10112x16xf32, #tpu.memory_space<hbm>>
      tpu.wait_indirect_dma semaphore(%arg29 : memref<!tpu.dma_semaphore, #tpu.memory_space<semaphore_mem>>) src(%dma_wait3A_296 : memref<10112x16xf32, #tpu.memory_space<hbm>>) dst(%arg18 : memref<128x16xf32, #tpu.memory_space<vmem>>)
      %add3A_297 = arith.constant 7 : i32
      %add3A_298 = arith.addi %mul3A_148, %add3A_297 : i32
      "tpu.region"() ({
        %run_scoped3A_309 = tpu.sem_alloc : memref<!tpu.dma_semaphore, #tpu.memory_space<semaphore_mem>>
        %dma_start3A_310 = arith.constant 0 : i32
        %dma_start3A_311 = tpu.memref_slice %arg10[%add3A_298, %dma_start3A_310] : memref<80x128xi32, #tpu.memory_space<vmem>> -> memref<1x128xi32, #tpu.memory_space<vmem>>
        %dma_start3A_312 = tpu.memref_squeeze %dma_start3A_311 : memref<1x128xi32, #tpu.memory_space<vmem>> -> memref<128xi32, #tpu.memory_space<vmem>>
        %dma_start3A_313 = arith.constant 0 : i32
        %dma_start3A_314 = arith.constant 0 : i32
        %dma_start3A_315 = tpu.memref_slice %arg20[%dma_start3A_313, %dma_start3A_314] : memref<10112x16xf32, #tpu.memory_space<vmem_shared>> -> memref<10112x16xf32, #tpu.memory_space<vmem_shared>>
        tpu.enqueue_indirect_dma source(%arg18 : memref<128x16xf32, #tpu.memory_space<vmem>>) target(%dma_start3A_315 : memref<10112x16xf32, #tpu.memory_space<vmem_shared>>) offsets(%dma_start3A_312 : memref<128xi32, #tpu.memory_space<vmem>>) semaphore(%run_scoped3A_309 : memref<!tpu.dma_semaphore, #tpu.memory_space<semaphore_mem>>) {add = true}
        %dma_wait3A_316 = arith.constant 0 : i32
        %dma_wait3A_317 = tpu.memref_slice %arg10[%add3A_298, %dma_wait3A_316] : memref<80x128xi32, #tpu.memory_space<vmem>> -> memref<1x128xi32, #tpu.memory_space<vmem>>
        %dma_wait3A_318 = tpu.memref_squeeze %dma_wait3A_317 : memref<1x128xi32, #tpu.memory_space<vmem>> -> memref<128xi32, #tpu.memory_space<vmem>>
        %dma_wait3A_319 = arith.constant 0 : i32
        %dma_wait3A_320 = arith.constant 0 : i32
        %dma_wait3A_321 = tpu.memref_slice %arg20[%dma_wait3A_319, %dma_wait3A_320] : memref<10112x16xf32, #tpu.memory_space<vmem_shared>> -> memref<10112x16xf32, #tpu.memory_space<vmem_shared>>
        tpu.wait_indirect_dma semaphore(%run_scoped3A_309 : memref<!tpu.dma_semaphore, #tpu.memory_space<semaphore_mem>>) src(%arg18 : memref<128x16xf32, #tpu.memory_space<vmem>>) dst(%dma_wait3A_321 : memref<10112x16xf32, #tpu.memory_space<vmem_shared>>)
        tpu.yield
      }) : () -> ()
      "tpu.region"() ({
        %run_scoped3A_309 = tpu.sem_alloc : memref<!tpu.dma_semaphore, #tpu.memory_space<semaphore_mem>>
        %dma_start3A_310 = arith.constant 0 : i32
        %dma_start3A_311 = tpu.memref_slice %arg10[%add3A_298, %dma_start3A_310] : memref<80x128xi32, #tpu.memory_space<vmem>> -> memref<1x128xi32, #tpu.memory_space<vmem>>
        %dma_start3A_312 = tpu.memref_squeeze %dma_start3A_311 : memref<1x128xi32, #tpu.memory_space<vmem>> -> memref<128xi32, #tpu.memory_space<vmem>>
        %dma_start3A_313 = arith.constant 0 : i32
        %dma_start3A_314 = arith.constant 0 : i32
        %dma_start3A_315 = tpu.memref_slice %arg21[%dma_start3A_313, %dma_start3A_314] : memref<10112x16xf32, #tpu.memory_space<vmem_shared>> -> memref<10112x16xf32, #tpu.memory_space<vmem_shared>>
        tpu.enqueue_indirect_dma source(%arg19 : memref<128x16xf32, #tpu.memory_space<vmem>>) target(%dma_start3A_315 : memref<10112x16xf32, #tpu.memory_space<vmem_shared>>) offsets(%dma_start3A_312 : memref<128xi32, #tpu.memory_space<vmem>>) semaphore(%run_scoped3A_309 : memref<!tpu.dma_semaphore, #tpu.memory_space<semaphore_mem>>) {add = true}
        %dma_wait3A_316 = arith.constant 0 : i32
        %dma_wait3A_317 = tpu.memref_slice %arg10[%add3A_298, %dma_wait3A_316] : memref<80x128xi32, #tpu.memory_space<vmem>> -> memref<1x128xi32, #tpu.memory_space<vmem>>
        %dma_wait3A_318 = tpu.memref_squeeze %dma_wait3A_317 : memref<1x128xi32, #tpu.memory_space<vmem>> -> memref<128xi32, #tpu.memory_space<vmem>>
        %dma_wait3A_319 = arith.constant 0 : i32
        %dma_wait3A_320 = arith.constant 0 : i32
        %dma_wait3A_321 = tpu.memref_slice %arg21[%dma_wait3A_319, %dma_wait3A_320] : memref<10112x16xf32, #tpu.memory_space<vmem_shared>> -> memref<10112x16xf32, #tpu.memory_space<vmem_shared>>
        tpu.wait_indirect_dma semaphore(%run_scoped3A_309 : memref<!tpu.dma_semaphore, #tpu.memory_space<semaphore_mem>>) src(%arg19 : memref<128x16xf32, #tpu.memory_space<vmem>>) dst(%dma_wait3A_321 : memref<10112x16xf32, #tpu.memory_space<vmem_shared>>)
        tpu.yield
      }) : () -> ()
      %add3A_299 = arith.constant 8 : i32
      %add3A_300 = arith.addi %mul3A_148, %add3A_299 : i32
      %add3A_301 = arith.constant 7 : i32
      %add3A_302 = arith.addi %add3A_300, %add3A_301 : i32
      %dma_start3A_303 = arith.constant 0 : i32
      %dma_start3A_304 = tpu.memref_slice %arg9[%add3A_302, %dma_start3A_303] : memref<80x128xi32, #tpu.memory_space<vmem>> -> memref<1x128xi32, #tpu.memory_space<vmem>>
      %dma_start3A_305 = tpu.memref_squeeze %dma_start3A_304 : memref<1x128xi32, #tpu.memory_space<vmem>> -> memref<128xi32, #tpu.memory_space<vmem>>
      %dma_start3A_306 = arith.constant 0 : i32
      %dma_start3A_307 = arith.constant 0 : i32
      %dma_start3A_308 = tpu.memref_slice %arg2[%dma_start3A_306, %dma_start3A_307] : memref<10112x16xf32, #tpu.memory_space<hbm>> -> memref<10112x16xf32, #tpu.memory_space<hbm>>
      tpu.enqueue_indirect_dma source(%dma_start3A_308 : memref<10112x16xf32, #tpu.memory_space<hbm>>) target(%arg18 : memref<128x16xf32, #tpu.memory_space<vmem>>) offsets(%dma_start3A_305 : memref<128xi32, #tpu.memory_space<vmem>>) semaphore(%arg29 : memref<!tpu.dma_semaphore, #tpu.memory_space<semaphore_mem>>)
    }
    %scan3A_73 = arith.constant 9 : i32
    %dma_wait3A = arith.constant 72 : i32
    %dma_wait3A_74 = arith.constant 0 : i32
    %dma_wait3A_75 = tpu.memref_slice %arg9[%dma_wait3A, %dma_wait3A_74] : memref<80x128xi32, #tpu.memory_space<vmem>> -> memref<1x128xi32, #tpu.memory_space<vmem>>
    %dma_wait3A_76 = tpu.memref_squeeze %dma_wait3A_75 : memref<1x128xi32, #tpu.memory_space<vmem>> -> memref<128xi32, #tpu.memory_space<vmem>>
    %dma_wait3A_77 = arith.constant 0 : i32
    %dma_wait3A_78 = arith.constant 0 : i32
    %dma_wait3A_79 = tpu.memref_slice %arg2[%dma_wait3A_77, %dma_wait3A_78] : memref<10112x16xf32, #tpu.memory_space<hbm>> -> memref<10112x16xf32, #tpu.memory_space<hbm>>
    tpu.wait_indirect_dma semaphore(%arg22 : memref<!tpu.dma_semaphore, #tpu.memory_space<semaphore_mem>>) src(%dma_wait3A_79 : memref<10112x16xf32, #tpu.memory_space<hbm>>) dst(%arg11 : memref<128x16xf32, #tpu.memory_space<vmem>>)
    %run_scoped3A_80 = arith.constant 72 : i32
    "tpu.region"() ({
      %run_scoped3A_146 = tpu.sem_alloc : memref<!tpu.dma_semaphore, #tpu.memory_space<semaphore_mem>>
      %dma_start3A_147 = arith.constant 0 : i32
      %dma_start3A_148 = tpu.memref_slice %arg10[%run_scoped3A_80, %dma_start3A_147] : memref<80x128xi32, #tpu.memory_space<vmem>> -> memref<1x128xi32, #tpu.memory_space<vmem>>
      %dma_start3A_149 = tpu.memref_squeeze %dma_start3A_148 : memref<1x128xi32, #tpu.memory_space<vmem>> -> memref<128xi32, #tpu.memory_space<vmem>>
      %dma_start3A_150 = arith.constant 0 : i32
      %dma_start3A_151 = arith.constant 0 : i32
      %dma_start3A_152 = tpu.memref_slice %arg20[%dma_start3A_150, %dma_start3A_151] : memref<10112x16xf32, #tpu.memory_space<vmem_shared>> -> memref<10112x16xf32, #tpu.memory_space<vmem_shared>>
      tpu.enqueue_indirect_dma source(%arg11 : memref<128x16xf32, #tpu.memory_space<vmem>>) target(%dma_start3A_152 : memref<10112x16xf32, #tpu.memory_space<vmem_shared>>) offsets(%dma_start3A_149 : memref<128xi32, #tpu.memory_space<vmem>>) semaphore(%run_scoped3A_146 : memref<!tpu.dma_semaphore, #tpu.memory_space<semaphore_mem>>) {add = true}
      %dma_wait3A_153 = arith.constant 0 : i32
      %dma_wait3A_154 = tpu.memref_slice %arg10[%run_scoped3A_80, %dma_wait3A_153] : memref<80x128xi32, #tpu.memory_space<vmem>> -> memref<1x128xi32, #tpu.memory_space<vmem>>
      %dma_wait3A_155 = tpu.memref_squeeze %dma_wait3A_154 : memref<1x128xi32, #tpu.memory_space<vmem>> -> memref<128xi32, #tpu.memory_space<vmem>>
      %dma_wait3A_156 = arith.constant 0 : i32
      %dma_wait3A_157 = arith.constant 0 : i32
      %dma_wait3A_158 = tpu.memref_slice %arg20[%dma_wait3A_156, %dma_wait3A_157] : memref<10112x16xf32, #tpu.memory_space<vmem_shared>> -> memref<10112x16xf32, #tpu.memory_space<vmem_shared>>
      tpu.wait_indirect_dma semaphore(%run_scoped3A_146 : memref<!tpu.dma_semaphore, #tpu.memory_space<semaphore_mem>>) src(%arg11 : memref<128x16xf32, #tpu.memory_space<vmem>>) dst(%dma_wait3A_158 : memref<10112x16xf32, #tpu.memory_space<vmem_shared>>)
      tpu.yield
    }) : () -> ()
    %run_scoped3A_81 = arith.constant 72 : i32
    "tpu.region"() ({
      %run_scoped3A_146 = tpu.sem_alloc : memref<!tpu.dma_semaphore, #tpu.memory_space<semaphore_mem>>
      %dma_start3A_147 = arith.constant 0 : i32
      %dma_start3A_148 = tpu.memref_slice %arg10[%run_scoped3A_81, %dma_start3A_147] : memref<80x128xi32, #tpu.memory_space<vmem>> -> memref<1x128xi32, #tpu.memory_space<vmem>>
      %dma_start3A_149 = tpu.memref_squeeze %dma_start3A_148 : memref<1x128xi32, #tpu.memory_space<vmem>> -> memref<128xi32, #tpu.memory_space<vmem>>
      %dma_start3A_150 = arith.constant 0 : i32
      %dma_start3A_151 = arith.constant 0 : i32
      %dma_start3A_152 = tpu.memref_slice %arg21[%dma_start3A_150, %dma_start3A_151] : memref<10112x16xf32, #tpu.memory_space<vmem_shared>> -> memref<10112x16xf32, #tpu.memory_space<vmem_shared>>
      tpu.enqueue_indirect_dma source(%arg19 : memref<128x16xf32, #tpu.memory_space<vmem>>) target(%dma_start3A_152 : memref<10112x16xf32, #tpu.memory_space<vmem_shared>>) offsets(%dma_start3A_149 : memref<128xi32, #tpu.memory_space<vmem>>) semaphore(%run_scoped3A_146 : memref<!tpu.dma_semaphore, #tpu.memory_space<semaphore_mem>>) {add = true}
      %dma_wait3A_153 = arith.constant 0 : i32
      %dma_wait3A_154 = tpu.memref_slice %arg10[%run_scoped3A_81, %dma_wait3A_153] : memref<80x128xi32, #tpu.memory_space<vmem>> -> memref<1x128xi32, #tpu.memory_space<vmem>>
      %dma_wait3A_155 = tpu.memref_squeeze %dma_wait3A_154 : memref<1x128xi32, #tpu.memory_space<vmem>> -> memref<128xi32, #tpu.memory_space<vmem>>
      %dma_wait3A_156 = arith.constant 0 : i32
      %dma_wait3A_157 = arith.constant 0 : i32
      %dma_wait3A_158 = tpu.memref_slice %arg21[%dma_wait3A_156, %dma_wait3A_157] : memref<10112x16xf32, #tpu.memory_space<vmem_shared>> -> memref<10112x16xf32, #tpu.memory_space<vmem_shared>>
      tpu.wait_indirect_dma semaphore(%run_scoped3A_146 : memref<!tpu.dma_semaphore, #tpu.memory_space<semaphore_mem>>) src(%arg19 : memref<128x16xf32, #tpu.memory_space<vmem>>) dst(%dma_wait3A_158 : memref<10112x16xf32, #tpu.memory_space<vmem_shared>>)
      tpu.yield
    }) : () -> ()
    %dma_wait3A_82 = arith.constant 73 : i32
    %dma_wait3A_83 = arith.constant 0 : i32
    %dma_wait3A_84 = tpu.memref_slice %arg9[%dma_wait3A_82, %dma_wait3A_83] : memref<80x128xi32, #tpu.memory_space<vmem>> -> memref<1x128xi32, #tpu.memory_space<vmem>>
    %dma_wait3A_85 = tpu.memref_squeeze %dma_wait3A_84 : memref<1x128xi32, #tpu.memory_space<vmem>> -> memref<128xi32, #tpu.memory_space<vmem>>
    %dma_wait3A_86 = arith.constant 0 : i32
    %dma_wait3A_87 = arith.constant 0 : i32
    %dma_wait3A_88 = tpu.memref_slice %arg2[%dma_wait3A_86, %dma_wait3A_87] : memref<10112x16xf32, #tpu.memory_space<hbm>> -> memref<10112x16xf32, #tpu.memory_space<hbm>>
    tpu.wait_indirect_dma semaphore(%arg23 : memref<!tpu.dma_semaphore, #tpu.memory_space<semaphore_mem>>) src(%dma_wait3A_88 : memref<10112x16xf32, #tpu.memory_space<hbm>>) dst(%arg12 : memref<128x16xf32, #tpu.memory_space<vmem>>)
    %run_scoped3A_89 = arith.constant 73 : i32
    "tpu.region"() ({
      %run_scoped3A_146 = tpu.sem_alloc : memref<!tpu.dma_semaphore, #tpu.memory_space<semaphore_mem>>
      %dma_start3A_147 = arith.constant 0 : i32
      %dma_start3A_148 = tpu.memref_slice %arg10[%run_scoped3A_89, %dma_start3A_147] : memref<80x128xi32, #tpu.memory_space<vmem>> -> memref<1x128xi32, #tpu.memory_space<vmem>>
      %dma_start3A_149 = tpu.memref_squeeze %dma_start3A_148 : memref<1x128xi32, #tpu.memory_space<vmem>> -> memref<128xi32, #tpu.memory_space<vmem>>
      %dma_start3A_150 = arith.constant 0 : i32
      %dma_start3A_151 = arith.constant 0 : i32
      %dma_start3A_152 = tpu.memref_slice %arg20[%dma_start3A_150, %dma_start3A_151] : memref<10112x16xf32, #tpu.memory_space<vmem_shared>> -> memref<10112x16xf32, #tpu.memory_space<vmem_shared>>
      tpu.enqueue_indirect_dma source(%arg12 : memref<128x16xf32, #tpu.memory_space<vmem>>) target(%dma_start3A_152 : memref<10112x16xf32, #tpu.memory_space<vmem_shared>>) offsets(%dma_start3A_149 : memref<128xi32, #tpu.memory_space<vmem>>) semaphore(%run_scoped3A_146 : memref<!tpu.dma_semaphore, #tpu.memory_space<semaphore_mem>>) {add = true}
      %dma_wait3A_153 = arith.constant 0 : i32
      %dma_wait3A_154 = tpu.memref_slice %arg10[%run_scoped3A_89, %dma_wait3A_153] : memref<80x128xi32, #tpu.memory_space<vmem>> -> memref<1x128xi32, #tpu.memory_space<vmem>>
      %dma_wait3A_155 = tpu.memref_squeeze %dma_wait3A_154 : memref<1x128xi32, #tpu.memory_space<vmem>> -> memref<128xi32, #tpu.memory_space<vmem>>
      %dma_wait3A_156 = arith.constant 0 : i32
      %dma_wait3A_157 = arith.constant 0 : i32
      %dma_wait3A_158 = tpu.memref_slice %arg20[%dma_wait3A_156, %dma_wait3A_157] : memref<10112x16xf32, #tpu.memory_space<vmem_shared>> -> memref<10112x16xf32, #tpu.memory_space<vmem_shared>>
      tpu.wait_indirect_dma semaphore(%run_scoped3A_146 : memref<!tpu.dma_semaphore, #tpu.memory_space<semaphore_mem>>) src(%arg12 : memref<128x16xf32, #tpu.memory_space<vmem>>) dst(%dma_wait3A_158 : memref<10112x16xf32, #tpu.memory_space<vmem_shared>>)
      tpu.yield
    }) : () -> ()
    %run_scoped3A_90 = arith.constant 73 : i32
    "tpu.region"() ({
      %run_scoped3A_146 = tpu.sem_alloc : memref<!tpu.dma_semaphore, #tpu.memory_space<semaphore_mem>>
      %dma_start3A_147 = arith.constant 0 : i32
      %dma_start3A_148 = tpu.memref_slice %arg10[%run_scoped3A_90, %dma_start3A_147] : memref<80x128xi32, #tpu.memory_space<vmem>> -> memref<1x128xi32, #tpu.memory_space<vmem>>
      %dma_start3A_149 = tpu.memref_squeeze %dma_start3A_148 : memref<1x128xi32, #tpu.memory_space<vmem>> -> memref<128xi32, #tpu.memory_space<vmem>>
      %dma_start3A_150 = arith.constant 0 : i32
      %dma_start3A_151 = arith.constant 0 : i32
      %dma_start3A_152 = tpu.memref_slice %arg21[%dma_start3A_150, %dma_start3A_151] : memref<10112x16xf32, #tpu.memory_space<vmem_shared>> -> memref<10112x16xf32, #tpu.memory_space<vmem_shared>>
      tpu.enqueue_indirect_dma source(%arg19 : memref<128x16xf32, #tpu.memory_space<vmem>>) target(%dma_start3A_152 : memref<10112x16xf32, #tpu.memory_space<vmem_shared>>) offsets(%dma_start3A_149 : memref<128xi32, #tpu.memory_space<vmem>>) semaphore(%run_scoped3A_146 : memref<!tpu.dma_semaphore, #tpu.memory_space<semaphore_mem>>) {add = true}
      %dma_wait3A_153 = arith.constant 0 : i32
      %dma_wait3A_154 = tpu.memref_slice %arg10[%run_scoped3A_90, %dma_wait3A_153] : memref<80x128xi32, #tpu.memory_space<vmem>> -> memref<1x128xi32, #tpu.memory_space<vmem>>
      %dma_wait3A_155 = tpu.memref_squeeze %dma_wait3A_154 : memref<1x128xi32, #tpu.memory_space<vmem>> -> memref<128xi32, #tpu.memory_space<vmem>>
      %dma_wait3A_156 = arith.constant 0 : i32
      %dma_wait3A_157 = arith.constant 0 : i32
      %dma_wait3A_158 = tpu.memref_slice %arg21[%dma_wait3A_156, %dma_wait3A_157] : memref<10112x16xf32, #tpu.memory_space<vmem_shared>> -> memref<10112x16xf32, #tpu.memory_space<vmem_shared>>
      tpu.wait_indirect_dma semaphore(%run_scoped3A_146 : memref<!tpu.dma_semaphore, #tpu.memory_space<semaphore_mem>>) src(%arg19 : memref<128x16xf32, #tpu.memory_space<vmem>>) dst(%dma_wait3A_158 : memref<10112x16xf32, #tpu.memory_space<vmem_shared>>)
      tpu.yield
    }) : () -> ()
    %dma_wait3A_91 = arith.constant 74 : i32
    %dma_wait3A_92 = arith.constant 0 : i32
    %dma_wait3A_93 = tpu.memref_slice %arg9[%dma_wait3A_91, %dma_wait3A_92] : memref<80x128xi32, #tpu.memory_space<vmem>> -> memref<1x128xi32, #tpu.memory_space<vmem>>
    %dma_wait3A_94 = tpu.memref_squeeze %dma_wait3A_93 : memref<1x128xi32, #tpu.memory_space<vmem>> -> memref<128xi32, #tpu.memory_space<vmem>>
    %dma_wait3A_95 = arith.constant 0 : i32
    %dma_wait3A_96 = arith.constant 0 : i32
    %dma_wait3A_97 = tpu.memref_slice %arg2[%dma_wait3A_95, %dma_wait3A_96] : memref<10112x16xf32, #tpu.memory_space<hbm>> -> memref<10112x16xf32, #tpu.memory_space<hbm>>
    tpu.wait_indirect_dma semaphore(%arg24 : memref<!tpu.dma_semaphore, #tpu.memory_space<semaphore_mem>>) src(%dma_wait3A_97 : memref<10112x16xf32, #tpu.memory_space<hbm>>) dst(%arg13 : memref<128x16xf32, #tpu.memory_space<vmem>>)
    %run_scoped3A_98 = arith.constant 74 : i32
    "tpu.region"() ({
      %run_scoped3A_146 = tpu.sem_alloc : memref<!tpu.dma_semaphore, #tpu.memory_space<semaphore_mem>>
      %dma_start3A_147 = arith.constant 0 : i32
      %dma_start3A_148 = tpu.memref_slice %arg10[%run_scoped3A_98, %dma_start3A_147] : memref<80x128xi32, #tpu.memory_space<vmem>> -> memref<1x128xi32, #tpu.memory_space<vmem>>
      %dma_start3A_149 = tpu.memref_squeeze %dma_start3A_148 : memref<1x128xi32, #tpu.memory_space<vmem>> -> memref<128xi32, #tpu.memory_space<vmem>>
      %dma_start3A_150 = arith.constant 0 : i32
      %dma_start3A_151 = arith.constant 0 : i32
      %dma_start3A_152 = tpu.memref_slice %arg20[%dma_start3A_150, %dma_start3A_151] : memref<10112x16xf32, #tpu.memory_space<vmem_shared>> -> memref<10112x16xf32, #tpu.memory_space<vmem_shared>>
      tpu.enqueue_indirect_dma source(%arg13 : memref<128x16xf32, #tpu.memory_space<vmem>>) target(%dma_start3A_152 : memref<10112x16xf32, #tpu.memory_space<vmem_shared>>) offsets(%dma_start3A_149 : memref<128xi32, #tpu.memory_space<vmem>>) semaphore(%run_scoped3A_146 : memref<!tpu.dma_semaphore, #tpu.memory_space<semaphore_mem>>) {add = true}
      %dma_wait3A_153 = arith.constant 0 : i32
      %dma_wait3A_154 = tpu.memref_slice %arg10[%run_scoped3A_98, %dma_wait3A_153] : memref<80x128xi32, #tpu.memory_space<vmem>> -> memref<1x128xi32, #tpu.memory_space<vmem>>
      %dma_wait3A_155 = tpu.memref_squeeze %dma_wait3A_154 : memref<1x128xi32, #tpu.memory_space<vmem>> -> memref<128xi32, #tpu.memory_space<vmem>>
      %dma_wait3A_156 = arith.constant 0 : i32
      %dma_wait3A_157 = arith.constant 0 : i32
      %dma_wait3A_158 = tpu.memref_slice %arg20[%dma_wait3A_156, %dma_wait3A_157] : memref<10112x16xf32, #tpu.memory_space<vmem_shared>> -> memref<10112x16xf32, #tpu.memory_space<vmem_shared>>
      tpu.wait_indirect_dma semaphore(%run_scoped3A_146 : memref<!tpu.dma_semaphore, #tpu.memory_space<semaphore_mem>>) src(%arg13 : memref<128x16xf32, #tpu.memory_space<vmem>>) dst(%dma_wait3A_158 : memref<10112x16xf32, #tpu.memory_space<vmem_shared>>)
      tpu.yield
    }) : () -> ()
    %run_scoped3A_99 = arith.constant 74 : i32
    "tpu.region"() ({
      %run_scoped3A_146 = tpu.sem_alloc : memref<!tpu.dma_semaphore, #tpu.memory_space<semaphore_mem>>
      %dma_start3A_147 = arith.constant 0 : i32
      %dma_start3A_148 = tpu.memref_slice %arg10[%run_scoped3A_99, %dma_start3A_147] : memref<80x128xi32, #tpu.memory_space<vmem>> -> memref<1x128xi32, #tpu.memory_space<vmem>>
      %dma_start3A_149 = tpu.memref_squeeze %dma_start3A_148 : memref<1x128xi32, #tpu.memory_space<vmem>> -> memref<128xi32, #tpu.memory_space<vmem>>
      %dma_start3A_150 = arith.constant 0 : i32
      %dma_start3A_151 = arith.constant 0 : i32
      %dma_start3A_152 = tpu.memref_slice %arg21[%dma_start3A_150, %dma_start3A_151] : memref<10112x16xf32, #tpu.memory_space<vmem_shared>> -> memref<10112x16xf32, #tpu.memory_space<vmem_shared>>
      tpu.enqueue_indirect_dma source(%arg19 : memref<128x16xf32, #tpu.memory_space<vmem>>) target(%dma_start3A_152 : memref<10112x16xf32, #tpu.memory_space<vmem_shared>>) offsets(%dma_start3A_149 : memref<128xi32, #tpu.memory_space<vmem>>) semaphore(%run_scoped3A_146 : memref<!tpu.dma_semaphore, #tpu.memory_space<semaphore_mem>>) {add = true}
      %dma_wait3A_153 = arith.constant 0 : i32
      %dma_wait3A_154 = tpu.memref_slice %arg10[%run_scoped3A_99, %dma_wait3A_153] : memref<80x128xi32, #tpu.memory_space<vmem>> -> memref<1x128xi32, #tpu.memory_space<vmem>>
      %dma_wait3A_155 = tpu.memref_squeeze %dma_wait3A_154 : memref<1x128xi32, #tpu.memory_space<vmem>> -> memref<128xi32, #tpu.memory_space<vmem>>
      %dma_wait3A_156 = arith.constant 0 : i32
      %dma_wait3A_157 = arith.constant 0 : i32
      %dma_wait3A_158 = tpu.memref_slice %arg21[%dma_wait3A_156, %dma_wait3A_157] : memref<10112x16xf32, #tpu.memory_space<vmem_shared>> -> memref<10112x16xf32, #tpu.memory_space<vmem_shared>>
      tpu.wait_indirect_dma semaphore(%run_scoped3A_146 : memref<!tpu.dma_semaphore, #tpu.memory_space<semaphore_mem>>) src(%arg19 : memref<128x16xf32, #tpu.memory_space<vmem>>) dst(%dma_wait3A_158 : memref<10112x16xf32, #tpu.memory_space<vmem_shared>>)
      tpu.yield
    }) : () -> ()
    %dma_wait3A_100 = arith.constant 75 : i32
    %dma_wait3A_101 = arith.constant 0 : i32
    %dma_wait3A_102 = tpu.memref_slice %arg9[%dma_wait3A_100, %dma_wait3A_101] : memref<80x128xi32, #tpu.memory_space<vmem>> -> memref<1x128xi32, #tpu.memory_space<vmem>>
    %dma_wait3A_103 = tpu.memref_squeeze %dma_wait3A_102 : memref<1x128xi32, #tpu.memory_space<vmem>> -> memref<128xi32, #tpu.memory_space<vmem>>
    %dma_wait3A_104 = arith.constant 0 : i32
    %dma_wait3A_105 = arith.constant 0 : i32
    %dma_wait3A_106 = tpu.memref_slice %arg2[%dma_wait3A_104, %dma_wait3A_105] : memref<10112x16xf32, #tpu.memory_space<hbm>> -> memref<10112x16xf32, #tpu.memory_space<hbm>>
    tpu.wait_indirect_dma semaphore(%arg25 : memref<!tpu.dma_semaphore, #tpu.memory_space<semaphore_mem>>) src(%dma_wait3A_106 : memref<10112x16xf32, #tpu.memory_space<hbm>>) dst(%arg14 : memref<128x16xf32, #tpu.memory_space<vmem>>)
    %run_scoped3A_107 = arith.constant 75 : i32
    "tpu.region"() ({
      %run_scoped3A_146 = tpu.sem_alloc : memref<!tpu.dma_semaphore, #tpu.memory_space<semaphore_mem>>
      %dma_start3A_147 = arith.constant 0 : i32
      %dma_start3A_148 = tpu.memref_slice %arg10[%run_scoped3A_107, %dma_start3A_147] : memref<80x128xi32, #tpu.memory_space<vmem>> -> memref<1x128xi32, #tpu.memory_space<vmem>>
      %dma_start3A_149 = tpu.memref_squeeze %dma_start3A_148 : memref<1x128xi32, #tpu.memory_space<vmem>> -> memref<128xi32, #tpu.memory_space<vmem>>
      %dma_start3A_150 = arith.constant 0 : i32
      %dma_start3A_151 = arith.constant 0 : i32
      %dma_start3A_152 = tpu.memref_slice %arg20[%dma_start3A_150, %dma_start3A_151] : memref<10112x16xf32, #tpu.memory_space<vmem_shared>> -> memref<10112x16xf32, #tpu.memory_space<vmem_shared>>
      tpu.enqueue_indirect_dma source(%arg14 : memref<128x16xf32, #tpu.memory_space<vmem>>) target(%dma_start3A_152 : memref<10112x16xf32, #tpu.memory_space<vmem_shared>>) offsets(%dma_start3A_149 : memref<128xi32, #tpu.memory_space<vmem>>) semaphore(%run_scoped3A_146 : memref<!tpu.dma_semaphore, #tpu.memory_space<semaphore_mem>>) {add = true}
      %dma_wait3A_153 = arith.constant 0 : i32
      %dma_wait3A_154 = tpu.memref_slice %arg10[%run_scoped3A_107, %dma_wait3A_153] : memref<80x128xi32, #tpu.memory_space<vmem>> -> memref<1x128xi32, #tpu.memory_space<vmem>>
      %dma_wait3A_155 = tpu.memref_squeeze %dma_wait3A_154 : memref<1x128xi32, #tpu.memory_space<vmem>> -> memref<128xi32, #tpu.memory_space<vmem>>
      %dma_wait3A_156 = arith.constant 0 : i32
      %dma_wait3A_157 = arith.constant 0 : i32
      %dma_wait3A_158 = tpu.memref_slice %arg20[%dma_wait3A_156, %dma_wait3A_157] : memref<10112x16xf32, #tpu.memory_space<vmem_shared>> -> memref<10112x16xf32, #tpu.memory_space<vmem_shared>>
      tpu.wait_indirect_dma semaphore(%run_scoped3A_146 : memref<!tpu.dma_semaphore, #tpu.memory_space<semaphore_mem>>) src(%arg14 : memref<128x16xf32, #tpu.memory_space<vmem>>) dst(%dma_wait3A_158 : memref<10112x16xf32, #tpu.memory_space<vmem_shared>>)
      tpu.yield
    }) : () -> ()
    %run_scoped3A_108 = arith.constant 75 : i32
    "tpu.region"() ({
      %run_scoped3A_146 = tpu.sem_alloc : memref<!tpu.dma_semaphore, #tpu.memory_space<semaphore_mem>>
      %dma_start3A_147 = arith.constant 0 : i32
      %dma_start3A_148 = tpu.memref_slice %arg10[%run_scoped3A_108, %dma_start3A_147] : memref<80x128xi32, #tpu.memory_space<vmem>> -> memref<1x128xi32, #tpu.memory_space<vmem>>
      %dma_start3A_149 = tpu.memref_squeeze %dma_start3A_148 : memref<1x128xi32, #tpu.memory_space<vmem>> -> memref<128xi32, #tpu.memory_space<vmem>>
      %dma_start3A_150 = arith.constant 0 : i32
      %dma_start3A_151 = arith.constant 0 : i32
      %dma_start3A_152 = tpu.memref_slice %arg21[%dma_start3A_150, %dma_start3A_151] : memref<10112x16xf32, #tpu.memory_space<vmem_shared>> -> memref<10112x16xf32, #tpu.memory_space<vmem_shared>>
      tpu.enqueue_indirect_dma source(%arg19 : memref<128x16xf32, #tpu.memory_space<vmem>>) target(%dma_start3A_152 : memref<10112x16xf32, #tpu.memory_space<vmem_shared>>) offsets(%dma_start3A_149 : memref<128xi32, #tpu.memory_space<vmem>>) semaphore(%run_scoped3A_146 : memref<!tpu.dma_semaphore, #tpu.memory_space<semaphore_mem>>) {add = true}
      %dma_wait3A_153 = arith.constant 0 : i32
      %dma_wait3A_154 = tpu.memref_slice %arg10[%run_scoped3A_108, %dma_wait3A_153] : memref<80x128xi32, #tpu.memory_space<vmem>> -> memref<1x128xi32, #tpu.memory_space<vmem>>
      %dma_wait3A_155 = tpu.memref_squeeze %dma_wait3A_154 : memref<1x128xi32, #tpu.memory_space<vmem>> -> memref<128xi32, #tpu.memory_space<vmem>>
      %dma_wait3A_156 = arith.constant 0 : i32
      %dma_wait3A_157 = arith.constant 0 : i32
      %dma_wait3A_158 = tpu.memref_slice %arg21[%dma_wait3A_156, %dma_wait3A_157] : memref<10112x16xf32, #tpu.memory_space<vmem_shared>> -> memref<10112x16xf32, #tpu.memory_space<vmem_shared>>
      tpu.wait_indirect_dma semaphore(%run_scoped3A_146 : memref<!tpu.dma_semaphore, #tpu.memory_space<semaphore_mem>>) src(%arg19 : memref<128x16xf32, #tpu.memory_space<vmem>>) dst(%dma_wait3A_158 : memref<10112x16xf32, #tpu.memory_space<vmem_shared>>)
      tpu.yield
    }) : () -> ()
    %dma_wait3A_109 = arith.constant 76 : i32
    %dma_wait3A_110 = arith.constant 0 : i32
    %dma_wait3A_111 = tpu.memref_slice %arg9[%dma_wait3A_109, %dma_wait3A_110] : memref<80x128xi32, #tpu.memory_space<vmem>> -> memref<1x128xi32, #tpu.memory_space<vmem>>
    %dma_wait3A_112 = tpu.memref_squeeze %dma_wait3A_111 : memref<1x128xi32, #tpu.memory_space<vmem>> -> memref<128xi32, #tpu.memory_space<vmem>>
    %dma_wait3A_113 = arith.constant 0 : i32
    %dma_wait3A_114 = arith.constant 0 : i32
    %dma_wait3A_115 = tpu.memref_slice %arg2[%dma_wait3A_113, %dma_wait3A_114] : memref<10112x16xf32, #tpu.memory_space<hbm>> -> memref<10112x16xf32, #tpu.memory_space<hbm>>
    tpu.wait_indirect_dma semaphore(%arg26 : memref<!tpu.dma_semaphore, #tpu.memory_space<semaphore_mem>>) src(%dma_wait3A_115 : memref<10112x16xf32, #tpu.memory_space<hbm>>) dst(%arg15 : memref<128x16xf32, #tpu.memory_space<vmem>>)
    %run_scoped3A_116 = arith.constant 76 : i32
    "tpu.region"() ({
      %run_scoped3A_146 = tpu.sem_alloc : memref<!tpu.dma_semaphore, #tpu.memory_space<semaphore_mem>>
      %dma_start3A_147 = arith.constant 0 : i32
      %dma_start3A_148 = tpu.memref_slice %arg10[%run_scoped3A_116, %dma_start3A_147] : memref<80x128xi32, #tpu.memory_space<vmem>> -> memref<1x128xi32, #tpu.memory_space<vmem>>
      %dma_start3A_149 = tpu.memref_squeeze %dma_start3A_148 : memref<1x128xi32, #tpu.memory_space<vmem>> -> memref<128xi32, #tpu.memory_space<vmem>>
      %dma_start3A_150 = arith.constant 0 : i32
      %dma_start3A_151 = arith.constant 0 : i32
      %dma_start3A_152 = tpu.memref_slice %arg20[%dma_start3A_150, %dma_start3A_151] : memref<10112x16xf32, #tpu.memory_space<vmem_shared>> -> memref<10112x16xf32, #tpu.memory_space<vmem_shared>>
      tpu.enqueue_indirect_dma source(%arg15 : memref<128x16xf32, #tpu.memory_space<vmem>>) target(%dma_start3A_152 : memref<10112x16xf32, #tpu.memory_space<vmem_shared>>) offsets(%dma_start3A_149 : memref<128xi32, #tpu.memory_space<vmem>>) semaphore(%run_scoped3A_146 : memref<!tpu.dma_semaphore, #tpu.memory_space<semaphore_mem>>) {add = true}
      %dma_wait3A_153 = arith.constant 0 : i32
      %dma_wait3A_154 = tpu.memref_slice %arg10[%run_scoped3A_116, %dma_wait3A_153] : memref<80x128xi32, #tpu.memory_space<vmem>> -> memref<1x128xi32, #tpu.memory_space<vmem>>
      %dma_wait3A_155 = tpu.memref_squeeze %dma_wait3A_154 : memref<1x128xi32, #tpu.memory_space<vmem>> -> memref<128xi32, #tpu.memory_space<vmem>>
      %dma_wait3A_156 = arith.constant 0 : i32
      %dma_wait3A_157 = arith.constant 0 : i32
      %dma_wait3A_158 = tpu.memref_slice %arg20[%dma_wait3A_156, %dma_wait3A_157] : memref<10112x16xf32, #tpu.memory_space<vmem_shared>> -> memref<10112x16xf32, #tpu.memory_space<vmem_shared>>
      tpu.wait_indirect_dma semaphore(%run_scoped3A_146 : memref<!tpu.dma_semaphore, #tpu.memory_space<semaphore_mem>>) src(%arg15 : memref<128x16xf32, #tpu.memory_space<vmem>>) dst(%dma_wait3A_158 : memref<10112x16xf32, #tpu.memory_space<vmem_shared>>)
      tpu.yield
    }) : () -> ()
    %run_scoped3A_117 = arith.constant 76 : i32
    "tpu.region"() ({
      %run_scoped3A_146 = tpu.sem_alloc : memref<!tpu.dma_semaphore, #tpu.memory_space<semaphore_mem>>
      %dma_start3A_147 = arith.constant 0 : i32
      %dma_start3A_148 = tpu.memref_slice %arg10[%run_scoped3A_117, %dma_start3A_147] : memref<80x128xi32, #tpu.memory_space<vmem>> -> memref<1x128xi32, #tpu.memory_space<vmem>>
      %dma_start3A_149 = tpu.memref_squeeze %dma_start3A_148 : memref<1x128xi32, #tpu.memory_space<vmem>> -> memref<128xi32, #tpu.memory_space<vmem>>
      %dma_start3A_150 = arith.constant 0 : i32
      %dma_start3A_151 = arith.constant 0 : i32
      %dma_start3A_152 = tpu.memref_slice %arg21[%dma_start3A_150, %dma_start3A_151] : memref<10112x16xf32, #tpu.memory_space<vmem_shared>> -> memref<10112x16xf32, #tpu.memory_space<vmem_shared>>
      tpu.enqueue_indirect_dma source(%arg19 : memref<128x16xf32, #tpu.memory_space<vmem>>) target(%dma_start3A_152 : memref<10112x16xf32, #tpu.memory_space<vmem_shared>>) offsets(%dma_start3A_149 : memref<128xi32, #tpu.memory_space<vmem>>) semaphore(%run_scoped3A_146 : memref<!tpu.dma_semaphore, #tpu.memory_space<semaphore_mem>>) {add = true}
      %dma_wait3A_153 = arith.constant 0 : i32
      %dma_wait3A_154 = tpu.memref_slice %arg10[%run_scoped3A_117, %dma_wait3A_153] : memref<80x128xi32, #tpu.memory_space<vmem>> -> memref<1x128xi32, #tpu.memory_space<vmem>>
      %dma_wait3A_155 = tpu.memref_squeeze %dma_wait3A_154 : memref<1x128xi32, #tpu.memory_space<vmem>> -> memref<128xi32, #tpu.memory_space<vmem>>
      %dma_wait3A_156 = arith.constant 0 : i32
      %dma_wait3A_157 = arith.constant 0 : i32
      %dma_wait3A_158 = tpu.memref_slice %arg21[%dma_wait3A_156, %dma_wait3A_157] : memref<10112x16xf32, #tpu.memory_space<vmem_shared>> -> memref<10112x16xf32, #tpu.memory_space<vmem_shared>>
      tpu.wait_indirect_dma semaphore(%run_scoped3A_146 : memref<!tpu.dma_semaphore, #tpu.memory_space<semaphore_mem>>) src(%arg19 : memref<128x16xf32, #tpu.memory_space<vmem>>) dst(%dma_wait3A_158 : memref<10112x16xf32, #tpu.memory_space<vmem_shared>>)
      tpu.yield
    }) : () -> ()
    %dma_wait3A_118 = arith.constant 77 : i32
    %dma_wait3A_119 = arith.constant 0 : i32
    %dma_wait3A_120 = tpu.memref_slice %arg9[%dma_wait3A_118, %dma_wait3A_119] : memref<80x128xi32, #tpu.memory_space<vmem>> -> memref<1x128xi32, #tpu.memory_space<vmem>>
    %dma_wait3A_121 = tpu.memref_squeeze %dma_wait3A_120 : memref<1x128xi32, #tpu.memory_space<vmem>> -> memref<128xi32, #tpu.memory_space<vmem>>
    %dma_wait3A_122 = arith.constant 0 : i32
    %dma_wait3A_123 = arith.constant 0 : i32
    %dma_wait3A_124 = tpu.memref_slice %arg2[%dma_wait3A_122, %dma_wait3A_123] : memref<10112x16xf32, #tpu.memory_space<hbm>> -> memref<10112x16xf32, #tpu.memory_space<hbm>>
    tpu.wait_indirect_dma semaphore(%arg27 : memref<!tpu.dma_semaphore, #tpu.memory_space<semaphore_mem>>) src(%dma_wait3A_124 : memref<10112x16xf32, #tpu.memory_space<hbm>>) dst(%arg16 : memref<128x16xf32, #tpu.memory_space<vmem>>)
    %run_scoped3A_125 = arith.constant 77 : i32
    "tpu.region"() ({
      %run_scoped3A_146 = tpu.sem_alloc : memref<!tpu.dma_semaphore, #tpu.memory_space<semaphore_mem>>
      %dma_start3A_147 = arith.constant 0 : i32
      %dma_start3A_148 = tpu.memref_slice %arg10[%run_scoped3A_125, %dma_start3A_147] : memref<80x128xi32, #tpu.memory_space<vmem>> -> memref<1x128xi32, #tpu.memory_space<vmem>>
      %dma_start3A_149 = tpu.memref_squeeze %dma_start3A_148 : memref<1x128xi32, #tpu.memory_space<vmem>> -> memref<128xi32, #tpu.memory_space<vmem>>
      %dma_start3A_150 = arith.constant 0 : i32
      %dma_start3A_151 = arith.constant 0 : i32
      %dma_start3A_152 = tpu.memref_slice %arg20[%dma_start3A_150, %dma_start3A_151] : memref<10112x16xf32, #tpu.memory_space<vmem_shared>> -> memref<10112x16xf32, #tpu.memory_space<vmem_shared>>
      tpu.enqueue_indirect_dma source(%arg16 : memref<128x16xf32, #tpu.memory_space<vmem>>) target(%dma_start3A_152 : memref<10112x16xf32, #tpu.memory_space<vmem_shared>>) offsets(%dma_start3A_149 : memref<128xi32, #tpu.memory_space<vmem>>) semaphore(%run_scoped3A_146 : memref<!tpu.dma_semaphore, #tpu.memory_space<semaphore_mem>>) {add = true}
      %dma_wait3A_153 = arith.constant 0 : i32
      %dma_wait3A_154 = tpu.memref_slice %arg10[%run_scoped3A_125, %dma_wait3A_153] : memref<80x128xi32, #tpu.memory_space<vmem>> -> memref<1x128xi32, #tpu.memory_space<vmem>>
      %dma_wait3A_155 = tpu.memref_squeeze %dma_wait3A_154 : memref<1x128xi32, #tpu.memory_space<vmem>> -> memref<128xi32, #tpu.memory_space<vmem>>
      %dma_wait3A_156 = arith.constant 0 : i32
      %dma_wait3A_157 = arith.constant 0 : i32
      %dma_wait3A_158 = tpu.memref_slice %arg20[%dma_wait3A_156, %dma_wait3A_157] : memref<10112x16xf32, #tpu.memory_space<vmem_shared>> -> memref<10112x16xf32, #tpu.memory_space<vmem_shared>>
      tpu.wait_indirect_dma semaphore(%run_scoped3A_146 : memref<!tpu.dma_semaphore, #tpu.memory_space<semaphore_mem>>) src(%arg16 : memref<128x16xf32, #tpu.memory_space<vmem>>) dst(%dma_wait3A_158 : memref<10112x16xf32, #tpu.memory_space<vmem_shared>>)
      tpu.yield
    }) : () -> ()
    %run_scoped3A_126 = arith.constant 77 : i32
    "tpu.region"() ({
      %run_scoped3A_146 = tpu.sem_alloc : memref<!tpu.dma_semaphore, #tpu.memory_space<semaphore_mem>>
      %dma_start3A_147 = arith.constant 0 : i32
      %dma_start3A_148 = tpu.memref_slice %arg10[%run_scoped3A_126, %dma_start3A_147] : memref<80x128xi32, #tpu.memory_space<vmem>> -> memref<1x128xi32, #tpu.memory_space<vmem>>
      %dma_start3A_149 = tpu.memref_squeeze %dma_start3A_148 : memref<1x128xi32, #tpu.memory_space<vmem>> -> memref<128xi32, #tpu.memory_space<vmem>>
      %dma_start3A_150 = arith.constant 0 : i32
      %dma_start3A_151 = arith.constant 0 : i32
      %dma_start3A_152 = tpu.memref_slice %arg21[%dma_start3A_150, %dma_start3A_151] : memref<10112x16xf32, #tpu.memory_space<vmem_shared>> -> memref<10112x16xf32, #tpu.memory_space<vmem_shared>>
      tpu.enqueue_indirect_dma source(%arg19 : memref<128x16xf32, #tpu.memory_space<vmem>>) target(%dma_start3A_152 : memref<10112x16xf32, #tpu.memory_space<vmem_shared>>) offsets(%dma_start3A_149 : memref<128xi32, #tpu.memory_space<vmem>>) semaphore(%run_scoped3A_146 : memref<!tpu.dma_semaphore, #tpu.memory_space<semaphore_mem>>) {add = true}
      %dma_wait3A_153 = arith.constant 0 : i32
      %dma_wait3A_154 = tpu.memref_slice %arg10[%run_scoped3A_126, %dma_wait3A_153] : memref<80x128xi32, #tpu.memory_space<vmem>> -> memref<1x128xi32, #tpu.memory_space<vmem>>
      %dma_wait3A_155 = tpu.memref_squeeze %dma_wait3A_154 : memref<1x128xi32, #tpu.memory_space<vmem>> -> memref<128xi32, #tpu.memory_space<vmem>>
      %dma_wait3A_156 = arith.constant 0 : i32
      %dma_wait3A_157 = arith.constant 0 : i32
      %dma_wait3A_158 = tpu.memref_slice %arg21[%dma_wait3A_156, %dma_wait3A_157] : memref<10112x16xf32, #tpu.memory_space<vmem_shared>> -> memref<10112x16xf32, #tpu.memory_space<vmem_shared>>
      tpu.wait_indirect_dma semaphore(%run_scoped3A_146 : memref<!tpu.dma_semaphore, #tpu.memory_space<semaphore_mem>>) src(%arg19 : memref<128x16xf32, #tpu.memory_space<vmem>>) dst(%dma_wait3A_158 : memref<10112x16xf32, #tpu.memory_space<vmem_shared>>)
      tpu.yield
    }) : () -> ()
    %dma_wait3A_127 = arith.constant 78 : i32
    %dma_wait3A_128 = arith.constant 0 : i32
    %dma_wait3A_129 = tpu.memref_slice %arg9[%dma_wait3A_127, %dma_wait3A_128] : memref<80x128xi32, #tpu.memory_space<vmem>> -> memref<1x128xi32, #tpu.memory_space<vmem>>
    %dma_wait3A_130 = tpu.memref_squeeze %dma_wait3A_129 : memref<1x128xi32, #tpu.memory_space<vmem>> -> memref<128xi32, #tpu.memory_space<vmem>>
    %dma_wait3A_131 = arith.constant 0 : i32
    %dma_wait3A_132 = arith.constant 0 : i32
    %dma_wait3A_133 = tpu.memref_slice %arg2[%dma_wait3A_131, %dma_wait3A_132] : memref<10112x16xf32, #tpu.memory_space<hbm>> -> memref<10112x16xf32, #tpu.memory_space<hbm>>
    tpu.wait_indirect_dma semaphore(%arg28 : memref<!tpu.dma_semaphore, #tpu.memory_space<semaphore_mem>>) src(%dma_wait3A_133 : memref<10112x16xf32, #tpu.memory_space<hbm>>) dst(%arg17 : memref<128x16xf32, #tpu.memory_space<vmem>>)
    %run_scoped3A_134 = arith.constant 78 : i32
    "tpu.region"() ({
      %run_scoped3A_146 = tpu.sem_alloc : memref<!tpu.dma_semaphore, #tpu.memory_space<semaphore_mem>>
      %dma_start3A_147 = arith.constant 0 : i32
      %dma_start3A_148 = tpu.memref_slice %arg10[%run_scoped3A_134, %dma_start3A_147] : memref<80x128xi32, #tpu.memory_space<vmem>> -> memref<1x128xi32, #tpu.memory_space<vmem>>
      %dma_start3A_149 = tpu.memref_squeeze %dma_start3A_148 : memref<1x128xi32, #tpu.memory_space<vmem>> -> memref<128xi32, #tpu.memory_space<vmem>>
      %dma_start3A_150 = arith.constant 0 : i32
      %dma_start3A_151 = arith.constant 0 : i32
      %dma_start3A_152 = tpu.memref_slice %arg20[%dma_start3A_150, %dma_start3A_151] : memref<10112x16xf32, #tpu.memory_space<vmem_shared>> -> memref<10112x16xf32, #tpu.memory_space<vmem_shared>>
      tpu.enqueue_indirect_dma source(%arg17 : memref<128x16xf32, #tpu.memory_space<vmem>>) target(%dma_start3A_152 : memref<10112x16xf32, #tpu.memory_space<vmem_shared>>) offsets(%dma_start3A_149 : memref<128xi32, #tpu.memory_space<vmem>>) semaphore(%run_scoped3A_146 : memref<!tpu.dma_semaphore, #tpu.memory_space<semaphore_mem>>) {add = true}
      %dma_wait3A_153 = arith.constant 0 : i32
      %dma_wait3A_154 = tpu.memref_slice %arg10[%run_scoped3A_134, %dma_wait3A_153] : memref<80x128xi32, #tpu.memory_space<vmem>> -> memref<1x128xi32, #tpu.memory_space<vmem>>
      %dma_wait3A_155 = tpu.memref_squeeze %dma_wait3A_154 : memref<1x128xi32, #tpu.memory_space<vmem>> -> memref<128xi32, #tpu.memory_space<vmem>>
      %dma_wait3A_156 = arith.constant 0 : i32
      %dma_wait3A_157 = arith.constant 0 : i32
      %dma_wait3A_158 = tpu.memref_slice %arg20[%dma_wait3A_156, %dma_wait3A_157] : memref<10112x16xf32, #tpu.memory_space<vmem_shared>> -> memref<10112x16xf32, #tpu.memory_space<vmem_shared>>
      tpu.wait_indirect_dma semaphore(%run_scoped3A_146 : memref<!tpu.dma_semaphore, #tpu.memory_space<semaphore_mem>>) src(%arg17 : memref<128x16xf32, #tpu.memory_space<vmem>>) dst(%dma_wait3A_158 : memref<10112x16xf32, #tpu.memory_space<vmem_shared>>)
      tpu.yield
    }) : () -> ()
    %run_scoped3A_135 = arith.constant 78 : i32
    "tpu.region"() ({
      %run_scoped3A_146 = tpu.sem_alloc : memref<!tpu.dma_semaphore, #tpu.memory_space<semaphore_mem>>
      %dma_start3A_147 = arith.constant 0 : i32
      %dma_start3A_148 = tpu.memref_slice %arg10[%run_scoped3A_135, %dma_start3A_147] : memref<80x128xi32, #tpu.memory_space<vmem>> -> memref<1x128xi32, #tpu.memory_space<vmem>>
      %dma_start3A_149 = tpu.memref_squeeze %dma_start3A_148 : memref<1x128xi32, #tpu.memory_space<vmem>> -> memref<128xi32, #tpu.memory_space<vmem>>
      %dma_start3A_150 = arith.constant 0 : i32
      %dma_start3A_151 = arith.constant 0 : i32
      %dma_start3A_152 = tpu.memref_slice %arg21[%dma_start3A_150, %dma_start3A_151] : memref<10112x16xf32, #tpu.memory_space<vmem_shared>> -> memref<10112x16xf32, #tpu.memory_space<vmem_shared>>
      tpu.enqueue_indirect_dma source(%arg19 : memref<128x16xf32, #tpu.memory_space<vmem>>) target(%dma_start3A_152 : memref<10112x16xf32, #tpu.memory_space<vmem_shared>>) offsets(%dma_start3A_149 : memref<128xi32, #tpu.memory_space<vmem>>) semaphore(%run_scoped3A_146 : memref<!tpu.dma_semaphore, #tpu.memory_space<semaphore_mem>>) {add = true}
      %dma_wait3A_153 = arith.constant 0 : i32
      %dma_wait3A_154 = tpu.memref_slice %arg10[%run_scoped3A_135, %dma_wait3A_153] : memref<80x128xi32, #tpu.memory_space<vmem>> -> memref<1x128xi32, #tpu.memory_space<vmem>>
      %dma_wait3A_155 = tpu.memref_squeeze %dma_wait3A_154 : memref<1x128xi32, #tpu.memory_space<vmem>> -> memref<128xi32, #tpu.memory_space<vmem>>
      %dma_wait3A_156 = arith.constant 0 : i32
      %dma_wait3A_157 = arith.constant 0 : i32
      %dma_wait3A_158 = tpu.memref_slice %arg21[%dma_wait3A_156, %dma_wait3A_157] : memref<10112x16xf32, #tpu.memory_space<vmem_shared>> -> memref<10112x16xf32, #tpu.memory_space<vmem_shared>>
      tpu.wait_indirect_dma semaphore(%run_scoped3A_146 : memref<!tpu.dma_semaphore, #tpu.memory_space<semaphore_mem>>) src(%arg19 : memref<128x16xf32, #tpu.memory_space<vmem>>) dst(%dma_wait3A_158 : memref<10112x16xf32, #tpu.memory_space<vmem_shared>>)
      tpu.yield
    }) : () -> ()
    %dma_wait3A_136 = arith.constant 79 : i32
    %dma_wait3A_137 = arith.constant 0 : i32
    %dma_wait3A_138 = tpu.memref_slice %arg9[%dma_wait3A_136, %dma_wait3A_137] : memref<80x128xi32, #tpu.memory_space<vmem>> -> memref<1x128xi32, #tpu.memory_space<vmem>>
    %dma_wait3A_139 = tpu.memref_squeeze %dma_wait3A_138 : memref<1x128xi32, #tpu.memory_space<vmem>> -> memref<128xi32, #tpu.memory_space<vmem>>
    %dma_wait3A_140 = arith.constant 0 : i32
    %dma_wait3A_141 = arith.constant 0 : i32
    %dma_wait3A_142 = tpu.memref_slice %arg2[%dma_wait3A_140, %dma_wait3A_141] : memref<10112x16xf32, #tpu.memory_space<hbm>> -> memref<10112x16xf32, #tpu.memory_space<hbm>>
    tpu.wait_indirect_dma semaphore(%arg29 : memref<!tpu.dma_semaphore, #tpu.memory_space<semaphore_mem>>) src(%dma_wait3A_142 : memref<10112x16xf32, #tpu.memory_space<hbm>>) dst(%arg18 : memref<128x16xf32, #tpu.memory_space<vmem>>)
    %run_scoped3A_143 = arith.constant 79 : i32
    "tpu.region"() ({
      %run_scoped3A_146 = tpu.sem_alloc : memref<!tpu.dma_semaphore, #tpu.memory_space<semaphore_mem>>
      %dma_start3A_147 = arith.constant 0 : i32
      %dma_start3A_148 = tpu.memref_slice %arg10[%run_scoped3A_143, %dma_start3A_147] : memref<80x128xi32, #tpu.memory_space<vmem>> -> memref<1x128xi32, #tpu.memory_space<vmem>>
      %dma_start3A_149 = tpu.memref_squeeze %dma_start3A_148 : memref<1x128xi32, #tpu.memory_space<vmem>> -> memref<128xi32, #tpu.memory_space<vmem>>
      %dma_start3A_150 = arith.constant 0 : i32
      %dma_start3A_151 = arith.constant 0 : i32
      %dma_start3A_152 = tpu.memref_slice %arg20[%dma_start3A_150, %dma_start3A_151] : memref<10112x16xf32, #tpu.memory_space<vmem_shared>> -> memref<10112x16xf32, #tpu.memory_space<vmem_shared>>
      tpu.enqueue_indirect_dma source(%arg18 : memref<128x16xf32, #tpu.memory_space<vmem>>) target(%dma_start3A_152 : memref<10112x16xf32, #tpu.memory_space<vmem_shared>>) offsets(%dma_start3A_149 : memref<128xi32, #tpu.memory_space<vmem>>) semaphore(%run_scoped3A_146 : memref<!tpu.dma_semaphore, #tpu.memory_space<semaphore_mem>>) {add = true}
      %dma_wait3A_153 = arith.constant 0 : i32
      %dma_wait3A_154 = tpu.memref_slice %arg10[%run_scoped3A_143, %dma_wait3A_153] : memref<80x128xi32, #tpu.memory_space<vmem>> -> memref<1x128xi32, #tpu.memory_space<vmem>>
      %dma_wait3A_155 = tpu.memref_squeeze %dma_wait3A_154 : memref<1x128xi32, #tpu.memory_space<vmem>> -> memref<128xi32, #tpu.memory_space<vmem>>
      %dma_wait3A_156 = arith.constant 0 : i32
      %dma_wait3A_157 = arith.constant 0 : i32
      %dma_wait3A_158 = tpu.memref_slice %arg20[%dma_wait3A_156, %dma_wait3A_157] : memref<10112x16xf32, #tpu.memory_space<vmem_shared>> -> memref<10112x16xf32, #tpu.memory_space<vmem_shared>>
      tpu.wait_indirect_dma semaphore(%run_scoped3A_146 : memref<!tpu.dma_semaphore, #tpu.memory_space<semaphore_mem>>) src(%arg18 : memref<128x16xf32, #tpu.memory_space<vmem>>) dst(%dma_wait3A_158 : memref<10112x16xf32, #tpu.memory_space<vmem_shared>>)
      tpu.yield
    }) : () -> ()
    %run_scoped3A_144 = arith.constant 79 : i32
    "tpu.region"() ({
      %run_scoped3A_146 = tpu.sem_alloc : memref<!tpu.dma_semaphore, #tpu.memory_space<semaphore_mem>>
      %dma_start3A_147 = arith.constant 0 : i32
      %dma_start3A_148 = tpu.memref_slice %arg10[%run_scoped3A_144, %dma_start3A_147] : memref<80x128xi32, #tpu.memory_space<vmem>> -> memref<1x128xi32, #tpu.memory_space<vmem>>
      %dma_start3A_149 = tpu.memref_squeeze %dma_start3A_148 : memref<1x128xi32, #tpu.memory_space<vmem>> -> memref<128xi32, #tpu.memory_space<vmem>>
      %dma_start3A_150 = arith.constant 0 : i32
      %dma_start3A_151 = arith.constant 0 : i32
      %dma_start3A_152 = tpu.memref_slice %arg21[%dma_start3A_150, %dma_start3A_151] : memref<10112x16xf32, #tpu.memory_space<vmem_shared>> -> memref<10112x16xf32, #tpu.memory_space<vmem_shared>>
      tpu.enqueue_indirect_dma source(%arg19 : memref<128x16xf32, #tpu.memory_space<vmem>>) target(%dma_start3A_152 : memref<10112x16xf32, #tpu.memory_space<vmem_shared>>) offsets(%dma_start3A_149 : memref<128xi32, #tpu.memory_space<vmem>>) semaphore(%run_scoped3A_146 : memref<!tpu.dma_semaphore, #tpu.memory_space<semaphore_mem>>) {add = true}
      %dma_wait3A_153 = arith.constant 0 : i32
      %dma_wait3A_154 = tpu.memref_slice %arg10[%run_scoped3A_144, %dma_wait3A_153] : memref<80x128xi32, #tpu.memory_space<vmem>> -> memref<1x128xi32, #tpu.memory_space<vmem>>
      %dma_wait3A_155 = tpu.memref_squeeze %dma_wait3A_154 : memref<1x128xi32, #tpu.memory_space<vmem>> -> memref<128xi32, #tpu.memory_space<vmem>>
      %dma_wait3A_156 = arith.constant 0 : i32
      %dma_wait3A_157 = arith.constant 0 : i32
      %dma_wait3A_158 = tpu.memref_slice %arg21[%dma_wait3A_156, %dma_wait3A_157] : memref<10112x16xf32, #tpu.memory_space<vmem_shared>> -> memref<10112x16xf32, #tpu.memory_space<vmem_shared>>
      tpu.wait_indirect_dma semaphore(%run_scoped3A_146 : memref<!tpu.dma_semaphore, #tpu.memory_space<semaphore_mem>>) src(%arg19 : memref<128x16xf32, #tpu.memory_space<vmem>>) dst(%dma_wait3A_158 : memref<10112x16xf32, #tpu.memory_space<vmem_shared>>)
      tpu.yield
    }) : () -> ()
    %barrier3A_145 = arith.constant 0 : index
    tpu.barrier barrier_id(%barrier3A_145)
    "tpu.region"() ({
      %run_scoped3A_146 = tpu.sem_alloc : memref<!tpu.dma_semaphore, #tpu.memory_space<semaphore_mem>>
      %dma_start3A_147 = arith.constant 0 : i32
      %dma_start3A_148 = tpu.memref_slice %arg7[%arg0, %mul3A_2, %dma_start3A_147] : memref<2x10112x16xf32, #tpu.memory_space<hbm>> -> memref<1x632x16xf32, #tpu.memory_space<hbm>>
      %dma_start3A_149 = tpu.memref_squeeze %dma_start3A_148 : memref<1x632x16xf32, #tpu.memory_space<hbm>> -> memref<632x16xf32, #tpu.memory_space<hbm>>
      %dma_start3A_150 = arith.constant 0 : i32
      %dma_start3A_151 = tpu.memref_slice %arg20[%mul3A_2, %dma_start3A_150] : memref<10112x16xf32, #tpu.memory_space<vmem_shared>> -> memref<632x16xf32, #tpu.memory_space<vmem_shared>>
      tpu.enqueue_dma source(%dma_start3A_151 : memref<632x16xf32, #tpu.memory_space<vmem_shared>>) target(%dma_start3A_149 : memref<632x16xf32, #tpu.memory_space<hbm>>) target_semaphore(%run_scoped3A_146 : memref<!tpu.dma_semaphore, #tpu.memory_space<semaphore_mem>>)
      %dma_wait3A_152 = arith.constant 0 : i32
      %dma_wait3A_153 = tpu.memref_slice %arg7[%arg0, %mul3A_2, %dma_wait3A_152] : memref<2x10112x16xf32, #tpu.memory_space<hbm>> -> memref<1x632x16xf32, #tpu.memory_space<hbm>>
      %dma_wait3A_154 = tpu.memref_squeeze %dma_wait3A_153 : memref<1x632x16xf32, #tpu.memory_space<hbm>> -> memref<632x16xf32, #tpu.memory_space<hbm>>
      %dma_wait3A_155 = arith.constant 0 : i32
      %dma_wait3A_156 = tpu.memref_slice %arg20[%mul3A_2, %dma_wait3A_155] : memref<10112x16xf32, #tpu.memory_space<vmem_shared>> -> memref<632x16xf32, #tpu.memory_space<vmem_shared>>
      tpu.wait_dma2 semaphore(%run_scoped3A_146 : memref<!tpu.dma_semaphore, #tpu.memory_space<semaphore_mem>>) src(%dma_wait3A_156 : memref<632x16xf32, #tpu.memory_space<vmem_shared>>) dst(%dma_wait3A_154 : memref<632x16xf32, #tpu.memory_space<hbm>>)
      tpu.yield
    }) : () -> ()
    "tpu.region"() ({
      %run_scoped3A_146 = tpu.sem_alloc : memref<!tpu.dma_semaphore, #tpu.memory_space<semaphore_mem>>
      %dma_start3A_147 = arith.constant 0 : i32
      %dma_start3A_148 = tpu.memref_slice %arg8[%arg0, %mul3A_2, %dma_start3A_147] : memref<2x10112x16xf32, #tpu.memory_space<hbm>> -> memref<1x632x16xf32, #tpu.memory_space<hbm>>
      %dma_start3A_149 = tpu.memref_squeeze %dma_start3A_148 : memref<1x632x16xf32, #tpu.memory_space<hbm>> -> memref<632x16xf32, #tpu.memory_space<hbm>>
      %dma_start3A_150 = arith.constant 0 : i32
      %dma_start3A_151 = tpu.memref_slice %arg21[%mul3A_2, %dma_start3A_150] : memref<10112x16xf32, #tpu.memory_space<vmem_shared>> -> memref<632x16xf32, #tpu.memory_space<vmem_shared>>
      tpu.enqueue_dma source(%dma_start3A_151 : memref<632x16xf32, #tpu.memory_space<vmem_shared>>) target(%dma_start3A_149 : memref<632x16xf32, #tpu.memory_space<hbm>>) target_semaphore(%run_scoped3A_146 : memref<!tpu.dma_semaphore, #tpu.memory_space<semaphore_mem>>)
      %dma_wait3A_152 = arith.constant 0 : i32
      %dma_wait3A_153 = tpu.memref_slice %arg8[%arg0, %mul3A_2, %dma_wait3A_152] : memref<2x10112x16xf32, #tpu.memory_space<hbm>> -> memref<1x632x16xf32, #tpu.memory_space<hbm>>
      %dma_wait3A_154 = tpu.memref_squeeze %dma_wait3A_153 : memref<1x632x16xf32, #tpu.memory_space<hbm>> -> memref<632x16xf32, #tpu.memory_space<hbm>>
      %dma_wait3A_155 = arith.constant 0 : i32
      %dma_wait3A_156 = tpu.memref_slice %arg21[%mul3A_2, %dma_wait3A_155] : memref<10112x16xf32, #tpu.memory_space<vmem_shared>> -> memref<632x16xf32, #tpu.memory_space<vmem_shared>>
      tpu.wait_dma2 semaphore(%run_scoped3A_146 : memref<!tpu.dma_semaphore, #tpu.memory_space<semaphore_mem>>) src(%dma_wait3A_156 : memref<632x16xf32, #tpu.memory_space<vmem_shared>>) dst(%dma_wait3A_154 : memref<632x16xf32, #tpu.memory_space<hbm>>)
      tpu.yield
    }) : () -> ()
    return
  }
}

module attributes {stable_mosaic.version = 14 : i64} {
  func.func @_mm_body(%arg0: i32, %arg1: memref<632x8x128xf32, #tpu.memory_space<vmem>>, %arg2: memref<128x16xf32, #tpu.memory_space<vmem>>, %arg3: memref<128x16xf32, #tpu.memory_space<vmem>>, %arg4: memref<632x128xf32, #tpu.memory_space<vmem>>, %arg5: memref<632x128xf32, #tpu.memory_space<vmem>>) attributes {dimension_semantics = [#tpu.dimension_semantics<arbitrary>], iteration_bounds = array<i64: 2>, scalar_prefetch = 0 : i64, scratch_operands = 0 : i64, tpu.core_type = #tpu.core_type<tc>, window_params = [{transform_indices = @transform_0, window_bounds = array<i64: 632, 8, 128>}, {pipeline_mode = #tpu.pipeline_mode<synchronous>, transform_indices = @transform_1, window_bounds = array<i64: 128, 16>}, {pipeline_mode = #tpu.pipeline_mode<synchronous>, transform_indices = @transform_2, window_bounds = array<i64: 128, 16>}, {transform_indices = @transform_3, window_bounds = array<i64: 632, 128>}, {transform_indices = @transform_4, window_bounds = array<i64: 632, 128>}]} {
    %get3A = arith.constant 0 : index
    %get3A_0 = arith.constant 0 : index
    %get3A_1 = arith.constant 0 : index
    %get3A_2 = vector.load %arg1[%get3A, %get3A_0, %get3A_1] : memref<632x8x128xf32, #tpu.memory_space<vmem>>, vector<632x1x128xf32>
    %get3A_3 = vector.shape_cast %get3A_2 : vector<632x1x128xf32> to vector<632x128xf32>
    %get3A_4 = arith.constant 0 : index
    %get3A_5 = arith.constant 0 : index
    %get3A_6 = vector.load %arg2[%get3A_4, %get3A_5] : memref<128x16xf32, #tpu.memory_space<vmem>>, vector<128x16xf32>
    %dot_general3A = arith.constant dense<0.000000e+00> : vector<632x16xf32>
    %dot_general3A_7 = tpu.matmul %get3A_3, %get3A_6, %dot_general3A {dimension_numbers = #tpu.dot_dimension_numbers<[1], [0], [0], [1], [0, 0, 1, 1], [], []>, transpose_lhs_hint = false} : vector<632x128xf32>, vector<128x16xf32>, vector<632x16xf32> -> vector<632x16xf32>
    %get3A_8 = arith.constant 0 : index
    %get3A_9 = arith.constant 0 : index
    %get3A_10 = vector.load %arg3[%get3A_8, %get3A_9] : memref<128x16xf32, #tpu.memory_space<vmem>>, vector<128x16xf32>
    %dot_general3A_11 = arith.constant dense<0.000000e+00> : vector<632x16xf32>
    %dot_general3A_12 = tpu.matmul %get3A_3, %get3A_10, %dot_general3A_11 {dimension_numbers = #tpu.dot_dimension_numbers<[1], [0], [0], [1], [0, 0, 1, 1], [], []>, transpose_lhs_hint = false} : vector<632x128xf32>, vector<128x16xf32>, vector<632x16xf32> -> vector<632x16xf32>
    %get3A_13 = arith.constant 0 : index
    %get3A_14 = arith.constant 1 : index
    %get3A_15 = arith.constant 0 : index
    %get3A_16 = vector.load %arg1[%get3A_13, %get3A_14, %get3A_15] : memref<632x8x128xf32, #tpu.memory_space<vmem>>, vector<632x1x128xf32>
    %get3A_17 = vector.shape_cast %get3A_16 : vector<632x1x128xf32> to vector<632x128xf32>
    %get3A_18 = arith.constant 0 : index
    %get3A_19 = arith.constant 0 : index
    %get3A_20 = vector.load %arg2[%get3A_18, %get3A_19] : memref<128x16xf32, #tpu.memory_space<vmem>>, vector<128x16xf32>
    %dot_general3A_21 = arith.constant dense<0.000000e+00> : vector<632x16xf32>
    %dot_general3A_22 = tpu.matmul %get3A_17, %get3A_20, %dot_general3A_21 {dimension_numbers = #tpu.dot_dimension_numbers<[1], [0], [0], [1], [0, 0, 1, 1], [], []>, transpose_lhs_hint = false} : vector<632x128xf32>, vector<128x16xf32>, vector<632x16xf32> -> vector<632x16xf32>
    %get3A_23 = arith.constant 0 : index
    %get3A_24 = arith.constant 0 : index
    %get3A_25 = vector.load %arg3[%get3A_23, %get3A_24] : memref<128x16xf32, #tpu.memory_space<vmem>>, vector<128x16xf32>
    %dot_general3A_26 = arith.constant dense<0.000000e+00> : vector<632x16xf32>
    %dot_general3A_27 = tpu.matmul %get3A_17, %get3A_25, %dot_general3A_26 {dimension_numbers = #tpu.dot_dimension_numbers<[1], [0], [0], [1], [0, 0, 1, 1], [], []>, transpose_lhs_hint = false} : vector<632x128xf32>, vector<128x16xf32>, vector<632x16xf32> -> vector<632x16xf32>
    %get3A_28 = arith.constant 0 : index
    %get3A_29 = arith.constant 2 : index
    %get3A_30 = arith.constant 0 : index
    %get3A_31 = vector.load %arg1[%get3A_28, %get3A_29, %get3A_30] : memref<632x8x128xf32, #tpu.memory_space<vmem>>, vector<632x1x128xf32>
    %get3A_32 = vector.shape_cast %get3A_31 : vector<632x1x128xf32> to vector<632x128xf32>
    %get3A_33 = arith.constant 0 : index
    %get3A_34 = arith.constant 0 : index
    %get3A_35 = vector.load %arg2[%get3A_33, %get3A_34] : memref<128x16xf32, #tpu.memory_space<vmem>>, vector<128x16xf32>
    %dot_general3A_36 = arith.constant dense<0.000000e+00> : vector<632x16xf32>
    %dot_general3A_37 = tpu.matmul %get3A_32, %get3A_35, %dot_general3A_36 {dimension_numbers = #tpu.dot_dimension_numbers<[1], [0], [0], [1], [0, 0, 1, 1], [], []>, transpose_lhs_hint = false} : vector<632x128xf32>, vector<128x16xf32>, vector<632x16xf32> -> vector<632x16xf32>
    %get3A_38 = arith.constant 0 : index
    %get3A_39 = arith.constant 0 : index
    %get3A_40 = vector.load %arg3[%get3A_38, %get3A_39] : memref<128x16xf32, #tpu.memory_space<vmem>>, vector<128x16xf32>
    %dot_general3A_41 = arith.constant dense<0.000000e+00> : vector<632x16xf32>
    %dot_general3A_42 = tpu.matmul %get3A_32, %get3A_40, %dot_general3A_41 {dimension_numbers = #tpu.dot_dimension_numbers<[1], [0], [0], [1], [0, 0, 1, 1], [], []>, transpose_lhs_hint = false} : vector<632x128xf32>, vector<128x16xf32>, vector<632x16xf32> -> vector<632x16xf32>
    %get3A_43 = arith.constant 0 : index
    %get3A_44 = arith.constant 3 : index
    %get3A_45 = arith.constant 0 : index
    %get3A_46 = vector.load %arg1[%get3A_43, %get3A_44, %get3A_45] : memref<632x8x128xf32, #tpu.memory_space<vmem>>, vector<632x1x128xf32>
    %get3A_47 = vector.shape_cast %get3A_46 : vector<632x1x128xf32> to vector<632x128xf32>
    %get3A_48 = arith.constant 0 : index
    %get3A_49 = arith.constant 0 : index
    %get3A_50 = vector.load %arg2[%get3A_48, %get3A_49] : memref<128x16xf32, #tpu.memory_space<vmem>>, vector<128x16xf32>
    %dot_general3A_51 = arith.constant dense<0.000000e+00> : vector<632x16xf32>
    %dot_general3A_52 = tpu.matmul %get3A_47, %get3A_50, %dot_general3A_51 {dimension_numbers = #tpu.dot_dimension_numbers<[1], [0], [0], [1], [0, 0, 1, 1], [], []>, transpose_lhs_hint = false} : vector<632x128xf32>, vector<128x16xf32>, vector<632x16xf32> -> vector<632x16xf32>
    %get3A_53 = arith.constant 0 : index
    %get3A_54 = arith.constant 0 : index
    %get3A_55 = vector.load %arg3[%get3A_53, %get3A_54] : memref<128x16xf32, #tpu.memory_space<vmem>>, vector<128x16xf32>
    %dot_general3A_56 = arith.constant dense<0.000000e+00> : vector<632x16xf32>
    %dot_general3A_57 = tpu.matmul %get3A_47, %get3A_55, %dot_general3A_56 {dimension_numbers = #tpu.dot_dimension_numbers<[1], [0], [0], [1], [0, 0, 1, 1], [], []>, transpose_lhs_hint = false} : vector<632x128xf32>, vector<128x16xf32>, vector<632x16xf32> -> vector<632x16xf32>
    %get3A_58 = arith.constant 0 : index
    %get3A_59 = arith.constant 4 : index
    %get3A_60 = arith.constant 0 : index
    %get3A_61 = vector.load %arg1[%get3A_58, %get3A_59, %get3A_60] : memref<632x8x128xf32, #tpu.memory_space<vmem>>, vector<632x1x128xf32>
    %get3A_62 = vector.shape_cast %get3A_61 : vector<632x1x128xf32> to vector<632x128xf32>
    %get3A_63 = arith.constant 0 : index
    %get3A_64 = arith.constant 0 : index
    %get3A_65 = vector.load %arg2[%get3A_63, %get3A_64] : memref<128x16xf32, #tpu.memory_space<vmem>>, vector<128x16xf32>
    %dot_general3A_66 = arith.constant dense<0.000000e+00> : vector<632x16xf32>
    %dot_general3A_67 = tpu.matmul %get3A_62, %get3A_65, %dot_general3A_66 {dimension_numbers = #tpu.dot_dimension_numbers<[1], [0], [0], [1], [0, 0, 1, 1], [], []>, transpose_lhs_hint = false} : vector<632x128xf32>, vector<128x16xf32>, vector<632x16xf32> -> vector<632x16xf32>
    %get3A_68 = arith.constant 0 : index
    %get3A_69 = arith.constant 0 : index
    %get3A_70 = vector.load %arg3[%get3A_68, %get3A_69] : memref<128x16xf32, #tpu.memory_space<vmem>>, vector<128x16xf32>
    %dot_general3A_71 = arith.constant dense<0.000000e+00> : vector<632x16xf32>
    %dot_general3A_72 = tpu.matmul %get3A_62, %get3A_70, %dot_general3A_71 {dimension_numbers = #tpu.dot_dimension_numbers<[1], [0], [0], [1], [0, 0, 1, 1], [], []>, transpose_lhs_hint = false} : vector<632x128xf32>, vector<128x16xf32>, vector<632x16xf32> -> vector<632x16xf32>
    %get3A_73 = arith.constant 0 : index
    %get3A_74 = arith.constant 5 : index
    %get3A_75 = arith.constant 0 : index
    %get3A_76 = vector.load %arg1[%get3A_73, %get3A_74, %get3A_75] : memref<632x8x128xf32, #tpu.memory_space<vmem>>, vector<632x1x128xf32>
    %get3A_77 = vector.shape_cast %get3A_76 : vector<632x1x128xf32> to vector<632x128xf32>
    %get3A_78 = arith.constant 0 : index
    %get3A_79 = arith.constant 0 : index
    %get3A_80 = vector.load %arg2[%get3A_78, %get3A_79] : memref<128x16xf32, #tpu.memory_space<vmem>>, vector<128x16xf32>
    %dot_general3A_81 = arith.constant dense<0.000000e+00> : vector<632x16xf32>
    %dot_general3A_82 = tpu.matmul %get3A_77, %get3A_80, %dot_general3A_81 {dimension_numbers = #tpu.dot_dimension_numbers<[1], [0], [0], [1], [0, 0, 1, 1], [], []>, transpose_lhs_hint = false} : vector<632x128xf32>, vector<128x16xf32>, vector<632x16xf32> -> vector<632x16xf32>
    %get3A_83 = arith.constant 0 : index
    %get3A_84 = arith.constant 0 : index
    %get3A_85 = vector.load %arg3[%get3A_83, %get3A_84] : memref<128x16xf32, #tpu.memory_space<vmem>>, vector<128x16xf32>
    %dot_general3A_86 = arith.constant dense<0.000000e+00> : vector<632x16xf32>
    %dot_general3A_87 = tpu.matmul %get3A_77, %get3A_85, %dot_general3A_86 {dimension_numbers = #tpu.dot_dimension_numbers<[1], [0], [0], [1], [0, 0, 1, 1], [], []>, transpose_lhs_hint = false} : vector<632x128xf32>, vector<128x16xf32>, vector<632x16xf32> -> vector<632x16xf32>
    %get3A_88 = arith.constant 0 : index
    %get3A_89 = arith.constant 6 : index
    %get3A_90 = arith.constant 0 : index
    %get3A_91 = vector.load %arg1[%get3A_88, %get3A_89, %get3A_90] : memref<632x8x128xf32, #tpu.memory_space<vmem>>, vector<632x1x128xf32>
    %get3A_92 = vector.shape_cast %get3A_91 : vector<632x1x128xf32> to vector<632x128xf32>
    %get3A_93 = arith.constant 0 : index
    %get3A_94 = arith.constant 0 : index
    %get3A_95 = vector.load %arg2[%get3A_93, %get3A_94] : memref<128x16xf32, #tpu.memory_space<vmem>>, vector<128x16xf32>
    %dot_general3A_96 = arith.constant dense<0.000000e+00> : vector<632x16xf32>
    %dot_general3A_97 = tpu.matmul %get3A_92, %get3A_95, %dot_general3A_96 {dimension_numbers = #tpu.dot_dimension_numbers<[1], [0], [0], [1], [0, 0, 1, 1], [], []>, transpose_lhs_hint = false} : vector<632x128xf32>, vector<128x16xf32>, vector<632x16xf32> -> vector<632x16xf32>
    %get3A_98 = arith.constant 0 : index
    %get3A_99 = arith.constant 0 : index
    %get3A_100 = vector.load %arg3[%get3A_98, %get3A_99] : memref<128x16xf32, #tpu.memory_space<vmem>>, vector<128x16xf32>
    %dot_general3A_101 = arith.constant dense<0.000000e+00> : vector<632x16xf32>
    %dot_general3A_102 = tpu.matmul %get3A_92, %get3A_100, %dot_general3A_101 {dimension_numbers = #tpu.dot_dimension_numbers<[1], [0], [0], [1], [0, 0, 1, 1], [], []>, transpose_lhs_hint = false} : vector<632x128xf32>, vector<128x16xf32>, vector<632x16xf32> -> vector<632x16xf32>
    %get3A_103 = arith.constant 0 : index
    %get3A_104 = arith.constant 7 : index
    %get3A_105 = arith.constant 0 : index
    %get3A_106 = vector.load %arg1[%get3A_103, %get3A_104, %get3A_105] : memref<632x8x128xf32, #tpu.memory_space<vmem>>, vector<632x1x128xf32>
    %get3A_107 = vector.shape_cast %get3A_106 : vector<632x1x128xf32> to vector<632x128xf32>
    %get3A_108 = arith.constant 0 : index
    %get3A_109 = arith.constant 0 : index
    %get3A_110 = vector.load %arg2[%get3A_108, %get3A_109] : memref<128x16xf32, #tpu.memory_space<vmem>>, vector<128x16xf32>
    %dot_general3A_111 = arith.constant dense<0.000000e+00> : vector<632x16xf32>
    %dot_general3A_112 = tpu.matmul %get3A_107, %get3A_110, %dot_general3A_111 {dimension_numbers = #tpu.dot_dimension_numbers<[1], [0], [0], [1], [0, 0, 1, 1], [], []>, transpose_lhs_hint = false} : vector<632x128xf32>, vector<128x16xf32>, vector<632x16xf32> -> vector<632x16xf32>
    %get3A_113 = arith.constant 0 : index
    %get3A_114 = arith.constant 0 : index
    %get3A_115 = vector.load %arg3[%get3A_113, %get3A_114] : memref<128x16xf32, #tpu.memory_space<vmem>>, vector<128x16xf32>
    %dot_general3A_116 = arith.constant dense<0.000000e+00> : vector<632x16xf32>
    %dot_general3A_117 = tpu.matmul %get3A_107, %get3A_115, %dot_general3A_116 {dimension_numbers = #tpu.dot_dimension_numbers<[1], [0], [0], [1], [0, 0, 1, 1], [], []>, transpose_lhs_hint = false} : vector<632x128xf32>, vector<128x16xf32>, vector<632x16xf32> -> vector<632x16xf32>
    %concatenate3A = tpu.concatenate %dot_general3A_7, %dot_general3A_22, %dot_general3A_37, %dot_general3A_52, %dot_general3A_67, %dot_general3A_82, %dot_general3A_97, %dot_general3A_112 in 1 : vector<632x16xf32>, vector<632x16xf32>, vector<632x16xf32>, vector<632x16xf32>, vector<632x16xf32>, vector<632x16xf32>, vector<632x16xf32>, vector<632x16xf32> -> vector<632x128xf32>
    %swap3A = arith.constant 0 : index
    %swap3A_118 = arith.constant 0 : index
    %swap3A_119 = vector.load %arg4[%swap3A, %swap3A_118] : memref<632x128xf32, #tpu.memory_space<vmem>>, vector<632x128xf32>
    tpu.vector_store %arg4[%swap3A, %swap3A_118], %concatenate3A {strides = array<i32>} : memref<632x128xf32, #tpu.memory_space<vmem>>, vector<632x128xf32>,
    %concatenate3A_120 = tpu.concatenate %dot_general3A_12, %dot_general3A_27, %dot_general3A_42, %dot_general3A_57, %dot_general3A_72, %dot_general3A_87, %dot_general3A_102, %dot_general3A_117 in 1 : vector<632x16xf32>, vector<632x16xf32>, vector<632x16xf32>, vector<632x16xf32>, vector<632x16xf32>, vector<632x16xf32>, vector<632x16xf32>, vector<632x16xf32> -> vector<632x128xf32>
    %swap3A_121 = arith.constant 0 : index
    %swap3A_122 = arith.constant 0 : index
    %swap3A_123 = vector.load %arg5[%swap3A_121, %swap3A_122] : memref<632x128xf32, #tpu.memory_space<vmem>>, vector<632x128xf32>
    tpu.vector_store %arg5[%swap3A_121, %swap3A_122], %concatenate3A_120 {strides = array<i32>} : memref<632x128xf32, #tpu.memory_space<vmem>>, vector<632x128xf32>,
    return
  }
  func.func @transform_0(%arg0: i32) -> (i32, i32, i32) {
    %c0_i32 = arith.constant 0 : i32
    %c0_i32_0 = arith.constant 0 : i32
    %c0_i32_1 = arith.constant 0 : i32
    return %arg0, %c0_i32, %c0_i32_0 : i32, i32, i32
  }
  func.func @transform_1(%arg0: i32) -> (i32, i32) {
    %c0_i32 = arith.constant 0 : i32
    %c0_i32_0 = arith.constant 0 : i32
    %c0_i32_1 = arith.constant 0 : i32
    return %c0_i32, %c0_i32_0 : i32, i32
  }
  func.func @transform_2(%arg0: i32) -> (i32, i32) {
    %c0_i32 = arith.constant 0 : i32
    %c0_i32_0 = arith.constant 0 : i32
    %c0_i32_1 = arith.constant 0 : i32
    return %c0_i32, %c0_i32_0 : i32, i32
  }
  func.func @transform_3(%arg0: i32) -> (i32, i32) {
    %c0_i32 = arith.constant 0 : i32
    %c0_i32_0 = arith.constant 0 : i32
    return %arg0, %c0_i32 : i32, i32
  }
  func.func @transform_4(%arg0: i32) -> (i32, i32) {
    %c0_i32 = arith.constant 0 : i32
    %c0_i32_0 = arith.constant 0 : i32
    return %arg0, %c0_i32 : i32, i32
  }
}

module attributes {stable_mosaic.version = 14 : i64} {
  func.func @_tc2_body(%arg0: i32, %arg1: memref<2x632x128xf32, #tpu.memory_space<vmem>>, %arg2: memref<2x632x128xf32, #tpu.memory_space<vmem>>, %arg3: memref<632x128xf32, #tpu.memory_space<vmem>>, %arg4: memref<1x128xf32, #tpu.memory_space<vmem>>, %arg5: memref<632x128xf32, #tpu.memory_space<vmem>>) attributes {dimension_semantics = [#tpu.dimension_semantics<arbitrary>], iteration_bounds = array<i64: 2>, scalar_prefetch = 0 : i64, scratch_operands = 0 : i64, tpu.core_type = #tpu.core_type<tc>, window_params = [{transform_indices = @transform_0, window_bounds = array<i64: 2, 632, 128>}, {transform_indices = @transform_1, window_bounds = array<i64: 2, 632, 128>}, {transform_indices = @transform_2, window_bounds = array<i64: 632, 128>}, {pipeline_mode = #tpu.pipeline_mode<synchronous>, transform_indices = @transform_3, window_bounds = array<i64: 1, 128>}, {transform_indices = @transform_4, window_bounds = array<i64: 632, 128>}]} {
    %get3A = arith.constant 0 : index
    %get3A_0 = arith.constant 0 : index
    %get3A_1 = arith.constant 0 : index
    %get3A_2 = vector.load %arg1[%get3A, %get3A_0, %get3A_1] : memref<2x632x128xf32, #tpu.memory_space<vmem>>, vector<1x632x128xf32>
    %get3A_3 = vector.shape_cast %get3A_2 : vector<1x632x128xf32> to vector<632x128xf32>
    %get3A_4 = arith.constant 1 : index
    %get3A_5 = arith.constant 0 : index
    %get3A_6 = arith.constant 0 : index
    %get3A_7 = vector.load %arg1[%get3A_4, %get3A_5, %get3A_6] : memref<2x632x128xf32, #tpu.memory_space<vmem>>, vector<1x632x128xf32>
    %get3A_8 = vector.shape_cast %get3A_7 : vector<1x632x128xf32> to vector<632x128xf32>
    %add3A = arith.addf %get3A_3, %get3A_8 : vector<632x128xf32>
    %get3A_9 = arith.constant 0 : index
    %get3A_10 = arith.constant 0 : index
    %get3A_11 = arith.constant 0 : index
    %get3A_12 = vector.load %arg2[%get3A_9, %get3A_10, %get3A_11] : memref<2x632x128xf32, #tpu.memory_space<vmem>>, vector<1x632x128xf32>
    %get3A_13 = vector.shape_cast %get3A_12 : vector<1x632x128xf32> to vector<632x128xf32>
    %get3A_14 = arith.constant 1 : index
    %get3A_15 = arith.constant 0 : index
    %get3A_16 = arith.constant 0 : index
    %get3A_17 = vector.load %arg2[%get3A_14, %get3A_15, %get3A_16] : memref<2x632x128xf32, #tpu.memory_space<vmem>>, vector<1x632x128xf32>
    %get3A_18 = vector.shape_cast %get3A_17 : vector<1x632x128xf32> to vector<632x128xf32>
    %add3A_19 = arith.addf %get3A_13, %get3A_18 : vector<632x128xf32>
    %max3A = arith.constant 1.000000e+00 : f32
    %max3A_20 = vector.broadcast %max3A : f32 to vector<632x128xf32>
    %max3A_21 = arith.maximumf %add3A_19, %max3A_20 : vector<632x128xf32>
    %div3A = arith.divf %add3A, %max3A_21 : vector<632x128xf32>
    %get3A_22 = arith.constant 0 : index
    %get3A_23 = arith.constant 0 : index
    %get3A_24 = vector.load %arg4[%get3A_22, %get3A_23] : memref<1x128xf32, #tpu.memory_space<vmem>>, vector<1x128xf32>
    %add3A_25 = vector.broadcast %get3A_24 : vector<1x128xf32> to vector<632x128xf32>
    %add3A_26 = arith.addf %div3A, %add3A_25 : vector<632x128xf32>
    %get3A_27 = arith.constant 0 : index
    %get3A_28 = arith.constant 0 : index
    %get3A_29 = vector.load %arg3[%get3A_27, %get3A_28] : memref<632x128xf32, #tpu.memory_space<vmem>>, vector<632x128xf32>
    %add3A_30 = arith.addf %add3A_26, %get3A_29 : vector<632x128xf32>
    %max3A_31 = arith.constant 0.000000e+00 : f32
    %max3A_32 = vector.broadcast %max3A_31 : f32 to vector<632x128xf32>
    %max3A_33 = arith.maximumf %add3A_30, %max3A_32 : vector<632x128xf32>
    %swap3A = arith.constant 0 : index
    %swap3A_34 = arith.constant 0 : index
    %swap3A_35 = vector.load %arg5[%swap3A, %swap3A_34] : memref<632x128xf32, #tpu.memory_space<vmem>>, vector<632x128xf32>
    tpu.vector_store %arg5[%swap3A, %swap3A_34], %max3A_33 {strides = array<i32>} : memref<632x128xf32, #tpu.memory_space<vmem>>, vector<632x128xf32>,
    return
  }
  func.func @transform_0(%arg0: i32) -> (i32, i32, i32) {
    %c0_i32 = arith.constant 0 : i32
    %c0_i32_0 = arith.constant 0 : i32
    %c0_i32_1 = arith.constant 0 : i32
    return %c0_i32, %arg0, %c0_i32_0 : i32, i32, i32
  }
  func.func @transform_1(%arg0: i32) -> (i32, i32, i32) {
    %c0_i32 = arith.constant 0 : i32
    %c0_i32_0 = arith.constant 0 : i32
    %c0_i32_1 = arith.constant 0 : i32
    return %c0_i32, %arg0, %c0_i32_0 : i32, i32, i32
  }
  func.func @transform_2(%arg0: i32) -> (i32, i32) {
    %c0_i32 = arith.constant 0 : i32
    %c0_i32_0 = arith.constant 0 : i32
    return %arg0, %c0_i32 : i32, i32
  }
  func.func @transform_3(%arg0: i32) -> (i32, i32) {
    %c0_i32 = arith.constant 0 : i32
    %c0_i32_0 = arith.constant 0 : i32
    %c0_i32_1 = arith.constant 0 : i32
    return %c0_i32, %c0_i32_0 : i32, i32
  }
  func.func @transform_4(%arg0: i32) -> (i32, i32) {
    %c0_i32 = arith.constant 0 : i32
    %c0_i32_0 = arith.constant 0 : i32
    return %arg0, %c0_i32 : i32, i32
  }
}

module attributes {stable_mosaic.version = 14 : i64} {
  func.func @_tc3_body(%arg0: i32, %arg1: memref<2x632x128xf32, #tpu.memory_space<vmem>>, %arg2: memref<2x632x128xf32, #tpu.memory_space<vmem>>, %arg3: memref<632x128xf32, #tpu.memory_space<vmem>>, %arg4: memref<128x320xf32, #tpu.memory_space<vmem>>, %arg5: memref<128x320xf32, #tpu.memory_space<vmem>>, %arg6: memref<1x320xf32, #tpu.memory_space<vmem>>, %arg7: memref<320x320xf32, #tpu.memory_space<vmem>>, %arg8: memref<632x320xf32, #tpu.memory_space<vmem>>) attributes {dimension_semantics = [#tpu.dimension_semantics<arbitrary>], iteration_bounds = array<i64: 2>, scalar_prefetch = 0 : i64, scratch_operands = 0 : i64, tpu.core_type = #tpu.core_type<tc>, window_params = [{transform_indices = @transform_0, window_bounds = array<i64: 2, 632, 128>}, {transform_indices = @transform_1, window_bounds = array<i64: 2, 632, 128>}, {transform_indices = @transform_2, window_bounds = array<i64: 632, 128>}, {pipeline_mode = #tpu.pipeline_mode<synchronous>, transform_indices = @transform_3, window_bounds = array<i64: 128, 320>}, {pipeline_mode = #tpu.pipeline_mode<synchronous>, transform_indices = @transform_4, window_bounds = array<i64: 128, 320>}, {pipeline_mode = #tpu.pipeline_mode<synchronous>, transform_indices = @transform_5, window_bounds = array<i64: 1, 320>}, {pipeline_mode = #tpu.pipeline_mode<synchronous>, transform_indices = @transform_6, window_bounds = array<i64: 320, 320>}, {transform_indices = @transform_7, window_bounds = array<i64: 632, 320>}]} {
    %get3A = arith.constant 0 : index
    %get3A_0 = arith.constant 0 : index
    %get3A_1 = arith.constant 0 : index
    %get3A_2 = vector.load %arg1[%get3A, %get3A_0, %get3A_1] : memref<2x632x128xf32, #tpu.memory_space<vmem>>, vector<1x632x128xf32>
    %get3A_3 = vector.shape_cast %get3A_2 : vector<1x632x128xf32> to vector<632x128xf32>
    %get3A_4 = arith.constant 1 : index
    %get3A_5 = arith.constant 0 : index
    %get3A_6 = arith.constant 0 : index
    %get3A_7 = vector.load %arg1[%get3A_4, %get3A_5, %get3A_6] : memref<2x632x128xf32, #tpu.memory_space<vmem>>, vector<1x632x128xf32>
    %get3A_8 = vector.shape_cast %get3A_7 : vector<1x632x128xf32> to vector<632x128xf32>
    %add3A = arith.addf %get3A_3, %get3A_8 : vector<632x128xf32>
    %get3A_9 = arith.constant 0 : index
    %get3A_10 = arith.constant 0 : index
    %get3A_11 = arith.constant 0 : index
    %get3A_12 = vector.load %arg2[%get3A_9, %get3A_10, %get3A_11] : memref<2x632x128xf32, #tpu.memory_space<vmem>>, vector<1x632x128xf32>
    %get3A_13 = vector.shape_cast %get3A_12 : vector<1x632x128xf32> to vector<632x128xf32>
    %get3A_14 = arith.constant 1 : index
    %get3A_15 = arith.constant 0 : index
    %get3A_16 = arith.constant 0 : index
    %get3A_17 = vector.load %arg2[%get3A_14, %get3A_15, %get3A_16] : memref<2x632x128xf32, #tpu.memory_space<vmem>>, vector<1x632x128xf32>
    %get3A_18 = vector.shape_cast %get3A_17 : vector<1x632x128xf32> to vector<632x128xf32>
    %add3A_19 = arith.addf %get3A_13, %get3A_18 : vector<632x128xf32>
    %max3A = arith.constant 1.000000e+00 : f32
    %max3A_20 = vector.broadcast %max3A : f32 to vector<632x128xf32>
    %max3A_21 = arith.maximumf %add3A_19, %max3A_20 : vector<632x128xf32>
    %div3A = arith.divf %add3A, %max3A_21 : vector<632x128xf32>
    %get3A_22 = arith.constant 0 : index
    %get3A_23 = arith.constant 0 : index
    %get3A_24 = vector.load %arg4[%get3A_22, %get3A_23] : memref<128x320xf32, #tpu.memory_space<vmem>>, vector<128x320xf32>
    %dot_general3A = arith.constant dense<0.000000e+00> : vector<632x320xf32>
    %dot_general3A_25 = tpu.matmul %div3A, %get3A_24, %dot_general3A {dimension_numbers = #tpu.dot_dimension_numbers<[1], [0], [0], [1], [0, 0, 1, 1], [], []>, transpose_lhs_hint = false} : vector<632x128xf32>, vector<128x320xf32>, vector<632x320xf32> -> vector<632x320xf32>
    %get3A_26 = arith.constant 0 : index
    %get3A_27 = arith.constant 0 : index
    %get3A_28 = vector.load %arg3[%get3A_26, %get3A_27] : memref<632x128xf32, #tpu.memory_space<vmem>>, vector<632x128xf32>
    %get3A_29 = arith.constant 0 : index
    %get3A_30 = arith.constant 0 : index
    %get3A_31 = vector.load %arg5[%get3A_29, %get3A_30] : memref<128x320xf32, #tpu.memory_space<vmem>>, vector<128x320xf32>
    %dot_general3A_32 = arith.constant dense<0.000000e+00> : vector<632x320xf32>
    %dot_general3A_33 = tpu.matmul %get3A_28, %get3A_31, %dot_general3A_32 {dimension_numbers = #tpu.dot_dimension_numbers<[1], [0], [0], [1], [0, 0, 1, 1], [], []>, transpose_lhs_hint = false} : vector<632x128xf32>, vector<128x320xf32>, vector<632x320xf32> -> vector<632x320xf32>
    %add3A_34 = arith.addf %dot_general3A_25, %dot_general3A_33 : vector<632x320xf32>
    %get3A_35 = arith.constant 0 : index
    %get3A_36 = arith.constant 0 : index
    %get3A_37 = vector.load %arg6[%get3A_35, %get3A_36] : memref<1x320xf32, #tpu.memory_space<vmem>>, vector<1x320xf32>
    %add3A_38 = vector.broadcast %get3A_37 : vector<1x320xf32> to vector<632x320xf32>
    %add3A_39 = arith.addf %add3A_34, %add3A_38 : vector<632x320xf32>
    %reduce_max3A = arith.constant dense<0xFF800000> : vector<632xf32>
    %reduce_max3A_40 = vector.multi_reduction <maximumf>, %add3A_39, %reduce_max3A [1] : vector<632x320xf32> to vector<632xf32>
    %broadcast_in_dim3A = vector.shape_cast %reduce_max3A_40 : vector<632xf32> to vector<632x1xf32>
    %sub3A = vector.broadcast %broadcast_in_dim3A : vector<632x1xf32> to vector<632x320xf32>
    %sub3A_41 = arith.subf %add3A_39, %sub3A : vector<632x320xf32>
    %exp3A = math.exp %sub3A_41 : vector<632x320xf32>
    %get3A_42 = arith.constant 0 : index
    %get3A_43 = arith.constant 0 : index
    %get3A_44 = vector.load %arg7[%get3A_42, %get3A_43] : memref<320x320xf32, #tpu.memory_space<vmem>>, vector<320x320xf32>
    %dot_general3A_45 = arith.constant dense<0.000000e+00> : vector<632x320xf32>
    %dot_general3A_46 = tpu.matmul %exp3A, %get3A_44, %dot_general3A_45 {dimension_numbers = #tpu.dot_dimension_numbers<[1], [0], [0], [1], [0, 0, 1, 1], [], []>, transpose_lhs_hint = false} : vector<632x320xf32>, vector<320x320xf32>, vector<632x320xf32> -> vector<632x320xf32>
    %sub3A_47 = vector.broadcast %broadcast_in_dim3A : vector<632x1xf32> to vector<632x320xf32>
    %sub3A_48 = arith.subf %add3A_39, %sub3A_47 : vector<632x320xf32>
    %log3A = math.log %dot_general3A_46 : vector<632x320xf32>
    %sub3A_49 = arith.subf %sub3A_48, %log3A : vector<632x320xf32>
    %swap3A = arith.constant 0 : index
    %swap3A_50 = arith.constant 0 : index
    %swap3A_51 = vector.load %arg8[%swap3A, %swap3A_50] : memref<632x320xf32, #tpu.memory_space<vmem>>, vector<632x320xf32>
    tpu.vector_store %arg8[%swap3A, %swap3A_50], %sub3A_49 {strides = array<i32>} : memref<632x320xf32, #tpu.memory_space<vmem>>, vector<632x320xf32>,
    return
  }
  func.func @transform_0(%arg0: i32) -> (i32, i32, i32) {
    %c0_i32 = arith.constant 0 : i32
    %c0_i32_0 = arith.constant 0 : i32
    %c0_i32_1 = arith.constant 0 : i32
    return %c0_i32, %arg0, %c0_i32_0 : i32, i32, i32
  }
  func.func @transform_1(%arg0: i32) -> (i32, i32, i32) {
    %c0_i32 = arith.constant 0 : i32
    %c0_i32_0 = arith.constant 0 : i32
    %c0_i32_1 = arith.constant 0 : i32
    return %c0_i32, %arg0, %c0_i32_0 : i32, i32, i32
  }
  func.func @transform_2(%arg0: i32) -> (i32, i32) {
    %c0_i32 = arith.constant 0 : i32
    %c0_i32_0 = arith.constant 0 : i32
    return %arg0, %c0_i32 : i32, i32
  }
  func.func @transform_3(%arg0: i32) -> (i32, i32) {
    %c0_i32 = arith.constant 0 : i32
    %c0_i32_0 = arith.constant 0 : i32
    %c0_i32_1 = arith.constant 0 : i32
    return %c0_i32, %c0_i32_0 : i32, i32
  }
  func.func @transform_4(%arg0: i32) -> (i32, i32) {
    %c0_i32 = arith.constant 0 : i32
    %c0_i32_0 = arith.constant 0 : i32
    %c0_i32_1 = arith.constant 0 : i32
    return %c0_i32, %c0_i32_0 : i32, i32
  }
  func.func @transform_5(%arg0: i32) -> (i32, i32) {
    %c0_i32 = arith.constant 0 : i32
    %c0_i32_0 = arith.constant 0 : i32
    %c0_i32_1 = arith.constant 0 : i32
    return %c0_i32, %c0_i32_0 : i32, i32
  }
  func.func @transform_6(%arg0: i32) -> (i32, i32) {
    %c0_i32 = arith.constant 0 : i32
    %c0_i32_0 = arith.constant 0 : i32
    %c0_i32_1 = arith.constant 0 : i32
    return %c0_i32, %c0_i32_0 : i32, i32
  }
  func.func @transform_7(%arg0: i32) -> (i32, i32) {
    %c0_i32 = arith.constant 0 : i32
    %c0_i32_0 = arith.constant 0 : i32
    return %arg0, %c0_i32 : i32, i32
  }
}

</mosaic_0001>

<sc_bundles>
// kernel: kernel.10.cloned.1.call-start
scs
__scs_entry_jumppad:
0x0: {  	(pc) =	sbr.rel $0x88, $3  }
0x1: {  	(tag) =	ssettag $0x0;
	lr =	simm.s32 $0x1  }
0x2: {  	[smem:$0x3F99] =	sst lr;
	_ =	strace $0xD0000000  }
0x3: {  	_ = 	snop  }
0x4: {  	_ = 	snop  }
0x5: {  	_ = 	snop  }
0x6: {  	_ = 	snop  }
0x7: {  	_ = 	snop  }
__scs_overlays_trampoline_lowered:
0x8: {  	[smem:$0x3FA8] =	sst s0  }
0x9: {  	[smem:$0x3FA9] =	sst s1  }
0xa: {  	[smem:$0x3FAA] =	sst s2  }
0xb: {  	[smem:$0x3FAB] =	sst s3  }
0xc: {  	[smem:$0x3FAC] =	sst s4  }
0xd: {  	[smem:$0x3FAD] =	sst s5  }
0xe: {  	[smem:$0x3FAE] =	sst s6  }
0xf: {  	[smem:$0x3FAF] =	sst s7  }
0x10: {  	[smem:$0x3FB0] =	sst s8  }
0x11: {  	[smem:$0x3FB1] =	sst s9;
	s0 =	simm.s32 @!p0 $0x0  }
0x12: {  	s1 =	sld [smem:$0x3F97];
	s0 =	simm.s32 @p0 $0x1  }
0x13: {  	[smem:$0x3FB2] =	sst s0;
	s0 =	simm.s32 @!p1 $0x0  }
0x14: {  	s2 =	sld [smem:$0x3F96];
	s0 =	simm.s32 @p1 $0x1  }
0x15: {  	[smem:$0x3FB3] =	sst s0;
	s0 =	simm.s32 @!p2 $0x0  }
0x16: {  	s3 =	sld [smem:$0x3FDB];
	s0 =	simm.s32 @p2 $0x1  }
0x17: {  	s4 =	simm.s32 $0x1BF5;
	[smem:$0x3FB5] =	sst s0  }
0x18: {  	s0 =	sld [smem:$0x3F98];
	_ =	swait.ge [sflag:s4], $0x0  }
0x19: {  	s7 =	sld [smem:$0x3F99]  }
0x1a: {  	s8 =	sadd.s32 $0xFFFFE003, lr  }
0x1b: {  	s9 =	sadd.s32 $0xFFFFFEF7, lr;
	s5 =	simm.s32 $0xFFFFFFFF;
	p2 =	slt.u32 s8, $0xFFFFF086  }
0x1c: {  	p1 =	slt.u32 s9, $0xF7A;
	s5 =	simm.s32 @!p2 $0x0  }
0x1d: {  	s5 =	simm.s32 @p1 $0x1;
	p0 =	seq.s32 s7, s2  }
0x1e: {  	s7 =	smul.u32 @!p0 $0xF7A, s2;
	p2 =	seq.s32 @!p0 s5, $0x0  }
0x1f: {  	s9 =	smul.u32 $0xF7A, s1;
	s8 =	simm.s32 @!p0 $0x1BF5;
	p2 =	por !p2, p0  }
0x20: {  	[sflag:s8] =	ssyncset.s32 @!p0 $0xFFFFF086;
	s6 =	sadd.s32 @!p0 s3, s7;
	s7 =	simm.s32 @!p0 $0x108  }
0x21: {  	s3 =	sadd.s32 s3, s9;
	s6 =	sadd.s32 @!p0 $0x88, s6;
	s7 =	simm.s32 @p2 $0x1082  }
0x22: {  	[simem:s7], [sflag:s8] =	dma.local @!p0 [hbm:s6], $0xF7A  }
0x23: {  	s9 =	sor.u32 $0xD0000000, s2;
	s6 =	simm.s32 $0x108;
	_ =	swait.ge @!p0 [sflag:s8], $0x0  }
0x24: {  	s3 =	sadd.s32 $0x88, s3;
	s6 =	simm.s32 @!p1 $0x1082;
	[sflag:s4] =	ssyncset.s32 $0xFFFFF086  }
0x25: {  	[simem:s6], [sflag:s4] =	dma.local [hbm:s3], $0xF7A  }
0x26: {  	[smem:$0x3F99] =	sst s1;
	(tag) =	ssettag s2;
	_ =	strace s9  }
0x27: {  	s1 =	sld [smem:$0x3FA9]  }
0x28: {  	s2 =	sld [smem:$0x3FAA]  }
0x29: {  	s4 =	sld [smem:$0x3FAC]  }
0x2a: {  	p0 =	seq.s32 s5, $0x0;
	s5 =	sld [smem:$0x3FAD]  }
0x2b: {  	s6 =	sld [smem:$0x3FAE]  }
0x2c: {  	s7 =	sld [smem:$0x3FAF]  }
0x2d: {  	s3 =	simm.s32 $0x108;
	s8 =	sld [smem:$0x3FB0]  }
0x2e: {  	s3 =	simm.s32 @!p0 $0x1082;
	s9 =	sld [smem:$0x3FB1]  }
0x2f: {  	lr =	sadd.s32 s0, s3;
	s0 =	sld [smem:$0x3FA8]  }
0x30: {  	s3 =	sld [smem:$0x3FAB]  }
0x31: {  	[smem:$0x3FB4] =	sst s10  }
0x32: {  	s10 =	sld [smem:$0x3FB2];
	_ =	sdelay $0x3  }
0x33: {  	p0 =	seq.s32 s10, $0x1;
	s10 =	sld [smem:$0x3FB4];
	_ =	sdelay $0x3  }
0x34: {  	[smem:$0x3FB4] =	sst s10  }
0x35: {  	s10 =	sld [smem:$0x3FB3];
	_ =	sdelay $0x3  }
0x36: {  	p1 =	seq.s32 s10, $0x1;
	s10 =	sld [smem:$0x3FB4];
	_ =	sdelay $0x3  }
0x37: {  	[smem:$0x3FB4] =	sst s10  }
0x38: {  	s10 =	sld [smem:$0x3FB5]  }
0x39: {  	_ = 	snop;
	(pc) =	sbr.ind lr, $3  }
0x3a: {  	_ = 	snop  }
0x3b: {  	_ = 	snop  }
0x3c: {  	p2 =	seq.s32 s10, $0x1;
	s10 =	sld [smem:$0x3FB4]  }
0x3d: {  	_ =	shalt  }
0x3e: {  	_ =	shalt  }
0x3f: {  	_ =	shalt  }
0x40: {  	_ =	shalt  }
0x41: {  	_ =	shalt  }
0x42: {  	_ =	shalt  }
0x43: {  	_ =	shalt  }
0x44: {  	_ =	shalt  }
0x45: {  	_ =	shalt  }
0x46: {  	_ =	shalt  }
0x47: {  	_ =	shalt  }
0x48: {  	_ =	shalt  }
0x49: {  	_ =	shalt  }
0x4a: {  	_ =	shalt  }
0x4b: {  	_ =	shalt  }
0x4c: {  	_ =	shalt  }
0x4d: {  	_ =	shalt  }
0x4e: {  	_ =	shalt  }
0x4f: {  	_ =	shalt  }
0x50: {  	_ =	shalt  }
0x51: {  	_ =	shalt  }
0x52: {  	_ =	shalt  }
0x53: {  	_ =	shalt  }
0x54: {  	_ =	shalt  }
0x55: {  	_ =	shalt  }
0x56: {  	_ =	shalt  }
0x57: {  	_ =	shalt  }
0x58: {  	_ =	shalt  }
0x59: {  	_ =	shalt  }
0x5a: {  	_ =	shalt  }
0x5b: {  	_ =	shalt  }
0x5c: {  	_ =	shalt  }
0x5d: {  	_ =	shalt  }
0x5e: {  	_ =	shalt  }
0x5f: {  	_ =	shalt  }
0x60: {  	_ =	shalt  }
0x61: {  	_ =	shalt  }
0x62: {  	_ =	shalt  }
0x63: {  	_ =	shalt  }
0x64: {  	_ =	shalt  }
0x65: {  	_ =	shalt  }
0x66: {  	_ =	shalt  }
0x67: {  	_ =	shalt  }
0x68: {  	_ =	shalt  }
0x69: {  	_ =	shalt  }
0x6a: {  	_ =	shalt  }
0x6b: {  	_ =	shalt  }
0x6c: {  	_ =	shalt  }
0x6d: {  	_ =	shalt  }
0x6e: {  	_ =	shalt  }
0x6f: {  	_ =	shalt  }
0x70: {  	_ =	shalt  }
0x71: {  	_ =	shalt  }
0x72: {  	_ =	shalt  }
0x73: {  	_ =	shalt  }
0x74: {  	_ =	shalt  }
0x75: {  	_ =	shalt  }
0x76: {  	_ =	shalt  }
0x77: {  	_ =	shalt  }
0x78: {  	_ =	shalt  }
0x79: {  	_ =	shalt  }
0x7a: {  	_ =	shalt  }
0x7b: {  	_ =	shalt  }
0x7c: {  	_ =	shalt  }
0x7d: {  	_ =	shalt  }
0x7e: {  	_ =	shalt  }
0x7f: {  	_ =	shalt  }
0x80: {  	_ =	shalt  }
0x81: {  	_ =	shalt  }
0x82: {  	_ =	shalt  }
0x83: {  	_ =	shalt  }
0x84: {  	_ =	shalt  }
0x85: {  	_ =	shalt  }
0x86: {  	_ =	shalt  }
0x87: {  	_ =	shalt  }
.Lfunc_end0:
.L_simem_size_0:
called_computation.1_lowered:
.L_overlay_start_0:
0x88: {  	s2 =	sld [smem:$0x3FD9]  }
0x89: {  	s3 =	sld [smem:$0x3FFE];
	_ =	sdelay $0x1  }
0x8a: {  	s1 =	srdreg.scid  }
0x8b: {  	s0 =	sand.u32 $0x1, s1  }
0x8c: {  	s17 =	sshll.u32 s0, $0xA;
	s2 =	sadd.s32 s3, s2  }
0x8d: {  	s2 =	sadd.s32 s2, s17  }
0x8e: {  	[smem:$0x3FC0] =	sst s2  }
0x8f: {  	_ = 	snop  }
0x90: {  	s2 =	sld [smem:$0x3FD0];
	(tm) =	ssettm $0x1  }
0x91: {  	s18 =	sld [smem:$0x3FFB];
	_ =	sdelay $0x3  }
0x92: {  	_ =	strace s18  }
0x93: {  	s3 =	sld [smem:$0x3FFC];
	_ =	sdelay $0x3  }
0x94: {  	_ =	strace s3  }
0x95: {  	s3 =	sld [smem:$0x3FFD];
	_ =	sdelay $0x3  }
0x96: {  	_ =	strace s3  }
0x97: {  	_ =	strace $0x8FFFFFFF  }
0x98: {  	s19 =	sld [smem:$0x3FDB];
	_ =	sdelay $0x1  }
0x99: {  	s4 =	simm.s32 $_scs_section_size  }
0x9a: {  	s5 =	simm.s32 $_size__tile_overlayer_lowered;
	s6 =	simm.s32 $_tile_overlayer_lowered  }
0x9b: {  	s22 =	simm.s32 $0x1BFF;
	s21 =	sshll.u32 s6, $0x1;
	s3 =	sadd.s32 s4, s19  }
0x9c: {  	s7 =	simm.s32 $0x0;
	s20 =	sshll.u32 s5, $0x1;
	s5 =	sadd.s32 s21, s3  }
0x9d: {  	[timem:s7], [sflag:s22] =	dma.local [hbm:s5], s20  }
0x9e: {  	_ =	swait.ge [sflag:s22], s20  }
0x9f: {  	s4 =	ssub.s32 $0x0, s20;
	[sflag:s22] =	ssyncset.done $0x0  }
0xa0: {  	[sflag:s22] =	ssyncadd.s32 s4;
	_ =	sdelay $0x1  }
0xa1: {  	s23 =	simm.s32 $0x1B8B  }
0xa2: {  	_ =	swait.ge [sflag:s23], $0x1  }
0xa3: {  	[sflag:s23] =	ssyncset.done $0x0  }
0xa4: {  	s25 =	simm.s32 $0x1B8E;
	s24 =	sld [smem:$0x3FFE];
	[sflag:s23] =	ssyncadd.s32 $0xFFFFFFFF  }
0xa5: {  	s26 =	simm.s32 $execute0_lowered;
	[smem:$0x3FD2] =	sst s25  }
0xa6: {  	s5 =	sshll.u32 s26, $0x1;
	_ =	strace $0x80000049;
	[dreg:$0x1] =	wrdreg $0xFFFFFFFF  }
0xa7: {  	s28 =	simm.s32 $_size_execute0_lowered;
	s3 =	sadd.s32 s3, s5;
	[dreg:$0x0] =	wrdreg $0x0  }
0xa8: {  	s5 =	sshll.u32 s28, $0x1;
	[dreg:$0x2] =	wrdreg s3  }
0xa9: {  	[dreg:$0x3] =	wrdreg s5  }
0xaa: {  	[dreg:$0x4] =	wrdreg $0xC0  }
0xab: {  	_ =	task [dreg:s7], $0x5FFFF  }
0xac: {  	[dreg:$0x1] =	wrdreg $0xFFFFFFFF  }
0xad: {  	[dreg:$0x0] =	wrdreg $0x60  }
0xae: {  	[dreg:$0x2] =	wrdreg s24  }
0xaf: {  	[dreg:$0x3] =	wrdreg s2  }
0xb0: {  	[dreg:$0x4] =	wrdreg $0x90000  }
0xb1: {  	[dreg:$0x5] =	wrdreg $0x9  }
0xb2: {  	_ =	task.clear_ibuf [dreg:s7], $0x6FFFF;
	_ =	strace $0x90000049  }
0xb3: {  	s29 =	simm.s32 $0x9;
	_ =	strace $0x8000004B  }
0xb4: {  	_ =	swait.ge [sflag:s29], $0x1  }
0xb5: {  	[sflag:s29] =	ssyncadd.s32 $0xFFFFFFFF  }
0xb6: {  	_ =	strace $0x9000004B  }
0xb7: {  	_ =	sfence  }
0xb8: {  	s30 =	sld [smem:$0x0];
	_ =	sdelay $0x2  }
0xb9: {  	s31 =	sshll.u32 s1, $0xD;
	s1 =	sshrl.u32 s1, $0x2  }
0xba: {  	s3 =	sand.u32 $0x4000, s31;
	s1 =	sadd.s32 s1, s30  }
0xbb: {  	s0 =	sor.u32 s3, s0;
	s1 =	sshll.u32 s1, $0x11  }
0xbc: {  	s0 =	sor.u32 s1, s0  }
0xbd: {  	s0 =	sadd.s32 $0x8F2B, s0  }
0xbe: {  	[sflag:s0] =	ssyncadd.remote.s32 $0x1  }
0xbf: {  	_ =	sfence.sel $0xFFFF  }
0xc0: {  	[dreg:$0x0] =	wrdreg $0xFFFFFFFF;
	(pc) =	sbr.abs _section_cstart, $3  }
0xc1: {  	[dreg:$0x1] =	wrdreg $0xFFFFFFFF  }
0xc2: {  	_ =	task.clear_ibuf [dreg:s7], $0x2FFFF;
	_ =	strace $0x9FFFFFFF  }
0xc3: {  	(tm) =	ssettm $0x7FFFFFFF  }
tec
execute0_lowered:
.L_overlay_start_1:
0x0: {  	(tag) =	ssettag $0x1  }
0x1: {  	s0 =	rddreg [dreg:$0x0]  }
0x2: {  	s1 =	rddreg [dreg:$0x1]  }
0x3: {  	s3 =	srdreg.scid;
	s14 =	stileid.u32  }
0x4: {  	s2 =	rddreg [dreg:$0x2];
	s17 =	simm.s32 $0x4F00;
	s18 =	simm.s32 $0x80  }
0x5: {  	s19 =	simm.s32 $0x5000;
	s20 =	simm.s32 $0x5800;
	s29 =	simm.s32 $0x7800  }
0x6: {  	s31 =	simm.s32 $0x8000;
	s15 =	simm.s32 $0x1;
	s16 =	simm.s32 $0x2  }
0x7: {  	s28 =	simm.s32 $0x6;
	s30 =	simm.s32 $0x7;
	s5 =	sand.u32 $0x1, s3  }
0x8: {  	s4 =	sshll.u32 s14, $0x1;
	s3 =	simm.s32 $0x0;
	s8 =	smul.u32 $0x2780, s14  }
0x9: {  	s22 =	sshll.u32 s14, $0x6;
	s14 =	simm.s32 $0x9;
	s6 =	sor.u32 s5, s4  }
0xa: {  	[smem:$0x7FF] =	sst s3;
	s9 =	ssub.s32 $0x2, s5;
	s5 =	smul.u32 $0x27800, s5  }
0xb: {  	s4 =	sadd.s32 $0x17400, s0;
	s7 =	smul.u32 $0x2700, s6;
	_ =	strace $0x8000004A  }
0xc: {  	s6 =	sshll.u32 s6, $0x5;
	s21 =	sshrl.u32 s8, $0x3;
	s11 =	sshrl.u32 s9, $0x1  }
0xd: {  	s13 =	sadd.s32 s8, s2;
	s10 =	sadd.s32 s6, s0;
	s12 =	ssub.s32 s9, s11  }
0xe: {  	s6 =	sor.u32 $0x1C09, s22;
	s24 =	sadd.s32 s8, s5;
	s13 =	sshrl.u32 s13, $0x3  }
0xf: {  	s22 =	simm.s32 $0x6000;
	s5 =	simm.s32 $0x0;
	s7 =	sshrl.u32 s7, $0x3  }
0x10: {  	s25 =	sadd.s32 $0x16C00, s10;
	s7 =	sadd.s32 s7, s0;
	s0 =	sadd.s32 s21, s0  }
0x11: {  	s10 =	sadd.s32 $0x17000, s10;
	[dreg:$0x6] =	wrdreg s25;
	s0 =	sadd.s32 $0x1C400, s0  }
0x12: {  	s12 =	smax.u32 s12, $0x1;
	s23 =	sadd.s32 $0x3200, s7;
	[dreg:$0x4] =	wrdreg s0  }
0x13: {  	s21 =	simm.s32 $0x3;
	s26 =	sadd.s32 $0xCE40, s7;
	[dreg:$0x5] =	wrdreg s23  }
0x14: {  	s25 =	simm.s32 $0x5;
	[dreg:$0x7] =	wrdreg s26;
	s0 =	sshrl.u32 s24, $0x3  }
0x15: {  	s24 =	simm.s32 $0x6800;
	s26 =	simm.s32 $0x7000;
	s23 =	simm.s32 $0x4  }
0x16: {  	s11 =	sadd.s32 s1, s0;
	s0 =	simm.s32 $0x8800;
	s1 =	simm.s32 $0x8  }
.LBB2_1:
0x17: {  	s7 =	rddreg [dreg:$0x4]  }
0x18: {  	[spmem:s13], [sflag:s6] =	dma.local [hbm:s7], $0x4F0  }
0x19: {  	_ =	swait.ge [sflag:s14], $0x4F0  }
0x1a: {  	[sflag:s14] =	ssyncset.done $0x0  }
0x1b: {  	s8 =	rddreg [dreg:$0x5];
	[sflag:s14] =	ssyncadd.s32 $0xFFFFFB10  }
0x1c: {  	[tilespmem:s3], [sflag:$0x9] =	stream.linear.gather [hbm4b:s8+s3], $0x2700, $0x38;
	[tilespmem:$0xB780] =	vst v63  }
0x1d: {  	_ =	swait.ge [sflag:s14], $0x2700  }
0x1e: {  	[sflag:s14] =	ssyncset.done $0x0  }
0x1f: {  	s8 =	simm.s32 $0x2700;
	s9 =	rddreg [dreg:$0x6];
	[sflag:s14] =	ssyncadd.s32 $0xFFFFD900  }
0x20: {  	[tilespmem:s8], [sflag:$0x9] =	stream.linear.gather [hbm4b:s9+s3], $0x100, $0x38;
	[tilespmem:$0xB780] =	vst v63  }
0x21: {  	_ =	swait.ge [sflag:s14], $0x100  }
0x22: {  	[sflag:s14] =	ssyncset.done $0x0  }
0x23: {  	s9 =	simm.s32 $0x2800;
	s8 =	rddreg [dreg:$0x7];
	[sflag:s14] =	ssyncadd.s32 $0xFFFFFF00  }
0x24: {  	[tilespmem:s9], [sflag:$0x9] =	stream.linear.gather [hbm4b:s8+s3], $0x2700, $0x38;
	[tilespmem:$0xB780] =	vst v63  }
0x25: {  	_ =	swait.ge [sflag:s14], $0x2700  }
0x26: {  	[sflag:s14] =	ssyncset.done $0x0  }
0x27: {  	[sflag:s14] =	ssyncadd.s32 $0xFFFFD900  }
0x28: {  	[tilespmem:s17], [sflag:$0x9] =	stream.linear.gather [hbm4b:s10+s3], $0x100, $0x38;
	[tilespmem:$0xB780] =	vst v63  }
0x29: {  	_ =	swait.ge [sflag:s14], $0x100  }
0x2a: {  	[sflag:s14] =	ssyncset.done $0x0  }
0x2b: {  	[sflag:s14] =	ssyncadd.s32 $0xFFFFFF00  }
0x2c: {  	[bflag:$0x0] =	sbarrier.arrive $0xFFFF  }
0x2d: {  	[tilespmem:s19], [sflag:$0x1] =	stream.indirect.gather [hbm4b:s4+s18], $0x10, s3, s18, $0xb8;
	[tilespmem:$0xB780] =	vst v63  }
0x2e: {  	_ = 	snop  }
0x2f: {  	[tilespmem:s20], [sflag:$0x2] =	stream.indirect.gather [hbm4b:s4+s18], $0x10, s18, s18, $0xb8;
	[tilespmem:$0xB780] =	vst v63  }
0x30: {  	s9 =	simm.s32 $0x100  }
0x31: {  	[tilespmem:s22], [sflag:$0x3] =	stream.indirect.gather [hbm4b:s4+s18], $0x10, s9, s18, $0xb8;
	[tilespmem:$0xB780] =	vst v63  }
0x32: {  	s8 =	simm.s32 $0x180  }
0x33: {  	[tilespmem:s24], [sflag:$0x4] =	stream.indirect.gather [hbm4b:s4+s18], $0x10, s8, s18, $0xb8;
	[tilespmem:$0xB780] =	vst v63  }
0x34: {  	s9 =	simm.s32 $0x200  }
0x35: {  	[tilespmem:s26], [sflag:$0x5] =	stream.indirect.gather [hbm4b:s4+s18], $0x10, s9, s18, $0xb8;
	[tilespmem:$0xB780] =	vst v63  }
0x36: {  	s8 =	simm.s32 $0x280  }
0x37: {  	[tilespmem:s29], [sflag:$0x6] =	stream.indirect.gather [hbm4b:s4+s18], $0x10, s8, s18, $0xb8;
	[tilespmem:$0xB780] =	vst v63  }
0x38: {  	s9 =	simm.s32 $0x300  }
0x39: {  	[tilespmem:s31], [sflag:$0x7] =	stream.indirect.gather [hbm4b:s4+s18], $0x10, s9, s18, $0xb8;
	[tilespmem:$0xB780] =	vst v63  }
0x3a: {  	s8 =	simm.s32 $0x380  }
0x3b: {  	[tilespmem:s0], [sflag:$0x8] =	stream.indirect.gather [hbm4b:s4+s18], $0x10, s8, s18, $0xb8;
	[tilespmem:$0xB780] =	vst v63  }
0x3c: {  	_ =	swait.ge [sflag:s15], $0x800  }
0x3d: {  	[sflag:s15] =	ssyncset.done $0x0  }
0x3e: {  	s9 =	simm.s32 $0x2800;
	[sflag:s15] =	ssyncadd.s32 $0xFFFFF800  }
0x3f: {  	[spmem:s2] =	stream.indirect.scatter.add.f32 [tilespmem:s19], [sflag:$0x9], $0x10, s9, s18, $0xb8;
	[tilespmem:$0xB780] =	vst v63  }
0x40: {  	_ =	swait.ge [sflag:s14], $0x800  }
0x41: {  	[sflag:s14] =	ssyncset.done $0x0  }
0x42: {  	s8 =	simm.s32 $0x400;
	[sflag:s14] =	ssyncadd.s32 $0xFFFFF800  }
0x43: {  	[tilespmem:s19], [sflag:$0x1] =	stream.indirect.gather [hbm4b:s4+s18], $0x10, s8, s18, $0xb8;
	[tilespmem:$0xB780] =	vst v63  }
0x44: {  	_ =	swait.ge [sflag:s16], $0x800  }
0x45: {  	[sflag:s16] =	ssyncset.done $0x0  }
0x46: {  	s9 =	simm.s32 $0x2880;
	[sflag:s16] =	ssyncadd.s32 $0xFFFFF800  }
0x47: {  	[spmem:s2] =	stream.indirect.scatter.add.f32 [tilespmem:s20], [sflag:$0x9], $0x10, s9, s18, $0xb8;
	[tilespmem:$0xB780] =	vst v63  }
0x48: {  	_ =	swait.ge [sflag:s14], $0x800  }
0x49: {  	[sflag:s14] =	ssyncset.done $0x0  }
0x4a: {  	s8 =	simm.s32 $0x480;
	[sflag:s14] =	ssyncadd.s32 $0xFFFFF800  }
0x4b: {  	[tilespmem:s20], [sflag:$0x2] =	stream.indirect.gather [hbm4b:s4+s18], $0x10, s8, s18, $0xb8;
	[tilespmem:$0xB780] =	vst v63  }
0x4c: {  	_ =	swait.ge [sflag:s21], $0x800  }
0x4d: {  	[sflag:s21] =	ssyncset.done $0x0  }
0x4e: {  	s9 =	simm.s32 $0x2900;
	[sflag:s21] =	ssyncadd.s32 $0xFFFFF800  }
0x4f: {  	[spmem:s2] =	stream.indirect.scatter.add.f32 [tilespmem:s22], [sflag:$0x9], $0x10, s9, s18, $0xb8;
	[tilespmem:$0xB780] =	vst v63  }
0x50: {  	_ =	swait.ge [sflag:s14], $0x800  }
0x51: {  	[sflag:s14] =	ssyncset.done $0x0  }
0x52: {  	s8 =	simm.s32 $0x500;
	[sflag:s14] =	ssyncadd.s32 $0xFFFFF800  }
0x53: {  	[tilespmem:s22], [sflag:$0x3] =	stream.indirect.gather [hbm4b:s4+s18], $0x10, s8, s18, $0xb8;
	[tilespmem:$0xB780] =	vst v63  }
0x54: {  	_ =	swait.ge [sflag:s23], $0x800  }
0x55: {  	[sflag:s23] =	ssyncset.done $0x0  }
0x56: {  	s9 =	simm.s32 $0x2980;
	[sflag:s23] =	ssyncadd.s32 $0xFFFFF800  }
0x57: {  	[spmem:s2] =	stream.indirect.scatter.add.f32 [tilespmem:s24], [sflag:$0x9], $0x10, s9, s18, $0xb8;
	[tilespmem:$0xB780] =	vst v63  }
0x58: {  	_ =	swait.ge [sflag:s14], $0x800  }
0x59: {  	[sflag:s14] =	ssyncset.done $0x0  }
0x5a: {  	s8 =	simm.s32 $0x580;
	[sflag:s14] =	ssyncadd.s32 $0xFFFFF800  }
0x5b: {  	[tilespmem:s24], [sflag:$0x4] =	stream.indirect.gather [hbm4b:s4+s18], $0x10, s8, s18, $0xb8;
	[tilespmem:$0xB780] =	vst v63  }
0x5c: {  	_ =	swait.ge [sflag:s25], $0x800  }
0x5d: {  	[sflag:s25] =	ssyncset.done $0x0  }
0x5e: {  	s9 =	simm.s32 $0x2A00;
	[sflag:s25] =	ssyncadd.s32 $0xFFFFF800  }
0x5f: {  	[spmem:s2] =	stream.indirect.scatter.add.f32 [tilespmem:s26], [sflag:$0x9], $0x10, s9, s18, $0xb8;
	[tilespmem:$0xB780] =	vst v63  }
0x60: {  	_ =	swait.ge [sflag:s14], $0x800  }
0x61: {  	[sflag:s14] =	ssyncset.done $0x0  }
0x62: {  	s8 =	simm.s32 $0x600;
	[sflag:s14] =	ssyncadd.s32 $0xFFFFF800  }
0x63: {  	[tilespmem:s26], [sflag:$0x5] =	stream.indirect.gather [hbm4b:s4+s18], $0x10, s8, s18, $0xb8;
	[tilespmem:$0xB780] =	vst v63  }
0x64: {  	_ =	swait.ge [sflag:s28], $0x800  }
0x65: {  	[sflag:s28] =	ssyncset.done $0x0  }
0x66: {  	s9 =	simm.s32 $0x2A80;
	[sflag:s28] =	ssyncadd.s32 $0xFFFFF800  }
0x67: {  	[spmem:s2] =	stream.indirect.scatter.add.f32 [tilespmem:s29], [sflag:$0x9], $0x10, s9, s18, $0xb8;
	[tilespmem:$0xB780] =	vst v63  }
0x68: {  	_ =	swait.ge [sflag:s14], $0x800  }
0x69: {  	[sflag:s14] =	ssyncset.done $0x0  }
0x6a: {  	s8 =	simm.s32 $0x680;
	[sflag:s14] =	ssyncadd.s32 $0xFFFFF800  }
0x6b: {  	[tilespmem:s29], [sflag:$0x6] =	stream.indirect.gather [hbm4b:s4+s18], $0x10, s8, s18, $0xb8;
	[tilespmem:$0xB780] =	vst v63  }
0x6c: {  	_ =	swait.ge [sflag:s30], $0x800  }
0x6d: {  	[sflag:s30] =	ssyncset.done $0x0  }
0x6e: {  	s9 =	simm.s32 $0x2B00;
	[sflag:s30] =	ssyncadd.s32 $0xFFFFF800  }
0x6f: {  	[spmem:s2] =	stream.indirect.scatter.add.f32 [tilespmem:s31], [sflag:$0x9], $0x10, s9, s18, $0xb8;
	[tilespmem:$0xB780] =	vst v63  }
0x70: {  	_ =	swait.ge [sflag:s14], $0x800  }
0x71: {  	[sflag:s14] =	ssyncset.done $0x0  }
0x72: {  	s8 =	simm.s32 $0x700;
	[sflag:s14] =	ssyncadd.s32 $0xFFFFF800  }
0x73: {  	[tilespmem:s31], [sflag:$0x7] =	stream.indirect.gather [hbm4b:s4+s18], $0x10, s8, s18, $0xb8;
	[tilespmem:$0xB780] =	vst v63  }
0x74: {  	_ =	swait.ge [sflag:s1], $0x800  }
0x75: {  	[sflag:s1] =	ssyncset.done $0x0  }
0x76: {  	s9 =	simm.s32 $0x2B80;
	[sflag:s1] =	ssyncadd.s32 $0xFFFFF800  }
0x77: {  	[spmem:s2] =	stream.indirect.scatter.add.f32 [tilespmem:s0], [sflag:$0x9], $0x10, s9, s18, $0xb8;
	[tilespmem:$0xB780] =	vst v63  }
0x78: {  	_ =	swait.ge [sflag:s14], $0x800  }
0x79: {  	[sflag:s14] =	ssyncset.done $0x0  }
0x7a: {  	s7 =	simm.s32 $0x1000;
	s8 =	simm.s32 $0x780;
	[sflag:s14] =	ssyncadd.s32 $0xFFFFF800  }
.LBB2_2:
0x7b: {  	[tilespmem:s0], [sflag:$0x8] =	stream.indirect.gather [hbm4b:s4+s18], $0x10, s8, s18, $0xb8;
	[tilespmem:$0xB780] =	vst v63  }
0x7c: {  	s8 =	smov.u32 s7  }
0x7d: {  	p0 =	sne.s32 s7, $0x8000;
	s7 =	sadd.s32 $0x1000, s7;
	_ =	swait.ge [sflag:s15], $0x800  }
0x7e: {  	s8 =	sshra.s32 s8, $0x2;
	[sflag:s15] =	ssyncset.done $0x0  }
0x7f: {  	s9 =	sadd.s32 $0x2800, s8;
	[sflag:s15] =	ssyncadd.s32 $0xFFFFF800  }
0x80: {  	[spmem:s2] =	stream.indirect.scatter.add.f32 [tilespmem:s19], [sflag:$0x9], $0x10, s9, s18, $0xb8;
	[tilespmem:$0xB780] =	vst v63  }
0x81: {  	_ =	swait.ge [sflag:s14], $0x800  }
0x82: {  	[sflag:s14] =	ssyncset.done $0x0  }
0x83: {  	s9 =	sadd.s32 $0x400, s8;
	[sflag:s14] =	ssyncadd.s32 $0xFFFFF800  }
0x84: {  	[tilespmem:s19], [sflag:$0x1] =	stream.indirect.gather [hbm4b:s4+s18], $0x10, s9, s18, $0xb8;
	[tilespmem:$0xB780] =	vst v63  }
0x85: {  	_ =	swait.ge [sflag:s16], $0x800  }
0x86: {  	[sflag:s16] =	ssyncset.done $0x0  }
0x87: {  	s9 =	sadd.s32 $0x2880, s8;
	[sflag:s16] =	ssyncadd.s32 $0xFFFFF800  }
0x88: {  	[spmem:s2] =	stream.indirect.scatter.add.f32 [tilespmem:s20], [sflag:$0x9], $0x10, s9, s18, $0xb8;
	[tilespmem:$0xB780] =	vst v63  }
0x89: {  	_ =	swait.ge [sflag:s14], $0x800  }
0x8a: {  	[sflag:s14] =	ssyncset.done $0x0  }
0x8b: {  	s9 =	sadd.s32 $0x480, s8;
	[sflag:s14] =	ssyncadd.s32 $0xFFFFF800  }
0x8c: {  	[tilespmem:s20], [sflag:$0x2] =	stream.indirect.gather [hbm4b:s4+s18], $0x10, s9, s18, $0xb8;
	[tilespmem:$0xB780] =	vst v63  }
0x8d: {  	_ =	swait.ge [sflag:s21], $0x800  }
0x8e: {  	[sflag:s21] =	ssyncset.done $0x0  }
0x8f: {  	s9 =	sadd.s32 $0x2900, s8;
	[sflag:s21] =	ssyncadd.s32 $0xFFFFF800  }
0x90: {  	[spmem:s2] =	stream.indirect.scatter.add.f32 [tilespmem:s22], [sflag:$0x9], $0x10, s9, s18, $0xb8;
	[tilespmem:$0xB780] =	vst v63  }
0x91: {  	_ =	swait.ge [sflag:s14], $0x800  }
0x92: {  	[sflag:s14] =	ssyncset.done $0x0  }
0x93: {  	s9 =	sadd.s32 $0x500, s8;
	[sflag:s14] =	ssyncadd.s32 $0xFFFFF800  }
0x94: {  	[tilespmem:s22], [sflag:$0x3] =	stream.indirect.gather [hbm4b:s4+s18], $0x10, s9, s18, $0xb8;
	[tilespmem:$0xB780] =	vst v63  }
0x95: {  	_ =	swait.ge [sflag:s23], $0x800  }
0x96: {  	[sflag:s23] =	ssyncset.done $0x0  }
0x97: {  	s9 =	sadd.s32 $0x2980, s8;
	[sflag:s23] =	ssyncadd.s32 $0xFFFFF800  }
0x98: {  	[spmem:s2] =	stream.indirect.scatter.add.f32 [tilespmem:s24], [sflag:$0x9], $0x10, s9, s18, $0xb8;
	[tilespmem:$0xB780] =	vst v63  }
0x99: {  	_ =	swait.ge [sflag:s14], $0x800  }
0x9a: {  	[sflag:s14] =	ssyncset.done $0x0  }
0x9b: {  	s9 =	sadd.s32 $0x580, s8;
	[sflag:s14] =	ssyncadd.s32 $0xFFFFF800  }
0x9c: {  	[tilespmem:s24], [sflag:$0x4] =	stream.indirect.gather [hbm4b:s4+s18], $0x10, s9, s18, $0xb8;
	[tilespmem:$0xB780] =	vst v63  }
0x9d: {  	_ =	swait.ge [sflag:s25], $0x800  }
0x9e: {  	[sflag:s25] =	ssyncset.done $0x0  }
0x9f: {  	s9 =	sadd.s32 $0x2A00, s8;
	[sflag:s25] =	ssyncadd.s32 $0xFFFFF800  }
0xa0: {  	[spmem:s2] =	stream.indirect.scatter.add.f32 [tilespmem:s26], [sflag:$0x9], $0x10, s9, s18, $0xb8;
	[tilespmem:$0xB780] =	vst v63  }
0xa1: {  	_ =	swait.ge [sflag:s14], $0x800  }
0xa2: {  	[sflag:s14] =	ssyncset.done $0x0  }
0xa3: {  	s9 =	sadd.s32 $0x600, s8;
	[sflag:s14] =	ssyncadd.s32 $0xFFFFF800  }
0xa4: {  	[tilespmem:s26], [sflag:$0x5] =	stream.indirect.gather [hbm4b:s4+s18], $0x10, s9, s18, $0xb8;
	[tilespmem:$0xB780] =	vst v63  }
0xa5: {  	_ =	swait.ge [sflag:s28], $0x800  }
0xa6: {  	[sflag:s28] =	ssyncset.done $0x0  }
0xa7: {  	s9 =	sadd.s32 $0x2A80, s8;
	[sflag:s28] =	ssyncadd.s32 $0xFFFFF800  }
0xa8: {  	[spmem:s2] =	stream.indirect.scatter.add.f32 [tilespmem:s29], [sflag:$0x9], $0x10, s9, s18, $0xb8;
	[tilespmem:$0xB780] =	vst v63  }
0xa9: {  	_ =	swait.ge [sflag:s14], $0x800  }
0xaa: {  	[sflag:s14] =	ssyncset.done $0x0  }
0xab: {  	s9 =	sadd.s32 $0x680, s8;
	[sflag:s14] =	ssyncadd.s32 $0xFFFFF800  }
0xac: {  	[tilespmem:s29], [sflag:$0x6] =	stream.indirect.gather [hbm4b:s4+s18], $0x10, s9, s18, $0xb8;
	[tilespmem:$0xB780] =	vst v63  }
0xad: {  	_ =	swait.ge [sflag:s30], $0x800  }
0xae: {  	[sflag:s30] =	ssyncset.done $0x0  }
0xaf: {  	s9 =	sadd.s32 $0x2B00, s8;
	[sflag:s30] =	ssyncadd.s32 $0xFFFFF800  }
0xb0: {  	[spmem:s2] =	stream.indirect.scatter.add.f32 [tilespmem:s31], [sflag:$0x9], $0x10, s9, s18, $0xb8;
	[tilespmem:$0xB780] =	vst v63  }
0xb1: {  	_ =	swait.ge [sflag:s14], $0x800  }
0xb2: {  	[sflag:s14] =	ssyncset.done $0x0  }
0xb3: {  	s9 =	sadd.s32 $0x700, s8;
	[sflag:s14] =	ssyncadd.s32 $0xFFFFF800  }
0xb4: {  	[tilespmem:s31], [sflag:$0x7] =	stream.indirect.gather [hbm4b:s4+s18], $0x10, s9, s18, $0xb8;
	[tilespmem:$0xB780] =	vst v63  }
0xb5: {  	_ =	swait.ge [sflag:s1], $0x800  }
0xb6: {  	[sflag:s1] =	ssyncset.done $0x0  }
.Ltmp0:
0xb7: {  	s9 =	sadd.s32 $0x2B80, s8;
	[sflag:s1] =	ssyncadd.s32 $0xFFFFF800;
	(pc) =	sbr.rel @p0 .LBB2_2-.Ltmp0, $4  }
0xb8: {  	[spmem:s2] =	stream.indirect.scatter.add.f32 [tilespmem:s0], [sflag:$0x9], $0x10, s9, s18, $0xb8;
	[tilespmem:$0xB780] =	vst v63  }
0xb9: {  	_ =	swait.ge [sflag:s14], $0x800  }
0xba: {  	[sflag:s14] =	ssyncset.done $0x0  }
0xbb: {  	s8 =	sadd.s32 $0x780, s8;
	[sflag:s14] =	ssyncadd.s32 $0xFFFFF800  }
0xbc: {  	[tilespmem:s0], [sflag:$0x8] =	stream.indirect.gather [hbm4b:s4+s18], $0x10, s8, s18, $0xb8;
	[tilespmem:$0xB780] =	vst v63  }
0xbd: {  	_ =	swait.ge [sflag:s15], $0x800  }
0xbe: {  	[sflag:s15] =	ssyncset.done $0x0  }
0xbf: {  	s7 =	simm.s32 $0x4C00;
	[sflag:s15] =	ssyncadd.s32 $0xFFFFF800  }
0xc0: {  	[spmem:s2] =	stream.indirect.scatter.add.f32 [tilespmem:s19], [sflag:$0x9], $0x10, s7, s18, $0xb8;
	[tilespmem:$0xB780] =	vst v63  }
0xc1: {  	_ =	swait.ge [sflag:s14], $0x800  }
0xc2: {  	[sflag:s14] =	ssyncset.done $0x0  }
0xc3: {  	[sflag:s14] =	ssyncadd.s32 $0xFFFFF800  }
0xc4: {  	_ =	swait.ge [sflag:s16], $0x800  }
0xc5: {  	[sflag:s16] =	ssyncset.done $0x0  }
0xc6: {  	s8 =	simm.s32 $0x4C80;
	[sflag:s16] =	ssyncadd.s32 $0xFFFFF800  }
0xc7: {  	[spmem:s2] =	stream.indirect.scatter.add.f32 [tilespmem:s20], [sflag:$0x9], $0x10, s8, s18, $0xb8;
	[tilespmem:$0xB780] =	vst v63  }
0xc8: {  	_ =	swait.ge [sflag:s14], $0x800  }
0xc9: {  	[sflag:s14] =	ssyncset.done $0x0  }
0xca: {  	[sflag:s14] =	ssyncadd.s32 $0xFFFFF800  }
0xcb: {  	_ =	swait.ge [sflag:s21], $0x800  }
0xcc: {  	[sflag:s21] =	ssyncset.done $0x0  }
0xcd: {  	s9 =	simm.s32 $0x4D00;
	[sflag:s21] =	ssyncadd.s32 $0xFFFFF800  }
0xce: {  	[spmem:s2] =	stream.indirect.scatter.add.f32 [tilespmem:s22], [sflag:$0x9], $0x10, s9, s18, $0xb8;
	[tilespmem:$0xB780] =	vst v63  }
0xcf: {  	_ =	swait.ge [sflag:s14], $0x800  }
0xd0: {  	[sflag:s14] =	ssyncset.done $0x0  }
0xd1: {  	[sflag:s14] =	ssyncadd.s32 $0xFFFFF800  }
0xd2: {  	_ =	swait.ge [sflag:s23], $0x800  }
0xd3: {  	[sflag:s23] =	ssyncset.done $0x0  }
0xd4: {  	s8 =	simm.s32 $0x4D80;
	[sflag:s23] =	ssyncadd.s32 $0xFFFFF800  }
0xd5: {  	[spmem:s2] =	stream.indirect.scatter.add.f32 [tilespmem:s24], [sflag:$0x9], $0x10, s8, s18, $0xb8;
	[tilespmem:$0xB780] =	vst v63  }
0xd6: {  	_ =	swait.ge [sflag:s14], $0x800  }
0xd7: {  	[sflag:s14] =	ssyncset.done $0x0  }
0xd8: {  	[sflag:s14] =	ssyncadd.s32 $0xFFFFF800  }
0xd9: {  	_ =	swait.ge [sflag:s25], $0x800  }
0xda: {  	[sflag:s25] =	ssyncset.done $0x0  }
0xdb: {  	s9 =	simm.s32 $0x4E00;
	[sflag:s25] =	ssyncadd.s32 $0xFFFFF800  }
0xdc: {  	[spmem:s2] =	stream.indirect.scatter.add.f32 [tilespmem:s26], [sflag:$0x9], $0x10, s9, s18, $0xb8;
	[tilespmem:$0xB780] =	vst v63  }
0xdd: {  	_ =	swait.ge [sflag:s14], $0x800  }
0xde: {  	[sflag:s14] =	ssyncset.done $0x0  }
0xdf: {  	[sflag:s14] =	ssyncadd.s32 $0xFFFFF800  }
0xe0: {  	_ =	swait.ge [sflag:s28], $0x800  }
0xe1: {  	[sflag:s28] =	ssyncset.done $0x0  }
0xe2: {  	s8 =	simm.s32 $0x4E80;
	[sflag:s28] =	ssyncadd.s32 $0xFFFFF800  }
0xe3: {  	[spmem:s2] =	stream.indirect.scatter.add.f32 [tilespmem:s29], [sflag:$0x9], $0x10, s8, s18, $0xb8;
	[tilespmem:$0xB780] =	vst v63  }
0xe4: {  	_ =	swait.ge [sflag:s14], $0x800  }
0xe5: {  	[sflag:s14] =	ssyncset.done $0x0  }
0xe6: {  	[sflag:s14] =	ssyncadd.s32 $0xFFFFF800  }
0xe7: {  	_ =	swait.ge [sflag:s30], $0x800  }
0xe8: {  	[sflag:s30] =	ssyncset.done $0x0  }
0xe9: {  	[sflag:s30] =	ssyncadd.s32 $0xFFFFF800  }
0xea: {  	[spmem:s2] =	stream.indirect.scatter.add.f32 [tilespmem:s31], [sflag:$0x9], $0x10, s17, s18, $0xb8;
	[tilespmem:$0xB780] =	vst v63  }
0xeb: {  	_ =	swait.ge [sflag:s14], $0x800  }
0xec: {  	[sflag:s14] =	ssyncset.done $0x0  }
0xed: {  	[sflag:s14] =	ssyncadd.s32 $0xFFFFF800  }
0xee: {  	_ =	swait.ge [sflag:s1], $0x800  }
0xef: {  	[sflag:s1] =	ssyncset.done $0x0  }
0xf0: {  	s9 =	simm.s32 $0x4F80;
	[sflag:s1] =	ssyncadd.s32 $0xFFFFF800  }
0xf1: {  	[spmem:s2] =	stream.indirect.scatter.add.f32 [tilespmem:s0], [sflag:$0x9], $0x10, s9, s18, $0xb8;
	[tilespmem:$0xB780] =	vst v63  }
0xf2: {  	_ =	swait.ge [sflag:s14], $0x800  }
0xf3: {  	s5 =	sadd.s32 $0x1, s5;
	[sflag:s14] =	ssyncset.done $0x0  }
0xf4: {  	p0 =	sne.s32 s5, s12;
	[sflag:s14] =	ssyncadd.s32 $0xFFFFF800  }
.Ltmp1:
0xf5: {  	[bflag:$0x0] =	sbarrier.arrive $0xFFFF;
	(pc) =	sbr.rel @p0 .LBB2_1-.Ltmp1, $4  }
0xf6: {  	[hbm:s11], [sflag:s6] =	dma.local [spmem:s13], $0x4F0  }
0xf7: {  	_ =	swait.ge [sflag:s14], $0x4F0  }
0xf8: {  	[sflag:s14] =	ssyncset.done $0x0  }
0xf9: {  	[sflag:s14] =	ssyncadd.s32 $0xFFFFFB10  }
0xfa: {  	_ =	sfence.sel $0x180000  }
0xfb: {  	[bflag:$0x0] =	sbarrier.arrive $0xFFFF  }
0xfc: {  	_ =	strace $0x9000004A  }
0xfd: {  	s0 =	stileid.u32;
	[bflag:$0x2] =	sbarrier.arrive $0xFFFF  }
0xfe: {  	p0 =	sne.s32 s0, $0x0;
	s0 =	rddreg [dreg:$0x3]  }
0xff: {  	s0 =	sadd.s32 @!p0 $0x100000, s0  }
0x100: {  	[sflag:s0] =	ssyncadd.tile.s32 @!p0 $0x1;
	_ =	shalt  }
.Lfunc_end2:
_tile_overlayer_lowered:
.L_overlay_start_2:
0x101: {  	(tag) =	ssettag $0x2  }
0x102: {  	s0 =	rddreg [dreg:$0x0];
	s2 =	stileid.u32  }
0x103: {  	s1 =	rddreg [dreg:$0x1];
	p0 =	sne.s32 s2, $0x0  }
0x104: {  	s3 =	rddreg [dreg:$0x2];
	[bflag:$0x3] =	sbarrier.arrive $0xFFFF;
	s2 =	simm.s32 @!p0 $0x1C09  }
0x105: {  	[timem:s3], [sflag:s2] =	dma.local @!p0 [hbm:s0], s1  }
0x106: {  	s0 =	simm.s32 @!p0 $0x9  }
0x107: {  	_ =	swait.ge @!p0 [sflag:s0], s1  }
0x108: {  	s1 =	ssub.s32 @!p0 $0x0, s1;
	[sflag:s0] =	ssyncset.done @!p0 $0x0  }
0x109: {  	[sflag:s0] =	ssyncadd.s32 @!p0 s1  }
0x10a: {  	[bflag:$0x3] =	sbarrier.arrive $0xFFFF  }
0x10b: {  	_ =	shalt  }

// kernel: kernel.7.cloned.1.call-start
scs
__scs_entry_jumppad:
0x0: {  	(pc) =	sbr.rel $0x88, $3  }
0x1: {  	(tag) =	ssettag $0x0;
	lr =	simm.s32 $0x1  }
0x2: {  	[smem:$0x3F99] =	sst lr;
	_ =	strace $0xD0000000  }
0x3: {  	_ = 	snop  }
0x4: {  	_ = 	snop  }
0x5: {  	_ = 	snop  }
0x6: {  	_ = 	snop  }
0x7: {  	_ = 	snop  }
__scs_overlays_trampoline_lowered:
0x8: {  	[smem:$0x3FA8] =	sst s0  }
0x9: {  	[smem:$0x3FA9] =	sst s1  }
0xa: {  	[smem:$0x3FAA] =	sst s2  }
0xb: {  	[smem:$0x3FAB] =	sst s3  }
0xc: {  	[smem:$0x3FAC] =	sst s4  }
0xd: {  	[smem:$0x3FAD] =	sst s5  }
0xe: {  	[smem:$0x3FAE] =	sst s6  }
0xf: {  	[smem:$0x3FAF] =	sst s7  }
0x10: {  	[smem:$0x3FB0] =	sst s8  }
0x11: {  	[smem:$0x3FB1] =	sst s9;
	s0 =	simm.s32 @!p0 $0x0  }
0x12: {  	s1 =	sld [smem:$0x3F97];
	s0 =	simm.s32 @p0 $0x1  }
0x13: {  	[smem:$0x3FB2] =	sst s0;
	s0 =	simm.s32 @!p1 $0x0  }
0x14: {  	s2 =	sld [smem:$0x3F96];
	s0 =	simm.s32 @p1 $0x1  }
0x15: {  	[smem:$0x3FB3] =	sst s0;
	s0 =	simm.s32 @!p2 $0x0  }
0x16: {  	s3 =	sld [smem:$0x3FDB];
	s0 =	simm.s32 @p2 $0x1  }
0x17: {  	s4 =	simm.s32 $0x1BF5;
	[smem:$0x3FB5] =	sst s0  }
0x18: {  	s0 =	sld [smem:$0x3F98];
	_ =	swait.ge [sflag:s4], $0x0  }
0x19: {  	s7 =	sld [smem:$0x3F99]  }
0x1a: {  	s8 =	sadd.s32 $0xFFFFE003, lr  }
0x1b: {  	s9 =	sadd.s32 $0xFFFFFEF7, lr;
	s5 =	simm.s32 $0xFFFFFFFF;
	p2 =	slt.u32 s8, $0xFFFFF086  }
0x1c: {  	p1 =	slt.u32 s9, $0xF7A;
	s5 =	simm.s32 @!p2 $0x0  }
0x1d: {  	s5 =	simm.s32 @p1 $0x1;
	p0 =	seq.s32 s7, s2  }
0x1e: {  	s7 =	smul.u32 @!p0 $0xF7A, s2;
	p2 =	seq.s32 @!p0 s5, $0x0  }
0x1f: {  	s9 =	smul.u32 $0xF7A, s1;
	s8 =	simm.s32 @!p0 $0x1BF5;
	p2 =	por !p2, p0  }
0x20: {  	[sflag:s8] =	ssyncset.s32 @!p0 $0xFFFFF086;
	s6 =	sadd.s32 @!p0 s3, s7;
	s7 =	simm.s32 @!p0 $0x108  }
0x21: {  	s3 =	sadd.s32 s3, s9;
	s6 =	sadd.s32 @!p0 $0x88, s6;
	s7 =	simm.s32 @p2 $0x1082  }
0x22: {  	[simem:s7], [sflag:s8] =	dma.local @!p0 [hbm:s6], $0xF7A  }
0x23: {  	s9 =	sor.u32 $0xD0000000, s2;
	s6 =	simm.s32 $0x108;
	_ =	swait.ge @!p0 [sflag:s8], $0x0  }
0x24: {  	s3 =	sadd.s32 $0x88, s3;
	s6 =	simm.s32 @!p1 $0x1082;
	[sflag:s4] =	ssyncset.s32 $0xFFFFF086  }
0x25: {  	[simem:s6], [sflag:s4] =	dma.local [hbm:s3], $0xF7A  }
0x26: {  	[smem:$0x3F99] =	sst s1;
	(tag) =	ssettag s2;
	_ =	strace s9  }
0x27: {  	s1 =	sld [smem:$0x3FA9]  }
0x28: {  	s2 =	sld [smem:$0x3FAA]  }
0x29: {  	s4 =	sld [smem:$0x3FAC]  }
0x2a: {  	p0 =	seq.s32 s5, $0x0;
	s5 =	sld [smem:$0x3FAD]  }
0x2b: {  	s6 =	sld [smem:$0x3FAE]  }
0x2c: {  	s7 =	sld [smem:$0x3FAF]  }
0x2d: {  	s3 =	simm.s32 $0x108;
	s8 =	sld [smem:$0x3FB0]  }
0x2e: {  	s3 =	simm.s32 @!p0 $0x1082;
	s9 =	sld [smem:$0x3FB1]  }
0x2f: {  	lr =	sadd.s32 s0, s3;
	s0 =	sld [smem:$0x3FA8]  }
0x30: {  	s3 =	sld [smem:$0x3FAB]  }
0x31: {  	[smem:$0x3FB4] =	sst s10  }
0x32: {  	s10 =	sld [smem:$0x3FB2];
	_ =	sdelay $0x3  }
0x33: {  	p0 =	seq.s32 s10, $0x1;
	s10 =	sld [smem:$0x3FB4];
	_ =	sdelay $0x3  }
0x34: {  	[smem:$0x3FB4] =	sst s10  }
0x35: {  	s10 =	sld [smem:$0x3FB3];
	_ =	sdelay $0x3  }
0x36: {  	p1 =	seq.s32 s10, $0x1;
	s10 =	sld [smem:$0x3FB4];
	_ =	sdelay $0x3  }
0x37: {  	[smem:$0x3FB4] =	sst s10  }
0x38: {  	s10 =	sld [smem:$0x3FB5]  }
0x39: {  	_ = 	snop;
	(pc) =	sbr.ind lr, $3  }
0x3a: {  	_ = 	snop  }
0x3b: {  	_ = 	snop  }
0x3c: {  	p2 =	seq.s32 s10, $0x1;
	s10 =	sld [smem:$0x3FB4]  }
0x3d: {  	_ =	shalt  }
0x3e: {  	_ =	shalt  }
0x3f: {  	_ =	shalt  }
0x40: {  	_ =	shalt  }
0x41: {  	_ =	shalt  }
0x42: {  	_ =	shalt  }
0x43: {  	_ =	shalt  }
0x44: {  	_ =	shalt  }
0x45: {  	_ =	shalt  }
0x46: {  	_ =	shalt  }
0x47: {  	_ =	shalt  }
0x48: {  	_ =	shalt  }
0x49: {  	_ =	shalt  }
0x4a: {  	_ =	shalt  }
0x4b: {  	_ =	shalt  }
0x4c: {  	_ =	shalt  }
0x4d: {  	_ =	shalt  }
0x4e: {  	_ =	shalt  }
0x4f: {  	_ =	shalt  }
0x50: {  	_ =	shalt  }
0x51: {  	_ =	shalt  }
0x52: {  	_ =	shalt  }
0x53: {  	_ =	shalt  }
0x54: {  	_ =	shalt  }
0x55: {  	_ =	shalt  }
0x56: {  	_ =	shalt  }
0x57: {  	_ =	shalt  }
0x58: {  	_ =	shalt  }
0x59: {  	_ =	shalt  }
0x5a: {  	_ =	shalt  }
0x5b: {  	_ =	shalt  }
0x5c: {  	_ =	shalt  }
0x5d: {  	_ =	shalt  }
0x5e: {  	_ =	shalt  }
0x5f: {  	_ =	shalt  }
0x60: {  	_ =	shalt  }
0x61: {  	_ =	shalt  }
0x62: {  	_ =	shalt  }
0x63: {  	_ =	shalt  }
0x64: {  	_ =	shalt  }
0x65: {  	_ =	shalt  }
0x66: {  	_ =	shalt  }
0x67: {  	_ =	shalt  }
0x68: {  	_ =	shalt  }
0x69: {  	_ =	shalt  }
0x6a: {  	_ =	shalt  }
0x6b: {  	_ =	shalt  }
0x6c: {  	_ =	shalt  }
0x6d: {  	_ =	shalt  }
0x6e: {  	_ =	shalt  }
0x6f: {  	_ =	shalt  }
0x70: {  	_ =	shalt  }
0x71: {  	_ =	shalt  }
0x72: {  	_ =	shalt  }
0x73: {  	_ =	shalt  }
0x74: {  	_ =	shalt  }
0x75: {  	_ =	shalt  }
0x76: {  	_ =	shalt  }
0x77: {  	_ =	shalt  }
0x78: {  	_ =	shalt  }
0x79: {  	_ =	shalt  }
0x7a: {  	_ =	shalt  }
0x7b: {  	_ =	shalt  }
0x7c: {  	_ =	shalt  }
0x7d: {  	_ =	shalt  }
0x7e: {  	_ =	shalt  }
0x7f: {  	_ =	shalt  }
0x80: {  	_ =	shalt  }
0x81: {  	_ =	shalt  }
0x82: {  	_ =	shalt  }
0x83: {  	_ =	shalt  }
0x84: {  	_ =	shalt  }
0x85: {  	_ =	shalt  }
0x86: {  	_ =	shalt  }
0x87: {  	_ =	shalt  }
.Lfunc_end0:
.L_simem_size_0:
called_computation_lowered:
.L_overlay_start_0:
0x88: {  	s2 =	sld [smem:$0x3FD9]  }
0x89: {  	s3 =	sld [smem:$0x3FFE];
	_ =	sdelay $0x1  }
0x8a: {  	s1 =	srdreg.scid  }
0x8b: {  	s0 =	sand.u32 $0x1, s1  }
0x8c: {  	s17 =	sshll.u32 s0, $0xA;
	s2 =	sadd.s32 s3, s2  }
0x8d: {  	s2 =	sadd.s32 s2, s17  }
0x8e: {  	[smem:$0x3FC0] =	sst s2  }
0x8f: {  	_ = 	snop  }
0x90: {  	s2 =	sld [smem:$0x3FD0];
	(tm) =	ssettm $0x1  }
0x91: {  	s18 =	sld [smem:$0x3FFB];
	_ =	sdelay $0x3  }
0x92: {  	_ =	strace s18  }
0x93: {  	s3 =	sld [smem:$0x3FFC];
	_ =	sdelay $0x3  }
0x94: {  	_ =	strace s3  }
0x95: {  	s3 =	sld [smem:$0x3FFD];
	_ =	sdelay $0x3  }
0x96: {  	_ =	strace s3  }
0x97: {  	_ =	strace $0x8FFFFFFF  }
0x98: {  	s19 =	sld [smem:$0x3FDB];
	_ =	sdelay $0x1  }
0x99: {  	s4 =	simm.s32 $_scs_section_size  }
0x9a: {  	s5 =	simm.s32 $_size__tile_overlayer_lowered;
	s6 =	simm.s32 $_tile_overlayer_lowered  }
0x9b: {  	s22 =	simm.s32 $0x1BFF;
	s21 =	sshll.u32 s6, $0x1;
	s3 =	sadd.s32 s4, s19  }
0x9c: {  	s7 =	simm.s32 $0x0;
	s20 =	sshll.u32 s5, $0x1;
	s5 =	sadd.s32 s21, s3  }
0x9d: {  	[timem:s7], [sflag:s22] =	dma.local [hbm:s5], s20  }
0x9e: {  	_ =	swait.ge [sflag:s22], s20  }
0x9f: {  	s4 =	ssub.s32 $0x0, s20;
	[sflag:s22] =	ssyncset.done $0x0  }
0xa0: {  	[sflag:s22] =	ssyncadd.s32 s4;
	_ =	sdelay $0x1  }
0xa1: {  	s23 =	simm.s32 $0x1B8B  }
0xa2: {  	_ =	swait.ge [sflag:s23], $0x1  }
0xa3: {  	[sflag:s23] =	ssyncset.done $0x0  }
0xa4: {  	s25 =	simm.s32 $0x1B8E;
	s24 =	sld [smem:$0x3FFE];
	[sflag:s23] =	ssyncadd.s32 $0xFFFFFFFF  }
0xa5: {  	s26 =	simm.s32 $execute0_lowered;
	[smem:$0x3FD2] =	sst s25  }
0xa6: {  	s5 =	sshll.u32 s26, $0x1;
	_ =	strace $0x80000046;
	[dreg:$0x1] =	wrdreg $0xFFFFFFFF  }
0xa7: {  	s28 =	simm.s32 $_size_execute0_lowered;
	s3 =	sadd.s32 s3, s5;
	[dreg:$0x0] =	wrdreg $0x0  }
0xa8: {  	s5 =	sshll.u32 s28, $0x1;
	[dreg:$0x2] =	wrdreg s3  }
0xa9: {  	[dreg:$0x3] =	wrdreg s5  }
0xaa: {  	[dreg:$0x4] =	wrdreg $0xC0  }
0xab: {  	_ =	task [dreg:s7], $0x5FFFF  }
0xac: {  	[dreg:$0x1] =	wrdreg $0xFFFFFFFF  }
0xad: {  	[dreg:$0x0] =	wrdreg $0x60  }
0xae: {  	[dreg:$0x2] =	wrdreg s24  }
0xaf: {  	[dreg:$0x3] =	wrdreg s2  }
0xb0: {  	[dreg:$0x4] =	wrdreg $0x98000  }
0xb1: {  	[dreg:$0x5] =	wrdreg $0xBF800  }
0xb2: {  	[dreg:$0x6] =	wrdreg $0x9  }
0xb3: {  	_ =	task.clear_ibuf [dreg:s7], $0x7FFFF;
	_ =	strace $0x90000046  }
0xb4: {  	s29 =	simm.s32 $0x9;
	_ =	strace $0x80000048  }
0xb5: {  	_ =	swait.ge [sflag:s29], $0x1  }
0xb6: {  	[sflag:s29] =	ssyncadd.s32 $0xFFFFFFFF  }
0xb7: {  	_ =	strace $0x90000048  }
0xb8: {  	_ =	sfence  }
0xb9: {  	s30 =	sld [smem:$0x0];
	_ =	sdelay $0x2  }
0xba: {  	s31 =	sshll.u32 s1, $0xD;
	s1 =	sshrl.u32 s1, $0x2  }
0xbb: {  	s3 =	sand.u32 $0x4000, s31;
	s1 =	sadd.s32 s1, s30  }
0xbc: {  	s0 =	sor.u32 s3, s0;
	s1 =	sshll.u32 s1, $0x11  }
0xbd: {  	s0 =	sor.u32 s1, s0  }
0xbe: {  	s0 =	sadd.s32 $0x8F2B, s0  }
0xbf: {  	[sflag:s0] =	ssyncadd.remote.s32 $0x1  }
0xc0: {  	_ =	sfence.sel $0xFFFF  }
0xc1: {  	[dreg:$0x0] =	wrdreg $0xFFFFFFFF;
	(pc) =	sbr.abs _section_cstart, $3  }
0xc2: {  	[dreg:$0x1] =	wrdreg $0xFFFFFFFF  }
0xc3: {  	_ =	task.clear_ibuf [dreg:s7], $0x2FFFF;
	_ =	strace $0x9FFFFFFF  }
0xc4: {  	(tm) =	ssettm $0x7FFFFFFF  }
0xc5: {  	_ =	shalt  }
tec
execute0_lowered:
.L_overlay_start_1:
0x0: {  	(tag) =	ssettag $0x1  }
0x1: {  	s0 =	rddreg [dreg:$0x0]  }
0x2: {  	s1 =	rddreg [dreg:$0x1];
	s3 =	srdreg.scid  }
0x3: {  	s14 =	stileid.u32;
	s2 =	rddreg [dreg:$0x2];
	s17 =	simm.s32 $0x9  }
0x4: {  	s28 =	simm.s32 $0x6000;
	s30 =	simm.s32 $0x6800;
	s31 =	simm.s32 $0x8800  }
0x5: {  	s29 =	simm.s32 $0x3;
	s6 =	sand.u32 $0x1, s3;
	s4 =	sshll.u32 s14, $0x1  }
0x6: {  	s3 =	rddreg [dreg:$0x3];
	s9 =	smul.u32 $0x2780, s14;
	s20 =	sadd.s32 $0x21400, s0  }
0x7: {  	s22 =	sshll.u32 s14, $0x6;
	s14 =	simm.s32 $0x0;
	s7 =	sor.u32 s6, s4  }
0x8: {  	s4 =	simm.s32 $0x0;
	s10 =	smul.u32 $0x27800, s6;
	s6 =	ssub.s32 $0x2, s6  }
0x9: {  	s5 =	smul.u32 $0x2700, s7;
	[smem:$0x7FF] =	sst s4;
	s7 =	sshll.u32 s7, $0x5  }
0xa: {  	s18 =	sshrl.u32 s9, $0x3;
	s21 =	sshrl.u32 s6, $0x1;
	s13 =	sadd.s32 s9, s2  }
0xb: {  	_ =	strace $0x80000047;
	s12 =	sadd.s32 s7, s0;
	s19 =	sadd.s32 s9, s10  }
0xc: {  	s7 =	sadd.s32 s18, s0;
	[dreg:$0x5] =	wrdreg s20;
	s6 =	ssub.s32 s6, s21  }
0xd: {  	s9 =	sadd.s32 s9, s3;
	s16 =	sshrl.u32 s13, $0x3;
	s20 =	simm.s32 $0x7800  }
0xe: {  	s21 =	simm.s32 $0x2;
	s8 =	sshrl.u32 s5, $0x3;
	s5 =	sadd.s32 $0x17400, s0  }
0xf: {  	s10 =	sshrl.u32 s19, $0x3;
	s7 =	sadd.s32 $0x1C400, s7;
	s24 =	sadd.s32 $0x16C00, s12  }
0x10: {  	s25 =	sadd.s32 $0x17000, s12;
	s26 =	smax.u32 s6, $0x1;
	s18 =	sshrl.u32 s9, $0x3  }
0x11: {  	s19 =	simm.s32 $0x9000;
	s6 =	simm.s32 $0x4;
	s9 =	simm.s32 $0x5  }
0x12: {  	s12 =	simm.s32 $0x8;
	s11 =	sadd.s32 s8, s0;
	[dreg:$0x7] =	wrdreg s24  }
0x13: {  	s0 =	sadd.s32 s10, s0;
	s8 =	sor.u32 $0x1C09, s22;
	[dreg:$0x9] =	wrdreg s25  }
0x14: {  	s1 =	sadd.s32 s1, s10;
	[dreg:$0xc] =	wrdreg s26;
	s22 =	simm.s32 $0x4F00  }
0x15: {  	s24 =	simm.s32 $0x5000;
	s23 =	sadd.s32 $0x3200, s11;
	[dreg:$0xa] =	wrdreg s1  }
0x16: {  	s25 =	simm.s32 $0x5800;
	s11 =	sadd.s32 $0xCE40, s11;
	[dreg:$0x6] =	wrdreg s23  }
0x17: {  	s26 =	simm.s32 $0x8000;
	s0 =	sadd.s32 $0x21600, s0;
	[dreg:$0x8] =	wrdreg s11  }
0x18: {  	s10 =	simm.s32 $0x6;
	s1 =	simm.s32 $0x7000;
	[dreg:$0xb] =	wrdreg s0  }
0x19: {  	s23 =	simm.s32 $0x80;
	s0 =	simm.s32 $0x1;
	s11 =	simm.s32 $0x7  }
.LBB2_1:
0x1a: {  	[spmem:s16], [sflag:s8] =	dma.local [hbm:s7], $0x4F0  }
0x1b: {  	_ =	swait.ge [sflag:s17], $0x4F0  }
0x1c: {  	[sflag:s17] =	ssyncset.done $0x0  }
0x1d: {  	[sflag:s17] =	ssyncadd.s32 $0xFFFFFB10  }
0x1e: {  	[spmem:s18], [sflag:s8] =	dma.local [hbm:s7], $0x4F0  }
0x1f: {  	_ =	swait.ge [sflag:s17], $0x4F0  }
0x20: {  	[sflag:s17] =	ssyncset.done $0x0  }
0x21: {  	s13 =	rddreg [dreg:$0x5];
	[sflag:s17] =	ssyncadd.s32 $0xFFFFFB10  }
0x22: {  	[tilespmem:s19], [sflag:$0x9] =	stream.linear.gather [hbm4b:s13+s4], $0x800, $0x38;
	[tilespmem:$0xE700] =	vst v63  }
0x23: {  	_ =	swait.ge [sflag:s17], $0x800  }
0x24: {  	[sflag:s17] =	ssyncset.done $0x0  }
0x25: {  	s15 =	rddreg [dreg:$0x6];
	[sflag:s17] =	ssyncadd.s32 $0xFFFFF800  }
0x26: {  	[tilespmem:s4], [sflag:$0x9] =	stream.linear.gather [hbm4b:s15+s4], $0x2700, $0x38;
	[tilespmem:$0xE700] =	vst v63  }
0x27: {  	_ =	swait.ge [sflag:s17], $0x2700  }
0x28: {  	[sflag:s17] =	ssyncset.done $0x0  }
0x29: {  	s15 =	simm.s32 $0x2700;
	s13 =	rddreg [dreg:$0x7];
	[sflag:s17] =	ssyncadd.s32 $0xFFFFD900  }
0x2a: {  	[tilespmem:s15], [sflag:$0x9] =	stream.linear.gather [hbm4b:s13+s4], $0x100, $0x38;
	[tilespmem:$0xE700] =	vst v63  }
0x2b: {  	_ =	swait.ge [sflag:s17], $0x100  }
0x2c: {  	[sflag:s17] =	ssyncset.done $0x0  }
0x2d: {  	s15 =	simm.s32 $0x2800;
	s13 =	rddreg [dreg:$0x8];
	[sflag:s17] =	ssyncadd.s32 $0xFFFFFF00  }
0x2e: {  	[tilespmem:s15], [sflag:$0x9] =	stream.linear.gather [hbm4b:s13+s4], $0x2700, $0x38;
	[tilespmem:$0xE700] =	vst v63  }
0x2f: {  	_ =	swait.ge [sflag:s17], $0x2700  }
0x30: {  	[sflag:s17] =	ssyncset.done $0x0  }
0x31: {  	s15 =	rddreg [dreg:$0x9];
	[sflag:s17] =	ssyncadd.s32 $0xFFFFD900  }
0x32: {  	[tilespmem:s22], [sflag:$0x9] =	stream.linear.gather [hbm4b:s15+s4], $0x100, $0x38;
	[tilespmem:$0xE700] =	vst v63  }
0x33: {  	_ =	swait.ge [sflag:s17], $0x100  }
0x34: {  	[sflag:s17] =	ssyncset.done $0x0  }
0x35: {  	[sflag:s17] =	ssyncadd.s32 $0xFFFFFF00  }
0x36: {  	[bflag:$0x0] =	sbarrier.arrive $0xFFFF  }
0x37: {  	[tilespmem:s24], [sflag:$0x1] =	stream.indirect.gather [hbm4b:s5+s23], $0x10, s4, s23, $0xb8;
	[tilespmem:$0xE700] =	vst v63  }
0x38: {  	_ = 	snop  }
0x39: {  	[tilespmem:s25], [sflag:$0x2] =	stream.indirect.gather [hbm4b:s5+s23], $0x10, s23, s23, $0xb8;
	[tilespmem:$0xE700] =	vst v63  }
0x3a: {  	s22 =	simm.s32 $0x100  }
0x3b: {  	[tilespmem:s28], [sflag:$0x3] =	stream.indirect.gather [hbm4b:s5+s23], $0x10, s22, s23, $0xb8;
	[tilespmem:$0xE700] =	vst v63  }
0x3c: {  	s15 =	simm.s32 $0x180  }
0x3d: {  	[tilespmem:s30], [sflag:$0x4] =	stream.indirect.gather [hbm4b:s5+s23], $0x10, s15, s23, $0xb8;
	[tilespmem:$0xE700] =	vst v63  }
0x3e: {  	s22 =	simm.s32 $0x200  }
0x3f: {  	[tilespmem:s1], [sflag:$0x5] =	stream.indirect.gather [hbm4b:s5+s23], $0x10, s22, s23, $0xb8;
	[tilespmem:$0xE700] =	vst v63  }
0x40: {  	s15 =	simm.s32 $0x280  }
0x41: {  	[tilespmem:s20], [sflag:$0x6] =	stream.indirect.gather [hbm4b:s5+s23], $0x10, s15, s23, $0xb8;
	[tilespmem:$0xE700] =	vst v63  }
0x42: {  	s22 =	simm.s32 $0x300  }
0x43: {  	[tilespmem:s26], [sflag:$0x7] =	stream.indirect.gather [hbm4b:s5+s23], $0x10, s22, s23, $0xb8;
	[tilespmem:$0xE700] =	vst v63  }
0x44: {  	s15 =	simm.s32 $0x380  }
0x45: {  	[tilespmem:s31], [sflag:$0x8] =	stream.indirect.gather [hbm4b:s5+s23], $0x10, s15, s23, $0xb8;
	[tilespmem:$0xE700] =	vst v63  }
0x46: {  	_ =	swait.ge [sflag:s0], $0x800  }
0x47: {  	[sflag:s0] =	ssyncset.done $0x0  }
0x48: {  	s22 =	simm.s32 $0x2800;
	[sflag:s0] =	ssyncadd.s32 $0xFFFFF800  }
0x49: {  	[spmem:s2] =	stream.indirect.scatter.add.f32 [tilespmem:s24], [sflag:$0x9], $0x10, s22, s23, $0xb8;
	[tilespmem:$0xE700] =	vst v63  }
0x4a: {  	_ =	swait.ge [sflag:s17], $0x800  }
0x4b: {  	[sflag:s17] =	ssyncset.done $0x0  }
0x4c: {  	[sflag:s17] =	ssyncadd.s32 $0xFFFFF800  }
0x4d: {  	[spmem:s3] =	stream.indirect.scatter.add.f32 [tilespmem:s19], [sflag:$0x9], $0x10, s22, s23, $0xb8;
	[tilespmem:$0xE700] =	vst v63  }
0x4e: {  	_ =	swait.ge [sflag:s17], $0x800  }
0x4f: {  	[sflag:s17] =	ssyncset.done $0x0  }
0x50: {  	s15 =	simm.s32 $0x400;
	[sflag:s17] =	ssyncadd.s32 $0xFFFFF800  }
0x51: {  	[tilespmem:s24], [sflag:$0x1] =	stream.indirect.gather [hbm4b:s5+s23], $0x10, s15, s23, $0xb8;
	[tilespmem:$0xE700] =	vst v63  }
0x52: {  	_ =	swait.ge [sflag:s21], $0x800  }
0x53: {  	[sflag:s21] =	ssyncset.done $0x0  }
0x54: {  	s22 =	simm.s32 $0x2880;
	[sflag:s21] =	ssyncadd.s32 $0xFFFFF800  }
0x55: {  	[spmem:s2] =	stream.indirect.scatter.add.f32 [tilespmem:s25], [sflag:$0x9], $0x10, s22, s23, $0xb8;
	[tilespmem:$0xE700] =	vst v63  }
0x56: {  	_ =	swait.ge [sflag:s17], $0x800  }
0x57: {  	[sflag:s17] =	ssyncset.done $0x0  }
0x58: {  	[sflag:s17] =	ssyncadd.s32 $0xFFFFF800  }
0x59: {  	[spmem:s3] =	stream.indirect.scatter.add.f32 [tilespmem:s19], [sflag:$0x9], $0x10, s22, s23, $0xb8;
	[tilespmem:$0xE700] =	vst v63  }
0x5a: {  	_ =	swait.ge [sflag:s17], $0x800  }
0x5b: {  	[sflag:s17] =	ssyncset.done $0x0  }
0x5c: {  	s15 =	simm.s32 $0x480;
	[sflag:s17] =	ssyncadd.s32 $0xFFFFF800  }
0x5d: {  	[tilespmem:s25], [sflag:$0x2] =	stream.indirect.gather [hbm4b:s5+s23], $0x10, s15, s23, $0xb8;
	[tilespmem:$0xE700] =	vst v63  }
0x5e: {  	_ =	swait.ge [sflag:s29], $0x800  }
0x5f: {  	[sflag:s29] =	ssyncset.done $0x0  }
0x60: {  	s22 =	simm.s32 $0x2900;
	[sflag:s29] =	ssyncadd.s32 $0xFFFFF800  }
0x61: {  	[spmem:s2] =	stream.indirect.scatter.add.f32 [tilespmem:s28], [sflag:$0x9], $0x10, s22, s23, $0xb8;
	[tilespmem:$0xE700] =	vst v63  }
0x62: {  	_ =	swait.ge [sflag:s17], $0x800  }
0x63: {  	[sflag:s17] =	ssyncset.done $0x0  }
0x64: {  	[sflag:s17] =	ssyncadd.s32 $0xFFFFF800  }
0x65: {  	[spmem:s3] =	stream.indirect.scatter.add.f32 [tilespmem:s19], [sflag:$0x9], $0x10, s22, s23, $0xb8;
	[tilespmem:$0xE700] =	vst v63  }
0x66: {  	_ =	swait.ge [sflag:s17], $0x800  }
0x67: {  	[sflag:s17] =	ssyncset.done $0x0  }
0x68: {  	s15 =	simm.s32 $0x500;
	[sflag:s17] =	ssyncadd.s32 $0xFFFFF800  }
0x69: {  	[tilespmem:s28], [sflag:$0x3] =	stream.indirect.gather [hbm4b:s5+s23], $0x10, s15, s23, $0xb8;
	[tilespmem:$0xE700] =	vst v63  }
0x6a: {  	_ =	swait.ge [sflag:s6], $0x800  }
0x6b: {  	[sflag:s6] =	ssyncset.done $0x0  }
0x6c: {  	s22 =	simm.s32 $0x2980;
	[sflag:s6] =	ssyncadd.s32 $0xFFFFF800  }
0x6d: {  	[spmem:s2] =	stream.indirect.scatter.add.f32 [tilespmem:s30], [sflag:$0x9], $0x10, s22, s23, $0xb8;
	[tilespmem:$0xE700] =	vst v63  }
0x6e: {  	_ =	swait.ge [sflag:s17], $0x800  }
0x6f: {  	[sflag:s17] =	ssyncset.done $0x0  }
0x70: {  	[sflag:s17] =	ssyncadd.s32 $0xFFFFF800  }
0x71: {  	[spmem:s3] =	stream.indirect.scatter.add.f32 [tilespmem:s19], [sflag:$0x9], $0x10, s22, s23, $0xb8;
	[tilespmem:$0xE700] =	vst v63  }
0x72: {  	_ =	swait.ge [sflag:s17], $0x800  }
0x73: {  	[sflag:s17] =	ssyncset.done $0x0  }
0x74: {  	s15 =	simm.s32 $0x580;
	[sflag:s17] =	ssyncadd.s32 $0xFFFFF800  }
0x75: {  	[tilespmem:s30], [sflag:$0x4] =	stream.indirect.gather [hbm4b:s5+s23], $0x10, s15, s23, $0xb8;
	[tilespmem:$0xE700] =	vst v63  }
0x76: {  	_ =	swait.ge [sflag:s9], $0x800  }
0x77: {  	[sflag:s9] =	ssyncset.done $0x0  }
0x78: {  	s22 =	simm.s32 $0x2A00;
	[sflag:s9] =	ssyncadd.s32 $0xFFFFF800  }
0x79: {  	[spmem:s2] =	stream.indirect.scatter.add.f32 [tilespmem:s1], [sflag:$0x9], $0x10, s22, s23, $0xb8;
	[tilespmem:$0xE700] =	vst v63  }
0x7a: {  	_ =	swait.ge [sflag:s17], $0x800  }
0x7b: {  	[sflag:s17] =	ssyncset.done $0x0  }
0x7c: {  	[sflag:s17] =	ssyncadd.s32 $0xFFFFF800  }
0x7d: {  	[spmem:s3] =	stream.indirect.scatter.add.f32 [tilespmem:s19], [sflag:$0x9], $0x10, s22, s23, $0xb8;
	[tilespmem:$0xE700] =	vst v63  }
0x7e: {  	_ =	swait.ge [sflag:s17], $0x800  }
0x7f: {  	[sflag:s17] =	ssyncset.done $0x0  }
0x80: {  	s15 =	simm.s32 $0x600;
	[sflag:s17] =	ssyncadd.s32 $0xFFFFF800  }
0x81: {  	[tilespmem:s1], [sflag:$0x5] =	stream.indirect.gather [hbm4b:s5+s23], $0x10, s15, s23, $0xb8;
	[tilespmem:$0xE700] =	vst v63  }
0x82: {  	_ =	swait.ge [sflag:s10], $0x800  }
0x83: {  	[sflag:s10] =	ssyncset.done $0x0  }
0x84: {  	s22 =	simm.s32 $0x2A80;
	[sflag:s10] =	ssyncadd.s32 $0xFFFFF800  }
0x85: {  	[spmem:s2] =	stream.indirect.scatter.add.f32 [tilespmem:s20], [sflag:$0x9], $0x10, s22, s23, $0xb8;
	[tilespmem:$0xE700] =	vst v63  }
0x86: {  	_ =	swait.ge [sflag:s17], $0x800  }
0x87: {  	[sflag:s17] =	ssyncset.done $0x0  }
0x88: {  	[sflag:s17] =	ssyncadd.s32 $0xFFFFF800  }
0x89: {  	[spmem:s3] =	stream.indirect.scatter.add.f32 [tilespmem:s19], [sflag:$0x9], $0x10, s22, s23, $0xb8;
	[tilespmem:$0xE700] =	vst v63  }
0x8a: {  	_ =	swait.ge [sflag:s17], $0x800  }
0x8b: {  	[sflag:s17] =	ssyncset.done $0x0  }
0x8c: {  	s15 =	simm.s32 $0x680;
	[sflag:s17] =	ssyncadd.s32 $0xFFFFF800  }
0x8d: {  	[tilespmem:s20], [sflag:$0x6] =	stream.indirect.gather [hbm4b:s5+s23], $0x10, s15, s23, $0xb8;
	[tilespmem:$0xE700] =	vst v63  }
0x8e: {  	_ =	swait.ge [sflag:s11], $0x800  }
0x8f: {  	[sflag:s11] =	ssyncset.done $0x0  }
0x90: {  	s22 =	simm.s32 $0x2B00;
	[sflag:s11] =	ssyncadd.s32 $0xFFFFF800  }
0x91: {  	[spmem:s2] =	stream.indirect.scatter.add.f32 [tilespmem:s26], [sflag:$0x9], $0x10, s22, s23, $0xb8;
	[tilespmem:$0xE700] =	vst v63  }
0x92: {  	_ =	swait.ge [sflag:s17], $0x800  }
0x93: {  	[sflag:s17] =	ssyncset.done $0x0  }
0x94: {  	[sflag:s17] =	ssyncadd.s32 $0xFFFFF800  }
0x95: {  	[spmem:s3] =	stream.indirect.scatter.add.f32 [tilespmem:s19], [sflag:$0x9], $0x10, s22, s23, $0xb8;
	[tilespmem:$0xE700] =	vst v63  }
0x96: {  	_ =	swait.ge [sflag:s17], $0x800  }
0x97: {  	[sflag:s17] =	ssyncset.done $0x0  }
0x98: {  	s15 =	simm.s32 $0x700;
	[sflag:s17] =	ssyncadd.s32 $0xFFFFF800  }
0x99: {  	[tilespmem:s26], [sflag:$0x7] =	stream.indirect.gather [hbm4b:s5+s23], $0x10, s15, s23, $0xb8;
	[tilespmem:$0xE700] =	vst v63  }
0x9a: {  	_ =	swait.ge [sflag:s12], $0x800  }
0x9b: {  	[sflag:s12] =	ssyncset.done $0x0  }
0x9c: {  	s22 =	simm.s32 $0x2B80;
	[sflag:s12] =	ssyncadd.s32 $0xFFFFF800  }
0x9d: {  	[spmem:s2] =	stream.indirect.scatter.add.f32 [tilespmem:s31], [sflag:$0x9], $0x10, s22, s23, $0xb8;
	[tilespmem:$0xE700] =	vst v63  }
0x9e: {  	_ =	swait.ge [sflag:s17], $0x800  }
0x9f: {  	[sflag:s17] =	ssyncset.done $0x0  }
0xa0: {  	[sflag:s17] =	ssyncadd.s32 $0xFFFFF800  }
0xa1: {  	[spmem:s3] =	stream.indirect.scatter.add.f32 [tilespmem:s19], [sflag:$0x9], $0x10, s22, s23, $0xb8;
	[tilespmem:$0xE700] =	vst v63  }
0xa2: {  	_ =	swait.ge [sflag:s17], $0x800  }
0xa3: {  	[sflag:s17] =	ssyncset.done $0x0  }
0xa4: {  	s13 =	simm.s32 $0x780;
	s15 =	simm.s32 $0x1000;
	[sflag:s17] =	ssyncadd.s32 $0xFFFFF800  }
.LBB2_2:
0xa5: {  	[tilespmem:s31], [sflag:$0x8] =	stream.indirect.gather [hbm4b:s5+s23], $0x10, s13, s23, $0xb8;
	[tilespmem:$0xE700] =	vst v63  }
0xa6: {  	s13 =	smov.u32 s15  }
0xa7: {  	p0 =	sne.s32 s15, $0x8000;
	s15 =	sadd.s32 $0x1000, s15;
	_ =	swait.ge [sflag:s0], $0x800  }
0xa8: {  	s13 =	sshra.s32 s13, $0x2;
	[sflag:s0] =	ssyncset.done $0x0  }
0xa9: {  	s22 =	sadd.s32 $0x2800, s13;
	[sflag:s0] =	ssyncadd.s32 $0xFFFFF800  }
0xaa: {  	[spmem:s2] =	stream.indirect.scatter.add.f32 [tilespmem:s24], [sflag:$0x9], $0x10, s22, s23, $0xb8;
	[tilespmem:$0xE700] =	vst v63  }
0xab: {  	_ =	swait.ge [sflag:s17], $0x800  }
0xac: {  	[sflag:s17] =	ssyncset.done $0x0  }
0xad: {  	[sflag:s17] =	ssyncadd.s32 $0xFFFFF800  }
0xae: {  	[spmem:s3] =	stream.indirect.scatter.add.f32 [tilespmem:s19], [sflag:$0x9], $0x10, s22, s23, $0xb8;
	[tilespmem:$0xE700] =	vst v63  }
0xaf: {  	_ =	swait.ge [sflag:s17], $0x800  }
0xb0: {  	[sflag:s17] =	ssyncset.done $0x0  }
0xb1: {  	s22 =	sadd.s32 $0x400, s13;
	[sflag:s17] =	ssyncadd.s32 $0xFFFFF800  }
0xb2: {  	[tilespmem:s24], [sflag:$0x1] =	stream.indirect.gather [hbm4b:s5+s23], $0x10, s22, s23, $0xb8;
	[tilespmem:$0xE700] =	vst v63  }
0xb3: {  	_ =	swait.ge [sflag:s21], $0x800  }
0xb4: {  	[sflag:s21] =	ssyncset.done $0x0  }
0xb5: {  	s22 =	sadd.s32 $0x2880, s13;
	[sflag:s21] =	ssyncadd.s32 $0xFFFFF800  }
0xb6: {  	[spmem:s2] =	stream.indirect.scatter.add.f32 [tilespmem:s25], [sflag:$0x9], $0x10, s22, s23, $0xb8;
	[tilespmem:$0xE700] =	vst v63  }
0xb7: {  	_ =	swait.ge [sflag:s17], $0x800  }
0xb8: {  	[sflag:s17] =	ssyncset.done $0x0  }
0xb9: {  	[sflag:s17] =	ssyncadd.s32 $0xFFFFF800  }
0xba: {  	[spmem:s3] =	stream.indirect.scatter.add.f32 [tilespmem:s19], [sflag:$0x9], $0x10, s22, s23, $0xb8;
	[tilespmem:$0xE700] =	vst v63  }
0xbb: {  	_ =	swait.ge [sflag:s17], $0x800  }
0xbc: {  	[sflag:s17] =	ssyncset.done $0x0  }
0xbd: {  	s22 =	sadd.s32 $0x480, s13;
	[sflag:s17] =	ssyncadd.s32 $0xFFFFF800  }
0xbe: {  	[tilespmem:s25], [sflag:$0x2] =	stream.indirect.gather [hbm4b:s5+s23], $0x10, s22, s23, $0xb8;
	[tilespmem:$0xE700] =	vst v63  }
0xbf: {  	_ =	swait.ge [sflag:s29], $0x800  }
0xc0: {  	[sflag:s29] =	ssyncset.done $0x0  }
0xc1: {  	s22 =	sadd.s32 $0x2900, s13;
	[sflag:s29] =	ssyncadd.s32 $0xFFFFF800  }
0xc2: {  	[spmem:s2] =	stream.indirect.scatter.add.f32 [tilespmem:s28], [sflag:$0x9], $0x10, s22, s23, $0xb8;
	[tilespmem:$0xE700] =	vst v63  }
0xc3: {  	_ =	swait.ge [sflag:s17], $0x800  }
0xc4: {  	[sflag:s17] =	ssyncset.done $0x0  }
0xc5: {  	[sflag:s17] =	ssyncadd.s32 $0xFFFFF800  }
0xc6: {  	[spmem:s3] =	stream.indirect.scatter.add.f32 [tilespmem:s19], [sflag:$0x9], $0x10, s22, s23, $0xb8;
	[tilespmem:$0xE700] =	vst v63  }
0xc7: {  	_ =	swait.ge [sflag:s17], $0x800  }
0xc8: {  	[sflag:s17] =	ssyncset.done $0x0  }
0xc9: {  	s22 =	sadd.s32 $0x500, s13;
	[sflag:s17] =	ssyncadd.s32 $0xFFFFF800  }
0xca: {  	[tilespmem:s28], [sflag:$0x3] =	stream.indirect.gather [hbm4b:s5+s23], $0x10, s22, s23, $0xb8;
	[tilespmem:$0xE700] =	vst v63  }
0xcb: {  	_ =	swait.ge [sflag:s6], $0x800  }
0xcc: {  	[sflag:s6] =	ssyncset.done $0x0  }
0xcd: {  	s22 =	sadd.s32 $0x2980, s13;
	[sflag:s6] =	ssyncadd.s32 $0xFFFFF800  }
0xce: {  	[spmem:s2] =	stream.indirect.scatter.add.f32 [tilespmem:s30], [sflag:$0x9], $0x10, s22, s23, $0xb8;
	[tilespmem:$0xE700] =	vst v63  }
0xcf: {  	_ =	swait.ge [sflag:s17], $0x800  }
0xd0: {  	[sflag:s17] =	ssyncset.done $0x0  }
0xd1: {  	[sflag:s17] =	ssyncadd.s32 $0xFFFFF800  }
0xd2: {  	[spmem:s3] =	stream.indirect.scatter.add.f32 [tilespmem:s19], [sflag:$0x9], $0x10, s22, s23, $0xb8;
	[tilespmem:$0xE700] =	vst v63  }
0xd3: {  	_ =	swait.ge [sflag:s17], $0x800  }
0xd4: {  	[sflag:s17] =	ssyncset.done $0x0  }
0xd5: {  	s22 =	sadd.s32 $0x580, s13;
	[sflag:s17] =	ssyncadd.s32 $0xFFFFF800  }
0xd6: {  	[tilespmem:s30], [sflag:$0x4] =	stream.indirect.gather [hbm4b:s5+s23], $0x10, s22, s23, $0xb8;
	[tilespmem:$0xE700] =	vst v63  }
0xd7: {  	_ =	swait.ge [sflag:s9], $0x800  }
0xd8: {  	[sflag:s9] =	ssyncset.done $0x0  }
0xd9: {  	s22 =	sadd.s32 $0x2A00, s13;
	[sflag:s9] =	ssyncadd.s32 $0xFFFFF800  }
0xda: {  	[spmem:s2] =	stream.indirect.scatter.add.f32 [tilespmem:s1], [sflag:$0x9], $0x10, s22, s23, $0xb8;
	[tilespmem:$0xE700] =	vst v63  }
0xdb: {  	_ =	swait.ge [sflag:s17], $0x800  }
0xdc: {  	[sflag:s17] =	ssyncset.done $0x0  }
0xdd: {  	[sflag:s17] =	ssyncadd.s32 $0xFFFFF800  }
0xde: {  	[spmem:s3] =	stream.indirect.scatter.add.f32 [tilespmem:s19], [sflag:$0x9], $0x10, s22, s23, $0xb8;
	[tilespmem:$0xE700] =	vst v63  }
0xdf: {  	_ =	swait.ge [sflag:s17], $0x800  }
0xe0: {  	[sflag:s17] =	ssyncset.done $0x0  }
0xe1: {  	s22 =	sadd.s32 $0x600, s13;
	[sflag:s17] =	ssyncadd.s32 $0xFFFFF800  }
0xe2: {  	[tilespmem:s1], [sflag:$0x5] =	stream.indirect.gather [hbm4b:s5+s23], $0x10, s22, s23, $0xb8;
	[tilespmem:$0xE700] =	vst v63  }
0xe3: {  	_ =	swait.ge [sflag:s10], $0x800  }
0xe4: {  	[sflag:s10] =	ssyncset.done $0x0  }
0xe5: {  	s22 =	sadd.s32 $0x2A80, s13;
	[sflag:s10] =	ssyncadd.s32 $0xFFFFF800  }
0xe6: {  	[spmem:s2] =	stream.indirect.scatter.add.f32 [tilespmem:s20], [sflag:$0x9], $0x10, s22, s23, $0xb8;
	[tilespmem:$0xE700] =	vst v63  }
0xe7: {  	_ =	swait.ge [sflag:s17], $0x800  }
0xe8: {  	[sflag:s17] =	ssyncset.done $0x0  }
0xe9: {  	[sflag:s17] =	ssyncadd.s32 $0xFFFFF800  }
0xea: {  	[spmem:s3] =	stream.indirect.scatter.add.f32 [tilespmem:s19], [sflag:$0x9], $0x10, s22, s23, $0xb8;
	[tilespmem:$0xE700] =	vst v63  }
0xeb: {  	_ =	swait.ge [sflag:s17], $0x800  }
0xec: {  	[sflag:s17] =	ssyncset.done $0x0  }
0xed: {  	s22 =	sadd.s32 $0x680, s13;
	[sflag:s17] =	ssyncadd.s32 $0xFFFFF800  }
0xee: {  	[tilespmem:s20], [sflag:$0x6] =	stream.indirect.gather [hbm4b:s5+s23], $0x10, s22, s23, $0xb8;
	[tilespmem:$0xE700] =	vst v63  }
0xef: {  	_ =	swait.ge [sflag:s11], $0x800  }
0xf0: {  	[sflag:s11] =	ssyncset.done $0x0  }
0xf1: {  	s22 =	sadd.s32 $0x2B00, s13;
	[sflag:s11] =	ssyncadd.s32 $0xFFFFF800  }
0xf2: {  	[spmem:s2] =	stream.indirect.scatter.add.f32 [tilespmem:s26], [sflag:$0x9], $0x10, s22, s23, $0xb8;
	[tilespmem:$0xE700] =	vst v63  }
0xf3: {  	_ =	swait.ge [sflag:s17], $0x800  }
0xf4: {  	[sflag:s17] =	ssyncset.done $0x0  }
0xf5: {  	[sflag:s17] =	ssyncadd.s32 $0xFFFFF800  }
0xf6: {  	[spmem:s3] =	stream.indirect.scatter.add.f32 [tilespmem:s19], [sflag:$0x9], $0x10, s22, s23, $0xb8;
	[tilespmem:$0xE700] =	vst v63  }
0xf7: {  	_ =	swait.ge [sflag:s17], $0x800  }
0xf8: {  	[sflag:s17] =	ssyncset.done $0x0  }
0xf9: {  	s22 =	sadd.s32 $0x700, s13;
	[sflag:s17] =	ssyncadd.s32 $0xFFFFF800  }
0xfa: {  	[tilespmem:s26], [sflag:$0x7] =	stream.indirect.gather [hbm4b:s5+s23], $0x10, s22, s23, $0xb8;
	[tilespmem:$0xE700] =	vst v63  }
0xfb: {  	_ =	swait.ge [sflag:s12], $0x800  }
0xfc: {  	[sflag:s12] =	ssyncset.done $0x0  }
0xfd: {  	s22 =	sadd.s32 $0x2B80, s13;
	[sflag:s12] =	ssyncadd.s32 $0xFFFFF800  }
0xfe: {  	[spmem:s2] =	stream.indirect.scatter.add.f32 [tilespmem:s31], [sflag:$0x9], $0x10, s22, s23, $0xb8;
	[tilespmem:$0xE700] =	vst v63  }
0xff: {  	_ =	swait.ge [sflag:s17], $0x800  }
0x100: {  	[sflag:s17] =	ssyncset.done $0x0  }
.Ltmp0:
0x101: {  	[sflag:s17] =	ssyncadd.s32 $0xFFFFF800;
	(pc) =	sbr.rel @p0 .LBB2_2-.Ltmp0, $4  }
0x102: {  	[spmem:s3] =	stream.indirect.scatter.add.f32 [tilespmem:s19], [sflag:$0x9], $0x10, s22, s23, $0xb8;
	[tilespmem:$0xE700] =	vst v63  }
0x103: {  	_ =	swait.ge [sflag:s17], $0x800  }
0x104: {  	[sflag:s17] =	ssyncset.done $0x0  }
0x105: {  	s13 =	sadd.s32 $0x780, s13;
	[sflag:s17] =	ssyncadd.s32 $0xFFFFF800  }
0x106: {  	[tilespmem:s31], [sflag:$0x8] =	stream.indirect.gather [hbm4b:s5+s23], $0x10, s13, s23, $0xb8;
	[tilespmem:$0xE700] =	vst v63  }
0x107: {  	_ =	swait.ge [sflag:s0], $0x800  }
0x108: {  	[sflag:s0] =	ssyncset.done $0x0  }
0x109: {  	s15 =	simm.s32 $0x4C00;
	[sflag:s0] =	ssyncadd.s32 $0xFFFFF800  }
0x10a: {  	[spmem:s2] =	stream.indirect.scatter.add.f32 [tilespmem:s24], [sflag:$0x9], $0x10, s15, s23, $0xb8;
	[tilespmem:$0xE700] =	vst v63  }
0x10b: {  	_ =	swait.ge [sflag:s17], $0x800  }
0x10c: {  	[sflag:s17] =	ssyncset.done $0x0  }
0x10d: {  	[sflag:s17] =	ssyncadd.s32 $0xFFFFF800  }
0x10e: {  	[spmem:s3] =	stream.indirect.scatter.add.f32 [tilespmem:s19], [sflag:$0x9], $0x10, s15, s23, $0xb8;
	[tilespmem:$0xE700] =	vst v63  }
0x10f: {  	_ =	swait.ge [sflag:s17], $0x800  }
0x110: {  	[sflag:s17] =	ssyncset.done $0x0  }
0x111: {  	[sflag:s17] =	ssyncadd.s32 $0xFFFFF800  }
0x112: {  	_ =	swait.ge [sflag:s21], $0x800  }
0x113: {  	[sflag:s21] =	ssyncset.done $0x0  }
0x114: {  	s22 =	simm.s32 $0x4C80;
	[sflag:s21] =	ssyncadd.s32 $0xFFFFF800  }
0x115: {  	[spmem:s2] =	stream.indirect.scatter.add.f32 [tilespmem:s25], [sflag:$0x9], $0x10, s22, s23, $0xb8;
	[tilespmem:$0xE700] =	vst v63  }
0x116: {  	_ =	swait.ge [sflag:s17], $0x800  }
0x117: {  	[sflag:s17] =	ssyncset.done $0x0  }
0x118: {  	[sflag:s17] =	ssyncadd.s32 $0xFFFFF800  }
0x119: {  	[spmem:s3] =	stream.indirect.scatter.add.f32 [tilespmem:s19], [sflag:$0x9], $0x10, s22, s23, $0xb8;
	[tilespmem:$0xE700] =	vst v63  }
0x11a: {  	_ =	swait.ge [sflag:s17], $0x800  }
0x11b: {  	[sflag:s17] =	ssyncset.done $0x0  }
0x11c: {  	[sflag:s17] =	ssyncadd.s32 $0xFFFFF800  }
0x11d: {  	_ =	swait.ge [sflag:s29], $0x800  }
0x11e: {  	[sflag:s29] =	ssyncset.done $0x0  }
0x11f: {  	s15 =	simm.s32 $0x4D00;
	[sflag:s29] =	ssyncadd.s32 $0xFFFFF800  }
0x120: {  	[spmem:s2] =	stream.indirect.scatter.add.f32 [tilespmem:s28], [sflag:$0x9], $0x10, s15, s23, $0xb8;
	[tilespmem:$0xE700] =	vst v63  }
0x121: {  	_ =	swait.ge [sflag:s17], $0x800  }
0x122: {  	[sflag:s17] =	ssyncset.done $0x0  }
0x123: {  	[sflag:s17] =	ssyncadd.s32 $0xFFFFF800  }
0x124: {  	[spmem:s3] =	stream.indirect.scatter.add.f32 [tilespmem:s19], [sflag:$0x9], $0x10, s15, s23, $0xb8;
	[tilespmem:$0xE700] =	vst v63  }
0x125: {  	_ =	swait.ge [sflag:s17], $0x800  }
0x126: {  	[sflag:s17] =	ssyncset.done $0x0  }
0x127: {  	[sflag:s17] =	ssyncadd.s32 $0xFFFFF800  }
0x128: {  	_ =	swait.ge [sflag:s6], $0x800  }
0x129: {  	[sflag:s6] =	ssyncset.done $0x0  }
0x12a: {  	s22 =	simm.s32 $0x4D80;
	[sflag:s6] =	ssyncadd.s32 $0xFFFFF800  }
0x12b: {  	[spmem:s2] =	stream.indirect.scatter.add.f32 [tilespmem:s30], [sflag:$0x9], $0x10, s22, s23, $0xb8;
	[tilespmem:$0xE700] =	vst v63  }
0x12c: {  	_ =	swait.ge [sflag:s17], $0x800  }
0x12d: {  	[sflag:s17] =	ssyncset.done $0x0  }
0x12e: {  	[sflag:s17] =	ssyncadd.s32 $0xFFFFF800  }
0x12f: {  	[spmem:s3] =	stream.indirect.scatter.add.f32 [tilespmem:s19], [sflag:$0x9], $0x10, s22, s23, $0xb8;
	[tilespmem:$0xE700] =	vst v63  }
0x130: {  	_ =	swait.ge [sflag:s17], $0x800  }
0x131: {  	[sflag:s17] =	ssyncset.done $0x0  }
0x132: {  	[sflag:s17] =	ssyncadd.s32 $0xFFFFF800  }
0x133: {  	_ =	swait.ge [sflag:s9], $0x800  }
0x134: {  	[sflag:s9] =	ssyncset.done $0x0  }
0x135: {  	s15 =	simm.s32 $0x4E00;
	[sflag:s9] =	ssyncadd.s32 $0xFFFFF800  }
0x136: {  	[spmem:s2] =	stream.indirect.scatter.add.f32 [tilespmem:s1], [sflag:$0x9], $0x10, s15, s23, $0xb8;
	[tilespmem:$0xE700] =	vst v63  }
0x137: {  	_ =	swait.ge [sflag:s17], $0x800  }
0x138: {  	[sflag:s17] =	ssyncset.done $0x0  }
0x139: {  	[sflag:s17] =	ssyncadd.s32 $0xFFFFF800  }
0x13a: {  	[spmem:s3] =	stream.indirect.scatter.add.f32 [tilespmem:s19], [sflag:$0x9], $0x10, s15, s23, $0xb8;
	[tilespmem:$0xE700] =	vst v63  }
0x13b: {  	_ =	swait.ge [sflag:s17], $0x800  }
0x13c: {  	[sflag:s17] =	ssyncset.done $0x0  }
0x13d: {  	[sflag:s17] =	ssyncadd.s32 $0xFFFFF800  }
0x13e: {  	_ =	swait.ge [sflag:s10], $0x800  }
0x13f: {  	[sflag:s10] =	ssyncset.done $0x0  }
0x140: {  	s22 =	simm.s32 $0x4E80;
	[sflag:s10] =	ssyncadd.s32 $0xFFFFF800  }
0x141: {  	[spmem:s2] =	stream.indirect.scatter.add.f32 [tilespmem:s20], [sflag:$0x9], $0x10, s22, s23, $0xb8;
	[tilespmem:$0xE700] =	vst v63  }
0x142: {  	_ =	swait.ge [sflag:s17], $0x800  }
0x143: {  	[sflag:s17] =	ssyncset.done $0x0  }
0x144: {  	[sflag:s17] =	ssyncadd.s32 $0xFFFFF800  }
0x145: {  	[spmem:s3] =	stream.indirect.scatter.add.f32 [tilespmem:s19], [sflag:$0x9], $0x10, s22, s23, $0xb8;
	[tilespmem:$0xE700] =	vst v63  }
0x146: {  	_ =	swait.ge [sflag:s17], $0x800  }
0x147: {  	[sflag:s17] =	ssyncset.done $0x0  }
0x148: {  	[sflag:s17] =	ssyncadd.s32 $0xFFFFF800  }
0x149: {  	_ =	swait.ge [sflag:s11], $0x800  }
0x14a: {  	[sflag:s11] =	ssyncset.done $0x0  }
0x14b: {  	s22 =	simm.s32 $0x4F00;
	[sflag:s11] =	ssyncadd.s32 $0xFFFFF800  }
0x14c: {  	[spmem:s2] =	stream.indirect.scatter.add.f32 [tilespmem:s26], [sflag:$0x9], $0x10, s22, s23, $0xb8;
	[tilespmem:$0xE700] =	vst v63  }
0x14d: {  	_ =	swait.ge [sflag:s17], $0x800  }
0x14e: {  	[sflag:s17] =	ssyncset.done $0x0  }
0x14f: {  	[sflag:s17] =	ssyncadd.s32 $0xFFFFF800  }
0x150: {  	[spmem:s3] =	stream.indirect.scatter.add.f32 [tilespmem:s19], [sflag:$0x9], $0x10, s22, s23, $0xb8;
	[tilespmem:$0xE700] =	vst v63  }
0x151: {  	_ =	swait.ge [sflag:s17], $0x800  }
0x152: {  	[sflag:s17] =	ssyncset.done $0x0  }
0x153: {  	[sflag:s17] =	ssyncadd.s32 $0xFFFFF800  }
0x154: {  	_ =	swait.ge [sflag:s12], $0x800  }
0x155: {  	[sflag:s12] =	ssyncset.done $0x0  }
0x156: {  	s15 =	simm.s32 $0x4F80;
	[sflag:s12] =	ssyncadd.s32 $0xFFFFF800  }
0x157: {  	[spmem:s2] =	stream.indirect.scatter.add.f32 [tilespmem:s31], [sflag:$0x9], $0x10, s15, s23, $0xb8;
	[tilespmem:$0xE700] =	vst v63  }
0x158: {  	_ =	swait.ge [sflag:s17], $0x800  }
0x159: {  	[sflag:s17] =	ssyncset.done $0x0  }
0x15a: {  	[sflag:s17] =	ssyncadd.s32 $0xFFFFF800  }
0x15b: {  	[spmem:s3] =	stream.indirect.scatter.add.f32 [tilespmem:s19], [sflag:$0x9], $0x10, s15, s23, $0xb8;
	[tilespmem:$0xE700] =	vst v63  }
0x15c: {  	_ =	swait.ge [sflag:s17], $0x800  }
0x15d: {  	[sflag:s17] =	ssyncset.done $0x0  }
0x15e: {  	[sflag:s17] =	ssyncadd.s32 $0xFFFFF800  }
0x15f: {  	[bflag:$0x0] =	sbarrier.arrive $0xFFFF  }
0x160: {  	s15 =	rddreg [dreg:$0xa]  }
0x161: {  	[hbm:s15], [sflag:s8] =	dma.local [spmem:s16], $0x4F0  }
0x162: {  	_ =	swait.ge [sflag:s17], $0x4F0  }
0x163: {  	[sflag:s17] =	ssyncset.done $0x0  }
0x164: {  	s15 =	rddreg [dreg:$0xb];
	[sflag:s17] =	ssyncadd.s32 $0xFFFFFB10  }
0x165: {  	[hbm:s15], [sflag:s8] =	dma.local [spmem:s18], $0x4F0  }
0x166: {  	_ =	swait.ge [sflag:s17], $0x4F0  }
0x167: {  	s14 =	sadd.s32 $0x1, s14;
	s15 =	rddreg [dreg:$0xc]  }
0x168: {  	p0 =	sne.s32 s14, s15  }
.Ltmp1:
0x169: {  	_ = 	snop;
	(pc) =	sbr.rel @p0 .LBB2_1-.Ltmp1, $3  }
0x16a: {  	_ =	sdelay $0x1  }
0x16b: {  	[sflag:s17] =	ssyncset.done $0x0  }
0x16c: {  	[sflag:s17] =	ssyncadd.s32 $0xFFFFFB10  }
0x16d: {  	_ =	sfence.sel $0x180000  }
0x16e: {  	[bflag:$0x0] =	sbarrier.arrive $0xFFFF  }
0x16f: {  	_ =	strace $0x90000047  }
0x170: {  	s0 =	stileid.u32;
	[bflag:$0x2] =	sbarrier.arrive $0xFFFF  }
0x171: {  	p0 =	sne.s32 s0, $0x0;
	s0 =	rddreg [dreg:$0x4]  }
0x172: {  	s0 =	sadd.s32 @!p0 $0x100000, s0  }
0x173: {  	[sflag:s0] =	ssyncadd.tile.s32 @!p0 $0x1;
	_ =	shalt  }
.Lfunc_end2:
_tile_overlayer_lowered:
.L_overlay_start_2:
0x174: {  	(tag) =	ssettag $0x2  }
0x175: {  	s0 =	rddreg [dreg:$0x0];
	s2 =	stileid.u32  }
0x176: {  	s1 =	rddreg [dreg:$0x1];
	p0 =	sne.s32 s2, $0x0  }
0x177: {  	s3 =	rddreg [dreg:$0x2];
	[bflag:$0x3] =	sbarrier.arrive $0xFFFF;
	s2 =	simm.s32 @!p0 $0x1C09  }
0x178: {  	[timem:s3], [sflag:s2] =	dma.local @!p0 [hbm:s0], s1  }
0x179: {  	s0 =	simm.s32 @!p0 $0x9  }
0x17a: {  	_ =	swait.ge @!p0 [sflag:s0], s1  }
0x17b: {  	s1 =	ssub.s32 @!p0 $0x0, s1;
	[sflag:s0] =	ssyncset.done @!p0 $0x0  }
0x17c: {  	[sflag:s0] =	ssyncadd.s32 @!p0 s1  }
0x17d: {  	[bflag:$0x3] =	sbarrier.arrive $0xFFFF  }
0x17e: {  	_ =	shalt  }

</sc_bundles>
